<compile_context>
chip_gen: v7x
topology: tpu7x:2x2x1
jax: 0.10.2.dev20260603
libtpu: 0.0.44.dev20260713+nightly
codegen_flags: <defaults>
</compile_context>

<pallas_src>
import jax
import jax.numpy as jnp
from jax import lax
from jax.experimental import pallas as pl
from jax.experimental.pallas import tpu as pltpu
from jax.experimental.pallas import tpu_sc as plsc

N_NODES = 10000
N_PAD = 10240
D_IN = 128
D_OUT2 = 64
CHUNK = 64
SUP = 16
K_PT = 320
NC, NS = 2, 16
NW = NC * NS
E_PAD = NS * K_PT * CHUNK
ROWS_PT = N_PAD // NS
NBUF = 4
BM = 1000


def _sc_agg_kernel(d, with_deg):
  mesh = plsc.VectorSubcoreMesh(core_axis_name="c", subcore_axis_name="s")
  out_type = jax.ShapeDtypeStruct((NC, N_PAD, d), jnp.float32)
  scratch = [
      pltpu.VMEM((SUP, CHUNK), jnp.int32),
      pltpu.VMEM((SUP, CHUNK), jnp.int32),
      pltpu.VMEM((NBUF, CHUNK, d), jnp.float32),
      pltpu.VMEM_SHARED((N_PAD, d), jnp.float32),
      [pltpu.SemaphoreType.DMA] * NBUF,
      [pltpu.SemaphoreType.DMA] * NBUF,
  ]

  def body(src_hbm, dst_hbm, tbl_hbm, agg_hbm, src_v, dst_v, rows_v, agg_sh,
           gsems, ssems):
    cid = lax.axis_index("c")
    sid = lax.axis_index("s")

    zero16 = jnp.zeros((16,), jnp.float32)
    one16 = jnp.ones((16,), jnp.float32)
    core_active = with_deg or 0

    def zrow(i, _):
      for j in range(d // 16):
        rows_v[0, i, pl.ds(j * 16, 16)] = zero16
      return 0
    lax.fori_loop(0, CHUNK, zrow, 0)
    r0 = sid * ROWS_PT

    @pl.when(jnp.logical_or(cid == 0, core_active == 1))
    def _():
      for k in range(ROWS_PT // CHUNK):
        pltpu.sync_copy(rows_v.at[0], agg_sh.at[pl.ds(r0 + k * CHUNK, CHUNK)])

    plsc.subcore_barrier()

    LOOKAHEAD = NBUF - 1
    base = sid * K_PT
    n_sup = K_PT // SUP

    def load_idx(s, ref, hbm):
      pltpu.sync_copy(hbm.at[pl.ds(base + s * SUP, SUP)], ref)

    def start_gather(idx_row, buf):
      pltpu.async_copy(tbl_hbm.at[src_v.at[idx_row]], rows_v.at[buf],
                       gsems[buf])

    def wait_gather(buf):
      pltpu.make_async_copy(tbl_hbm.at[src_v.at[0]], rows_v.at[buf],
                            gsems[buf]).wait()

    def start_scatter(idx_row, buf):
      pltpu.async_copy(rows_v.at[buf], agg_sh.at[dst_v.at[idx_row]],
                       ssems[buf], add=True)

    def wait_scatter(buf):
      pltpu.make_async_copy(rows_v.at[buf], agg_sh.at[dst_v.at[0]],
                            ssems[buf]).wait()

    @pl.when(cid == 0)
    def _():
      load_idx(0, src_v, src_hbm)
      load_idx(0, dst_v, dst_hbm)
      for b in range(LOOKAHEAD):
        start_gather(b, b)

      def sup_body(s, _):
        for j in range(SUP):
          buf = j % NBUF
          wait_gather(buf)
          start_scatter(j, buf)
          if j < SUP - LOOKAHEAD:
            nbuf_ = (j + LOOKAHEAD) % NBUF
            if j == 0:
              @pl.when(s > 0)
              def _():
                wait_scatter(nbuf_)
            else:
              wait_scatter(nbuf_)
            start_gather(j + LOOKAHEAD, nbuf_)

        @pl.when(s < n_sup - 1)
        def _():
          load_idx(s + 1, src_v, src_hbm)
          load_idx(s + 1, dst_v, dst_hbm)
          for b in range(LOOKAHEAD):
            wait_scatter(b)
            start_gather(b, b)
        return 0

      lax.fori_loop(0, n_sup, sup_body, 0)
      for b in range(NBUF):
        wait_scatter(b)

    if with_deg:
      @pl.when(cid == 1)
      def _():
        def orow(i, _):
          for j in range(d // 16):
            rows_v[0, i, pl.ds(j * 16, 16)] = one16
          return 0
        lax.fori_loop(0, CHUNK, orow, 0)

        def deg_sup(s, _):
          load_idx(s, dst_v, dst_hbm)
          for j in range(SUP):
            pltpu.sync_copy(rows_v.at[0], agg_sh.at[dst_v.at[j]], add=True)
          return 0
        lax.fori_loop(0, n_sup, deg_sup, 0)

    plsc.subcore_barrier()

    @pl.when(jnp.logical_or(cid == 0, core_active == 1))
    def _():
      pltpu.sync_copy(agg_sh.at[pl.ds(r0, ROWS_PT)],
                      agg_hbm.at[cid, pl.ds(r0, ROWS_PT)])

  return pl.kernel(body, out_type=out_type, mesh=mesh, scratch_types=scratch)


def _tc1_body(x_ref, a_ref, dg_ref, ws1_ref, wn1_ref, b1_ref, h1_ref):
  inv = 1.0 / jnp.maximum(dg_ref[:, 0:1], 1.0)
  mean = a_ref[...] * inv
  h1 = x_ref[...] @ ws1_ref[...] + mean @ wn1_ref[...] + b1_ref[...]
  h1_ref[...] = jnp.maximum(h1, 0.0)


def _tc2_body(h1_ref, a_ref, dg_ref, ws2_ref, wn2_ref, b2_ref, out_ref):
  inv = 1.0 / jnp.maximum(dg_ref[:, 0:1], 1.0)
  mean = a_ref[...] * inv
  out_ref[...] = (h1_ref[...] @ ws2_ref[...] + mean @ wn2_ref[...]
                  + b2_ref[...])


def _row_spec(w):
  return pl.BlockSpec((BM, w), lambda i: (i, 0))


def _full_spec(h, w):
  return pl.BlockSpec((h, w), lambda i: (0, 0))


_tc1 = pl.pallas_call(
    _tc1_body,
    grid=(N_NODES // BM,),
    in_specs=[
        _row_spec(D_IN), _row_spec(D_IN), _row_spec(D_IN),
        _full_spec(D_IN, D_IN), _full_spec(D_IN, D_IN), _full_spec(1, D_IN),
    ],
    out_specs=_row_spec(D_IN),
    out_shape=jax.ShapeDtypeStruct((N_NODES, D_IN), jnp.float32),
)

_tc2 = pl.pallas_call(
    _tc2_body,
    grid=(N_NODES // BM,),
    in_specs=[
        _row_spec(D_IN), _row_spec(D_IN), _row_spec(D_IN),
        _full_spec(D_IN, D_OUT2), _full_spec(D_IN, D_OUT2),
        _full_spec(1, D_OUT2),
    ],
    out_specs=_row_spec(D_OUT2),
    out_shape=jax.ShapeDtypeStruct((N_NODES, D_OUT2), jnp.float32),
)

_agg_deg = _sc_agg_kernel(D_IN, True)
_agg_only = _sc_agg_kernel(D_IN, False)


def kernel(x, edge_index, W_self1, W_neigh1, b1, W_self2, W_neigh2, b2):
  e = edge_index.shape[1]
  pad = E_PAD - e
  src = jnp.concatenate(
      [edge_index[0], jnp.zeros((pad,), jnp.int32)]).reshape(-1, CHUNK)
  dst = jnp.concatenate(
      [edge_index[1], jnp.full((pad,), N_NODES, jnp.int32)]).reshape(-1, CHUNK)

  agg1 = _agg_deg(src, dst, x)
  a1, dg = agg1[0, :N_NODES], agg1[1, :N_NODES]

  h1 = _tc1(x, a1, dg, W_self1, W_neigh1, b1.reshape(1, -1))

  agg2 = _agg_only(src, dst, h1)
  out = _tc2(h1, agg2[0, :N_NODES], dg, W_self2, W_neigh2, b2.reshape(1, -1))
  return out

# --- scband reference (transcript-rebuilt; emitter-appended) ---
"""Pipeline reference for scband-src-to-dest-78486232367177 (READ-ONLY COPY).

The authoritative reference and input builder live on the scoring server;
editing this copy changes nothing except your own understanding.
"""

import jax, jax.numpy as jnp
import numpy as np

N = 10000
E = 320000
D_IN = 128
D_HID = 128
D_OUT = 64


def setup_inputs(seed: int = 0):
    key = jax.random.key(seed)
    ks = jax.random.split(key, 7)
    x = jax.random.normal(ks[0], (N, D_IN), dtype=jnp.float32)
    edge_index = jax.random.randint(ks[1], (2, E), 0, N, dtype=jnp.int32)
    W_self1 = jax.random.normal(ks[2], (D_IN, D_HID), dtype=jnp.float32) / np.sqrt(D_IN)
    W_neigh1 = jax.random.normal(ks[3], (D_IN, D_HID), dtype=jnp.float32) / np.sqrt(D_IN)
    b1 = jnp.zeros((D_HID,), dtype=jnp.float32)
    W_self2 = jax.random.normal(ks[4], (D_HID, D_OUT), dtype=jnp.float32) / np.sqrt(D_HID)
    W_neigh2 = jax.random.normal(ks[5], (D_HID, D_OUT), dtype=jnp.float32) / np.sqrt(D_HID)
    b2 = jnp.zeros((D_OUT,), dtype=jnp.float32)
    return {"x": x, "edge_index": edge_index,
            "W_self1": W_self1, "W_neigh1": W_neigh1, "b1": b1,
            "W_self2": W_self2, "W_neigh2": W_neigh2, "b2": b2}


def _sage_layer(h, src, dst, W_self, W_neigh, b, n_nodes):
    # message passing: gather from src, mean-aggregate into dst (SRC_TO_DEST)
    msgs = jnp.take(h, src, axis=0)
    agg = jax.ops.segment_sum(msgs, dst, num_segments=n_nodes)
    deg = jax.ops.segment_sum(jnp.ones((src.shape[0], 1), dtype=h.dtype), dst, num_segments=n_nodes)
    mean = agg / jnp.maximum(deg, 1.0)
    return h @ W_self + mean @ W_neigh + b


def reference(x, edge_index, W_self1, W_neigh1, b1, W_self2, W_neigh2, b2):
    # SRC_TO_DEST.forward with inference=True (Shuffle/_CAPI path skipped),
    # two GraphSAGE-mean layers, ReLU between layers (not after last).
    src = edge_index[0]
    dst = edge_index[1]
    h = _sage_layer(x, src, dst, W_self1, W_neigh1, b1, N)
    h = jax.nn.relu(h)
    out = _sage_layer(h, src, dst, W_self2, W_neigh2, b2, N)
    return out

if __name__ == "__main__":
    import jax
    _d = setup_inputs()
    print(jax.jit(kernel)(*tuple(_d.values())))

</pallas_src>

<mosaic_0001>
#map = affine_map<(d0, d1) -> (0, 0)>
#map1 = affine_map<(d0, d1) -> (0, 0, 0)>
module attributes {stable_mosaic.version = 14 : i64} {
  func.func @body(%arg0: i32, %arg1: i32, %arg2: memref<5120x64xi32, #tpu.memory_space<hbm>>, %arg3: memref<5120x64xi32, #tpu.memory_space<hbm>>, %arg4: memref<10000x128xf32, #tpu.memory_space<hbm>>, %arg5: memref<2x10240x128xf32, #tpu.memory_space<hbm>>, %arg6: memref<16x64xi32, #tpu.memory_space<vmem>>, %arg7: memref<16x64xi32, #tpu.memory_space<vmem>>, %arg8: memref<4x64x128xf32, #tpu.memory_space<vmem>>, %arg9: memref<10240x128xf32, #tpu.memory_space<vmem_shared>>, %arg10: memref<!tpu.dma_semaphore, #tpu.memory_space<semaphore_mem>>, %arg11: memref<!tpu.dma_semaphore, #tpu.memory_space<semaphore_mem>>, %arg12: memref<!tpu.dma_semaphore, #tpu.memory_space<semaphore_mem>>, %arg13: memref<!tpu.dma_semaphore, #tpu.memory_space<semaphore_mem>>, %arg14: memref<!tpu.dma_semaphore, #tpu.memory_space<semaphore_mem>>, %arg15: memref<!tpu.dma_semaphore, #tpu.memory_space<semaphore_mem>>, %arg16: memref<!tpu.dma_semaphore, #tpu.memory_space<semaphore_mem>>, %arg17: memref<!tpu.dma_semaphore, #tpu.memory_space<semaphore_mem>>) attributes {dimension_semantics = [#tpu.dimension_semantics<core_parallel>, #tpu.dimension_semantics<subcore_parallel>], iteration_bounds = array<i64: 2, 16>, scalar_prefetch = 0 : i64, scratch_operands = 12 : i64, tpu.core_type = #tpu.core_type<sc_vector_subcore>, window_params = [{transform_indices = #map}, {transform_indices = #map}, {transform_indices = #map}, {transform_indices = #map1}]} {
    %broadcast_in_dim3A = arith.constant 0.000000e+00 : f32
    %broadcast_in_dim3A_0 = vector.broadcast %broadcast_in_dim3A : f32 to vector<16xf32>
    %broadcast_in_dim3A_1 = arith.constant 1.000000e+00 : f32
    %broadcast_in_dim3A_2 = vector.broadcast %broadcast_in_dim3A_1 : f32 to vector<16xf32>
    %scan3A = arith.constant 0 : i32
    %scan3A_3 = arith.constant 0 : i32
    %scan3A_4 = arith.constant 64 : i32
    %scan3A_5 = arith.addi %scan3A_3, %scan3A_4 : i32
    %scan3A_6 = arith.constant 1 : i32
    %scan3A_7 = scf.for %scan3A_33 = %scan3A_3 to %scan3A_5 step %scan3A_6 iter_args(%scan3A_34 = %scan3A) -> (i32)  : i32 {
      %swap3A = arith.constant 0 : i32
      %swap3A_35 = arith.index_cast %swap3A : i32 to index
      %swap3A_36 = arith.index_cast %scan3A_33 : i32 to index
      %swap3A_37 = arith.constant 0 : index
      %swap3A_38 = tpu.vector_load %arg8[%swap3A_35, %swap3A_36, %swap3A_37] {strides = array<i32>} : memref<4x64x128xf32, #tpu.memory_space<vmem>>, vector<1x1x16xf32>,
      %swap3A_39 = vector.shape_cast %swap3A_38 : vector<1x1x16xf32> to vector<16xf32>
      %swap3A_40 = vector.shape_cast %broadcast_in_dim3A_0 : vector<16xf32> to vector<1x1x16xf32>
      tpu.vector_store %arg8[%swap3A_35, %swap3A_36, %swap3A_37], %swap3A_40 {strides = array<i32>} : memref<4x64x128xf32, #tpu.memory_space<vmem>>, vector<1x1x16xf32>,
      %swap3A_41 = arith.constant 0 : i32
      %swap3A_42 = arith.index_cast %swap3A_41 : i32 to index
      %swap3A_43 = arith.index_cast %scan3A_33 : i32 to index
      %swap3A_44 = arith.constant 16 : index
      %swap3A_45 = tpu.vector_load %arg8[%swap3A_42, %swap3A_43, %swap3A_44] {strides = array<i32>} : memref<4x64x128xf32, #tpu.memory_space<vmem>>, vector<1x1x16xf32>,
      %swap3A_46 = vector.shape_cast %swap3A_45 : vector<1x1x16xf32> to vector<16xf32>
      %swap3A_47 = vector.shape_cast %broadcast_in_dim3A_0 : vector<16xf32> to vector<1x1x16xf32>
      tpu.vector_store %arg8[%swap3A_42, %swap3A_43, %swap3A_44], %swap3A_47 {strides = array<i32>} : memref<4x64x128xf32, #tpu.memory_space<vmem>>, vector<1x1x16xf32>,
      %swap3A_48 = arith.constant 0 : i32
      %swap3A_49 = arith.index_cast %swap3A_48 : i32 to index
      %swap3A_50 = arith.index_cast %scan3A_33 : i32 to index
      %swap3A_51 = arith.constant 32 : index
      %swap3A_52 = tpu.vector_load %arg8[%swap3A_49, %swap3A_50, %swap3A_51] {strides = array<i32>} : memref<4x64x128xf32, #tpu.memory_space<vmem>>, vector<1x1x16xf32>,
      %swap3A_53 = vector.shape_cast %swap3A_52 : vector<1x1x16xf32> to vector<16xf32>
      %swap3A_54 = vector.shape_cast %broadcast_in_dim3A_0 : vector<16xf32> to vector<1x1x16xf32>
      tpu.vector_store %arg8[%swap3A_49, %swap3A_50, %swap3A_51], %swap3A_54 {strides = array<i32>} : memref<4x64x128xf32, #tpu.memory_space<vmem>>, vector<1x1x16xf32>,
      %swap3A_55 = arith.constant 0 : i32
      %swap3A_56 = arith.index_cast %swap3A_55 : i32 to index
      %swap3A_57 = arith.index_cast %scan3A_33 : i32 to index
      %swap3A_58 = arith.constant 48 : index
      %swap3A_59 = tpu.vector_load %arg8[%swap3A_56, %swap3A_57, %swap3A_58] {strides = array<i32>} : memref<4x64x128xf32, #tpu.memory_space<vmem>>, vector<1x1x16xf32>,
      %swap3A_60 = vector.shape_cast %swap3A_59 : vector<1x1x16xf32> to vector<16xf32>
      %swap3A_61 = vector.shape_cast %broadcast_in_dim3A_0 : vector<16xf32> to vector<1x1x16xf32>
      tpu.vector_store %arg8[%swap3A_56, %swap3A_57, %swap3A_58], %swap3A_61 {strides = array<i32>} : memref<4x64x128xf32, #tpu.memory_space<vmem>>, vector<1x1x16xf32>,
      %swap3A_62 = arith.constant 0 : i32
      %swap3A_63 = arith.index_cast %swap3A_62 : i32 to index
      %swap3A_64 = arith.index_cast %scan3A_33 : i32 to index
      %swap3A_65 = arith.constant 64 : index
      %swap3A_66 = tpu.vector_load %arg8[%swap3A_63, %swap3A_64, %swap3A_65] {strides = array<i32>} : memref<4x64x128xf32, #tpu.memory_space<vmem>>, vector<1x1x16xf32>,
      %swap3A_67 = vector.shape_cast %swap3A_66 : vector<1x1x16xf32> to vector<16xf32>
      %swap3A_68 = vector.shape_cast %broadcast_in_dim3A_0 : vector<16xf32> to vector<1x1x16xf32>
      tpu.vector_store %arg8[%swap3A_63, %swap3A_64, %swap3A_65], %swap3A_68 {strides = array<i32>} : memref<4x64x128xf32, #tpu.memory_space<vmem>>, vector<1x1x16xf32>,
      %swap3A_69 = arith.constant 0 : i32
      %swap3A_70 = arith.index_cast %swap3A_69 : i32 to index
      %swap3A_71 = arith.index_cast %scan3A_33 : i32 to index
      %swap3A_72 = arith.constant 80 : index
      %swap3A_73 = tpu.vector_load %arg8[%swap3A_70, %swap3A_71, %swap3A_72] {strides = array<i32>} : memref<4x64x128xf32, #tpu.memory_space<vmem>>, vector<1x1x16xf32>,
      %swap3A_74 = vector.shape_cast %swap3A_73 : vector<1x1x16xf32> to vector<16xf32>
      %swap3A_75 = vector.shape_cast %broadcast_in_dim3A_0 : vector<16xf32> to vector<1x1x16xf32>
      tpu.vector_store %arg8[%swap3A_70, %swap3A_71, %swap3A_72], %swap3A_75 {strides = array<i32>} : memref<4x64x128xf32, #tpu.memory_space<vmem>>, vector<1x1x16xf32>,
      %swap3A_76 = arith.constant 0 : i32
      %swap3A_77 = arith.index_cast %swap3A_76 : i32 to index
      %swap3A_78 = arith.index_cast %scan3A_33 : i32 to index
      %swap3A_79 = arith.constant 96 : index
      %swap3A_80 = tpu.vector_load %arg8[%swap3A_77, %swap3A_78, %swap3A_79] {strides = array<i32>} : memref<4x64x128xf32, #tpu.memory_space<vmem>>, vector<1x1x16xf32>,
      %swap3A_81 = vector.shape_cast %swap3A_80 : vector<1x1x16xf32> to vector<16xf32>
      %swap3A_82 = vector.shape_cast %broadcast_in_dim3A_0 : vector<16xf32> to vector<1x1x16xf32>
      tpu.vector_store %arg8[%swap3A_77, %swap3A_78, %swap3A_79], %swap3A_82 {strides = array<i32>} : memref<4x64x128xf32, #tpu.memory_space<vmem>>, vector<1x1x16xf32>,
      %swap3A_83 = arith.constant 0 : i32
      %swap3A_84 = arith.index_cast %swap3A_83 : i32 to index
      %swap3A_85 = arith.index_cast %scan3A_33 : i32 to index
      %swap3A_86 = arith.constant 112 : index
      %swap3A_87 = tpu.vector_load %arg8[%swap3A_84, %swap3A_85, %swap3A_86] {strides = array<i32>} : memref<4x64x128xf32, #tpu.memory_space<vmem>>, vector<1x1x16xf32>,
      %swap3A_88 = vector.shape_cast %swap3A_87 : vector<1x1x16xf32> to vector<16xf32>
      %swap3A_89 = vector.shape_cast %broadcast_in_dim3A_0 : vector<16xf32> to vector<1x1x16xf32>
      tpu.vector_store %arg8[%swap3A_84, %swap3A_85, %swap3A_86], %swap3A_89 {strides = array<i32>} : memref<4x64x128xf32, #tpu.memory_space<vmem>>, vector<1x1x16xf32>,
      %scan3A_90 = arith.constant 0 : i32
      scf.yield %scan3A_90 : i32
    }
    %scan3A_8 = arith.constant 64 : i32
    %mul3A = arith.constant 640 : i32
    %mul3A_9 = arith.muli %arg1, %mul3A : i32
    %eq3A = arith.constant 0 : i32
    %eq3A_10 = arith.cmpi eq, %arg0, %eq3A : i32
    %or3A = arith.constant true
    %or3A_11 = arith.ori %eq3A_10, %or3A : i1
    %convert_element_type3A = arith.extui %or3A_11 : i1 to i32
    %cond3A = arith.constant 0 : i32
    %cond3A_12 = arith.cmpi ne, %convert_element_type3A, %cond3A : i32
    scf.if %cond3A_12 {
      %add3A = arith.constant 0 : i32
      %add3A_33 = arith.addi %mul3A_9, %add3A : i32
      %run_scoped3A = arith.constant 0 : i32
      "tpu.region"() ({
        %run_scoped3A_61 = tpu.sem_alloc : memref<!tpu.dma_semaphore, #tpu.memory_space<semaphore_mem>>
        %dma_start3A = arith.constant 0 : i32
        %dma_start3A_62 = arith.constant 0 : i32
        %dma_start3A_63 = tpu.memref_slice %arg8[%run_scoped3A, %dma_start3A, %dma_start3A_62] : memref<4x64x128xf32, #tpu.memory_space<vmem>> -> memref<1x64x128xf32, #tpu.memory_space<vmem>>
        %dma_start3A_64 = tpu.memref_squeeze %dma_start3A_63 : memref<1x64x128xf32, #tpu.memory_space<vmem>> -> memref<64x128xf32, #tpu.memory_space<vmem>>
        %dma_start3A_65 = arith.constant 0 : i32
        %dma_start3A_66 = tpu.memref_slice %arg9[%add3A_33, %dma_start3A_65] : memref<10240x128xf32, #tpu.memory_space<vmem_shared>> -> memref<64x128xf32, #tpu.memory_space<vmem_shared>>
        %dma_start3A_67 = arith.constant 0 : i32
        %dma_start3A_68 = tpu.memref_slice %arg9[%add3A_33, %dma_start3A_67] : memref<10240x128xf32, #tpu.memory_space<vmem_shared>> -> memref<64x128xf32, #tpu.memory_space<vmem_shared>>
        %dma_start3A_69 = arith.constant 0 : i32
        %dma_start3A_70 = arith.constant 0 : i32
        %dma_start3A_71 = tpu.memref_slice %arg8[%run_scoped3A, %dma_start3A_69, %dma_start3A_70] : memref<4x64x128xf32, #tpu.memory_space<vmem>> -> memref<1x64x128xf32, #tpu.memory_space<vmem>>
        %dma_start3A_72 = tpu.memref_squeeze %dma_start3A_71 : memref<1x64x128xf32, #tpu.memory_space<vmem>> -> memref<64x128xf32, #tpu.memory_space<vmem>>
        tpu.enqueue_dma source(%dma_start3A_72 : memref<64x128xf32, #tpu.memory_space<vmem>>) target(%dma_start3A_68 : memref<64x128xf32, #tpu.memory_space<vmem_shared>>) target_semaphore(%run_scoped3A_61 : memref<!tpu.dma_semaphore, #tpu.memory_space<semaphore_mem>>)
        %dma_wait3A = arith.constant 0 : i32
        %dma_wait3A_73 = arith.constant 0 : i32
        %dma_wait3A_74 = tpu.memref_slice %arg8[%run_scoped3A, %dma_wait3A, %dma_wait3A_73] : memref<4x64x128xf32, #tpu.memory_space<vmem>> -> memref<1x64x128xf32, #tpu.memory_space<vmem>>
        %dma_wait3A_75 = tpu.memref_squeeze %dma_wait3A_74 : memref<1x64x128xf32, #tpu.memory_space<vmem>> -> memref<64x128xf32, #tpu.memory_space<vmem>>
        %dma_wait3A_76 = arith.constant 0 : i32
        %dma_wait3A_77 = tpu.memref_slice %arg9[%add3A_33, %dma_wait3A_76] : memref<10240x128xf32, #tpu.memory_space<vmem_shared>> -> memref<64x128xf32, #tpu.memory_space<vmem_shared>>
        %dma_wait3A_78 = arith.constant 0 : i32
        %dma_wait3A_79 = tpu.memref_slice %arg9[%add3A_33, %dma_wait3A_78] : memref<10240x128xf32, #tpu.memory_space<vmem_shared>> -> memref<64x128xf32, #tpu.memory_space<vmem_shared>>
        %dma_wait3A_80 = arith.constant 0 : i32
        %dma_wait3A_81 = arith.constant 0 : i32
        %dma_wait3A_82 = tpu.memref_slice %arg8[%run_scoped3A, %dma_wait3A_80, %dma_wait3A_81] : memref<4x64x128xf32, #tpu.memory_space<vmem>> -> memref<1x64x128xf32, #tpu.memory_space<vmem>>
        %dma_wait3A_83 = tpu.memref_squeeze %dma_wait3A_82 : memref<1x64x128xf32, #tpu.memory_space<vmem>> -> memref<64x128xf32, #tpu.memory_space<vmem>>
        tpu.wait_dma2 semaphore(%run_scoped3A_61 : memref<!tpu.dma_semaphore, #tpu.memory_space<semaphore_mem>>) src(%dma_wait3A_83 : memref<64x128xf32, #tpu.memory_space<vmem>>) dst(%dma_wait3A_79 : memref<64x128xf32, #tpu.memory_space<vmem_shared>>)
        tpu.yield
      }) : () -> ()
      %add3A_34 = arith.constant 64 : i32
      %add3A_35 = arith.addi %mul3A_9, %add3A_34 : i32
      %run_scoped3A_36 = arith.constant 0 : i32
      "tpu.region"() ({
        %run_scoped3A_61 = tpu.sem_alloc : memref<!tpu.dma_semaphore, #tpu.memory_space<semaphore_mem>>
        %dma_start3A = arith.constant 0 : i32
        %dma_start3A_62 = arith.constant 0 : i32
        %dma_start3A_63 = tpu.memref_slice %arg8[%run_scoped3A_36, %dma_start3A, %dma_start3A_62] : memref<4x64x128xf32, #tpu.memory_space<vmem>> -> memref<1x64x128xf32, #tpu.memory_space<vmem>>
        %dma_start3A_64 = tpu.memref_squeeze %dma_start3A_63 : memref<1x64x128xf32, #tpu.memory_space<vmem>> -> memref<64x128xf32, #tpu.memory_space<vmem>>
        %dma_start3A_65 = arith.constant 0 : i32
        %dma_start3A_66 = tpu.memref_slice %arg9[%add3A_35, %dma_start3A_65] : memref<10240x128xf32, #tpu.memory_space<vmem_shared>> -> memref<64x128xf32, #tpu.memory_space<vmem_shared>>
        %dma_start3A_67 = arith.constant 0 : i32
        %dma_start3A_68 = tpu.memref_slice %arg9[%add3A_35, %dma_start3A_67] : memref<10240x128xf32, #tpu.memory_space<vmem_shared>> -> memref<64x128xf32, #tpu.memory_space<vmem_shared>>
        %dma_start3A_69 = arith.constant 0 : i32
        %dma_start3A_70 = arith.constant 0 : i32
        %dma_start3A_71 = tpu.memref_slice %arg8[%run_scoped3A_36, %dma_start3A_69, %dma_start3A_70] : memref<4x64x128xf32, #tpu.memory_space<vmem>> -> memref<1x64x128xf32, #tpu.memory_space<vmem>>
        %dma_start3A_72 = tpu.memref_squeeze %dma_start3A_71 : memref<1x64x128xf32, #tpu.memory_space<vmem>> -> memref<64x128xf32, #tpu.memory_space<vmem>>
        tpu.enqueue_dma source(%dma_start3A_72 : memref<64x128xf32, #tpu.memory_space<vmem>>) target(%dma_start3A_68 : memref<64x128xf32, #tpu.memory_space<vmem_shared>>) target_semaphore(%run_scoped3A_61 : memref<!tpu.dma_semaphore, #tpu.memory_space<semaphore_mem>>)
        %dma_wait3A = arith.constant 0 : i32
        %dma_wait3A_73 = arith.constant 0 : i32
        %dma_wait3A_74 = tpu.memref_slice %arg8[%run_scoped3A_36, %dma_wait3A, %dma_wait3A_73] : memref<4x64x128xf32, #tpu.memory_space<vmem>> -> memref<1x64x128xf32, #tpu.memory_space<vmem>>
        %dma_wait3A_75 = tpu.memref_squeeze %dma_wait3A_74 : memref<1x64x128xf32, #tpu.memory_space<vmem>> -> memref<64x128xf32, #tpu.memory_space<vmem>>
        %dma_wait3A_76 = arith.constant 0 : i32
        %dma_wait3A_77 = tpu.memref_slice %arg9[%add3A_35, %dma_wait3A_76] : memref<10240x128xf32, #tpu.memory_space<vmem_shared>> -> memref<64x128xf32, #tpu.memory_space<vmem_shared>>
        %dma_wait3A_78 = arith.constant 0 : i32
        %dma_wait3A_79 = tpu.memref_slice %arg9[%add3A_35, %dma_wait3A_78] : memref<10240x128xf32, #tpu.memory_space<vmem_shared>> -> memref<64x128xf32, #tpu.memory_space<vmem_shared>>
        %dma_wait3A_80 = arith.constant 0 : i32
        %dma_wait3A_81 = arith.constant 0 : i32
        %dma_wait3A_82 = tpu.memref_slice %arg8[%run_scoped3A_36, %dma_wait3A_80, %dma_wait3A_81] : memref<4x64x128xf32, #tpu.memory_space<vmem>> -> memref<1x64x128xf32, #tpu.memory_space<vmem>>
        %dma_wait3A_83 = tpu.memref_squeeze %dma_wait3A_82 : memref<1x64x128xf32, #tpu.memory_space<vmem>> -> memref<64x128xf32, #tpu.memory_space<vmem>>
        tpu.wait_dma2 semaphore(%run_scoped3A_61 : memref<!tpu.dma_semaphore, #tpu.memory_space<semaphore_mem>>) src(%dma_wait3A_83 : memref<64x128xf32, #tpu.memory_space<vmem>>) dst(%dma_wait3A_79 : memref<64x128xf32, #tpu.memory_space<vmem_shared>>)
        tpu.yield
      }) : () -> ()
      %add3A_37 = arith.constant 128 : i32
      %add3A_38 = arith.addi %mul3A_9, %add3A_37 : i32
      %run_scoped3A_39 = arith.constant 0 : i32
      "tpu.region"() ({
        %run_scoped3A_61 = tpu.sem_alloc : memref<!tpu.dma_semaphore, #tpu.memory_space<semaphore_mem>>
        %dma_start3A = arith.constant 0 : i32
        %dma_start3A_62 = arith.constant 0 : i32
        %dma_start3A_63 = tpu.memref_slice %arg8[%run_scoped3A_39, %dma_start3A, %dma_start3A_62] : memref<4x64x128xf32, #tpu.memory_space<vmem>> -> memref<1x64x128xf32, #tpu.memory_space<vmem>>
        %dma_start3A_64 = tpu.memref_squeeze %dma_start3A_63 : memref<1x64x128xf32, #tpu.memory_space<vmem>> -> memref<64x128xf32, #tpu.memory_space<vmem>>
        %dma_start3A_65 = arith.constant 0 : i32
        %dma_start3A_66 = tpu.memref_slice %arg9[%add3A_38, %dma_start3A_65] : memref<10240x128xf32, #tpu.memory_space<vmem_shared>> -> memref<64x128xf32, #tpu.memory_space<vmem_shared>>
        %dma_start3A_67 = arith.constant 0 : i32
        %dma_start3A_68 = tpu.memref_slice %arg9[%add3A_38, %dma_start3A_67] : memref<10240x128xf32, #tpu.memory_space<vmem_shared>> -> memref<64x128xf32, #tpu.memory_space<vmem_shared>>
        %dma_start3A_69 = arith.constant 0 : i32
        %dma_start3A_70 = arith.constant 0 : i32
        %dma_start3A_71 = tpu.memref_slice %arg8[%run_scoped3A_39, %dma_start3A_69, %dma_start3A_70] : memref<4x64x128xf32, #tpu.memory_space<vmem>> -> memref<1x64x128xf32, #tpu.memory_space<vmem>>
        %dma_start3A_72 = tpu.memref_squeeze %dma_start3A_71 : memref<1x64x128xf32, #tpu.memory_space<vmem>> -> memref<64x128xf32, #tpu.memory_space<vmem>>
        tpu.enqueue_dma source(%dma_start3A_72 : memref<64x128xf32, #tpu.memory_space<vmem>>) target(%dma_start3A_68 : memref<64x128xf32, #tpu.memory_space<vmem_shared>>) target_semaphore(%run_scoped3A_61 : memref<!tpu.dma_semaphore, #tpu.memory_space<semaphore_mem>>)
        %dma_wait3A = arith.constant 0 : i32
        %dma_wait3A_73 = arith.constant 0 : i32
        %dma_wait3A_74 = tpu.memref_slice %arg8[%run_scoped3A_39, %dma_wait3A, %dma_wait3A_73] : memref<4x64x128xf32, #tpu.memory_space<vmem>> -> memref<1x64x128xf32, #tpu.memory_space<vmem>>
        %dma_wait3A_75 = tpu.memref_squeeze %dma_wait3A_74 : memref<1x64x128xf32, #tpu.memory_space<vmem>> -> memref<64x128xf32, #tpu.memory_space<vmem>>
        %dma_wait3A_76 = arith.constant 0 : i32
        %dma_wait3A_77 = tpu.memref_slice %arg9[%add3A_38, %dma_wait3A_76] : memref<10240x128xf32, #tpu.memory_space<vmem_shared>> -> memref<64x128xf32, #tpu.memory_space<vmem_shared>>
        %dma_wait3A_78 = arith.constant 0 : i32
        %dma_wait3A_79 = tpu.memref_slice %arg9[%add3A_38, %dma_wait3A_78] : memref<10240x128xf32, #tpu.memory_space<vmem_shared>> -> memref<64x128xf32, #tpu.memory_space<vmem_shared>>
        %dma_wait3A_80 = arith.constant 0 : i32
        %dma_wait3A_81 = arith.constant 0 : i32
        %dma_wait3A_82 = tpu.memref_slice %arg8[%run_scoped3A_39, %dma_wait3A_80, %dma_wait3A_81] : memref<4x64x128xf32, #tpu.memory_space<vmem>> -> memref<1x64x128xf32, #tpu.memory_space<vmem>>
        %dma_wait3A_83 = tpu.memref_squeeze %dma_wait3A_82 : memref<1x64x128xf32, #tpu.memory_space<vmem>> -> memref<64x128xf32, #tpu.memory_space<vmem>>
        tpu.wait_dma2 semaphore(%run_scoped3A_61 : memref<!tpu.dma_semaphore, #tpu.memory_space<semaphore_mem>>) src(%dma_wait3A_83 : memref<64x128xf32, #tpu.memory_space<vmem>>) dst(%dma_wait3A_79 : memref<64x128xf32, #tpu.memory_space<vmem_shared>>)
        tpu.yield
      }) : () -> ()
      %add3A_40 = arith.constant 192 : i32
      %add3A_41 = arith.addi %mul3A_9, %add3A_40 : i32
      %run_scoped3A_42 = arith.constant 0 : i32
      "tpu.region"() ({
        %run_scoped3A_61 = tpu.sem_alloc : memref<!tpu.dma_semaphore, #tpu.memory_space<semaphore_mem>>
        %dma_start3A = arith.constant 0 : i32
        %dma_start3A_62 = arith.constant 0 : i32
        %dma_start3A_63 = tpu.memref_slice %arg8[%run_scoped3A_42, %dma_start3A, %dma_start3A_62] : memref<4x64x128xf32, #tpu.memory_space<vmem>> -> memref<1x64x128xf32, #tpu.memory_space<vmem>>
        %dma_start3A_64 = tpu.memref_squeeze %dma_start3A_63 : memref<1x64x128xf32, #tpu.memory_space<vmem>> -> memref<64x128xf32, #tpu.memory_space<vmem>>
        %dma_start3A_65 = arith.constant 0 : i32
        %dma_start3A_66 = tpu.memref_slice %arg9[%add3A_41, %dma_start3A_65] : memref<10240x128xf32, #tpu.memory_space<vmem_shared>> -> memref<64x128xf32, #tpu.memory_space<vmem_shared>>
        %dma_start3A_67 = arith.constant 0 : i32
        %dma_start3A_68 = tpu.memref_slice %arg9[%add3A_41, %dma_start3A_67] : memref<10240x128xf32, #tpu.memory_space<vmem_shared>> -> memref<64x128xf32, #tpu.memory_space<vmem_shared>>
        %dma_start3A_69 = arith.constant 0 : i32
        %dma_start3A_70 = arith.constant 0 : i32
        %dma_start3A_71 = tpu.memref_slice %arg8[%run_scoped3A_42, %dma_start3A_69, %dma_start3A_70] : memref<4x64x128xf32, #tpu.memory_space<vmem>> -> memref<1x64x128xf32, #tpu.memory_space<vmem>>
        %dma_start3A_72 = tpu.memref_squeeze %dma_start3A_71 : memref<1x64x128xf32, #tpu.memory_space<vmem>> -> memref<64x128xf32, #tpu.memory_space<vmem>>
        tpu.enqueue_dma source(%dma_start3A_72 : memref<64x128xf32, #tpu.memory_space<vmem>>) target(%dma_start3A_68 : memref<64x128xf32, #tpu.memory_space<vmem_shared>>) target_semaphore(%run_scoped3A_61 : memref<!tpu.dma_semaphore, #tpu.memory_space<semaphore_mem>>)
        %dma_wait3A = arith.constant 0 : i32
        %dma_wait3A_73 = arith.constant 0 : i32
        %dma_wait3A_74 = tpu.memref_slice %arg8[%run_scoped3A_42, %dma_wait3A, %dma_wait3A_73] : memref<4x64x128xf32, #tpu.memory_space<vmem>> -> memref<1x64x128xf32, #tpu.memory_space<vmem>>
        %dma_wait3A_75 = tpu.memref_squeeze %dma_wait3A_74 : memref<1x64x128xf32, #tpu.memory_space<vmem>> -> memref<64x128xf32, #tpu.memory_space<vmem>>
        %dma_wait3A_76 = arith.constant 0 : i32
        %dma_wait3A_77 = tpu.memref_slice %arg9[%add3A_41, %dma_wait3A_76] : memref<10240x128xf32, #tpu.memory_space<vmem_shared>> -> memref<64x128xf32, #tpu.memory_space<vmem_shared>>
        %dma_wait3A_78 = arith.constant 0 : i32
        %dma_wait3A_79 = tpu.memref_slice %arg9[%add3A_41, %dma_wait3A_78] : memref<10240x128xf32, #tpu.memory_space<vmem_shared>> -> memref<64x128xf32, #tpu.memory_space<vmem_shared>>
        %dma_wait3A_80 = arith.constant 0 : i32
        %dma_wait3A_81 = arith.constant 0 : i32
        %dma_wait3A_82 = tpu.memref_slice %arg8[%run_scoped3A_42, %dma_wait3A_80, %dma_wait3A_81] : memref<4x64x128xf32, #tpu.memory_space<vmem>> -> memref<1x64x128xf32, #tpu.memory_space<vmem>>
        %dma_wait3A_83 = tpu.memref_squeeze %dma_wait3A_82 : memref<1x64x128xf32, #tpu.memory_space<vmem>> -> memref<64x128xf32, #tpu.memory_space<vmem>>
        tpu.wait_dma2 semaphore(%run_scoped3A_61 : memref<!tpu.dma_semaphore, #tpu.memory_space<semaphore_mem>>) src(%dma_wait3A_83 : memref<64x128xf32, #tpu.memory_space<vmem>>) dst(%dma_wait3A_79 : memref<64x128xf32, #tpu.memory_space<vmem_shared>>)
        tpu.yield
      }) : () -> ()
      %add3A_43 = arith.constant 256 : i32
      %add3A_44 = arith.addi %mul3A_9, %add3A_43 : i32
      %run_scoped3A_45 = arith.constant 0 : i32
      "tpu.region"() ({
        %run_scoped3A_61 = tpu.sem_alloc : memref<!tpu.dma_semaphore, #tpu.memory_space<semaphore_mem>>
        %dma_start3A = arith.constant 0 : i32
        %dma_start3A_62 = arith.constant 0 : i32
        %dma_start3A_63 = tpu.memref_slice %arg8[%run_scoped3A_45, %dma_start3A, %dma_start3A_62] : memref<4x64x128xf32, #tpu.memory_space<vmem>> -> memref<1x64x128xf32, #tpu.memory_space<vmem>>
        %dma_start3A_64 = tpu.memref_squeeze %dma_start3A_63 : memref<1x64x128xf32, #tpu.memory_space<vmem>> -> memref<64x128xf32, #tpu.memory_space<vmem>>
        %dma_start3A_65 = arith.constant 0 : i32
        %dma_start3A_66 = tpu.memref_slice %arg9[%add3A_44, %dma_start3A_65] : memref<10240x128xf32, #tpu.memory_space<vmem_shared>> -> memref<64x128xf32, #tpu.memory_space<vmem_shared>>
        %dma_start3A_67 = arith.constant 0 : i32
        %dma_start3A_68 = tpu.memref_slice %arg9[%add3A_44, %dma_start3A_67] : memref<10240x128xf32, #tpu.memory_space<vmem_shared>> -> memref<64x128xf32, #tpu.memory_space<vmem_shared>>
        %dma_start3A_69 = arith.constant 0 : i32
        %dma_start3A_70 = arith.constant 0 : i32
        %dma_start3A_71 = tpu.memref_slice %arg8[%run_scoped3A_45, %dma_start3A_69, %dma_start3A_70] : memref<4x64x128xf32, #tpu.memory_space<vmem>> -> memref<1x64x128xf32, #tpu.memory_space<vmem>>
        %dma_start3A_72 = tpu.memref_squeeze %dma_start3A_71 : memref<1x64x128xf32, #tpu.memory_space<vmem>> -> memref<64x128xf32, #tpu.memory_space<vmem>>
        tpu.enqueue_dma source(%dma_start3A_72 : memref<64x128xf32, #tpu.memory_space<vmem>>) target(%dma_start3A_68 : memref<64x128xf32, #tpu.memory_space<vmem_shared>>) target_semaphore(%run_scoped3A_61 : memref<!tpu.dma_semaphore, #tpu.memory_space<semaphore_mem>>)
        %dma_wait3A = arith.constant 0 : i32
        %dma_wait3A_73 = arith.constant 0 : i32
        %dma_wait3A_74 = tpu.memref_slice %arg8[%run_scoped3A_45, %dma_wait3A, %dma_wait3A_73] : memref<4x64x128xf32, #tpu.memory_space<vmem>> -> memref<1x64x128xf32, #tpu.memory_space<vmem>>
        %dma_wait3A_75 = tpu.memref_squeeze %dma_wait3A_74 : memref<1x64x128xf32, #tpu.memory_space<vmem>> -> memref<64x128xf32, #tpu.memory_space<vmem>>
        %dma_wait3A_76 = arith.constant 0 : i32
        %dma_wait3A_77 = tpu.memref_slice %arg9[%add3A_44, %dma_wait3A_76] : memref<10240x128xf32, #tpu.memory_space<vmem_shared>> -> memref<64x128xf32, #tpu.memory_space<vmem_shared>>
        %dma_wait3A_78 = arith.constant 0 : i32
        %dma_wait3A_79 = tpu.memref_slice %arg9[%add3A_44, %dma_wait3A_78] : memref<10240x128xf32, #tpu.memory_space<vmem_shared>> -> memref<64x128xf32, #tpu.memory_space<vmem_shared>>
        %dma_wait3A_80 = arith.constant 0 : i32
        %dma_wait3A_81 = arith.constant 0 : i32
        %dma_wait3A_82 = tpu.memref_slice %arg8[%run_scoped3A_45, %dma_wait3A_80, %dma_wait3A_81] : memref<4x64x128xf32, #tpu.memory_space<vmem>> -> memref<1x64x128xf32, #tpu.memory_space<vmem>>
        %dma_wait3A_83 = tpu.memref_squeeze %dma_wait3A_82 : memref<1x64x128xf32, #tpu.memory_space<vmem>> -> memref<64x128xf32, #tpu.memory_space<vmem>>
        tpu.wait_dma2 semaphore(%run_scoped3A_61 : memref<!tpu.dma_semaphore, #tpu.memory_space<semaphore_mem>>) src(%dma_wait3A_83 : memref<64x128xf32, #tpu.memory_space<vmem>>) dst(%dma_wait3A_79 : memref<64x128xf32, #tpu.memory_space<vmem_shared>>)
        tpu.yield
      }) : () -> ()
      %add3A_46 = arith.constant 320 : i32
      %add3A_47 = arith.addi %mul3A_9, %add3A_46 : i32
      %run_scoped3A_48 = arith.constant 0 : i32
      "tpu.region"() ({
        %run_scoped3A_61 = tpu.sem_alloc : memref<!tpu.dma_semaphore, #tpu.memory_space<semaphore_mem>>
        %dma_start3A = arith.constant 0 : i32
        %dma_start3A_62 = arith.constant 0 : i32
        %dma_start3A_63 = tpu.memref_slice %arg8[%run_scoped3A_48, %dma_start3A, %dma_start3A_62] : memref<4x64x128xf32, #tpu.memory_space<vmem>> -> memref<1x64x128xf32, #tpu.memory_space<vmem>>
        %dma_start3A_64 = tpu.memref_squeeze %dma_start3A_63 : memref<1x64x128xf32, #tpu.memory_space<vmem>> -> memref<64x128xf32, #tpu.memory_space<vmem>>
        %dma_start3A_65 = arith.constant 0 : i32
        %dma_start3A_66 = tpu.memref_slice %arg9[%add3A_47, %dma_start3A_65] : memref<10240x128xf32, #tpu.memory_space<vmem_shared>> -> memref<64x128xf32, #tpu.memory_space<vmem_shared>>
        %dma_start3A_67 = arith.constant 0 : i32
        %dma_start3A_68 = tpu.memref_slice %arg9[%add3A_47, %dma_start3A_67] : memref<10240x128xf32, #tpu.memory_space<vmem_shared>> -> memref<64x128xf32, #tpu.memory_space<vmem_shared>>
        %dma_start3A_69 = arith.constant 0 : i32
        %dma_start3A_70 = arith.constant 0 : i32
        %dma_start3A_71 = tpu.memref_slice %arg8[%run_scoped3A_48, %dma_start3A_69, %dma_start3A_70] : memref<4x64x128xf32, #tpu.memory_space<vmem>> -> memref<1x64x128xf32, #tpu.memory_space<vmem>>
        %dma_start3A_72 = tpu.memref_squeeze %dma_start3A_71 : memref<1x64x128xf32, #tpu.memory_space<vmem>> -> memref<64x128xf32, #tpu.memory_space<vmem>>
        tpu.enqueue_dma source(%dma_start3A_72 : memref<64x128xf32, #tpu.memory_space<vmem>>) target(%dma_start3A_68 : memref<64x128xf32, #tpu.memory_space<vmem_shared>>) target_semaphore(%run_scoped3A_61 : memref<!tpu.dma_semaphore, #tpu.memory_space<semaphore_mem>>)
        %dma_wait3A = arith.constant 0 : i32
        %dma_wait3A_73 = arith.constant 0 : i32
        %dma_wait3A_74 = tpu.memref_slice %arg8[%run_scoped3A_48, %dma_wait3A, %dma_wait3A_73] : memref<4x64x128xf32, #tpu.memory_space<vmem>> -> memref<1x64x128xf32, #tpu.memory_space<vmem>>
        %dma_wait3A_75 = tpu.memref_squeeze %dma_wait3A_74 : memref<1x64x128xf32, #tpu.memory_space<vmem>> -> memref<64x128xf32, #tpu.memory_space<vmem>>
        %dma_wait3A_76 = arith.constant 0 : i32
        %dma_wait3A_77 = tpu.memref_slice %arg9[%add3A_47, %dma_wait3A_76] : memref<10240x128xf32, #tpu.memory_space<vmem_shared>> -> memref<64x128xf32, #tpu.memory_space<vmem_shared>>
        %dma_wait3A_78 = arith.constant 0 : i32
        %dma_wait3A_79 = tpu.memref_slice %arg9[%add3A_47, %dma_wait3A_78] : memref<10240x128xf32, #tpu.memory_space<vmem_shared>> -> memref<64x128xf32, #tpu.memory_space<vmem_shared>>
        %dma_wait3A_80 = arith.constant 0 : i32
        %dma_wait3A_81 = arith.constant 0 : i32
        %dma_wait3A_82 = tpu.memref_slice %arg8[%run_scoped3A_48, %dma_wait3A_80, %dma_wait3A_81] : memref<4x64x128xf32, #tpu.memory_space<vmem>> -> memref<1x64x128xf32, #tpu.memory_space<vmem>>
        %dma_wait3A_83 = tpu.memref_squeeze %dma_wait3A_82 : memref<1x64x128xf32, #tpu.memory_space<vmem>> -> memref<64x128xf32, #tpu.memory_space<vmem>>
        tpu.wait_dma2 semaphore(%run_scoped3A_61 : memref<!tpu.dma_semaphore, #tpu.memory_space<semaphore_mem>>) src(%dma_wait3A_83 : memref<64x128xf32, #tpu.memory_space<vmem>>) dst(%dma_wait3A_79 : memref<64x128xf32, #tpu.memory_space<vmem_shared>>)
        tpu.yield
      }) : () -> ()
      %add3A_49 = arith.constant 384 : i32
      %add3A_50 = arith.addi %mul3A_9, %add3A_49 : i32
      %run_scoped3A_51 = arith.constant 0 : i32
      "tpu.region"() ({
        %run_scoped3A_61 = tpu.sem_alloc : memref<!tpu.dma_semaphore, #tpu.memory_space<semaphore_mem>>
        %dma_start3A = arith.constant 0 : i32
        %dma_start3A_62 = arith.constant 0 : i32
        %dma_start3A_63 = tpu.memref_slice %arg8[%run_scoped3A_51, %dma_start3A, %dma_start3A_62] : memref<4x64x128xf32, #tpu.memory_space<vmem>> -> memref<1x64x128xf32, #tpu.memory_space<vmem>>
        %dma_start3A_64 = tpu.memref_squeeze %dma_start3A_63 : memref<1x64x128xf32, #tpu.memory_space<vmem>> -> memref<64x128xf32, #tpu.memory_space<vmem>>
        %dma_start3A_65 = arith.constant 0 : i32
        %dma_start3A_66 = tpu.memref_slice %arg9[%add3A_50, %dma_start3A_65] : memref<10240x128xf32, #tpu.memory_space<vmem_shared>> -> memref<64x128xf32, #tpu.memory_space<vmem_shared>>
        %dma_start3A_67 = arith.constant 0 : i32
        %dma_start3A_68 = tpu.memref_slice %arg9[%add3A_50, %dma_start3A_67] : memref<10240x128xf32, #tpu.memory_space<vmem_shared>> -> memref<64x128xf32, #tpu.memory_space<vmem_shared>>
        %dma_start3A_69 = arith.constant 0 : i32
        %dma_start3A_70 = arith.constant 0 : i32
        %dma_start3A_71 = tpu.memref_slice %arg8[%run_scoped3A_51, %dma_start3A_69, %dma_start3A_70] : memref<4x64x128xf32, #tpu.memory_space<vmem>> -> memref<1x64x128xf32, #tpu.memory_space<vmem>>
        %dma_start3A_72 = tpu.memref_squeeze %dma_start3A_71 : memref<1x64x128xf32, #tpu.memory_space<vmem>> -> memref<64x128xf32, #tpu.memory_space<vmem>>
        tpu.enqueue_dma source(%dma_start3A_72 : memref<64x128xf32, #tpu.memory_space<vmem>>) target(%dma_start3A_68 : memref<64x128xf32, #tpu.memory_space<vmem_shared>>) target_semaphore(%run_scoped3A_61 : memref<!tpu.dma_semaphore, #tpu.memory_space<semaphore_mem>>)
        %dma_wait3A = arith.constant 0 : i32
        %dma_wait3A_73 = arith.constant 0 : i32
        %dma_wait3A_74 = tpu.memref_slice %arg8[%run_scoped3A_51, %dma_wait3A, %dma_wait3A_73] : memref<4x64x128xf32, #tpu.memory_space<vmem>> -> memref<1x64x128xf32, #tpu.memory_space<vmem>>
        %dma_wait3A_75 = tpu.memref_squeeze %dma_wait3A_74 : memref<1x64x128xf32, #tpu.memory_space<vmem>> -> memref<64x128xf32, #tpu.memory_space<vmem>>
        %dma_wait3A_76 = arith.constant 0 : i32
        %dma_wait3A_77 = tpu.memref_slice %arg9[%add3A_50, %dma_wait3A_76] : memref<10240x128xf32, #tpu.memory_space<vmem_shared>> -> memref<64x128xf32, #tpu.memory_space<vmem_shared>>
        %dma_wait3A_78 = arith.constant 0 : i32
        %dma_wait3A_79 = tpu.memref_slice %arg9[%add3A_50, %dma_wait3A_78] : memref<10240x128xf32, #tpu.memory_space<vmem_shared>> -> memref<64x128xf32, #tpu.memory_space<vmem_shared>>
        %dma_wait3A_80 = arith.constant 0 : i32
        %dma_wait3A_81 = arith.constant 0 : i32
        %dma_wait3A_82 = tpu.memref_slice %arg8[%run_scoped3A_51, %dma_wait3A_80, %dma_wait3A_81] : memref<4x64x128xf32, #tpu.memory_space<vmem>> -> memref<1x64x128xf32, #tpu.memory_space<vmem>>
        %dma_wait3A_83 = tpu.memref_squeeze %dma_wait3A_82 : memref<1x64x128xf32, #tpu.memory_space<vmem>> -> memref<64x128xf32, #tpu.memory_space<vmem>>
        tpu.wait_dma2 semaphore(%run_scoped3A_61 : memref<!tpu.dma_semaphore, #tpu.memory_space<semaphore_mem>>) src(%dma_wait3A_83 : memref<64x128xf32, #tpu.memory_space<vmem>>) dst(%dma_wait3A_79 : memref<64x128xf32, #tpu.memory_space<vmem_shared>>)
        tpu.yield
      }) : () -> ()
      %add3A_52 = arith.constant 448 : i32
      %add3A_53 = arith.addi %mul3A_9, %add3A_52 : i32
      %run_scoped3A_54 = arith.constant 0 : i32
      "tpu.region"() ({
        %run_scoped3A_61 = tpu.sem_alloc : memref<!tpu.dma_semaphore, #tpu.memory_space<semaphore_mem>>
        %dma_start3A = arith.constant 0 : i32
        %dma_start3A_62 = arith.constant 0 : i32
        %dma_start3A_63 = tpu.memref_slice %arg8[%run_scoped3A_54, %dma_start3A, %dma_start3A_62] : memref<4x64x128xf32, #tpu.memory_space<vmem>> -> memref<1x64x128xf32, #tpu.memory_space<vmem>>
        %dma_start3A_64 = tpu.memref_squeeze %dma_start3A_63 : memref<1x64x128xf32, #tpu.memory_space<vmem>> -> memref<64x128xf32, #tpu.memory_space<vmem>>
        %dma_start3A_65 = arith.constant 0 : i32
        %dma_start3A_66 = tpu.memref_slice %arg9[%add3A_53, %dma_start3A_65] : memref<10240x128xf32, #tpu.memory_space<vmem_shared>> -> memref<64x128xf32, #tpu.memory_space<vmem_shared>>
        %dma_start3A_67 = arith.constant 0 : i32
        %dma_start3A_68 = tpu.memref_slice %arg9[%add3A_53, %dma_start3A_67] : memref<10240x128xf32, #tpu.memory_space<vmem_shared>> -> memref<64x128xf32, #tpu.memory_space<vmem_shared>>
        %dma_start3A_69 = arith.constant 0 : i32
        %dma_start3A_70 = arith.constant 0 : i32
        %dma_start3A_71 = tpu.memref_slice %arg8[%run_scoped3A_54, %dma_start3A_69, %dma_start3A_70] : memref<4x64x128xf32, #tpu.memory_space<vmem>> -> memref<1x64x128xf32, #tpu.memory_space<vmem>>
        %dma_start3A_72 = tpu.memref_squeeze %dma_start3A_71 : memref<1x64x128xf32, #tpu.memory_space<vmem>> -> memref<64x128xf32, #tpu.memory_space<vmem>>
        tpu.enqueue_dma source(%dma_start3A_72 : memref<64x128xf32, #tpu.memory_space<vmem>>) target(%dma_start3A_68 : memref<64x128xf32, #tpu.memory_space<vmem_shared>>) target_semaphore(%run_scoped3A_61 : memref<!tpu.dma_semaphore, #tpu.memory_space<semaphore_mem>>)
        %dma_wait3A = arith.constant 0 : i32
        %dma_wait3A_73 = arith.constant 0 : i32
        %dma_wait3A_74 = tpu.memref_slice %arg8[%run_scoped3A_54, %dma_wait3A, %dma_wait3A_73] : memref<4x64x128xf32, #tpu.memory_space<vmem>> -> memref<1x64x128xf32, #tpu.memory_space<vmem>>
        %dma_wait3A_75 = tpu.memref_squeeze %dma_wait3A_74 : memref<1x64x128xf32, #tpu.memory_space<vmem>> -> memref<64x128xf32, #tpu.memory_space<vmem>>
        %dma_wait3A_76 = arith.constant 0 : i32
        %dma_wait3A_77 = tpu.memref_slice %arg9[%add3A_53, %dma_wait3A_76] : memref<10240x128xf32, #tpu.memory_space<vmem_shared>> -> memref<64x128xf32, #tpu.memory_space<vmem_shared>>
        %dma_wait3A_78 = arith.constant 0 : i32
        %dma_wait3A_79 = tpu.memref_slice %arg9[%add3A_53, %dma_wait3A_78] : memref<10240x128xf32, #tpu.memory_space<vmem_shared>> -> memref<64x128xf32, #tpu.memory_space<vmem_shared>>
        %dma_wait3A_80 = arith.constant 0 : i32
        %dma_wait3A_81 = arith.constant 0 : i32
        %dma_wait3A_82 = tpu.memref_slice %arg8[%run_scoped3A_54, %dma_wait3A_80, %dma_wait3A_81] : memref<4x64x128xf32, #tpu.memory_space<vmem>> -> memref<1x64x128xf32, #tpu.memory_space<vmem>>
        %dma_wait3A_83 = tpu.memref_squeeze %dma_wait3A_82 : memref<1x64x128xf32, #tpu.memory_space<vmem>> -> memref<64x128xf32, #tpu.memory_space<vmem>>
        tpu.wait_dma2 semaphore(%run_scoped3A_61 : memref<!tpu.dma_semaphore, #tpu.memory_space<semaphore_mem>>) src(%dma_wait3A_83 : memref<64x128xf32, #tpu.memory_space<vmem>>) dst(%dma_wait3A_79 : memref<64x128xf32, #tpu.memory_space<vmem_shared>>)
        tpu.yield
      }) : () -> ()
      %add3A_55 = arith.constant 512 : i32
      %add3A_56 = arith.addi %mul3A_9, %add3A_55 : i32
      %run_scoped3A_57 = arith.constant 0 : i32
      "tpu.region"() ({
        %run_scoped3A_61 = tpu.sem_alloc : memref<!tpu.dma_semaphore, #tpu.memory_space<semaphore_mem>>
        %dma_start3A = arith.constant 0 : i32
        %dma_start3A_62 = arith.constant 0 : i32
        %dma_start3A_63 = tpu.memref_slice %arg8[%run_scoped3A_57, %dma_start3A, %dma_start3A_62] : memref<4x64x128xf32, #tpu.memory_space<vmem>> -> memref<1x64x128xf32, #tpu.memory_space<vmem>>
        %dma_start3A_64 = tpu.memref_squeeze %dma_start3A_63 : memref<1x64x128xf32, #tpu.memory_space<vmem>> -> memref<64x128xf32, #tpu.memory_space<vmem>>
        %dma_start3A_65 = arith.constant 0 : i32
        %dma_start3A_66 = tpu.memref_slice %arg9[%add3A_56, %dma_start3A_65] : memref<10240x128xf32, #tpu.memory_space<vmem_shared>> -> memref<64x128xf32, #tpu.memory_space<vmem_shared>>
        %dma_start3A_67 = arith.constant 0 : i32
        %dma_start3A_68 = tpu.memref_slice %arg9[%add3A_56, %dma_start3A_67] : memref<10240x128xf32, #tpu.memory_space<vmem_shared>> -> memref<64x128xf32, #tpu.memory_space<vmem_shared>>
        %dma_start3A_69 = arith.constant 0 : i32
        %dma_start3A_70 = arith.constant 0 : i32
        %dma_start3A_71 = tpu.memref_slice %arg8[%run_scoped3A_57, %dma_start3A_69, %dma_start3A_70] : memref<4x64x128xf32, #tpu.memory_space<vmem>> -> memref<1x64x128xf32, #tpu.memory_space<vmem>>
        %dma_start3A_72 = tpu.memref_squeeze %dma_start3A_71 : memref<1x64x128xf32, #tpu.memory_space<vmem>> -> memref<64x128xf32, #tpu.memory_space<vmem>>
        tpu.enqueue_dma source(%dma_start3A_72 : memref<64x128xf32, #tpu.memory_space<vmem>>) target(%dma_start3A_68 : memref<64x128xf32, #tpu.memory_space<vmem_shared>>) target_semaphore(%run_scoped3A_61 : memref<!tpu.dma_semaphore, #tpu.memory_space<semaphore_mem>>)
        %dma_wait3A = arith.constant 0 : i32
        %dma_wait3A_73 = arith.constant 0 : i32
        %dma_wait3A_74 = tpu.memref_slice %arg8[%run_scoped3A_57, %dma_wait3A, %dma_wait3A_73] : memref<4x64x128xf32, #tpu.memory_space<vmem>> -> memref<1x64x128xf32, #tpu.memory_space<vmem>>
        %dma_wait3A_75 = tpu.memref_squeeze %dma_wait3A_74 : memref<1x64x128xf32, #tpu.memory_space<vmem>> -> memref<64x128xf32, #tpu.memory_space<vmem>>
        %dma_wait3A_76 = arith.constant 0 : i32
        %dma_wait3A_77 = tpu.memref_slice %arg9[%add3A_56, %dma_wait3A_76] : memref<10240x128xf32, #tpu.memory_space<vmem_shared>> -> memref<64x128xf32, #tpu.memory_space<vmem_shared>>
        %dma_wait3A_78 = arith.constant 0 : i32
        %dma_wait3A_79 = tpu.memref_slice %arg9[%add3A_56, %dma_wait3A_78] : memref<10240x128xf32, #tpu.memory_space<vmem_shared>> -> memref<64x128xf32, #tpu.memory_space<vmem_shared>>
        %dma_wait3A_80 = arith.constant 0 : i32
        %dma_wait3A_81 = arith.constant 0 : i32
        %dma_wait3A_82 = tpu.memref_slice %arg8[%run_scoped3A_57, %dma_wait3A_80, %dma_wait3A_81] : memref<4x64x128xf32, #tpu.memory_space<vmem>> -> memref<1x64x128xf32, #tpu.memory_space<vmem>>
        %dma_wait3A_83 = tpu.memref_squeeze %dma_wait3A_82 : memref<1x64x128xf32, #tpu.memory_space<vmem>> -> memref<64x128xf32, #tpu.memory_space<vmem>>
        tpu.wait_dma2 semaphore(%run_scoped3A_61 : memref<!tpu.dma_semaphore, #tpu.memory_space<semaphore_mem>>) src(%dma_wait3A_83 : memref<64x128xf32, #tpu.memory_space<vmem>>) dst(%dma_wait3A_79 : memref<64x128xf32, #tpu.memory_space<vmem_shared>>)
        tpu.yield
      }) : () -> ()
      %add3A_58 = arith.constant 576 : i32
      %add3A_59 = arith.addi %mul3A_9, %add3A_58 : i32
      %run_scoped3A_60 = arith.constant 0 : i32
      "tpu.region"() ({
        %run_scoped3A_61 = tpu.sem_alloc : memref<!tpu.dma_semaphore, #tpu.memory_space<semaphore_mem>>
        %dma_start3A = arith.constant 0 : i32
        %dma_start3A_62 = arith.constant 0 : i32
        %dma_start3A_63 = tpu.memref_slice %arg8[%run_scoped3A_60, %dma_start3A, %dma_start3A_62] : memref<4x64x128xf32, #tpu.memory_space<vmem>> -> memref<1x64x128xf32, #tpu.memory_space<vmem>>
        %dma_start3A_64 = tpu.memref_squeeze %dma_start3A_63 : memref<1x64x128xf32, #tpu.memory_space<vmem>> -> memref<64x128xf32, #tpu.memory_space<vmem>>
        %dma_start3A_65 = arith.constant 0 : i32
        %dma_start3A_66 = tpu.memref_slice %arg9[%add3A_59, %dma_start3A_65] : memref<10240x128xf32, #tpu.memory_space<vmem_shared>> -> memref<64x128xf32, #tpu.memory_space<vmem_shared>>
        %dma_start3A_67 = arith.constant 0 : i32
        %dma_start3A_68 = tpu.memref_slice %arg9[%add3A_59, %dma_start3A_67] : memref<10240x128xf32, #tpu.memory_space<vmem_shared>> -> memref<64x128xf32, #tpu.memory_space<vmem_shared>>
        %dma_start3A_69 = arith.constant 0 : i32
        %dma_start3A_70 = arith.constant 0 : i32
        %dma_start3A_71 = tpu.memref_slice %arg8[%run_scoped3A_60, %dma_start3A_69, %dma_start3A_70] : memref<4x64x128xf32, #tpu.memory_space<vmem>> -> memref<1x64x128xf32, #tpu.memory_space<vmem>>
        %dma_start3A_72 = tpu.memref_squeeze %dma_start3A_71 : memref<1x64x128xf32, #tpu.memory_space<vmem>> -> memref<64x128xf32, #tpu.memory_space<vmem>>
        tpu.enqueue_dma source(%dma_start3A_72 : memref<64x128xf32, #tpu.memory_space<vmem>>) target(%dma_start3A_68 : memref<64x128xf32, #tpu.memory_space<vmem_shared>>) target_semaphore(%run_scoped3A_61 : memref<!tpu.dma_semaphore, #tpu.memory_space<semaphore_mem>>)
        %dma_wait3A = arith.constant 0 : i32
        %dma_wait3A_73 = arith.constant 0 : i32
        %dma_wait3A_74 = tpu.memref_slice %arg8[%run_scoped3A_60, %dma_wait3A, %dma_wait3A_73] : memref<4x64x128xf32, #tpu.memory_space<vmem>> -> memref<1x64x128xf32, #tpu.memory_space<vmem>>
        %dma_wait3A_75 = tpu.memref_squeeze %dma_wait3A_74 : memref<1x64x128xf32, #tpu.memory_space<vmem>> -> memref<64x128xf32, #tpu.memory_space<vmem>>
        %dma_wait3A_76 = arith.constant 0 : i32
        %dma_wait3A_77 = tpu.memref_slice %arg9[%add3A_59, %dma_wait3A_76] : memref<10240x128xf32, #tpu.memory_space<vmem_shared>> -> memref<64x128xf32, #tpu.memory_space<vmem_shared>>
        %dma_wait3A_78 = arith.constant 0 : i32
        %dma_wait3A_79 = tpu.memref_slice %arg9[%add3A_59, %dma_wait3A_78] : memref<10240x128xf32, #tpu.memory_space<vmem_shared>> -> memref<64x128xf32, #tpu.memory_space<vmem_shared>>
        %dma_wait3A_80 = arith.constant 0 : i32
        %dma_wait3A_81 = arith.constant 0 : i32
        %dma_wait3A_82 = tpu.memref_slice %arg8[%run_scoped3A_60, %dma_wait3A_80, %dma_wait3A_81] : memref<4x64x128xf32, #tpu.memory_space<vmem>> -> memref<1x64x128xf32, #tpu.memory_space<vmem>>
        %dma_wait3A_83 = tpu.memref_squeeze %dma_wait3A_82 : memref<1x64x128xf32, #tpu.memory_space<vmem>> -> memref<64x128xf32, #tpu.memory_space<vmem>>
        tpu.wait_dma2 semaphore(%run_scoped3A_61 : memref<!tpu.dma_semaphore, #tpu.memory_space<semaphore_mem>>) src(%dma_wait3A_83 : memref<64x128xf32, #tpu.memory_space<vmem>>) dst(%dma_wait3A_79 : memref<64x128xf32, #tpu.memory_space<vmem_shared>>)
        tpu.yield
      }) : () -> ()
    } else {
    }
    %barrier3A = arith.constant 0 : index
    tpu.barrier barrier_id(%barrier3A)
    %mul3A_13 = arith.constant 320 : i32
    %mul3A_14 = arith.muli %arg1, %mul3A_13 : i32
    %eq3A_15 = arith.constant 0 : i32
    %eq3A_16 = arith.cmpi eq, %arg0, %eq3A_15 : i32
    %convert_element_type3A_17 = arith.extui %eq3A_16 : i1 to i32
    %cond3A_18 = arith.constant 0 : i32
    %cond3A_19 = arith.cmpi ne, %convert_element_type3A_17, %cond3A_18 : i32
    scf.if %cond3A_19 {
      %add3A = arith.constant 0 : i32
      %add3A_33 = arith.addi %mul3A_14, %add3A : i32
      "tpu.region"() ({
        %run_scoped3A = tpu.sem_alloc : memref<!tpu.dma_semaphore, #tpu.memory_space<semaphore_mem>>
        %dma_start3A_125 = arith.constant 0 : i32
        %dma_start3A_126 = tpu.memref_slice %arg2[%add3A_33, %dma_start3A_125] : memref<5120x64xi32, #tpu.memory_space<hbm>> -> memref<16x64xi32, #tpu.memory_space<hbm>>
        %dma_start3A_127 = arith.constant 0 : i32
        %dma_start3A_128 = tpu.memref_slice %arg2[%add3A_33, %dma_start3A_127] : memref<5120x64xi32, #tpu.memory_space<hbm>> -> memref<16x64xi32, #tpu.memory_space<hbm>>
        tpu.enqueue_dma source(%dma_start3A_128 : memref<16x64xi32, #tpu.memory_space<hbm>>) target(%arg6 : memref<16x64xi32, #tpu.memory_space<vmem>>) target_semaphore(%run_scoped3A : memref<!tpu.dma_semaphore, #tpu.memory_space<semaphore_mem>>)
        %dma_wait3A_129 = arith.constant 0 : i32
        %dma_wait3A_130 = tpu.memref_slice %arg2[%add3A_33, %dma_wait3A_129] : memref<5120x64xi32, #tpu.memory_space<hbm>> -> memref<16x64xi32, #tpu.memory_space<hbm>>
        %dma_wait3A_131 = arith.constant 0 : i32
        %dma_wait3A_132 = tpu.memref_slice %arg2[%add3A_33, %dma_wait3A_131] : memref<5120x64xi32, #tpu.memory_space<hbm>> -> memref<16x64xi32, #tpu.memory_space<hbm>>
        tpu.wait_dma2 semaphore(%run_scoped3A : memref<!tpu.dma_semaphore, #tpu.memory_space<semaphore_mem>>) src(%dma_wait3A_132 : memref<16x64xi32, #tpu.memory_space<hbm>>) dst(%arg6 : memref<16x64xi32, #tpu.memory_space<vmem>>)
        tpu.yield
      }) : () -> ()
      %add3A_34 = arith.constant 0 : i32
      %add3A_35 = arith.addi %mul3A_14, %add3A_34 : i32
      "tpu.region"() ({
        %run_scoped3A = tpu.sem_alloc : memref<!tpu.dma_semaphore, #tpu.memory_space<semaphore_mem>>
        %dma_start3A_125 = arith.constant 0 : i32
        %dma_start3A_126 = tpu.memref_slice %arg3[%add3A_35, %dma_start3A_125] : memref<5120x64xi32, #tpu.memory_space<hbm>> -> memref<16x64xi32, #tpu.memory_space<hbm>>
        %dma_start3A_127 = arith.constant 0 : i32
        %dma_start3A_128 = tpu.memref_slice %arg3[%add3A_35, %dma_start3A_127] : memref<5120x64xi32, #tpu.memory_space<hbm>> -> memref<16x64xi32, #tpu.memory_space<hbm>>
        tpu.enqueue_dma source(%dma_start3A_128 : memref<16x64xi32, #tpu.memory_space<hbm>>) target(%arg7 : memref<16x64xi32, #tpu.memory_space<vmem>>) target_semaphore(%run_scoped3A : memref<!tpu.dma_semaphore, #tpu.memory_space<semaphore_mem>>)
        %dma_wait3A_129 = arith.constant 0 : i32
        %dma_wait3A_130 = tpu.memref_slice %arg3[%add3A_35, %dma_wait3A_129] : memref<5120x64xi32, #tpu.memory_space<hbm>> -> memref<16x64xi32, #tpu.memory_space<hbm>>
        %dma_wait3A_131 = arith.constant 0 : i32
        %dma_wait3A_132 = tpu.memref_slice %arg3[%add3A_35, %dma_wait3A_131] : memref<5120x64xi32, #tpu.memory_space<hbm>> -> memref<16x64xi32, #tpu.memory_space<hbm>>
        tpu.wait_dma2 semaphore(%run_scoped3A : memref<!tpu.dma_semaphore, #tpu.memory_space<semaphore_mem>>) src(%dma_wait3A_132 : memref<16x64xi32, #tpu.memory_space<hbm>>) dst(%arg7 : memref<16x64xi32, #tpu.memory_space<vmem>>)
        tpu.yield
      }) : () -> ()
      %dma_start3A = arith.constant 0 : i32
      %dma_start3A_36 = arith.constant 0 : i32
      %dma_start3A_37 = arith.constant 0 : i32
      %dma_start3A_38 = arith.constant 0 : i32
      %dma_start3A_39 = tpu.memref_slice %arg8[%dma_start3A_36, %dma_start3A_37, %dma_start3A_38] : memref<4x64x128xf32, #tpu.memory_space<vmem>> -> memref<1x64x128xf32, #tpu.memory_space<vmem>>
      %dma_start3A_40 = tpu.memref_squeeze %dma_start3A_39 : memref<1x64x128xf32, #tpu.memory_space<vmem>> -> memref<64x128xf32, #tpu.memory_space<vmem>>
      %dma_start3A_41 = arith.constant 0 : i32
      %dma_start3A_42 = tpu.memref_slice %arg6[%dma_start3A, %dma_start3A_41] : memref<16x64xi32, #tpu.memory_space<vmem>> -> memref<1x64xi32, #tpu.memory_space<vmem>>
      %dma_start3A_43 = tpu.memref_squeeze %dma_start3A_42 : memref<1x64xi32, #tpu.memory_space<vmem>> -> memref<64xi32, #tpu.memory_space<vmem>>
      %dma_start3A_44 = arith.constant 0 : i32
      %dma_start3A_45 = arith.constant 0 : i32
      %dma_start3A_46 = tpu.memref_slice %arg4[%dma_start3A_44, %dma_start3A_45] : memref<10000x128xf32, #tpu.memory_space<hbm>> -> memref<10000x128xf32, #tpu.memory_space<hbm>>
      tpu.enqueue_indirect_dma source(%dma_start3A_46 : memref<10000x128xf32, #tpu.memory_space<hbm>>) target(%dma_start3A_40 : memref<64x128xf32, #tpu.memory_space<vmem>>) offsets(%dma_start3A_43 : memref<64xi32, #tpu.memory_space<vmem>>) semaphore(%arg10 : memref<!tpu.dma_semaphore, #tpu.memory_space<semaphore_mem>>)
      %dma_start3A_47 = arith.constant 1 : i32
      %dma_start3A_48 = arith.constant 1 : i32
      %dma_start3A_49 = arith.constant 0 : i32
      %dma_start3A_50 = arith.constant 0 : i32
      %dma_start3A_51 = tpu.memref_slice %arg8[%dma_start3A_48, %dma_start3A_49, %dma_start3A_50] : memref<4x64x128xf32, #tpu.memory_space<vmem>> -> memref<1x64x128xf32, #tpu.memory_space<vmem>>
      %dma_start3A_52 = tpu.memref_squeeze %dma_start3A_51 : memref<1x64x128xf32, #tpu.memory_space<vmem>> -> memref<64x128xf32, #tpu.memory_space<vmem>>
      %dma_start3A_53 = arith.constant 0 : i32
      %dma_start3A_54 = tpu.memref_slice %arg6[%dma_start3A_47, %dma_start3A_53] : memref<16x64xi32, #tpu.memory_space<vmem>> -> memref<1x64xi32, #tpu.memory_space<vmem>>
      %dma_start3A_55 = tpu.memref_squeeze %dma_start3A_54 : memref<1x64xi32, #tpu.memory_space<vmem>> -> memref<64xi32, #tpu.memory_space<vmem>>
      %dma_start3A_56 = arith.constant 0 : i32
      %dma_start3A_57 = arith.constant 0 : i32
      %dma_start3A_58 = tpu.memref_slice %arg4[%dma_start3A_56, %dma_start3A_57] : memref<10000x128xf32, #tpu.memory_space<hbm>> -> memref<10000x128xf32, #tpu.memory_space<hbm>>
      tpu.enqueue_indirect_dma source(%dma_start3A_58 : memref<10000x128xf32, #tpu.memory_space<hbm>>) target(%dma_start3A_52 : memref<64x128xf32, #tpu.memory_space<vmem>>) offsets(%dma_start3A_55 : memref<64xi32, #tpu.memory_space<vmem>>) semaphore(%arg11 : memref<!tpu.dma_semaphore, #tpu.memory_space<semaphore_mem>>)
      %dma_start3A_59 = arith.constant 2 : i32
      %dma_start3A_60 = arith.constant 2 : i32
      %dma_start3A_61 = arith.constant 0 : i32
      %dma_start3A_62 = arith.constant 0 : i32
      %dma_start3A_63 = tpu.memref_slice %arg8[%dma_start3A_60, %dma_start3A_61, %dma_start3A_62] : memref<4x64x128xf32, #tpu.memory_space<vmem>> -> memref<1x64x128xf32, #tpu.memory_space<vmem>>
      %dma_start3A_64 = tpu.memref_squeeze %dma_start3A_63 : memref<1x64x128xf32, #tpu.memory_space<vmem>> -> memref<64x128xf32, #tpu.memory_space<vmem>>
      %dma_start3A_65 = arith.constant 0 : i32
      %dma_start3A_66 = tpu.memref_slice %arg6[%dma_start3A_59, %dma_start3A_65] : memref<16x64xi32, #tpu.memory_space<vmem>> -> memref<1x64xi32, #tpu.memory_space<vmem>>
      %dma_start3A_67 = tpu.memref_squeeze %dma_start3A_66 : memref<1x64xi32, #tpu.memory_space<vmem>> -> memref<64xi32, #tpu.memory_space<vmem>>
      %dma_start3A_68 = arith.constant 0 : i32
      %dma_start3A_69 = arith.constant 0 : i32
      %dma_start3A_70 = tpu.memref_slice %arg4[%dma_start3A_68, %dma_start3A_69] : memref<10000x128xf32, #tpu.memory_space<hbm>> -> memref<10000x128xf32, #tpu.memory_space<hbm>>
      tpu.enqueue_indirect_dma source(%dma_start3A_70 : memref<10000x128xf32, #tpu.memory_space<hbm>>) target(%dma_start3A_64 : memref<64x128xf32, #tpu.memory_space<vmem>>) offsets(%dma_start3A_67 : memref<64xi32, #tpu.memory_space<vmem>>) semaphore(%arg12 : memref<!tpu.dma_semaphore, #tpu.memory_space<semaphore_mem>>)
      %scan3A_71 = arith.constant 0 : i32
      %scan3A_72 = arith.constant 0 : i32
      %scan3A_73 = arith.constant 20 : i32
      %scan3A_74 = arith.addi %scan3A_72, %scan3A_73 : i32
      %scan3A_75 = arith.constant 1 : i32
      %scan3A_76 = scf.for %scan3A_125 = %scan3A_72 to %scan3A_74 step %scan3A_75 iter_args(%scan3A_126 = %scan3A_71) -> (i32)  : i32 {
        %dma_wait3A_127 = arith.constant 0 : i32
        %dma_wait3A_128 = arith.constant 0 : i32
        %dma_wait3A_129 = arith.constant 0 : i32
        %dma_wait3A_130 = arith.constant 0 : i32
        %dma_wait3A_131 = tpu.memref_slice %arg8[%dma_wait3A_128, %dma_wait3A_129, %dma_wait3A_130] : memref<4x64x128xf32, #tpu.memory_space<vmem>> -> memref<1x64x128xf32, #tpu.memory_space<vmem>>
        %dma_wait3A_132 = tpu.memref_squeeze %dma_wait3A_131 : memref<1x64x128xf32, #tpu.memory_space<vmem>> -> memref<64x128xf32, #tpu.memory_space<vmem>>
        %dma_wait3A_133 = arith.constant 0 : i32
        %dma_wait3A_134 = tpu.memref_slice %arg6[%dma_wait3A_127, %dma_wait3A_133] : memref<16x64xi32, #tpu.memory_space<vmem>> -> memref<1x64xi32, #tpu.memory_space<vmem>>
        %dma_wait3A_135 = tpu.memref_squeeze %dma_wait3A_134 : memref<1x64xi32, #tpu.memory_space<vmem>> -> memref<64xi32, #tpu.memory_space<vmem>>
        %dma_wait3A_136 = arith.constant 0 : i32
        %dma_wait3A_137 = arith.constant 0 : i32
        %dma_wait3A_138 = tpu.memref_slice %arg4[%dma_wait3A_136, %dma_wait3A_137] : memref<10000x128xf32, #tpu.memory_space<hbm>> -> memref<10000x128xf32, #tpu.memory_space<hbm>>
        tpu.wait_indirect_dma semaphore(%arg10 : memref<!tpu.dma_semaphore, #tpu.memory_space<semaphore_mem>>) src(%dma_wait3A_138 : memref<10000x128xf32, #tpu.memory_space<hbm>>) dst(%dma_wait3A_132 : memref<64x128xf32, #tpu.memory_space<vmem>>)
        %dma_start3A_139 = arith.constant 0 : i32
        %dma_start3A_140 = arith.constant 0 : i32
        %dma_start3A_141 = arith.constant 0 : i32
        %dma_start3A_142 = arith.constant 0 : i32
        %dma_start3A_143 = tpu.memref_slice %arg8[%dma_start3A_139, %dma_start3A_141, %dma_start3A_142] : memref<4x64x128xf32, #tpu.memory_space<vmem>> -> memref<1x64x128xf32, #tpu.memory_space<vmem>>
        %dma_start3A_144 = tpu.memref_squeeze %dma_start3A_143 : memref<1x64x128xf32, #tpu.memory_space<vmem>> -> memref<64x128xf32, #tpu.memory_space<vmem>>
        %dma_start3A_145 = arith.constant 0 : i32
        %dma_start3A_146 = tpu.memref_slice %arg7[%dma_start3A_140, %dma_start3A_145] : memref<16x64xi32, #tpu.memory_space<vmem>> -> memref<1x64xi32, #tpu.memory_space<vmem>>
        %dma_start3A_147 = tpu.memref_squeeze %dma_start3A_146 : memref<1x64xi32, #tpu.memory_space<vmem>> -> memref<64xi32, #tpu.memory_space<vmem>>
        %dma_start3A_148 = arith.constant 0 : i32
        %dma_start3A_149 = arith.constant 0 : i32
        %dma_start3A_150 = tpu.memref_slice %arg9[%dma_start3A_148, %dma_start3A_149] : memref<10240x128xf32, #tpu.memory_space<vmem_shared>> -> memref<10240x128xf32, #tpu.memory_space<vmem_shared>>
        tpu.enqueue_indirect_dma source(%dma_start3A_144 : memref<64x128xf32, #tpu.memory_space<vmem>>) target(%dma_start3A_150 : memref<10240x128xf32, #tpu.memory_space<vmem_shared>>) offsets(%dma_start3A_147 : memref<64xi32, #tpu.memory_space<vmem>>) semaphore(%arg14 : memref<!tpu.dma_semaphore, #tpu.memory_space<semaphore_mem>>) {add = true}
        %gt3A = arith.constant 0 : i32
        %gt3A_151 = arith.cmpi sgt, %scan3A_125, %gt3A : i32
        %convert_element_type3A_152 = arith.extui %gt3A_151 : i1 to i32
        %cond3A_153 = arith.constant 0 : i32
        %cond3A_154 = arith.cmpi ne, %convert_element_type3A_152, %cond3A_153 : i32
        scf.if %cond3A_154 {
          %dma_wait3A_820 = arith.constant 3 : i32
          %dma_wait3A_821 = arith.constant 0 : i32
          %dma_wait3A_822 = arith.constant 0 : i32
          %dma_wait3A_823 = arith.constant 0 : i32
          %dma_wait3A_824 = tpu.memref_slice %arg8[%dma_wait3A_820, %dma_wait3A_822, %dma_wait3A_823] : memref<4x64x128xf32, #tpu.memory_space<vmem>> -> memref<1x64x128xf32, #tpu.memory_space<vmem>>
          %dma_wait3A_825 = tpu.memref_squeeze %dma_wait3A_824 : memref<1x64x128xf32, #tpu.memory_space<vmem>> -> memref<64x128xf32, #tpu.memory_space<vmem>>
          %dma_wait3A_826 = arith.constant 0 : i32
          %dma_wait3A_827 = tpu.memref_slice %arg7[%dma_wait3A_821, %dma_wait3A_826] : memref<16x64xi32, #tpu.memory_space<vmem>> -> memref<1x64xi32, #tpu.memory_space<vmem>>
          %dma_wait3A_828 = tpu.memref_squeeze %dma_wait3A_827 : memref<1x64xi32, #tpu.memory_space<vmem>> -> memref<64xi32, #tpu.memory_space<vmem>>
          %dma_wait3A_829 = arith.constant 0 : i32
          %dma_wait3A_830 = arith.constant 0 : i32
          %dma_wait3A_831 = tpu.memref_slice %arg9[%dma_wait3A_829, %dma_wait3A_830] : memref<10240x128xf32, #tpu.memory_space<vmem_shared>> -> memref<10240x128xf32, #tpu.memory_space<vmem_shared>>
          tpu.wait_indirect_dma semaphore(%arg17 : memref<!tpu.dma_semaphore, #tpu.memory_space<semaphore_mem>>) src(%dma_wait3A_825 : memref<64x128xf32, #tpu.memory_space<vmem>>) dst(%dma_wait3A_831 : memref<10240x128xf32, #tpu.memory_space<vmem_shared>>)
        } else {
        }
        %dma_start3A_155 = arith.constant 3 : i32
        %dma_start3A_156 = arith.constant 3 : i32
        %dma_start3A_157 = arith.constant 0 : i32
        %dma_start3A_158 = arith.constant 0 : i32
        %dma_start3A_159 = tpu.memref_slice %arg8[%dma_start3A_156, %dma_start3A_157, %dma_start3A_158] : memref<4x64x128xf32, #tpu.memory_space<vmem>> -> memref<1x64x128xf32, #tpu.memory_space<vmem>>
        %dma_start3A_160 = tpu.memref_squeeze %dma_start3A_159 : memref<1x64x128xf32, #tpu.memory_space<vmem>> -> memref<64x128xf32, #tpu.memory_space<vmem>>
        %dma_start3A_161 = arith.constant 0 : i32
        %dma_start3A_162 = tpu.memref_slice %arg6[%dma_start3A_155, %dma_start3A_161] : memref<16x64xi32, #tpu.memory_space<vmem>> -> memref<1x64xi32, #tpu.memory_space<vmem>>
        %dma_start3A_163 = tpu.memref_squeeze %dma_start3A_162 : memref<1x64xi32, #tpu.memory_space<vmem>> -> memref<64xi32, #tpu.memory_space<vmem>>
        %dma_start3A_164 = arith.constant 0 : i32
        %dma_start3A_165 = arith.constant 0 : i32
        %dma_start3A_166 = tpu.memref_slice %arg4[%dma_start3A_164, %dma_start3A_165] : memref<10000x128xf32, #tpu.memory_space<hbm>> -> memref<10000x128xf32, #tpu.memory_space<hbm>>
        tpu.enqueue_indirect_dma source(%dma_start3A_166 : memref<10000x128xf32, #tpu.memory_space<hbm>>) target(%dma_start3A_160 : memref<64x128xf32, #tpu.memory_space<vmem>>) offsets(%dma_start3A_163 : memref<64xi32, #tpu.memory_space<vmem>>) semaphore(%arg13 : memref<!tpu.dma_semaphore, #tpu.memory_space<semaphore_mem>>)
        %dma_wait3A_167 = arith.constant 0 : i32
        %dma_wait3A_168 = arith.constant 1 : i32
        %dma_wait3A_169 = arith.constant 0 : i32
        %dma_wait3A_170 = arith.constant 0 : i32
        %dma_wait3A_171 = tpu.memref_slice %arg8[%dma_wait3A_168, %dma_wait3A_169, %dma_wait3A_170] : memref<4x64x128xf32, #tpu.memory_space<vmem>> -> memref<1x64x128xf32, #tpu.memory_space<vmem>>
        %dma_wait3A_172 = tpu.memref_squeeze %dma_wait3A_171 : memref<1x64x128xf32, #tpu.memory_space<vmem>> -> memref<64x128xf32, #tpu.memory_space<vmem>>
        %dma_wait3A_173 = arith.constant 0 : i32
        %dma_wait3A_174 = tpu.memref_slice %arg6[%dma_wait3A_167, %dma_wait3A_173] : memref<16x64xi32, #tpu.memory_space<vmem>> -> memref<1x64xi32, #tpu.memory_space<vmem>>
        %dma_wait3A_175 = tpu.memref_squeeze %dma_wait3A_174 : memref<1x64xi32, #tpu.memory_space<vmem>> -> memref<64xi32, #tpu.memory_space<vmem>>
        %dma_wait3A_176 = arith.constant 0 : i32
        %dma_wait3A_177 = arith.constant 0 : i32
        %dma_wait3A_178 = tpu.memref_slice %arg4[%dma_wait3A_176, %dma_wait3A_177] : memref<10000x128xf32, #tpu.memory_space<hbm>> -> memref<10000x128xf32, #tpu.memory_space<hbm>>
        tpu.wait_indirect_dma semaphore(%arg11 : memref<!tpu.dma_semaphore, #tpu.memory_space<semaphore_mem>>) src(%dma_wait3A_178 : memref<10000x128xf32, #tpu.memory_space<hbm>>) dst(%dma_wait3A_172 : memref<64x128xf32, #tpu.memory_space<vmem>>)
        %dma_start3A_179 = arith.constant 1 : i32
        %dma_start3A_180 = arith.constant 1 : i32
        %dma_start3A_181 = arith.constant 0 : i32
        %dma_start3A_182 = arith.constant 0 : i32
        %dma_start3A_183 = tpu.memref_slice %arg8[%dma_start3A_179, %dma_start3A_181, %dma_start3A_182] : memref<4x64x128xf32, #tpu.memory_space<vmem>> -> memref<1x64x128xf32, #tpu.memory_space<vmem>>
        %dma_start3A_184 = tpu.memref_squeeze %dma_start3A_183 : memref<1x64x128xf32, #tpu.memory_space<vmem>> -> memref<64x128xf32, #tpu.memory_space<vmem>>
        %dma_start3A_185 = arith.constant 0 : i32
        %dma_start3A_186 = tpu.memref_slice %arg7[%dma_start3A_180, %dma_start3A_185] : memref<16x64xi32, #tpu.memory_space<vmem>> -> memref<1x64xi32, #tpu.memory_space<vmem>>
        %dma_start3A_187 = tpu.memref_squeeze %dma_start3A_186 : memref<1x64xi32, #tpu.memory_space<vmem>> -> memref<64xi32, #tpu.memory_space<vmem>>
        %dma_start3A_188 = arith.constant 0 : i32
        %dma_start3A_189 = arith.constant 0 : i32
        %dma_start3A_190 = tpu.memref_slice %arg9[%dma_start3A_188, %dma_start3A_189] : memref<10240x128xf32, #tpu.memory_space<vmem_shared>> -> memref<10240x128xf32, #tpu.memory_space<vmem_shared>>
        tpu.enqueue_indirect_dma source(%dma_start3A_184 : memref<64x128xf32, #tpu.memory_space<vmem>>) target(%dma_start3A_190 : memref<10240x128xf32, #tpu.memory_space<vmem_shared>>) offsets(%dma_start3A_187 : memref<64xi32, #tpu.memory_space<vmem>>) semaphore(%arg15 : memref<!tpu.dma_semaphore, #tpu.memory_space<semaphore_mem>>) {add = true}
        %dma_wait3A_191 = arith.constant 0 : i32
        %dma_wait3A_192 = arith.constant 0 : i32
        %dma_wait3A_193 = arith.constant 0 : i32
        %dma_wait3A_194 = arith.constant 0 : i32
        %dma_wait3A_195 = tpu.memref_slice %arg8[%dma_wait3A_191, %dma_wait3A_193, %dma_wait3A_194] : memref<4x64x128xf32, #tpu.memory_space<vmem>> -> memref<1x64x128xf32, #tpu.memory_space<vmem>>
        %dma_wait3A_196 = tpu.memref_squeeze %dma_wait3A_195 : memref<1x64x128xf32, #tpu.memory_space<vmem>> -> memref<64x128xf32, #tpu.memory_space<vmem>>
        %dma_wait3A_197 = arith.constant 0 : i32
        %dma_wait3A_198 = tpu.memref_slice %arg7[%dma_wait3A_192, %dma_wait3A_197] : memref<16x64xi32, #tpu.memory_space<vmem>> -> memref<1x64xi32, #tpu.memory_space<vmem>>
        %dma_wait3A_199 = tpu.memref_squeeze %dma_wait3A_198 : memref<1x64xi32, #tpu.memory_space<vmem>> -> memref<64xi32, #tpu.memory_space<vmem>>
        %dma_wait3A_200 = arith.constant 0 : i32
        %dma_wait3A_201 = arith.constant 0 : i32
        %dma_wait3A_202 = tpu.memref_slice %arg9[%dma_wait3A_200, %dma_wait3A_201] : memref<10240x128xf32, #tpu.memory_space<vmem_shared>> -> memref<10240x128xf32, #tpu.memory_space<vmem_shared>>
        tpu.wait_indirect_dma semaphore(%arg14 : memref<!tpu.dma_semaphore, #tpu.memory_space<semaphore_mem>>) src(%dma_wait3A_196 : memref<64x128xf32, #tpu.memory_space<vmem>>) dst(%dma_wait3A_202 : memref<10240x128xf32, #tpu.memory_space<vmem_shared>>)
        %dma_start3A_203 = arith.constant 4 : i32
        %dma_start3A_204 = arith.constant 0 : i32
        %dma_start3A_205 = arith.constant 0 : i32
        %dma_start3A_206 = arith.constant 0 : i32
        %dma_start3A_207 = tpu.memref_slice %arg8[%dma_start3A_204, %dma_start3A_205, %dma_start3A_206] : memref<4x64x128xf32, #tpu.memory_space<vmem>> -> memref<1x64x128xf32, #tpu.memory_space<vmem>>
        %dma_start3A_208 = tpu.memref_squeeze %dma_start3A_207 : memref<1x64x128xf32, #tpu.memory_space<vmem>> -> memref<64x128xf32, #tpu.memory_space<vmem>>
        %dma_start3A_209 = arith.constant 0 : i32
        %dma_start3A_210 = tpu.memref_slice %arg6[%dma_start3A_203, %dma_start3A_209] : memref<16x64xi32, #tpu.memory_space<vmem>> -> memref<1x64xi32, #tpu.memory_space<vmem>>
        %dma_start3A_211 = tpu.memref_squeeze %dma_start3A_210 : memref<1x64xi32, #tpu.memory_space<vmem>> -> memref<64xi32, #tpu.memory_space<vmem>>
        %dma_start3A_212 = arith.constant 0 : i32
        %dma_start3A_213 = arith.constant 0 : i32
        %dma_start3A_214 = tpu.memref_slice %arg4[%dma_start3A_212, %dma_start3A_213] : memref<10000x128xf32, #tpu.memory_space<hbm>> -> memref<10000x128xf32, #tpu.memory_space<hbm>>
        tpu.enqueue_indirect_dma source(%dma_start3A_214 : memref<10000x128xf32, #tpu.memory_space<hbm>>) target(%dma_start3A_208 : memref<64x128xf32, #tpu.memory_space<vmem>>) offsets(%dma_start3A_211 : memref<64xi32, #tpu.memory_space<vmem>>) semaphore(%arg10 : memref<!tpu.dma_semaphore, #tpu.memory_space<semaphore_mem>>)
        %dma_wait3A_215 = arith.constant 0 : i32
        %dma_wait3A_216 = arith.constant 2 : i32
        %dma_wait3A_217 = arith.constant 0 : i32
        %dma_wait3A_218 = arith.constant 0 : i32
        %dma_wait3A_219 = tpu.memref_slice %arg8[%dma_wait3A_216, %dma_wait3A_217, %dma_wait3A_218] : memref<4x64x128xf32, #tpu.memory_space<vmem>> -> memref<1x64x128xf32, #tpu.memory_space<vmem>>
        %dma_wait3A_220 = tpu.memref_squeeze %dma_wait3A_219 : memref<1x64x128xf32, #tpu.memory_space<vmem>> -> memref<64x128xf32, #tpu.memory_space<vmem>>
        %dma_wait3A_221 = arith.constant 0 : i32
        %dma_wait3A_222 = tpu.memref_slice %arg6[%dma_wait3A_215, %dma_wait3A_221] : memref<16x64xi32, #tpu.memory_space<vmem>> -> memref<1x64xi32, #tpu.memory_space<vmem>>
        %dma_wait3A_223 = tpu.memref_squeeze %dma_wait3A_222 : memref<1x64xi32, #tpu.memory_space<vmem>> -> memref<64xi32, #tpu.memory_space<vmem>>
        %dma_wait3A_224 = arith.constant 0 : i32
        %dma_wait3A_225 = arith.constant 0 : i32
        %dma_wait3A_226 = tpu.memref_slice %arg4[%dma_wait3A_224, %dma_wait3A_225] : memref<10000x128xf32, #tpu.memory_space<hbm>> -> memref<10000x128xf32, #tpu.memory_space<hbm>>
        tpu.wait_indirect_dma semaphore(%arg12 : memref<!tpu.dma_semaphore, #tpu.memory_space<semaphore_mem>>) src(%dma_wait3A_226 : memref<10000x128xf32, #tpu.memory_space<hbm>>) dst(%dma_wait3A_220 : memref<64x128xf32, #tpu.memory_space<vmem>>)
        %dma_start3A_227 = arith.constant 2 : i32
        %dma_start3A_228 = arith.constant 2 : i32
        %dma_start3A_229 = arith.constant 0 : i32
        %dma_start3A_230 = arith.constant 0 : i32
        %dma_start3A_231 = tpu.memref_slice %arg8[%dma_start3A_227, %dma_start3A_229, %dma_start3A_230] : memref<4x64x128xf32, #tpu.memory_space<vmem>> -> memref<1x64x128xf32, #tpu.memory_space<vmem>>
        %dma_start3A_232 = tpu.memref_squeeze %dma_start3A_231 : memref<1x64x128xf32, #tpu.memory_space<vmem>> -> memref<64x128xf32, #tpu.memory_space<vmem>>
        %dma_start3A_233 = arith.constant 0 : i32
        %dma_start3A_234 = tpu.memref_slice %arg7[%dma_start3A_228, %dma_start3A_233] : memref<16x64xi32, #tpu.memory_space<vmem>> -> memref<1x64xi32, #tpu.memory_space<vmem>>
        %dma_start3A_235 = tpu.memref_squeeze %dma_start3A_234 : memref<1x64xi32, #tpu.memory_space<vmem>> -> memref<64xi32, #tpu.memory_space<vmem>>
        %dma_start3A_236 = arith.constant 0 : i32
        %dma_start3A_237 = arith.constant 0 : i32
        %dma_start3A_238 = tpu.memref_slice %arg9[%dma_start3A_236, %dma_start3A_237] : memref<10240x128xf32, #tpu.memory_space<vmem_shared>> -> memref<10240x128xf32, #tpu.memory_space<vmem_shared>>
        tpu.enqueue_indirect_dma source(%dma_start3A_232 : memref<64x128xf32, #tpu.memory_space<vmem>>) target(%dma_start3A_238 : memref<10240x128xf32, #tpu.memory_space<vmem_shared>>) offsets(%dma_start3A_235 : memref<64xi32, #tpu.memory_space<vmem>>) semaphore(%arg16 : memref<!tpu.dma_semaphore, #tpu.memory_space<semaphore_mem>>) {add = true}
        %dma_wait3A_239 = arith.constant 1 : i32
        %dma_wait3A_240 = arith.constant 0 : i32
        %dma_wait3A_241 = arith.constant 0 : i32
        %dma_wait3A_242 = arith.constant 0 : i32
        %dma_wait3A_243 = tpu.memref_slice %arg8[%dma_wait3A_239, %dma_wait3A_241, %dma_wait3A_242] : memref<4x64x128xf32, #tpu.memory_space<vmem>> -> memref<1x64x128xf32, #tpu.memory_space<vmem>>
        %dma_wait3A_244 = tpu.memref_squeeze %dma_wait3A_243 : memref<1x64x128xf32, #tpu.memory_space<vmem>> -> memref<64x128xf32, #tpu.memory_space<vmem>>
        %dma_wait3A_245 = arith.constant 0 : i32
        %dma_wait3A_246 = tpu.memref_slice %arg7[%dma_wait3A_240, %dma_wait3A_245] : memref<16x64xi32, #tpu.memory_space<vmem>> -> memref<1x64xi32, #tpu.memory_space<vmem>>
        %dma_wait3A_247 = tpu.memref_squeeze %dma_wait3A_246 : memref<1x64xi32, #tpu.memory_space<vmem>> -> memref<64xi32, #tpu.memory_space<vmem>>
        %dma_wait3A_248 = arith.constant 0 : i32
        %dma_wait3A_249 = arith.constant 0 : i32
        %dma_wait3A_250 = tpu.memref_slice %arg9[%dma_wait3A_248, %dma_wait3A_249] : memref<10240x128xf32, #tpu.memory_space<vmem_shared>> -> memref<10240x128xf32, #tpu.memory_space<vmem_shared>>
        tpu.wait_indirect_dma semaphore(%arg15 : memref<!tpu.dma_semaphore, #tpu.memory_space<semaphore_mem>>) src(%dma_wait3A_244 : memref<64x128xf32, #tpu.memory_space<vmem>>) dst(%dma_wait3A_250 : memref<10240x128xf32, #tpu.memory_space<vmem_shared>>)
        %dma_start3A_251 = arith.constant 5 : i32
        %dma_start3A_252 = arith.constant 1 : i32
        %dma_start3A_253 = arith.constant 0 : i32
        %dma_start3A_254 = arith.constant 0 : i32
        %dma_start3A_255 = tpu.memref_slice %arg8[%dma_start3A_252, %dma_start3A_253, %dma_start3A_254] : memref<4x64x128xf32, #tpu.memory_space<vmem>> -> memref<1x64x128xf32, #tpu.memory_space<vmem>>
        %dma_start3A_256 = tpu.memref_squeeze %dma_start3A_255 : memref<1x64x128xf32, #tpu.memory_space<vmem>> -> memref<64x128xf32, #tpu.memory_space<vmem>>
        %dma_start3A_257 = arith.constant 0 : i32
        %dma_start3A_258 = tpu.memref_slice %arg6[%dma_start3A_251, %dma_start3A_257] : memref<16x64xi32, #tpu.memory_space<vmem>> -> memref<1x64xi32, #tpu.memory_space<vmem>>
        %dma_start3A_259 = tpu.memref_squeeze %dma_start3A_258 : memref<1x64xi32, #tpu.memory_space<vmem>> -> memref<64xi32, #tpu.memory_space<vmem>>
        %dma_start3A_260 = arith.constant 0 : i32
        %dma_start3A_261 = arith.constant 0 : i32
        %dma_start3A_262 = tpu.memref_slice %arg4[%dma_start3A_260, %dma_start3A_261] : memref<10000x128xf32, #tpu.memory_space<hbm>> -> memref<10000x128xf32, #tpu.memory_space<hbm>>
        tpu.enqueue_indirect_dma source(%dma_start3A_262 : memref<10000x128xf32, #tpu.memory_space<hbm>>) target(%dma_start3A_256 : memref<64x128xf32, #tpu.memory_space<vmem>>) offsets(%dma_start3A_259 : memref<64xi32, #tpu.memory_space<vmem>>) semaphore(%arg11 : memref<!tpu.dma_semaphore, #tpu.memory_space<semaphore_mem>>)
        %dma_wait3A_263 = arith.constant 0 : i32
        %dma_wait3A_264 = arith.constant 3 : i32
        %dma_wait3A_265 = arith.constant 0 : i32
        %dma_wait3A_266 = arith.constant 0 : i32
        %dma_wait3A_267 = tpu.memref_slice %arg8[%dma_wait3A_264, %dma_wait3A_265, %dma_wait3A_266] : memref<4x64x128xf32, #tpu.memory_space<vmem>> -> memref<1x64x128xf32, #tpu.memory_space<vmem>>
        %dma_wait3A_268 = tpu.memref_squeeze %dma_wait3A_267 : memref<1x64x128xf32, #tpu.memory_space<vmem>> -> memref<64x128xf32, #tpu.memory_space<vmem>>
        %dma_wait3A_269 = arith.constant 0 : i32
        %dma_wait3A_270 = tpu.memref_slice %arg6[%dma_wait3A_263, %dma_wait3A_269] : memref<16x64xi32, #tpu.memory_space<vmem>> -> memref<1x64xi32, #tpu.memory_space<vmem>>
        %dma_wait3A_271 = tpu.memref_squeeze %dma_wait3A_270 : memref<1x64xi32, #tpu.memory_space<vmem>> -> memref<64xi32, #tpu.memory_space<vmem>>
        %dma_wait3A_272 = arith.constant 0 : i32
        %dma_wait3A_273 = arith.constant 0 : i32
        %dma_wait3A_274 = tpu.memref_slice %arg4[%dma_wait3A_272, %dma_wait3A_273] : memref<10000x128xf32, #tpu.memory_space<hbm>> -> memref<10000x128xf32, #tpu.memory_space<hbm>>
        tpu.wait_indirect_dma semaphore(%arg13 : memref<!tpu.dma_semaphore, #tpu.memory_space<semaphore_mem>>) src(%dma_wait3A_274 : memref<10000x128xf32, #tpu.memory_space<hbm>>) dst(%dma_wait3A_268 : memref<64x128xf32, #tpu.memory_space<vmem>>)
        %dma_start3A_275 = arith.constant 3 : i32
        %dma_start3A_276 = arith.constant 3 : i32
        %dma_start3A_277 = arith.constant 0 : i32
        %dma_start3A_278 = arith.constant 0 : i32
        %dma_start3A_279 = tpu.memref_slice %arg8[%dma_start3A_275, %dma_start3A_277, %dma_start3A_278] : memref<4x64x128xf32, #tpu.memory_space<vmem>> -> memref<1x64x128xf32, #tpu.memory_space<vmem>>
        %dma_start3A_280 = tpu.memref_squeeze %dma_start3A_279 : memref<1x64x128xf32, #tpu.memory_space<vmem>> -> memref<64x128xf32, #tpu.memory_space<vmem>>
        %dma_start3A_281 = arith.constant 0 : i32
        %dma_start3A_282 = tpu.memref_slice %arg7[%dma_start3A_276, %dma_start3A_281] : memref<16x64xi32, #tpu.memory_space<vmem>> -> memref<1x64xi32, #tpu.memory_space<vmem>>
        %dma_start3A_283 = tpu.memref_squeeze %dma_start3A_282 : memref<1x64xi32, #tpu.memory_space<vmem>> -> memref<64xi32, #tpu.memory_space<vmem>>
        %dma_start3A_284 = arith.constant 0 : i32
        %dma_start3A_285 = arith.constant 0 : i32
        %dma_start3A_286 = tpu.memref_slice %arg9[%dma_start3A_284, %dma_start3A_285] : memref<10240x128xf32, #tpu.memory_space<vmem_shared>> -> memref<10240x128xf32, #tpu.memory_space<vmem_shared>>
        tpu.enqueue_indirect_dma source(%dma_start3A_280 : memref<64x128xf32, #tpu.memory_space<vmem>>) target(%dma_start3A_286 : memref<10240x128xf32, #tpu.memory_space<vmem_shared>>) offsets(%dma_start3A_283 : memref<64xi32, #tpu.memory_space<vmem>>) semaphore(%arg17 : memref<!tpu.dma_semaphore, #tpu.memory_space<semaphore_mem>>) {add = true}
        %dma_wait3A_287 = arith.constant 2 : i32
        %dma_wait3A_288 = arith.constant 0 : i32
        %dma_wait3A_289 = arith.constant 0 : i32
        %dma_wait3A_290 = arith.constant 0 : i32
        %dma_wait3A_291 = tpu.memref_slice %arg8[%dma_wait3A_287, %dma_wait3A_289, %dma_wait3A_290] : memref<4x64x128xf32, #tpu.memory_space<vmem>> -> memref<1x64x128xf32, #tpu.memory_space<vmem>>
        %dma_wait3A_292 = tpu.memref_squeeze %dma_wait3A_291 : memref<1x64x128xf32, #tpu.memory_space<vmem>> -> memref<64x128xf32, #tpu.memory_space<vmem>>
        %dma_wait3A_293 = arith.constant 0 : i32
        %dma_wait3A_294 = tpu.memref_slice %arg7[%dma_wait3A_288, %dma_wait3A_293] : memref<16x64xi32, #tpu.memory_space<vmem>> -> memref<1x64xi32, #tpu.memory_space<vmem>>
        %dma_wait3A_295 = tpu.memref_squeeze %dma_wait3A_294 : memref<1x64xi32, #tpu.memory_space<vmem>> -> memref<64xi32, #tpu.memory_space<vmem>>
        %dma_wait3A_296 = arith.constant 0 : i32
        %dma_wait3A_297 = arith.constant 0 : i32
        %dma_wait3A_298 = tpu.memref_slice %arg9[%dma_wait3A_296, %dma_wait3A_297] : memref<10240x128xf32, #tpu.memory_space<vmem_shared>> -> memref<10240x128xf32, #tpu.memory_space<vmem_shared>>
        tpu.wait_indirect_dma semaphore(%arg16 : memref<!tpu.dma_semaphore, #tpu.memory_space<semaphore_mem>>) src(%dma_wait3A_292 : memref<64x128xf32, #tpu.memory_space<vmem>>) dst(%dma_wait3A_298 : memref<10240x128xf32, #tpu.memory_space<vmem_shared>>)
        %dma_start3A_299 = arith.constant 6 : i32
        %dma_start3A_300 = arith.constant 2 : i32
        %dma_start3A_301 = arith.constant 0 : i32
        %dma_start3A_302 = arith.constant 0 : i32
        %dma_start3A_303 = tpu.memref_slice %arg8[%dma_start3A_300, %dma_start3A_301, %dma_start3A_302] : memref<4x64x128xf32, #tpu.memory_space<vmem>> -> memref<1x64x128xf32, #tpu.memory_space<vmem>>
        %dma_start3A_304 = tpu.memref_squeeze %dma_start3A_303 : memref<1x64x128xf32, #tpu.memory_space<vmem>> -> memref<64x128xf32, #tpu.memory_space<vmem>>
        %dma_start3A_305 = arith.constant 0 : i32
        %dma_start3A_306 = tpu.memref_slice %arg6[%dma_start3A_299, %dma_start3A_305] : memref<16x64xi32, #tpu.memory_space<vmem>> -> memref<1x64xi32, #tpu.memory_space<vmem>>
        %dma_start3A_307 = tpu.memref_squeeze %dma_start3A_306 : memref<1x64xi32, #tpu.memory_space<vmem>> -> memref<64xi32, #tpu.memory_space<vmem>>
        %dma_start3A_308 = arith.constant 0 : i32
        %dma_start3A_309 = arith.constant 0 : i32
        %dma_start3A_310 = tpu.memref_slice %arg4[%dma_start3A_308, %dma_start3A_309] : memref<10000x128xf32, #tpu.memory_space<hbm>> -> memref<10000x128xf32, #tpu.memory_space<hbm>>
        tpu.enqueue_indirect_dma source(%dma_start3A_310 : memref<10000x128xf32, #tpu.memory_space<hbm>>) target(%dma_start3A_304 : memref<64x128xf32, #tpu.memory_space<vmem>>) offsets(%dma_start3A_307 : memref<64xi32, #tpu.memory_space<vmem>>) semaphore(%arg12 : memref<!tpu.dma_semaphore, #tpu.memory_space<semaphore_mem>>)
        %dma_wait3A_311 = arith.constant 0 : i32
        %dma_wait3A_312 = arith.constant 0 : i32
        %dma_wait3A_313 = arith.constant 0 : i32
        %dma_wait3A_314 = arith.constant 0 : i32
        %dma_wait3A_315 = tpu.memref_slice %arg8[%dma_wait3A_312, %dma_wait3A_313, %dma_wait3A_314] : memref<4x64x128xf32, #tpu.memory_space<vmem>> -> memref<1x64x128xf32, #tpu.memory_space<vmem>>
        %dma_wait3A_316 = tpu.memref_squeeze %dma_wait3A_315 : memref<1x64x128xf32, #tpu.memory_space<vmem>> -> memref<64x128xf32, #tpu.memory_space<vmem>>
        %dma_wait3A_317 = arith.constant 0 : i32
        %dma_wait3A_318 = tpu.memref_slice %arg6[%dma_wait3A_311, %dma_wait3A_317] : memref<16x64xi32, #tpu.memory_space<vmem>> -> memref<1x64xi32, #tpu.memory_space<vmem>>
        %dma_wait3A_319 = tpu.memref_squeeze %dma_wait3A_318 : memref<1x64xi32, #tpu.memory_space<vmem>> -> memref<64xi32, #tpu.memory_space<vmem>>
        %dma_wait3A_320 = arith.constant 0 : i32
        %dma_wait3A_321 = arith.constant 0 : i32
        %dma_wait3A_322 = tpu.memref_slice %arg4[%dma_wait3A_320, %dma_wait3A_321] : memref<10000x128xf32, #tpu.memory_space<hbm>> -> memref<10000x128xf32, #tpu.memory_space<hbm>>
        tpu.wait_indirect_dma semaphore(%arg10 : memref<!tpu.dma_semaphore, #tpu.memory_space<semaphore_mem>>) src(%dma_wait3A_322 : memref<10000x128xf32, #tpu.memory_space<hbm>>) dst(%dma_wait3A_316 : memref<64x128xf32, #tpu.memory_space<vmem>>)
        %dma_start3A_323 = arith.constant 0 : i32
        %dma_start3A_324 = arith.constant 4 : i32
        %dma_start3A_325 = arith.constant 0 : i32
        %dma_start3A_326 = arith.constant 0 : i32
        %dma_start3A_327 = tpu.memref_slice %arg8[%dma_start3A_323, %dma_start3A_325, %dma_start3A_326] : memref<4x64x128xf32, #tpu.memory_space<vmem>> -> memref<1x64x128xf32, #tpu.memory_space<vmem>>
        %dma_start3A_328 = tpu.memref_squeeze %dma_start3A_327 : memref<1x64x128xf32, #tpu.memory_space<vmem>> -> memref<64x128xf32, #tpu.memory_space<vmem>>
        %dma_start3A_329 = arith.constant 0 : i32
        %dma_start3A_330 = tpu.memref_slice %arg7[%dma_start3A_324, %dma_start3A_329] : memref<16x64xi32, #tpu.memory_space<vmem>> -> memref<1x64xi32, #tpu.memory_space<vmem>>
        %dma_start3A_331 = tpu.memref_squeeze %dma_start3A_330 : memref<1x64xi32, #tpu.memory_space<vmem>> -> memref<64xi32, #tpu.memory_space<vmem>>
        %dma_start3A_332 = arith.constant 0 : i32
        %dma_start3A_333 = arith.constant 0 : i32
        %dma_start3A_334 = tpu.memref_slice %arg9[%dma_start3A_332, %dma_start3A_333] : memref<10240x128xf32, #tpu.memory_space<vmem_shared>> -> memref<10240x128xf32, #tpu.memory_space<vmem_shared>>
        tpu.enqueue_indirect_dma source(%dma_start3A_328 : memref<64x128xf32, #tpu.memory_space<vmem>>) target(%dma_start3A_334 : memref<10240x128xf32, #tpu.memory_space<vmem_shared>>) offsets(%dma_start3A_331 : memref<64xi32, #tpu.memory_space<vmem>>) semaphore(%arg14 : memref<!tpu.dma_semaphore, #tpu.memory_space<semaphore_mem>>) {add = true}
        %dma_wait3A_335 = arith.constant 3 : i32
        %dma_wait3A_336 = arith.constant 0 : i32
        %dma_wait3A_337 = arith.constant 0 : i32
        %dma_wait3A_338 = arith.constant 0 : i32
        %dma_wait3A_339 = tpu.memref_slice %arg8[%dma_wait3A_335, %dma_wait3A_337, %dma_wait3A_338] : memref<4x64x128xf32, #tpu.memory_space<vmem>> -> memref<1x64x128xf32, #tpu.memory_space<vmem>>
        %dma_wait3A_340 = tpu.memref_squeeze %dma_wait3A_339 : memref<1x64x128xf32, #tpu.memory_space<vmem>> -> memref<64x128xf32, #tpu.memory_space<vmem>>
        %dma_wait3A_341 = arith.constant 0 : i32
        %dma_wait3A_342 = tpu.memref_slice %arg7[%dma_wait3A_336, %dma_wait3A_341] : memref<16x64xi32, #tpu.memory_space<vmem>> -> memref<1x64xi32, #tpu.memory_space<vmem>>
        %dma_wait3A_343 = tpu.memref_squeeze %dma_wait3A_342 : memref<1x64xi32, #tpu.memory_space<vmem>> -> memref<64xi32, #tpu.memory_space<vmem>>
        %dma_wait3A_344 = arith.constant 0 : i32
        %dma_wait3A_345 = arith.constant 0 : i32
        %dma_wait3A_346 = tpu.memref_slice %arg9[%dma_wait3A_344, %dma_wait3A_345] : memref<10240x128xf32, #tpu.memory_space<vmem_shared>> -> memref<10240x128xf32, #tpu.memory_space<vmem_shared>>
        tpu.wait_indirect_dma semaphore(%arg17 : memref<!tpu.dma_semaphore, #tpu.memory_space<semaphore_mem>>) src(%dma_wait3A_340 : memref<64x128xf32, #tpu.memory_space<vmem>>) dst(%dma_wait3A_346 : memref<10240x128xf32, #tpu.memory_space<vmem_shared>>)
        %dma_start3A_347 = arith.constant 7 : i32
        %dma_start3A_348 = arith.constant 3 : i32
        %dma_start3A_349 = arith.constant 0 : i32
        %dma_start3A_350 = arith.constant 0 : i32
        %dma_start3A_351 = tpu.memref_slice %arg8[%dma_start3A_348, %dma_start3A_349, %dma_start3A_350] : memref<4x64x128xf32, #tpu.memory_space<vmem>> -> memref<1x64x128xf32, #tpu.memory_space<vmem>>
        %dma_start3A_352 = tpu.memref_squeeze %dma_start3A_351 : memref<1x64x128xf32, #tpu.memory_space<vmem>> -> memref<64x128xf32, #tpu.memory_space<vmem>>
        %dma_start3A_353 = arith.constant 0 : i32
        %dma_start3A_354 = tpu.memref_slice %arg6[%dma_start3A_347, %dma_start3A_353] : memref<16x64xi32, #tpu.memory_space<vmem>> -> memref<1x64xi32, #tpu.memory_space<vmem>>
        %dma_start3A_355 = tpu.memref_squeeze %dma_start3A_354 : memref<1x64xi32, #tpu.memory_space<vmem>> -> memref<64xi32, #tpu.memory_space<vmem>>
        %dma_start3A_356 = arith.constant 0 : i32
        %dma_start3A_357 = arith.constant 0 : i32
        %dma_start3A_358 = tpu.memref_slice %arg4[%dma_start3A_356, %dma_start3A_357] : memref<10000x128xf32, #tpu.memory_space<hbm>> -> memref<10000x128xf32, #tpu.memory_space<hbm>>
        tpu.enqueue_indirect_dma source(%dma_start3A_358 : memref<10000x128xf32, #tpu.memory_space<hbm>>) target(%dma_start3A_352 : memref<64x128xf32, #tpu.memory_space<vmem>>) offsets(%dma_start3A_355 : memref<64xi32, #tpu.memory_space<vmem>>) semaphore(%arg13 : memref<!tpu.dma_semaphore, #tpu.memory_space<semaphore_mem>>)
        %dma_wait3A_359 = arith.constant 0 : i32
        %dma_wait3A_360 = arith.constant 1 : i32
        %dma_wait3A_361 = arith.constant 0 : i32
        %dma_wait3A_362 = arith.constant 0 : i32
        %dma_wait3A_363 = tpu.memref_slice %arg8[%dma_wait3A_360, %dma_wait3A_361, %dma_wait3A_362] : memref<4x64x128xf32, #tpu.memory_space<vmem>> -> memref<1x64x128xf32, #tpu.memory_space<vmem>>
        %dma_wait3A_364 = tpu.memref_squeeze %dma_wait3A_363 : memref<1x64x128xf32, #tpu.memory_space<vmem>> -> memref<64x128xf32, #tpu.memory_space<vmem>>
        %dma_wait3A_365 = arith.constant 0 : i32
        %dma_wait3A_366 = tpu.memref_slice %arg6[%dma_wait3A_359, %dma_wait3A_365] : memref<16x64xi32, #tpu.memory_space<vmem>> -> memref<1x64xi32, #tpu.memory_space<vmem>>
        %dma_wait3A_367 = tpu.memref_squeeze %dma_wait3A_366 : memref<1x64xi32, #tpu.memory_space<vmem>> -> memref<64xi32, #tpu.memory_space<vmem>>
        %dma_wait3A_368 = arith.constant 0 : i32
        %dma_wait3A_369 = arith.constant 0 : i32
        %dma_wait3A_370 = tpu.memref_slice %arg4[%dma_wait3A_368, %dma_wait3A_369] : memref<10000x128xf32, #tpu.memory_space<hbm>> -> memref<10000x128xf32, #tpu.memory_space<hbm>>
        tpu.wait_indirect_dma semaphore(%arg11 : memref<!tpu.dma_semaphore, #tpu.memory_space<semaphore_mem>>) src(%dma_wait3A_370 : memref<10000x128xf32, #tpu.memory_space<hbm>>) dst(%dma_wait3A_364 : memref<64x128xf32, #tpu.memory_space<vmem>>)
        %dma_start3A_371 = arith.constant 1 : i32
        %dma_start3A_372 = arith.constant 5 : i32
        %dma_start3A_373 = arith.constant 0 : i32
        %dma_start3A_374 = arith.constant 0 : i32
        %dma_start3A_375 = tpu.memref_slice %arg8[%dma_start3A_371, %dma_start3A_373, %dma_start3A_374] : memref<4x64x128xf32, #tpu.memory_space<vmem>> -> memref<1x64x128xf32, #tpu.memory_space<vmem>>
        %dma_start3A_376 = tpu.memref_squeeze %dma_start3A_375 : memref<1x64x128xf32, #tpu.memory_space<vmem>> -> memref<64x128xf32, #tpu.memory_space<vmem>>
        %dma_start3A_377 = arith.constant 0 : i32
        %dma_start3A_378 = tpu.memref_slice %arg7[%dma_start3A_372, %dma_start3A_377] : memref<16x64xi32, #tpu.memory_space<vmem>> -> memref<1x64xi32, #tpu.memory_space<vmem>>
        %dma_start3A_379 = tpu.memref_squeeze %dma_start3A_378 : memref<1x64xi32, #tpu.memory_space<vmem>> -> memref<64xi32, #tpu.memory_space<vmem>>
        %dma_start3A_380 = arith.constant 0 : i32
        %dma_start3A_381 = arith.constant 0 : i32
        %dma_start3A_382 = tpu.memref_slice %arg9[%dma_start3A_380, %dma_start3A_381] : memref<10240x128xf32, #tpu.memory_space<vmem_shared>> -> memref<10240x128xf32, #tpu.memory_space<vmem_shared>>
        tpu.enqueue_indirect_dma source(%dma_start3A_376 : memref<64x128xf32, #tpu.memory_space<vmem>>) target(%dma_start3A_382 : memref<10240x128xf32, #tpu.memory_space<vmem_shared>>) offsets(%dma_start3A_379 : memref<64xi32, #tpu.memory_space<vmem>>) semaphore(%arg15 : memref<!tpu.dma_semaphore, #tpu.memory_space<semaphore_mem>>) {add = true}
        %dma_wait3A_383 = arith.constant 0 : i32
        %dma_wait3A_384 = arith.constant 0 : i32
        %dma_wait3A_385 = arith.constant 0 : i32
        %dma_wait3A_386 = arith.constant 0 : i32
        %dma_wait3A_387 = tpu.memref_slice %arg8[%dma_wait3A_383, %dma_wait3A_385, %dma_wait3A_386] : memref<4x64x128xf32, #tpu.memory_space<vmem>> -> memref<1x64x128xf32, #tpu.memory_space<vmem>>
        %dma_wait3A_388 = tpu.memref_squeeze %dma_wait3A_387 : memref<1x64x128xf32, #tpu.memory_space<vmem>> -> memref<64x128xf32, #tpu.memory_space<vmem>>
        %dma_wait3A_389 = arith.constant 0 : i32
        %dma_wait3A_390 = tpu.memref_slice %arg7[%dma_wait3A_384, %dma_wait3A_389] : memref<16x64xi32, #tpu.memory_space<vmem>> -> memref<1x64xi32, #tpu.memory_space<vmem>>
        %dma_wait3A_391 = tpu.memref_squeeze %dma_wait3A_390 : memref<1x64xi32, #tpu.memory_space<vmem>> -> memref<64xi32, #tpu.memory_space<vmem>>
        %dma_wait3A_392 = arith.constant 0 : i32
        %dma_wait3A_393 = arith.constant 0 : i32
        %dma_wait3A_394 = tpu.memref_slice %arg9[%dma_wait3A_392, %dma_wait3A_393] : memref<10240x128xf32, #tpu.memory_space<vmem_shared>> -> memref<10240x128xf32, #tpu.memory_space<vmem_shared>>
        tpu.wait_indirect_dma semaphore(%arg14 : memref<!tpu.dma_semaphore, #tpu.memory_space<semaphore_mem>>) src(%dma_wait3A_388 : memref<64x128xf32, #tpu.memory_space<vmem>>) dst(%dma_wait3A_394 : memref<10240x128xf32, #tpu.memory_space<vmem_shared>>)
        %dma_start3A_395 = arith.constant 8 : i32
        %dma_start3A_396 = arith.constant 0 : i32
        %dma_start3A_397 = arith.constant 0 : i32
        %dma_start3A_398 = arith.constant 0 : i32
        %dma_start3A_399 = tpu.memref_slice %arg8[%dma_start3A_396, %dma_start3A_397, %dma_start3A_398] : memref<4x64x128xf32, #tpu.memory_space<vmem>> -> memref<1x64x128xf32, #tpu.memory_space<vmem>>
        %dma_start3A_400 = tpu.memref_squeeze %dma_start3A_399 : memref<1x64x128xf32, #tpu.memory_space<vmem>> -> memref<64x128xf32, #tpu.memory_space<vmem>>
        %dma_start3A_401 = arith.constant 0 : i32
        %dma_start3A_402 = tpu.memref_slice %arg6[%dma_start3A_395, %dma_start3A_401] : memref<16x64xi32, #tpu.memory_space<vmem>> -> memref<1x64xi32, #tpu.memory_space<vmem>>
        %dma_start3A_403 = tpu.memref_squeeze %dma_start3A_402 : memref<1x64xi32, #tpu.memory_space<vmem>> -> memref<64xi32, #tpu.memory_space<vmem>>
        %dma_start3A_404 = arith.constant 0 : i32
        %dma_start3A_405 = arith.constant 0 : i32
        %dma_start3A_406 = tpu.memref_slice %arg4[%dma_start3A_404, %dma_start3A_405] : memref<10000x128xf32, #tpu.memory_space<hbm>> -> memref<10000x128xf32, #tpu.memory_space<hbm>>
        tpu.enqueue_indirect_dma source(%dma_start3A_406 : memref<10000x128xf32, #tpu.memory_space<hbm>>) target(%dma_start3A_400 : memref<64x128xf32, #tpu.memory_space<vmem>>) offsets(%dma_start3A_403 : memref<64xi32, #tpu.memory_space<vmem>>) semaphore(%arg10 : memref<!tpu.dma_semaphore, #tpu.memory_space<semaphore_mem>>)
        %dma_wait3A_407 = arith.constant 0 : i32
        %dma_wait3A_408 = arith.constant 2 : i32
        %dma_wait3A_409 = arith.constant 0 : i32
        %dma_wait3A_410 = arith.constant 0 : i32
        %dma_wait3A_411 = tpu.memref_slice %arg8[%dma_wait3A_408, %dma_wait3A_409, %dma_wait3A_410] : memref<4x64x128xf32, #tpu.memory_space<vmem>> -> memref<1x64x128xf32, #tpu.memory_space<vmem>>
        %dma_wait3A_412 = tpu.memref_squeeze %dma_wait3A_411 : memref<1x64x128xf32, #tpu.memory_space<vmem>> -> memref<64x128xf32, #tpu.memory_space<vmem>>
        %dma_wait3A_413 = arith.constant 0 : i32
        %dma_wait3A_414 = tpu.memref_slice %arg6[%dma_wait3A_407, %dma_wait3A_413] : memref<16x64xi32, #tpu.memory_space<vmem>> -> memref<1x64xi32, #tpu.memory_space<vmem>>
        %dma_wait3A_415 = tpu.memref_squeeze %dma_wait3A_414 : memref<1x64xi32, #tpu.memory_space<vmem>> -> memref<64xi32, #tpu.memory_space<vmem>>
        %dma_wait3A_416 = arith.constant 0 : i32
        %dma_wait3A_417 = arith.constant 0 : i32
        %dma_wait3A_418 = tpu.memref_slice %arg4[%dma_wait3A_416, %dma_wait3A_417] : memref<10000x128xf32, #tpu.memory_space<hbm>> -> memref<10000x128xf32, #tpu.memory_space<hbm>>
        tpu.wait_indirect_dma semaphore(%arg12 : memref<!tpu.dma_semaphore, #tpu.memory_space<semaphore_mem>>) src(%dma_wait3A_418 : memref<10000x128xf32, #tpu.memory_space<hbm>>) dst(%dma_wait3A_412 : memref<64x128xf32, #tpu.memory_space<vmem>>)
        %dma_start3A_419 = arith.constant 2 : i32
        %dma_start3A_420 = arith.constant 6 : i32
        %dma_start3A_421 = arith.constant 0 : i32
        %dma_start3A_422 = arith.constant 0 : i32
        %dma_start3A_423 = tpu.memref_slice %arg8[%dma_start3A_419, %dma_start3A_421, %dma_start3A_422] : memref<4x64x128xf32, #tpu.memory_space<vmem>> -> memref<1x64x128xf32, #tpu.memory_space<vmem>>
        %dma_start3A_424 = tpu.memref_squeeze %dma_start3A_423 : memref<1x64x128xf32, #tpu.memory_space<vmem>> -> memref<64x128xf32, #tpu.memory_space<vmem>>
        %dma_start3A_425 = arith.constant 0 : i32
        %dma_start3A_426 = tpu.memref_slice %arg7[%dma_start3A_420, %dma_start3A_425] : memref<16x64xi32, #tpu.memory_space<vmem>> -> memref<1x64xi32, #tpu.memory_space<vmem>>
        %dma_start3A_427 = tpu.memref_squeeze %dma_start3A_426 : memref<1x64xi32, #tpu.memory_space<vmem>> -> memref<64xi32, #tpu.memory_space<vmem>>
        %dma_start3A_428 = arith.constant 0 : i32
        %dma_start3A_429 = arith.constant 0 : i32
        %dma_start3A_430 = tpu.memref_slice %arg9[%dma_start3A_428, %dma_start3A_429] : memref<10240x128xf32, #tpu.memory_space<vmem_shared>> -> memref<10240x128xf32, #tpu.memory_space<vmem_shared>>
        tpu.enqueue_indirect_dma source(%dma_start3A_424 : memref<64x128xf32, #tpu.memory_space<vmem>>) target(%dma_start3A_430 : memref<10240x128xf32, #tpu.memory_space<vmem_shared>>) offsets(%dma_start3A_427 : memref<64xi32, #tpu.memory_space<vmem>>) semaphore(%arg16 : memref<!tpu.dma_semaphore, #tpu.memory_space<semaphore_mem>>) {add = true}
        %dma_wait3A_431 = arith.constant 1 : i32
        %dma_wait3A_432 = arith.constant 0 : i32
        %dma_wait3A_433 = arith.constant 0 : i32
        %dma_wait3A_434 = arith.constant 0 : i32
        %dma_wait3A_435 = tpu.memref_slice %arg8[%dma_wait3A_431, %dma_wait3A_433, %dma_wait3A_434] : memref<4x64x128xf32, #tpu.memory_space<vmem>> -> memref<1x64x128xf32, #tpu.memory_space<vmem>>
        %dma_wait3A_436 = tpu.memref_squeeze %dma_wait3A_435 : memref<1x64x128xf32, #tpu.memory_space<vmem>> -> memref<64x128xf32, #tpu.memory_space<vmem>>
        %dma_wait3A_437 = arith.constant 0 : i32
        %dma_wait3A_438 = tpu.memref_slice %arg7[%dma_wait3A_432, %dma_wait3A_437] : memref<16x64xi32, #tpu.memory_space<vmem>> -> memref<1x64xi32, #tpu.memory_space<vmem>>
        %dma_wait3A_439 = tpu.memref_squeeze %dma_wait3A_438 : memref<1x64xi32, #tpu.memory_space<vmem>> -> memref<64xi32, #tpu.memory_space<vmem>>
        %dma_wait3A_440 = arith.constant 0 : i32
        %dma_wait3A_441 = arith.constant 0 : i32
        %dma_wait3A_442 = tpu.memref_slice %arg9[%dma_wait3A_440, %dma_wait3A_441] : memref<10240x128xf32, #tpu.memory_space<vmem_shared>> -> memref<10240x128xf32, #tpu.memory_space<vmem_shared>>
        tpu.wait_indirect_dma semaphore(%arg15 : memref<!tpu.dma_semaphore, #tpu.memory_space<semaphore_mem>>) src(%dma_wait3A_436 : memref<64x128xf32, #tpu.memory_space<vmem>>) dst(%dma_wait3A_442 : memref<10240x128xf32, #tpu.memory_space<vmem_shared>>)
        %dma_start3A_443 = arith.constant 9 : i32
        %dma_start3A_444 = arith.constant 1 : i32
        %dma_start3A_445 = arith.constant 0 : i32
        %dma_start3A_446 = arith.constant 0 : i32
        %dma_start3A_447 = tpu.memref_slice %arg8[%dma_start3A_444, %dma_start3A_445, %dma_start3A_446] : memref<4x64x128xf32, #tpu.memory_space<vmem>> -> memref<1x64x128xf32, #tpu.memory_space<vmem>>
        %dma_start3A_448 = tpu.memref_squeeze %dma_start3A_447 : memref<1x64x128xf32, #tpu.memory_space<vmem>> -> memref<64x128xf32, #tpu.memory_space<vmem>>
        %dma_start3A_449 = arith.constant 0 : i32
        %dma_start3A_450 = tpu.memref_slice %arg6[%dma_start3A_443, %dma_start3A_449] : memref<16x64xi32, #tpu.memory_space<vmem>> -> memref<1x64xi32, #tpu.memory_space<vmem>>
        %dma_start3A_451 = tpu.memref_squeeze %dma_start3A_450 : memref<1x64xi32, #tpu.memory_space<vmem>> -> memref<64xi32, #tpu.memory_space<vmem>>
        %dma_start3A_452 = arith.constant 0 : i32
        %dma_start3A_453 = arith.constant 0 : i32
        %dma_start3A_454 = tpu.memref_slice %arg4[%dma_start3A_452, %dma_start3A_453] : memref<10000x128xf32, #tpu.memory_space<hbm>> -> memref<10000x128xf32, #tpu.memory_space<hbm>>
        tpu.enqueue_indirect_dma source(%dma_start3A_454 : memref<10000x128xf32, #tpu.memory_space<hbm>>) target(%dma_start3A_448 : memref<64x128xf32, #tpu.memory_space<vmem>>) offsets(%dma_start3A_451 : memref<64xi32, #tpu.memory_space<vmem>>) semaphore(%arg11 : memref<!tpu.dma_semaphore, #tpu.memory_space<semaphore_mem>>)
        %dma_wait3A_455 = arith.constant 0 : i32
        %dma_wait3A_456 = arith.constant 3 : i32
        %dma_wait3A_457 = arith.constant 0 : i32
        %dma_wait3A_458 = arith.constant 0 : i32
        %dma_wait3A_459 = tpu.memref_slice %arg8[%dma_wait3A_456, %dma_wait3A_457, %dma_wait3A_458] : memref<4x64x128xf32, #tpu.memory_space<vmem>> -> memref<1x64x128xf32, #tpu.memory_space<vmem>>
        %dma_wait3A_460 = tpu.memref_squeeze %dma_wait3A_459 : memref<1x64x128xf32, #tpu.memory_space<vmem>> -> memref<64x128xf32, #tpu.memory_space<vmem>>
        %dma_wait3A_461 = arith.constant 0 : i32
        %dma_wait3A_462 = tpu.memref_slice %arg6[%dma_wait3A_455, %dma_wait3A_461] : memref<16x64xi32, #tpu.memory_space<vmem>> -> memref<1x64xi32, #tpu.memory_space<vmem>>
        %dma_wait3A_463 = tpu.memref_squeeze %dma_wait3A_462 : memref<1x64xi32, #tpu.memory_space<vmem>> -> memref<64xi32, #tpu.memory_space<vmem>>
        %dma_wait3A_464 = arith.constant 0 : i32
        %dma_wait3A_465 = arith.constant 0 : i32
        %dma_wait3A_466 = tpu.memref_slice %arg4[%dma_wait3A_464, %dma_wait3A_465] : memref<10000x128xf32, #tpu.memory_space<hbm>> -> memref<10000x128xf32, #tpu.memory_space<hbm>>
        tpu.wait_indirect_dma semaphore(%arg13 : memref<!tpu.dma_semaphore, #tpu.memory_space<semaphore_mem>>) src(%dma_wait3A_466 : memref<10000x128xf32, #tpu.memory_space<hbm>>) dst(%dma_wait3A_460 : memref<64x128xf32, #tpu.memory_space<vmem>>)
        %dma_start3A_467 = arith.constant 3 : i32
        %dma_start3A_468 = arith.constant 7 : i32
        %dma_start3A_469 = arith.constant 0 : i32
        %dma_start3A_470 = arith.constant 0 : i32
        %dma_start3A_471 = tpu.memref_slice %arg8[%dma_start3A_467, %dma_start3A_469, %dma_start3A_470] : memref<4x64x128xf32, #tpu.memory_space<vmem>> -> memref<1x64x128xf32, #tpu.memory_space<vmem>>
        %dma_start3A_472 = tpu.memref_squeeze %dma_start3A_471 : memref<1x64x128xf32, #tpu.memory_space<vmem>> -> memref<64x128xf32, #tpu.memory_space<vmem>>
        %dma_start3A_473 = arith.constant 0 : i32
        %dma_start3A_474 = tpu.memref_slice %arg7[%dma_start3A_468, %dma_start3A_473] : memref<16x64xi32, #tpu.memory_space<vmem>> -> memref<1x64xi32, #tpu.memory_space<vmem>>
        %dma_start3A_475 = tpu.memref_squeeze %dma_start3A_474 : memref<1x64xi32, #tpu.memory_space<vmem>> -> memref<64xi32, #tpu.memory_space<vmem>>
        %dma_start3A_476 = arith.constant 0 : i32
        %dma_start3A_477 = arith.constant 0 : i32
        %dma_start3A_478 = tpu.memref_slice %arg9[%dma_start3A_476, %dma_start3A_477] : memref<10240x128xf32, #tpu.memory_space<vmem_shared>> -> memref<10240x128xf32, #tpu.memory_space<vmem_shared>>
        tpu.enqueue_indirect_dma source(%dma_start3A_472 : memref<64x128xf32, #tpu.memory_space<vmem>>) target(%dma_start3A_478 : memref<10240x128xf32, #tpu.memory_space<vmem_shared>>) offsets(%dma_start3A_475 : memref<64xi32, #tpu.memory_space<vmem>>) semaphore(%arg17 : memref<!tpu.dma_semaphore, #tpu.memory_space<semaphore_mem>>) {add = true}
        %dma_wait3A_479 = arith.constant 2 : i32
        %dma_wait3A_480 = arith.constant 0 : i32
        %dma_wait3A_481 = arith.constant 0 : i32
        %dma_wait3A_482 = arith.constant 0 : i32
        %dma_wait3A_483 = tpu.memref_slice %arg8[%dma_wait3A_479, %dma_wait3A_481, %dma_wait3A_482] : memref<4x64x128xf32, #tpu.memory_space<vmem>> -> memref<1x64x128xf32, #tpu.memory_space<vmem>>
        %dma_wait3A_484 = tpu.memref_squeeze %dma_wait3A_483 : memref<1x64x128xf32, #tpu.memory_space<vmem>> -> memref<64x128xf32, #tpu.memory_space<vmem>>
        %dma_wait3A_485 = arith.constant 0 : i32
        %dma_wait3A_486 = tpu.memref_slice %arg7[%dma_wait3A_480, %dma_wait3A_485] : memref<16x64xi32, #tpu.memory_space<vmem>> -> memref<1x64xi32, #tpu.memory_space<vmem>>
        %dma_wait3A_487 = tpu.memref_squeeze %dma_wait3A_486 : memref<1x64xi32, #tpu.memory_space<vmem>> -> memref<64xi32, #tpu.memory_space<vmem>>
        %dma_wait3A_488 = arith.constant 0 : i32
        %dma_wait3A_489 = arith.constant 0 : i32
        %dma_wait3A_490 = tpu.memref_slice %arg9[%dma_wait3A_488, %dma_wait3A_489] : memref<10240x128xf32, #tpu.memory_space<vmem_shared>> -> memref<10240x128xf32, #tpu.memory_space<vmem_shared>>
        tpu.wait_indirect_dma semaphore(%arg16 : memref<!tpu.dma_semaphore, #tpu.memory_space<semaphore_mem>>) src(%dma_wait3A_484 : memref<64x128xf32, #tpu.memory_space<vmem>>) dst(%dma_wait3A_490 : memref<10240x128xf32, #tpu.memory_space<vmem_shared>>)
        %dma_start3A_491 = arith.constant 10 : i32
        %dma_start3A_492 = arith.constant 2 : i32
        %dma_start3A_493 = arith.constant 0 : i32
        %dma_start3A_494 = arith.constant 0 : i32
        %dma_start3A_495 = tpu.memref_slice %arg8[%dma_start3A_492, %dma_start3A_493, %dma_start3A_494] : memref<4x64x128xf32, #tpu.memory_space<vmem>> -> memref<1x64x128xf32, #tpu.memory_space<vmem>>
        %dma_start3A_496 = tpu.memref_squeeze %dma_start3A_495 : memref<1x64x128xf32, #tpu.memory_space<vmem>> -> memref<64x128xf32, #tpu.memory_space<vmem>>
        %dma_start3A_497 = arith.constant 0 : i32
        %dma_start3A_498 = tpu.memref_slice %arg6[%dma_start3A_491, %dma_start3A_497] : memref<16x64xi32, #tpu.memory_space<vmem>> -> memref<1x64xi32, #tpu.memory_space<vmem>>
        %dma_start3A_499 = tpu.memref_squeeze %dma_start3A_498 : memref<1x64xi32, #tpu.memory_space<vmem>> -> memref<64xi32, #tpu.memory_space<vmem>>
        %dma_start3A_500 = arith.constant 0 : i32
        %dma_start3A_501 = arith.constant 0 : i32
        %dma_start3A_502 = tpu.memref_slice %arg4[%dma_start3A_500, %dma_start3A_501] : memref<10000x128xf32, #tpu.memory_space<hbm>> -> memref<10000x128xf32, #tpu.memory_space<hbm>>
        tpu.enqueue_indirect_dma source(%dma_start3A_502 : memref<10000x128xf32, #tpu.memory_space<hbm>>) target(%dma_start3A_496 : memref<64x128xf32, #tpu.memory_space<vmem>>) offsets(%dma_start3A_499 : memref<64xi32, #tpu.memory_space<vmem>>) semaphore(%arg12 : memref<!tpu.dma_semaphore, #tpu.memory_space<semaphore_mem>>)
        %dma_wait3A_503 = arith.constant 0 : i32
        %dma_wait3A_504 = arith.constant 0 : i32
        %dma_wait3A_505 = arith.constant 0 : i32
        %dma_wait3A_506 = arith.constant 0 : i32
        %dma_wait3A_507 = tpu.memref_slice %arg8[%dma_wait3A_504, %dma_wait3A_505, %dma_wait3A_506] : memref<4x64x128xf32, #tpu.memory_space<vmem>> -> memref<1x64x128xf32, #tpu.memory_space<vmem>>
        %dma_wait3A_508 = tpu.memref_squeeze %dma_wait3A_507 : memref<1x64x128xf32, #tpu.memory_space<vmem>> -> memref<64x128xf32, #tpu.memory_space<vmem>>
        %dma_wait3A_509 = arith.constant 0 : i32
        %dma_wait3A_510 = tpu.memref_slice %arg6[%dma_wait3A_503, %dma_wait3A_509] : memref<16x64xi32, #tpu.memory_space<vmem>> -> memref<1x64xi32, #tpu.memory_space<vmem>>
        %dma_wait3A_511 = tpu.memref_squeeze %dma_wait3A_510 : memref<1x64xi32, #tpu.memory_space<vmem>> -> memref<64xi32, #tpu.memory_space<vmem>>
        %dma_wait3A_512 = arith.constant 0 : i32
        %dma_wait3A_513 = arith.constant 0 : i32
        %dma_wait3A_514 = tpu.memref_slice %arg4[%dma_wait3A_512, %dma_wait3A_513] : memref<10000x128xf32, #tpu.memory_space<hbm>> -> memref<10000x128xf32, #tpu.memory_space<hbm>>
        tpu.wait_indirect_dma semaphore(%arg10 : memref<!tpu.dma_semaphore, #tpu.memory_space<semaphore_mem>>) src(%dma_wait3A_514 : memref<10000x128xf32, #tpu.memory_space<hbm>>) dst(%dma_wait3A_508 : memref<64x128xf32, #tpu.memory_space<vmem>>)
        %dma_start3A_515 = arith.constant 0 : i32
        %dma_start3A_516 = arith.constant 8 : i32
        %dma_start3A_517 = arith.constant 0 : i32
        %dma_start3A_518 = arith.constant 0 : i32
        %dma_start3A_519 = tpu.memref_slice %arg8[%dma_start3A_515, %dma_start3A_517, %dma_start3A_518] : memref<4x64x128xf32, #tpu.memory_space<vmem>> -> memref<1x64x128xf32, #tpu.memory_space<vmem>>
        %dma_start3A_520 = tpu.memref_squeeze %dma_start3A_519 : memref<1x64x128xf32, #tpu.memory_space<vmem>> -> memref<64x128xf32, #tpu.memory_space<vmem>>
        %dma_start3A_521 = arith.constant 0 : i32
        %dma_start3A_522 = tpu.memref_slice %arg7[%dma_start3A_516, %dma_start3A_521] : memref<16x64xi32, #tpu.memory_space<vmem>> -> memref<1x64xi32, #tpu.memory_space<vmem>>
        %dma_start3A_523 = tpu.memref_squeeze %dma_start3A_522 : memref<1x64xi32, #tpu.memory_space<vmem>> -> memref<64xi32, #tpu.memory_space<vmem>>
        %dma_start3A_524 = arith.constant 0 : i32
        %dma_start3A_525 = arith.constant 0 : i32
        %dma_start3A_526 = tpu.memref_slice %arg9[%dma_start3A_524, %dma_start3A_525] : memref<10240x128xf32, #tpu.memory_space<vmem_shared>> -> memref<10240x128xf32, #tpu.memory_space<vmem_shared>>
        tpu.enqueue_indirect_dma source(%dma_start3A_520 : memref<64x128xf32, #tpu.memory_space<vmem>>) target(%dma_start3A_526 : memref<10240x128xf32, #tpu.memory_space<vmem_shared>>) offsets(%dma_start3A_523 : memref<64xi32, #tpu.memory_space<vmem>>) semaphore(%arg14 : memref<!tpu.dma_semaphore, #tpu.memory_space<semaphore_mem>>) {add = true}
        %dma_wait3A_527 = arith.constant 3 : i32
        %dma_wait3A_528 = arith.constant 0 : i32
        %dma_wait3A_529 = arith.constant 0 : i32
        %dma_wait3A_530 = arith.constant 0 : i32
        %dma_wait3A_531 = tpu.memref_slice %arg8[%dma_wait3A_527, %dma_wait3A_529, %dma_wait3A_530] : memref<4x64x128xf32, #tpu.memory_space<vmem>> -> memref<1x64x128xf32, #tpu.memory_space<vmem>>
        %dma_wait3A_532 = tpu.memref_squeeze %dma_wait3A_531 : memref<1x64x128xf32, #tpu.memory_space<vmem>> -> memref<64x128xf32, #tpu.memory_space<vmem>>
        %dma_wait3A_533 = arith.constant 0 : i32
        %dma_wait3A_534 = tpu.memref_slice %arg7[%dma_wait3A_528, %dma_wait3A_533] : memref<16x64xi32, #tpu.memory_space<vmem>> -> memref<1x64xi32, #tpu.memory_space<vmem>>
        %dma_wait3A_535 = tpu.memref_squeeze %dma_wait3A_534 : memref<1x64xi32, #tpu.memory_space<vmem>> -> memref<64xi32, #tpu.memory_space<vmem>>
        %dma_wait3A_536 = arith.constant 0 : i32
        %dma_wait3A_537 = arith.constant 0 : i32
        %dma_wait3A_538 = tpu.memref_slice %arg9[%dma_wait3A_536, %dma_wait3A_537] : memref<10240x128xf32, #tpu.memory_space<vmem_shared>> -> memref<10240x128xf32, #tpu.memory_space<vmem_shared>>
        tpu.wait_indirect_dma semaphore(%arg17 : memref<!tpu.dma_semaphore, #tpu.memory_space<semaphore_mem>>) src(%dma_wait3A_532 : memref<64x128xf32, #tpu.memory_space<vmem>>) dst(%dma_wait3A_538 : memref<10240x128xf32, #tpu.memory_space<vmem_shared>>)
        %dma_start3A_539 = arith.constant 11 : i32
        %dma_start3A_540 = arith.constant 3 : i32
        %dma_start3A_541 = arith.constant 0 : i32
        %dma_start3A_542 = arith.constant 0 : i32
        %dma_start3A_543 = tpu.memref_slice %arg8[%dma_start3A_540, %dma_start3A_541, %dma_start3A_542] : memref<4x64x128xf32, #tpu.memory_space<vmem>> -> memref<1x64x128xf32, #tpu.memory_space<vmem>>
        %dma_start3A_544 = tpu.memref_squeeze %dma_start3A_543 : memref<1x64x128xf32, #tpu.memory_space<vmem>> -> memref<64x128xf32, #tpu.memory_space<vmem>>
        %dma_start3A_545 = arith.constant 0 : i32
        %dma_start3A_546 = tpu.memref_slice %arg6[%dma_start3A_539, %dma_start3A_545] : memref<16x64xi32, #tpu.memory_space<vmem>> -> memref<1x64xi32, #tpu.memory_space<vmem>>
        %dma_start3A_547 = tpu.memref_squeeze %dma_start3A_546 : memref<1x64xi32, #tpu.memory_space<vmem>> -> memref<64xi32, #tpu.memory_space<vmem>>
        %dma_start3A_548 = arith.constant 0 : i32
        %dma_start3A_549 = arith.constant 0 : i32
        %dma_start3A_550 = tpu.memref_slice %arg4[%dma_start3A_548, %dma_start3A_549] : memref<10000x128xf32, #tpu.memory_space<hbm>> -> memref<10000x128xf32, #tpu.memory_space<hbm>>
        tpu.enqueue_indirect_dma source(%dma_start3A_550 : memref<10000x128xf32, #tpu.memory_space<hbm>>) target(%dma_start3A_544 : memref<64x128xf32, #tpu.memory_space<vmem>>) offsets(%dma_start3A_547 : memref<64xi32, #tpu.memory_space<vmem>>) semaphore(%arg13 : memref<!tpu.dma_semaphore, #tpu.memory_space<semaphore_mem>>)
        %dma_wait3A_551 = arith.constant 0 : i32
        %dma_wait3A_552 = arith.constant 1 : i32
        %dma_wait3A_553 = arith.constant 0 : i32
        %dma_wait3A_554 = arith.constant 0 : i32
        %dma_wait3A_555 = tpu.memref_slice %arg8[%dma_wait3A_552, %dma_wait3A_553, %dma_wait3A_554] : memref<4x64x128xf32, #tpu.memory_space<vmem>> -> memref<1x64x128xf32, #tpu.memory_space<vmem>>
        %dma_wait3A_556 = tpu.memref_squeeze %dma_wait3A_555 : memref<1x64x128xf32, #tpu.memory_space<vmem>> -> memref<64x128xf32, #tpu.memory_space<vmem>>
        %dma_wait3A_557 = arith.constant 0 : i32
        %dma_wait3A_558 = tpu.memref_slice %arg6[%dma_wait3A_551, %dma_wait3A_557] : memref<16x64xi32, #tpu.memory_space<vmem>> -> memref<1x64xi32, #tpu.memory_space<vmem>>
        %dma_wait3A_559 = tpu.memref_squeeze %dma_wait3A_558 : memref<1x64xi32, #tpu.memory_space<vmem>> -> memref<64xi32, #tpu.memory_space<vmem>>
        %dma_wait3A_560 = arith.constant 0 : i32
        %dma_wait3A_561 = arith.constant 0 : i32
        %dma_wait3A_562 = tpu.memref_slice %arg4[%dma_wait3A_560, %dma_wait3A_561] : memref<10000x128xf32, #tpu.memory_space<hbm>> -> memref<10000x128xf32, #tpu.memory_space<hbm>>
        tpu.wait_indirect_dma semaphore(%arg11 : memref<!tpu.dma_semaphore, #tpu.memory_space<semaphore_mem>>) src(%dma_wait3A_562 : memref<10000x128xf32, #tpu.memory_space<hbm>>) dst(%dma_wait3A_556 : memref<64x128xf32, #tpu.memory_space<vmem>>)
        %dma_start3A_563 = arith.constant 1 : i32
        %dma_start3A_564 = arith.constant 9 : i32
        %dma_start3A_565 = arith.constant 0 : i32
        %dma_start3A_566 = arith.constant 0 : i32
        %dma_start3A_567 = tpu.memref_slice %arg8[%dma_start3A_563, %dma_start3A_565, %dma_start3A_566] : memref<4x64x128xf32, #tpu.memory_space<vmem>> -> memref<1x64x128xf32, #tpu.memory_space<vmem>>
        %dma_start3A_568 = tpu.memref_squeeze %dma_start3A_567 : memref<1x64x128xf32, #tpu.memory_space<vmem>> -> memref<64x128xf32, #tpu.memory_space<vmem>>
        %dma_start3A_569 = arith.constant 0 : i32
        %dma_start3A_570 = tpu.memref_slice %arg7[%dma_start3A_564, %dma_start3A_569] : memref<16x64xi32, #tpu.memory_space<vmem>> -> memref<1x64xi32, #tpu.memory_space<vmem>>
        %dma_start3A_571 = tpu.memref_squeeze %dma_start3A_570 : memref<1x64xi32, #tpu.memory_space<vmem>> -> memref<64xi32, #tpu.memory_space<vmem>>
        %dma_start3A_572 = arith.constant 0 : i32
        %dma_start3A_573 = arith.constant 0 : i32
        %dma_start3A_574 = tpu.memref_slice %arg9[%dma_start3A_572, %dma_start3A_573] : memref<10240x128xf32, #tpu.memory_space<vmem_shared>> -> memref<10240x128xf32, #tpu.memory_space<vmem_shared>>
        tpu.enqueue_indirect_dma source(%dma_start3A_568 : memref<64x128xf32, #tpu.memory_space<vmem>>) target(%dma_start3A_574 : memref<10240x128xf32, #tpu.memory_space<vmem_shared>>) offsets(%dma_start3A_571 : memref<64xi32, #tpu.memory_space<vmem>>) semaphore(%arg15 : memref<!tpu.dma_semaphore, #tpu.memory_space<semaphore_mem>>) {add = true}
        %dma_wait3A_575 = arith.constant 0 : i32
        %dma_wait3A_576 = arith.constant 0 : i32
        %dma_wait3A_577 = arith.constant 0 : i32
        %dma_wait3A_578 = arith.constant 0 : i32
        %dma_wait3A_579 = tpu.memref_slice %arg8[%dma_wait3A_575, %dma_wait3A_577, %dma_wait3A_578] : memref<4x64x128xf32, #tpu.memory_space<vmem>> -> memref<1x64x128xf32, #tpu.memory_space<vmem>>
        %dma_wait3A_580 = tpu.memref_squeeze %dma_wait3A_579 : memref<1x64x128xf32, #tpu.memory_space<vmem>> -> memref<64x128xf32, #tpu.memory_space<vmem>>
        %dma_wait3A_581 = arith.constant 0 : i32
        %dma_wait3A_582 = tpu.memref_slice %arg7[%dma_wait3A_576, %dma_wait3A_581] : memref<16x64xi32, #tpu.memory_space<vmem>> -> memref<1x64xi32, #tpu.memory_space<vmem>>
        %dma_wait3A_583 = tpu.memref_squeeze %dma_wait3A_582 : memref<1x64xi32, #tpu.memory_space<vmem>> -> memref<64xi32, #tpu.memory_space<vmem>>
        %dma_wait3A_584 = arith.constant 0 : i32
        %dma_wait3A_585 = arith.constant 0 : i32
        %dma_wait3A_586 = tpu.memref_slice %arg9[%dma_wait3A_584, %dma_wait3A_585] : memref<10240x128xf32, #tpu.memory_space<vmem_shared>> -> memref<10240x128xf32, #tpu.memory_space<vmem_shared>>
        tpu.wait_indirect_dma semaphore(%arg14 : memref<!tpu.dma_semaphore, #tpu.memory_space<semaphore_mem>>) src(%dma_wait3A_580 : memref<64x128xf32, #tpu.memory_space<vmem>>) dst(%dma_wait3A_586 : memref<10240x128xf32, #tpu.memory_space<vmem_shared>>)
        %dma_start3A_587 = arith.constant 12 : i32
        %dma_start3A_588 = arith.constant 0 : i32
        %dma_start3A_589 = arith.constant 0 : i32
        %dma_start3A_590 = arith.constant 0 : i32
        %dma_start3A_591 = tpu.memref_slice %arg8[%dma_start3A_588, %dma_start3A_589, %dma_start3A_590] : memref<4x64x128xf32, #tpu.memory_space<vmem>> -> memref<1x64x128xf32, #tpu.memory_space<vmem>>
        %dma_start3A_592 = tpu.memref_squeeze %dma_start3A_591 : memref<1x64x128xf32, #tpu.memory_space<vmem>> -> memref<64x128xf32, #tpu.memory_space<vmem>>
        %dma_start3A_593 = arith.constant 0 : i32
        %dma_start3A_594 = tpu.memref_slice %arg6[%dma_start3A_587, %dma_start3A_593] : memref<16x64xi32, #tpu.memory_space<vmem>> -> memref<1x64xi32, #tpu.memory_space<vmem>>
        %dma_start3A_595 = tpu.memref_squeeze %dma_start3A_594 : memref<1x64xi32, #tpu.memory_space<vmem>> -> memref<64xi32, #tpu.memory_space<vmem>>
        %dma_start3A_596 = arith.constant 0 : i32
        %dma_start3A_597 = arith.constant 0 : i32
        %dma_start3A_598 = tpu.memref_slice %arg4[%dma_start3A_596, %dma_start3A_597] : memref<10000x128xf32, #tpu.memory_space<hbm>> -> memref<10000x128xf32, #tpu.memory_space<hbm>>
        tpu.enqueue_indirect_dma source(%dma_start3A_598 : memref<10000x128xf32, #tpu.memory_space<hbm>>) target(%dma_start3A_592 : memref<64x128xf32, #tpu.memory_space<vmem>>) offsets(%dma_start3A_595 : memref<64xi32, #tpu.memory_space<vmem>>) semaphore(%arg10 : memref<!tpu.dma_semaphore, #tpu.memory_space<semaphore_mem>>)
        %dma_wait3A_599 = arith.constant 0 : i32
        %dma_wait3A_600 = arith.constant 2 : i32
        %dma_wait3A_601 = arith.constant 0 : i32
        %dma_wait3A_602 = arith.constant 0 : i32
        %dma_wait3A_603 = tpu.memref_slice %arg8[%dma_wait3A_600, %dma_wait3A_601, %dma_wait3A_602] : memref<4x64x128xf32, #tpu.memory_space<vmem>> -> memref<1x64x128xf32, #tpu.memory_space<vmem>>
        %dma_wait3A_604 = tpu.memref_squeeze %dma_wait3A_603 : memref<1x64x128xf32, #tpu.memory_space<vmem>> -> memref<64x128xf32, #tpu.memory_space<vmem>>
        %dma_wait3A_605 = arith.constant 0 : i32
        %dma_wait3A_606 = tpu.memref_slice %arg6[%dma_wait3A_599, %dma_wait3A_605] : memref<16x64xi32, #tpu.memory_space<vmem>> -> memref<1x64xi32, #tpu.memory_space<vmem>>
        %dma_wait3A_607 = tpu.memref_squeeze %dma_wait3A_606 : memref<1x64xi32, #tpu.memory_space<vmem>> -> memref<64xi32, #tpu.memory_space<vmem>>
        %dma_wait3A_608 = arith.constant 0 : i32
        %dma_wait3A_609 = arith.constant 0 : i32
        %dma_wait3A_610 = tpu.memref_slice %arg4[%dma_wait3A_608, %dma_wait3A_609] : memref<10000x128xf32, #tpu.memory_space<hbm>> -> memref<10000x128xf32, #tpu.memory_space<hbm>>
        tpu.wait_indirect_dma semaphore(%arg12 : memref<!tpu.dma_semaphore, #tpu.memory_space<semaphore_mem>>) src(%dma_wait3A_610 : memref<10000x128xf32, #tpu.memory_space<hbm>>) dst(%dma_wait3A_604 : memref<64x128xf32, #tpu.memory_space<vmem>>)
        %dma_start3A_611 = arith.constant 2 : i32
        %dma_start3A_612 = arith.constant 10 : i32
        %dma_start3A_613 = arith.constant 0 : i32
        %dma_start3A_614 = arith.constant 0 : i32
        %dma_start3A_615 = tpu.memref_slice %arg8[%dma_start3A_611, %dma_start3A_613, %dma_start3A_614] : memref<4x64x128xf32, #tpu.memory_space<vmem>> -> memref<1x64x128xf32, #tpu.memory_space<vmem>>
        %dma_start3A_616 = tpu.memref_squeeze %dma_start3A_615 : memref<1x64x128xf32, #tpu.memory_space<vmem>> -> memref<64x128xf32, #tpu.memory_space<vmem>>
        %dma_start3A_617 = arith.constant 0 : i32
        %dma_start3A_618 = tpu.memref_slice %arg7[%dma_start3A_612, %dma_start3A_617] : memref<16x64xi32, #tpu.memory_space<vmem>> -> memref<1x64xi32, #tpu.memory_space<vmem>>
        %dma_start3A_619 = tpu.memref_squeeze %dma_start3A_618 : memref<1x64xi32, #tpu.memory_space<vmem>> -> memref<64xi32, #tpu.memory_space<vmem>>
        %dma_start3A_620 = arith.constant 0 : i32
        %dma_start3A_621 = arith.constant 0 : i32
        %dma_start3A_622 = tpu.memref_slice %arg9[%dma_start3A_620, %dma_start3A_621] : memref<10240x128xf32, #tpu.memory_space<vmem_shared>> -> memref<10240x128xf32, #tpu.memory_space<vmem_shared>>
        tpu.enqueue_indirect_dma source(%dma_start3A_616 : memref<64x128xf32, #tpu.memory_space<vmem>>) target(%dma_start3A_622 : memref<10240x128xf32, #tpu.memory_space<vmem_shared>>) offsets(%dma_start3A_619 : memref<64xi32, #tpu.memory_space<vmem>>) semaphore(%arg16 : memref<!tpu.dma_semaphore, #tpu.memory_space<semaphore_mem>>) {add = true}
        %dma_wait3A_623 = arith.constant 1 : i32
        %dma_wait3A_624 = arith.constant 0 : i32
        %dma_wait3A_625 = arith.constant 0 : i32
        %dma_wait3A_626 = arith.constant 0 : i32
        %dma_wait3A_627 = tpu.memref_slice %arg8[%dma_wait3A_623, %dma_wait3A_625, %dma_wait3A_626] : memref<4x64x128xf32, #tpu.memory_space<vmem>> -> memref<1x64x128xf32, #tpu.memory_space<vmem>>
        %dma_wait3A_628 = tpu.memref_squeeze %dma_wait3A_627 : memref<1x64x128xf32, #tpu.memory_space<vmem>> -> memref<64x128xf32, #tpu.memory_space<vmem>>
        %dma_wait3A_629 = arith.constant 0 : i32
        %dma_wait3A_630 = tpu.memref_slice %arg7[%dma_wait3A_624, %dma_wait3A_629] : memref<16x64xi32, #tpu.memory_space<vmem>> -> memref<1x64xi32, #tpu.memory_space<vmem>>
        %dma_wait3A_631 = tpu.memref_squeeze %dma_wait3A_630 : memref<1x64xi32, #tpu.memory_space<vmem>> -> memref<64xi32, #tpu.memory_space<vmem>>
        %dma_wait3A_632 = arith.constant 0 : i32
        %dma_wait3A_633 = arith.constant 0 : i32
        %dma_wait3A_634 = tpu.memref_slice %arg9[%dma_wait3A_632, %dma_wait3A_633] : memref<10240x128xf32, #tpu.memory_space<vmem_shared>> -> memref<10240x128xf32, #tpu.memory_space<vmem_shared>>
        tpu.wait_indirect_dma semaphore(%arg15 : memref<!tpu.dma_semaphore, #tpu.memory_space<semaphore_mem>>) src(%dma_wait3A_628 : memref<64x128xf32, #tpu.memory_space<vmem>>) dst(%dma_wait3A_634 : memref<10240x128xf32, #tpu.memory_space<vmem_shared>>)
        %dma_start3A_635 = arith.constant 13 : i32
        %dma_start3A_636 = arith.constant 1 : i32
        %dma_start3A_637 = arith.constant 0 : i32
        %dma_start3A_638 = arith.constant 0 : i32
        %dma_start3A_639 = tpu.memref_slice %arg8[%dma_start3A_636, %dma_start3A_637, %dma_start3A_638] : memref<4x64x128xf32, #tpu.memory_space<vmem>> -> memref<1x64x128xf32, #tpu.memory_space<vmem>>
        %dma_start3A_640 = tpu.memref_squeeze %dma_start3A_639 : memref<1x64x128xf32, #tpu.memory_space<vmem>> -> memref<64x128xf32, #tpu.memory_space<vmem>>
        %dma_start3A_641 = arith.constant 0 : i32
        %dma_start3A_642 = tpu.memref_slice %arg6[%dma_start3A_635, %dma_start3A_641] : memref<16x64xi32, #tpu.memory_space<vmem>> -> memref<1x64xi32, #tpu.memory_space<vmem>>
        %dma_start3A_643 = tpu.memref_squeeze %dma_start3A_642 : memref<1x64xi32, #tpu.memory_space<vmem>> -> memref<64xi32, #tpu.memory_space<vmem>>
        %dma_start3A_644 = arith.constant 0 : i32
        %dma_start3A_645 = arith.constant 0 : i32
        %dma_start3A_646 = tpu.memref_slice %arg4[%dma_start3A_644, %dma_start3A_645] : memref<10000x128xf32, #tpu.memory_space<hbm>> -> memref<10000x128xf32, #tpu.memory_space<hbm>>
        tpu.enqueue_indirect_dma source(%dma_start3A_646 : memref<10000x128xf32, #tpu.memory_space<hbm>>) target(%dma_start3A_640 : memref<64x128xf32, #tpu.memory_space<vmem>>) offsets(%dma_start3A_643 : memref<64xi32, #tpu.memory_space<vmem>>) semaphore(%arg11 : memref<!tpu.dma_semaphore, #tpu.memory_space<semaphore_mem>>)
        %dma_wait3A_647 = arith.constant 0 : i32
        %dma_wait3A_648 = arith.constant 3 : i32
        %dma_wait3A_649 = arith.constant 0 : i32
        %dma_wait3A_650 = arith.constant 0 : i32
        %dma_wait3A_651 = tpu.memref_slice %arg8[%dma_wait3A_648, %dma_wait3A_649, %dma_wait3A_650] : memref<4x64x128xf32, #tpu.memory_space<vmem>> -> memref<1x64x128xf32, #tpu.memory_space<vmem>>
        %dma_wait3A_652 = tpu.memref_squeeze %dma_wait3A_651 : memref<1x64x128xf32, #tpu.memory_space<vmem>> -> memref<64x128xf32, #tpu.memory_space<vmem>>
        %dma_wait3A_653 = arith.constant 0 : i32
        %dma_wait3A_654 = tpu.memref_slice %arg6[%dma_wait3A_647, %dma_wait3A_653] : memref<16x64xi32, #tpu.memory_space<vmem>> -> memref<1x64xi32, #tpu.memory_space<vmem>>
        %dma_wait3A_655 = tpu.memref_squeeze %dma_wait3A_654 : memref<1x64xi32, #tpu.memory_space<vmem>> -> memref<64xi32, #tpu.memory_space<vmem>>
        %dma_wait3A_656 = arith.constant 0 : i32
        %dma_wait3A_657 = arith.constant 0 : i32
        %dma_wait3A_658 = tpu.memref_slice %arg4[%dma_wait3A_656, %dma_wait3A_657] : memref<10000x128xf32, #tpu.memory_space<hbm>> -> memref<10000x128xf32, #tpu.memory_space<hbm>>
        tpu.wait_indirect_dma semaphore(%arg13 : memref<!tpu.dma_semaphore, #tpu.memory_space<semaphore_mem>>) src(%dma_wait3A_658 : memref<10000x128xf32, #tpu.memory_space<hbm>>) dst(%dma_wait3A_652 : memref<64x128xf32, #tpu.memory_space<vmem>>)
        %dma_start3A_659 = arith.constant 3 : i32
        %dma_start3A_660 = arith.constant 11 : i32
        %dma_start3A_661 = arith.constant 0 : i32
        %dma_start3A_662 = arith.constant 0 : i32
        %dma_start3A_663 = tpu.memref_slice %arg8[%dma_start3A_659, %dma_start3A_661, %dma_start3A_662] : memref<4x64x128xf32, #tpu.memory_space<vmem>> -> memref<1x64x128xf32, #tpu.memory_space<vmem>>
        %dma_start3A_664 = tpu.memref_squeeze %dma_start3A_663 : memref<1x64x128xf32, #tpu.memory_space<vmem>> -> memref<64x128xf32, #tpu.memory_space<vmem>>
        %dma_start3A_665 = arith.constant 0 : i32
        %dma_start3A_666 = tpu.memref_slice %arg7[%dma_start3A_660, %dma_start3A_665] : memref<16x64xi32, #tpu.memory_space<vmem>> -> memref<1x64xi32, #tpu.memory_space<vmem>>
        %dma_start3A_667 = tpu.memref_squeeze %dma_start3A_666 : memref<1x64xi32, #tpu.memory_space<vmem>> -> memref<64xi32, #tpu.memory_space<vmem>>
        %dma_start3A_668 = arith.constant 0 : i32
        %dma_start3A_669 = arith.constant 0 : i32
        %dma_start3A_670 = tpu.memref_slice %arg9[%dma_start3A_668, %dma_start3A_669] : memref<10240x128xf32, #tpu.memory_space<vmem_shared>> -> memref<10240x128xf32, #tpu.memory_space<vmem_shared>>
        tpu.enqueue_indirect_dma source(%dma_start3A_664 : memref<64x128xf32, #tpu.memory_space<vmem>>) target(%dma_start3A_670 : memref<10240x128xf32, #tpu.memory_space<vmem_shared>>) offsets(%dma_start3A_667 : memref<64xi32, #tpu.memory_space<vmem>>) semaphore(%arg17 : memref<!tpu.dma_semaphore, #tpu.memory_space<semaphore_mem>>) {add = true}
        %dma_wait3A_671 = arith.constant 2 : i32
        %dma_wait3A_672 = arith.constant 0 : i32
        %dma_wait3A_673 = arith.constant 0 : i32
        %dma_wait3A_674 = arith.constant 0 : i32
        %dma_wait3A_675 = tpu.memref_slice %arg8[%dma_wait3A_671, %dma_wait3A_673, %dma_wait3A_674] : memref<4x64x128xf32, #tpu.memory_space<vmem>> -> memref<1x64x128xf32, #tpu.memory_space<vmem>>
        %dma_wait3A_676 = tpu.memref_squeeze %dma_wait3A_675 : memref<1x64x128xf32, #tpu.memory_space<vmem>> -> memref<64x128xf32, #tpu.memory_space<vmem>>
        %dma_wait3A_677 = arith.constant 0 : i32
        %dma_wait3A_678 = tpu.memref_slice %arg7[%dma_wait3A_672, %dma_wait3A_677] : memref<16x64xi32, #tpu.memory_space<vmem>> -> memref<1x64xi32, #tpu.memory_space<vmem>>
        %dma_wait3A_679 = tpu.memref_squeeze %dma_wait3A_678 : memref<1x64xi32, #tpu.memory_space<vmem>> -> memref<64xi32, #tpu.memory_space<vmem>>
        %dma_wait3A_680 = arith.constant 0 : i32
        %dma_wait3A_681 = arith.constant 0 : i32
        %dma_wait3A_682 = tpu.memref_slice %arg9[%dma_wait3A_680, %dma_wait3A_681] : memref<10240x128xf32, #tpu.memory_space<vmem_shared>> -> memref<10240x128xf32, #tpu.memory_space<vmem_shared>>
        tpu.wait_indirect_dma semaphore(%arg16 : memref<!tpu.dma_semaphore, #tpu.memory_space<semaphore_mem>>) src(%dma_wait3A_676 : memref<64x128xf32, #tpu.memory_space<vmem>>) dst(%dma_wait3A_682 : memref<10240x128xf32, #tpu.memory_space<vmem_shared>>)
        %dma_start3A_683 = arith.constant 14 : i32
        %dma_start3A_684 = arith.constant 2 : i32
        %dma_start3A_685 = arith.constant 0 : i32
        %dma_start3A_686 = arith.constant 0 : i32
        %dma_start3A_687 = tpu.memref_slice %arg8[%dma_start3A_684, %dma_start3A_685, %dma_start3A_686] : memref<4x64x128xf32, #tpu.memory_space<vmem>> -> memref<1x64x128xf32, #tpu.memory_space<vmem>>
        %dma_start3A_688 = tpu.memref_squeeze %dma_start3A_687 : memref<1x64x128xf32, #tpu.memory_space<vmem>> -> memref<64x128xf32, #tpu.memory_space<vmem>>
        %dma_start3A_689 = arith.constant 0 : i32
        %dma_start3A_690 = tpu.memref_slice %arg6[%dma_start3A_683, %dma_start3A_689] : memref<16x64xi32, #tpu.memory_space<vmem>> -> memref<1x64xi32, #tpu.memory_space<vmem>>
        %dma_start3A_691 = tpu.memref_squeeze %dma_start3A_690 : memref<1x64xi32, #tpu.memory_space<vmem>> -> memref<64xi32, #tpu.memory_space<vmem>>
        %dma_start3A_692 = arith.constant 0 : i32
        %dma_start3A_693 = arith.constant 0 : i32
        %dma_start3A_694 = tpu.memref_slice %arg4[%dma_start3A_692, %dma_start3A_693] : memref<10000x128xf32, #tpu.memory_space<hbm>> -> memref<10000x128xf32, #tpu.memory_space<hbm>>
        tpu.enqueue_indirect_dma source(%dma_start3A_694 : memref<10000x128xf32, #tpu.memory_space<hbm>>) target(%dma_start3A_688 : memref<64x128xf32, #tpu.memory_space<vmem>>) offsets(%dma_start3A_691 : memref<64xi32, #tpu.memory_space<vmem>>) semaphore(%arg12 : memref<!tpu.dma_semaphore, #tpu.memory_space<semaphore_mem>>)
        %dma_wait3A_695 = arith.constant 0 : i32
        %dma_wait3A_696 = arith.constant 0 : i32
        %dma_wait3A_697 = arith.constant 0 : i32
        %dma_wait3A_698 = arith.constant 0 : i32
        %dma_wait3A_699 = tpu.memref_slice %arg8[%dma_wait3A_696, %dma_wait3A_697, %dma_wait3A_698] : memref<4x64x128xf32, #tpu.memory_space<vmem>> -> memref<1x64x128xf32, #tpu.memory_space<vmem>>
        %dma_wait3A_700 = tpu.memref_squeeze %dma_wait3A_699 : memref<1x64x128xf32, #tpu.memory_space<vmem>> -> memref<64x128xf32, #tpu.memory_space<vmem>>
        %dma_wait3A_701 = arith.constant 0 : i32
        %dma_wait3A_702 = tpu.memref_slice %arg6[%dma_wait3A_695, %dma_wait3A_701] : memref<16x64xi32, #tpu.memory_space<vmem>> -> memref<1x64xi32, #tpu.memory_space<vmem>>
        %dma_wait3A_703 = tpu.memref_squeeze %dma_wait3A_702 : memref<1x64xi32, #tpu.memory_space<vmem>> -> memref<64xi32, #tpu.memory_space<vmem>>
        %dma_wait3A_704 = arith.constant 0 : i32
        %dma_wait3A_705 = arith.constant 0 : i32
        %dma_wait3A_706 = tpu.memref_slice %arg4[%dma_wait3A_704, %dma_wait3A_705] : memref<10000x128xf32, #tpu.memory_space<hbm>> -> memref<10000x128xf32, #tpu.memory_space<hbm>>
        tpu.wait_indirect_dma semaphore(%arg10 : memref<!tpu.dma_semaphore, #tpu.memory_space<semaphore_mem>>) src(%dma_wait3A_706 : memref<10000x128xf32, #tpu.memory_space<hbm>>) dst(%dma_wait3A_700 : memref<64x128xf32, #tpu.memory_space<vmem>>)
        %dma_start3A_707 = arith.constant 0 : i32
        %dma_start3A_708 = arith.constant 12 : i32
        %dma_start3A_709 = arith.constant 0 : i32
        %dma_start3A_710 = arith.constant 0 : i32
        %dma_start3A_711 = tpu.memref_slice %arg8[%dma_start3A_707, %dma_start3A_709, %dma_start3A_710] : memref<4x64x128xf32, #tpu.memory_space<vmem>> -> memref<1x64x128xf32, #tpu.memory_space<vmem>>
        %dma_start3A_712 = tpu.memref_squeeze %dma_start3A_711 : memref<1x64x128xf32, #tpu.memory_space<vmem>> -> memref<64x128xf32, #tpu.memory_space<vmem>>
        %dma_start3A_713 = arith.constant 0 : i32
        %dma_start3A_714 = tpu.memref_slice %arg7[%dma_start3A_708, %dma_start3A_713] : memref<16x64xi32, #tpu.memory_space<vmem>> -> memref<1x64xi32, #tpu.memory_space<vmem>>
        %dma_start3A_715 = tpu.memref_squeeze %dma_start3A_714 : memref<1x64xi32, #tpu.memory_space<vmem>> -> memref<64xi32, #tpu.memory_space<vmem>>
        %dma_start3A_716 = arith.constant 0 : i32
        %dma_start3A_717 = arith.constant 0 : i32
        %dma_start3A_718 = tpu.memref_slice %arg9[%dma_start3A_716, %dma_start3A_717] : memref<10240x128xf32, #tpu.memory_space<vmem_shared>> -> memref<10240x128xf32, #tpu.memory_space<vmem_shared>>
        tpu.enqueue_indirect_dma source(%dma_start3A_712 : memref<64x128xf32, #tpu.memory_space<vmem>>) target(%dma_start3A_718 : memref<10240x128xf32, #tpu.memory_space<vmem_shared>>) offsets(%dma_start3A_715 : memref<64xi32, #tpu.memory_space<vmem>>) semaphore(%arg14 : memref<!tpu.dma_semaphore, #tpu.memory_space<semaphore_mem>>) {add = true}
        %dma_wait3A_719 = arith.constant 3 : i32
        %dma_wait3A_720 = arith.constant 0 : i32
        %dma_wait3A_721 = arith.constant 0 : i32
        %dma_wait3A_722 = arith.constant 0 : i32
        %dma_wait3A_723 = tpu.memref_slice %arg8[%dma_wait3A_719, %dma_wait3A_721, %dma_wait3A_722] : memref<4x64x128xf32, #tpu.memory_space<vmem>> -> memref<1x64x128xf32, #tpu.memory_space<vmem>>
        %dma_wait3A_724 = tpu.memref_squeeze %dma_wait3A_723 : memref<1x64x128xf32, #tpu.memory_space<vmem>> -> memref<64x128xf32, #tpu.memory_space<vmem>>
        %dma_wait3A_725 = arith.constant 0 : i32
        %dma_wait3A_726 = tpu.memref_slice %arg7[%dma_wait3A_720, %dma_wait3A_725] : memref<16x64xi32, #tpu.memory_space<vmem>> -> memref<1x64xi32, #tpu.memory_space<vmem>>
        %dma_wait3A_727 = tpu.memref_squeeze %dma_wait3A_726 : memref<1x64xi32, #tpu.memory_space<vmem>> -> memref<64xi32, #tpu.memory_space<vmem>>
        %dma_wait3A_728 = arith.constant 0 : i32
        %dma_wait3A_729 = arith.constant 0 : i32
        %dma_wait3A_730 = tpu.memref_slice %arg9[%dma_wait3A_728, %dma_wait3A_729] : memref<10240x128xf32, #tpu.memory_space<vmem_shared>> -> memref<10240x128xf32, #tpu.memory_space<vmem_shared>>
        tpu.wait_indirect_dma semaphore(%arg17 : memref<!tpu.dma_semaphore, #tpu.memory_space<semaphore_mem>>) src(%dma_wait3A_724 : memref<64x128xf32, #tpu.memory_space<vmem>>) dst(%dma_wait3A_730 : memref<10240x128xf32, #tpu.memory_space<vmem_shared>>)
        %dma_start3A_731 = arith.constant 15 : i32
        %dma_start3A_732 = arith.constant 3 : i32
        %dma_start3A_733 = arith.constant 0 : i32
        %dma_start3A_734 = arith.constant 0 : i32
        %dma_start3A_735 = tpu.memref_slice %arg8[%dma_start3A_732, %dma_start3A_733, %dma_start3A_734] : memref<4x64x128xf32, #tpu.memory_space<vmem>> -> memref<1x64x128xf32, #tpu.memory_space<vmem>>
        %dma_start3A_736 = tpu.memref_squeeze %dma_start3A_735 : memref<1x64x128xf32, #tpu.memory_space<vmem>> -> memref<64x128xf32, #tpu.memory_space<vmem>>
        %dma_start3A_737 = arith.constant 0 : i32
        %dma_start3A_738 = tpu.memref_slice %arg6[%dma_start3A_731, %dma_start3A_737] : memref<16x64xi32, #tpu.memory_space<vmem>> -> memref<1x64xi32, #tpu.memory_space<vmem>>
        %dma_start3A_739 = tpu.memref_squeeze %dma_start3A_738 : memref<1x64xi32, #tpu.memory_space<vmem>> -> memref<64xi32, #tpu.memory_space<vmem>>
        %dma_start3A_740 = arith.constant 0 : i32
        %dma_start3A_741 = arith.constant 0 : i32
        %dma_start3A_742 = tpu.memref_slice %arg4[%dma_start3A_740, %dma_start3A_741] : memref<10000x128xf32, #tpu.memory_space<hbm>> -> memref<10000x128xf32, #tpu.memory_space<hbm>>
        tpu.enqueue_indirect_dma source(%dma_start3A_742 : memref<10000x128xf32, #tpu.memory_space<hbm>>) target(%dma_start3A_736 : memref<64x128xf32, #tpu.memory_space<vmem>>) offsets(%dma_start3A_739 : memref<64xi32, #tpu.memory_space<vmem>>) semaphore(%arg13 : memref<!tpu.dma_semaphore, #tpu.memory_space<semaphore_mem>>)
        %dma_wait3A_743 = arith.constant 0 : i32
        %dma_wait3A_744 = arith.constant 1 : i32
        %dma_wait3A_745 = arith.constant 0 : i32
        %dma_wait3A_746 = arith.constant 0 : i32
        %dma_wait3A_747 = tpu.memref_slice %arg8[%dma_wait3A_744, %dma_wait3A_745, %dma_wait3A_746] : memref<4x64x128xf32, #tpu.memory_space<vmem>> -> memref<1x64x128xf32, #tpu.memory_space<vmem>>
        %dma_wait3A_748 = tpu.memref_squeeze %dma_wait3A_747 : memref<1x64x128xf32, #tpu.memory_space<vmem>> -> memref<64x128xf32, #tpu.memory_space<vmem>>
        %dma_wait3A_749 = arith.constant 0 : i32
        %dma_wait3A_750 = tpu.memref_slice %arg6[%dma_wait3A_743, %dma_wait3A_749] : memref<16x64xi32, #tpu.memory_space<vmem>> -> memref<1x64xi32, #tpu.memory_space<vmem>>
        %dma_wait3A_751 = tpu.memref_squeeze %dma_wait3A_750 : memref<1x64xi32, #tpu.memory_space<vmem>> -> memref<64xi32, #tpu.memory_space<vmem>>
        %dma_wait3A_752 = arith.constant 0 : i32
        %dma_wait3A_753 = arith.constant 0 : i32
        %dma_wait3A_754 = tpu.memref_slice %arg4[%dma_wait3A_752, %dma_wait3A_753] : memref<10000x128xf32, #tpu.memory_space<hbm>> -> memref<10000x128xf32, #tpu.memory_space<hbm>>
        tpu.wait_indirect_dma semaphore(%arg11 : memref<!tpu.dma_semaphore, #tpu.memory_space<semaphore_mem>>) src(%dma_wait3A_754 : memref<10000x128xf32, #tpu.memory_space<hbm>>) dst(%dma_wait3A_748 : memref<64x128xf32, #tpu.memory_space<vmem>>)
        %dma_start3A_755 = arith.constant 1 : i32
        %dma_start3A_756 = arith.constant 13 : i32
        %dma_start3A_757 = arith.constant 0 : i32
        %dma_start3A_758 = arith.constant 0 : i32
        %dma_start3A_759 = tpu.memref_slice %arg8[%dma_start3A_755, %dma_start3A_757, %dma_start3A_758] : memref<4x64x128xf32, #tpu.memory_space<vmem>> -> memref<1x64x128xf32, #tpu.memory_space<vmem>>
        %dma_start3A_760 = tpu.memref_squeeze %dma_start3A_759 : memref<1x64x128xf32, #tpu.memory_space<vmem>> -> memref<64x128xf32, #tpu.memory_space<vmem>>
        %dma_start3A_761 = arith.constant 0 : i32
        %dma_start3A_762 = tpu.memref_slice %arg7[%dma_start3A_756, %dma_start3A_761] : memref<16x64xi32, #tpu.memory_space<vmem>> -> memref<1x64xi32, #tpu.memory_space<vmem>>
        %dma_start3A_763 = tpu.memref_squeeze %dma_start3A_762 : memref<1x64xi32, #tpu.memory_space<vmem>> -> memref<64xi32, #tpu.memory_space<vmem>>
        %dma_start3A_764 = arith.constant 0 : i32
        %dma_start3A_765 = arith.constant 0 : i32
        %dma_start3A_766 = tpu.memref_slice %arg9[%dma_start3A_764, %dma_start3A_765] : memref<10240x128xf32, #tpu.memory_space<vmem_shared>> -> memref<10240x128xf32, #tpu.memory_space<vmem_shared>>
        tpu.enqueue_indirect_dma source(%dma_start3A_760 : memref<64x128xf32, #tpu.memory_space<vmem>>) target(%dma_start3A_766 : memref<10240x128xf32, #tpu.memory_space<vmem_shared>>) offsets(%dma_start3A_763 : memref<64xi32, #tpu.memory_space<vmem>>) semaphore(%arg15 : memref<!tpu.dma_semaphore, #tpu.memory_space<semaphore_mem>>) {add = true}
        %dma_wait3A_767 = arith.constant 0 : i32
        %dma_wait3A_768 = arith.constant 2 : i32
        %dma_wait3A_769 = arith.constant 0 : i32
        %dma_wait3A_770 = arith.constant 0 : i32
        %dma_wait3A_771 = tpu.memref_slice %arg8[%dma_wait3A_768, %dma_wait3A_769, %dma_wait3A_770] : memref<4x64x128xf32, #tpu.memory_space<vmem>> -> memref<1x64x128xf32, #tpu.memory_space<vmem>>
        %dma_wait3A_772 = tpu.memref_squeeze %dma_wait3A_771 : memref<1x64x128xf32, #tpu.memory_space<vmem>> -> memref<64x128xf32, #tpu.memory_space<vmem>>
        %dma_wait3A_773 = arith.constant 0 : i32
        %dma_wait3A_774 = tpu.memref_slice %arg6[%dma_wait3A_767, %dma_wait3A_773] : memref<16x64xi32, #tpu.memory_space<vmem>> -> memref<1x64xi32, #tpu.memory_space<vmem>>
        %dma_wait3A_775 = tpu.memref_squeeze %dma_wait3A_774 : memref<1x64xi32, #tpu.memory_space<vmem>> -> memref<64xi32, #tpu.memory_space<vmem>>
        %dma_wait3A_776 = arith.constant 0 : i32
        %dma_wait3A_777 = arith.constant 0 : i32
        %dma_wait3A_778 = tpu.memref_slice %arg4[%dma_wait3A_776, %dma_wait3A_777] : memref<10000x128xf32, #tpu.memory_space<hbm>> -> memref<10000x128xf32, #tpu.memory_space<hbm>>
        tpu.wait_indirect_dma semaphore(%arg12 : memref<!tpu.dma_semaphore, #tpu.memory_space<semaphore_mem>>) src(%dma_wait3A_778 : memref<10000x128xf32, #tpu.memory_space<hbm>>) dst(%dma_wait3A_772 : memref<64x128xf32, #tpu.memory_space<vmem>>)
        %dma_start3A_779 = arith.constant 2 : i32
        %dma_start3A_780 = arith.constant 14 : i32
        %dma_start3A_781 = arith.constant 0 : i32
        %dma_start3A_782 = arith.constant 0 : i32
        %dma_start3A_783 = tpu.memref_slice %arg8[%dma_start3A_779, %dma_start3A_781, %dma_start3A_782] : memref<4x64x128xf32, #tpu.memory_space<vmem>> -> memref<1x64x128xf32, #tpu.memory_space<vmem>>
        %dma_start3A_784 = tpu.memref_squeeze %dma_start3A_783 : memref<1x64x128xf32, #tpu.memory_space<vmem>> -> memref<64x128xf32, #tpu.memory_space<vmem>>
        %dma_start3A_785 = arith.constant 0 : i32
        %dma_start3A_786 = tpu.memref_slice %arg7[%dma_start3A_780, %dma_start3A_785] : memref<16x64xi32, #tpu.memory_space<vmem>> -> memref<1x64xi32, #tpu.memory_space<vmem>>
        %dma_start3A_787 = tpu.memref_squeeze %dma_start3A_786 : memref<1x64xi32, #tpu.memory_space<vmem>> -> memref<64xi32, #tpu.memory_space<vmem>>
        %dma_start3A_788 = arith.constant 0 : i32
        %dma_start3A_789 = arith.constant 0 : i32
        %dma_start3A_790 = tpu.memref_slice %arg9[%dma_start3A_788, %dma_start3A_789] : memref<10240x128xf32, #tpu.memory_space<vmem_shared>> -> memref<10240x128xf32, #tpu.memory_space<vmem_shared>>
        tpu.enqueue_indirect_dma source(%dma_start3A_784 : memref<64x128xf32, #tpu.memory_space<vmem>>) target(%dma_start3A_790 : memref<10240x128xf32, #tpu.memory_space<vmem_shared>>) offsets(%dma_start3A_787 : memref<64xi32, #tpu.memory_space<vmem>>) semaphore(%arg16 : memref<!tpu.dma_semaphore, #tpu.memory_space<semaphore_mem>>) {add = true}
        %dma_wait3A_791 = arith.constant 0 : i32
        %dma_wait3A_792 = arith.constant 3 : i32
        %dma_wait3A_793 = arith.constant 0 : i32
        %dma_wait3A_794 = arith.constant 0 : i32
        %dma_wait3A_795 = tpu.memref_slice %arg8[%dma_wait3A_792, %dma_wait3A_793, %dma_wait3A_794] : memref<4x64x128xf32, #tpu.memory_space<vmem>> -> memref<1x64x128xf32, #tpu.memory_space<vmem>>
        %dma_wait3A_796 = tpu.memref_squeeze %dma_wait3A_795 : memref<1x64x128xf32, #tpu.memory_space<vmem>> -> memref<64x128xf32, #tpu.memory_space<vmem>>
        %dma_wait3A_797 = arith.constant 0 : i32
        %dma_wait3A_798 = tpu.memref_slice %arg6[%dma_wait3A_791, %dma_wait3A_797] : memref<16x64xi32, #tpu.memory_space<vmem>> -> memref<1x64xi32, #tpu.memory_space<vmem>>
        %dma_wait3A_799 = tpu.memref_squeeze %dma_wait3A_798 : memref<1x64xi32, #tpu.memory_space<vmem>> -> memref<64xi32, #tpu.memory_space<vmem>>
        %dma_wait3A_800 = arith.constant 0 : i32
        %dma_wait3A_801 = arith.constant 0 : i32
        %dma_wait3A_802 = tpu.memref_slice %arg4[%dma_wait3A_800, %dma_wait3A_801] : memref<10000x128xf32, #tpu.memory_space<hbm>> -> memref<10000x128xf32, #tpu.memory_space<hbm>>
        tpu.wait_indirect_dma semaphore(%arg13 : memref<!tpu.dma_semaphore, #tpu.memory_space<semaphore_mem>>) src(%dma_wait3A_802 : memref<10000x128xf32, #tpu.memory_space<hbm>>) dst(%dma_wait3A_796 : memref<64x128xf32, #tpu.memory_space<vmem>>)
        %dma_start3A_803 = arith.constant 3 : i32
        %dma_start3A_804 = arith.constant 15 : i32
        %dma_start3A_805 = arith.constant 0 : i32
        %dma_start3A_806 = arith.constant 0 : i32
        %dma_start3A_807 = tpu.memref_slice %arg8[%dma_start3A_803, %dma_start3A_805, %dma_start3A_806] : memref<4x64x128xf32, #tpu.memory_space<vmem>> -> memref<1x64x128xf32, #tpu.memory_space<vmem>>
        %dma_start3A_808 = tpu.memref_squeeze %dma_start3A_807 : memref<1x64x128xf32, #tpu.memory_space<vmem>> -> memref<64x128xf32, #tpu.memory_space<vmem>>
        %dma_start3A_809 = arith.constant 0 : i32
        %dma_start3A_810 = tpu.memref_slice %arg7[%dma_start3A_804, %dma_start3A_809] : memref<16x64xi32, #tpu.memory_space<vmem>> -> memref<1x64xi32, #tpu.memory_space<vmem>>
        %dma_start3A_811 = tpu.memref_squeeze %dma_start3A_810 : memref<1x64xi32, #tpu.memory_space<vmem>> -> memref<64xi32, #tpu.memory_space<vmem>>
        %dma_start3A_812 = arith.constant 0 : i32
        %dma_start3A_813 = arith.constant 0 : i32
        %dma_start3A_814 = tpu.memref_slice %arg9[%dma_start3A_812, %dma_start3A_813] : memref<10240x128xf32, #tpu.memory_space<vmem_shared>> -> memref<10240x128xf32, #tpu.memory_space<vmem_shared>>
        tpu.enqueue_indirect_dma source(%dma_start3A_808 : memref<64x128xf32, #tpu.memory_space<vmem>>) target(%dma_start3A_814 : memref<10240x128xf32, #tpu.memory_space<vmem_shared>>) offsets(%dma_start3A_811 : memref<64xi32, #tpu.memory_space<vmem>>) semaphore(%arg17 : memref<!tpu.dma_semaphore, #tpu.memory_space<semaphore_mem>>) {add = true}
        %lt3A = arith.constant 19 : i32
        %lt3A_815 = arith.cmpi slt, %scan3A_125, %lt3A : i32
        %convert_element_type3A_816 = arith.extui %lt3A_815 : i1 to i32
        %cond3A_817 = arith.constant 0 : i32
        %cond3A_818 = arith.cmpi ne, %convert_element_type3A_816, %cond3A_817 : i32
        scf.if %cond3A_818 {
          %add3A_820 = arith.constant 1 : i32
          %add3A_821 = arith.addi %scan3A_125, %add3A_820 : i32
          %mul3A_822 = arith.constant 16 : i32
          %mul3A_823 = arith.muli %add3A_821, %mul3A_822 : i32
          %add3A_824 = arith.addi %mul3A_14, %mul3A_823 : i32
          "tpu.region"() ({
            %run_scoped3A = tpu.sem_alloc : memref<!tpu.dma_semaphore, #tpu.memory_space<semaphore_mem>>
            %dma_start3A_902 = arith.constant 0 : i32
            %dma_start3A_903 = tpu.memref_slice %arg2[%add3A_824, %dma_start3A_902] : memref<5120x64xi32, #tpu.memory_space<hbm>> -> memref<16x64xi32, #tpu.memory_space<hbm>>
            %dma_start3A_904 = arith.constant 0 : i32
            %dma_start3A_905 = tpu.memref_slice %arg2[%add3A_824, %dma_start3A_904] : memref<5120x64xi32, #tpu.memory_space<hbm>> -> memref<16x64xi32, #tpu.memory_space<hbm>>
            tpu.enqueue_dma source(%dma_start3A_905 : memref<16x64xi32, #tpu.memory_space<hbm>>) target(%arg6 : memref<16x64xi32, #tpu.memory_space<vmem>>) target_semaphore(%run_scoped3A : memref<!tpu.dma_semaphore, #tpu.memory_space<semaphore_mem>>)
            %dma_wait3A_906 = arith.constant 0 : i32
            %dma_wait3A_907 = tpu.memref_slice %arg2[%add3A_824, %dma_wait3A_906] : memref<5120x64xi32, #tpu.memory_space<hbm>> -> memref<16x64xi32, #tpu.memory_space<hbm>>
            %dma_wait3A_908 = arith.constant 0 : i32
            %dma_wait3A_909 = tpu.memref_slice %arg2[%add3A_824, %dma_wait3A_908] : memref<5120x64xi32, #tpu.memory_space<hbm>> -> memref<16x64xi32, #tpu.memory_space<hbm>>
            tpu.wait_dma2 semaphore(%run_scoped3A : memref<!tpu.dma_semaphore, #tpu.memory_space<semaphore_mem>>) src(%dma_wait3A_909 : memref<16x64xi32, #tpu.memory_space<hbm>>) dst(%arg6 : memref<16x64xi32, #tpu.memory_space<vmem>>)
            tpu.yield
          }) : () -> ()
          %add3A_825 = arith.constant 1 : i32
          %add3A_826 = arith.addi %scan3A_125, %add3A_825 : i32
          %mul3A_827 = arith.constant 16 : i32
          %mul3A_828 = arith.muli %add3A_826, %mul3A_827 : i32
          %add3A_829 = arith.addi %mul3A_14, %mul3A_828 : i32
          "tpu.region"() ({
            %run_scoped3A = tpu.sem_alloc : memref<!tpu.dma_semaphore, #tpu.memory_space<semaphore_mem>>
            %dma_start3A_902 = arith.constant 0 : i32
            %dma_start3A_903 = tpu.memref_slice %arg3[%add3A_829, %dma_start3A_902] : memref<5120x64xi32, #tpu.memory_space<hbm>> -> memref<16x64xi32, #tpu.memory_space<hbm>>
            %dma_start3A_904 = arith.constant 0 : i32
            %dma_start3A_905 = tpu.memref_slice %arg3[%add3A_829, %dma_start3A_904] : memref<5120x64xi32, #tpu.memory_space<hbm>> -> memref<16x64xi32, #tpu.memory_space<hbm>>
            tpu.enqueue_dma source(%dma_start3A_905 : memref<16x64xi32, #tpu.memory_space<hbm>>) target(%arg7 : memref<16x64xi32, #tpu.memory_space<vmem>>) target_semaphore(%run_scoped3A : memref<!tpu.dma_semaphore, #tpu.memory_space<semaphore_mem>>)
            %dma_wait3A_906 = arith.constant 0 : i32
            %dma_wait3A_907 = tpu.memref_slice %arg3[%add3A_829, %dma_wait3A_906] : memref<5120x64xi32, #tpu.memory_space<hbm>> -> memref<16x64xi32, #tpu.memory_space<hbm>>
            %dma_wait3A_908 = arith.constant 0 : i32
            %dma_wait3A_909 = tpu.memref_slice %arg3[%add3A_829, %dma_wait3A_908] : memref<5120x64xi32, #tpu.memory_space<hbm>> -> memref<16x64xi32, #tpu.memory_space<hbm>>
            tpu.wait_dma2 semaphore(%run_scoped3A : memref<!tpu.dma_semaphore, #tpu.memory_space<semaphore_mem>>) src(%dma_wait3A_909 : memref<16x64xi32, #tpu.memory_space<hbm>>) dst(%arg7 : memref<16x64xi32, #tpu.memory_space<vmem>>)
            tpu.yield
          }) : () -> ()
          %dma_wait3A_830 = arith.constant 0 : i32
          %dma_wait3A_831 = arith.constant 0 : i32
          %dma_wait3A_832 = arith.constant 0 : i32
          %dma_wait3A_833 = arith.constant 0 : i32
          %dma_wait3A_834 = tpu.memref_slice %arg8[%dma_wait3A_830, %dma_wait3A_832, %dma_wait3A_833] : memref<4x64x128xf32, #tpu.memory_space<vmem>> -> memref<1x64x128xf32, #tpu.memory_space<vmem>>
          %dma_wait3A_835 = tpu.memref_squeeze %dma_wait3A_834 : memref<1x64x128xf32, #tpu.memory_space<vmem>> -> memref<64x128xf32, #tpu.memory_space<vmem>>
          %dma_wait3A_836 = arith.constant 0 : i32
          %dma_wait3A_837 = tpu.memref_slice %arg7[%dma_wait3A_831, %dma_wait3A_836] : memref<16x64xi32, #tpu.memory_space<vmem>> -> memref<1x64xi32, #tpu.memory_space<vmem>>
          %dma_wait3A_838 = tpu.memref_squeeze %dma_wait3A_837 : memref<1x64xi32, #tpu.memory_space<vmem>> -> memref<64xi32, #tpu.memory_space<vmem>>
          %dma_wait3A_839 = arith.constant 0 : i32
          %dma_wait3A_840 = arith.constant 0 : i32
          %dma_wait3A_841 = tpu.memref_slice %arg9[%dma_wait3A_839, %dma_wait3A_840] : memref<10240x128xf32, #tpu.memory_space<vmem_shared>> -> memref<10240x128xf32, #tpu.memory_space<vmem_shared>>
          tpu.wait_indirect_dma semaphore(%arg14 : memref<!tpu.dma_semaphore, #tpu.memory_space<semaphore_mem>>) src(%dma_wait3A_835 : memref<64x128xf32, #tpu.memory_space<vmem>>) dst(%dma_wait3A_841 : memref<10240x128xf32, #tpu.memory_space<vmem_shared>>)
          %dma_start3A_842 = arith.constant 0 : i32
          %dma_start3A_843 = arith.constant 0 : i32
          %dma_start3A_844 = arith.constant 0 : i32
          %dma_start3A_845 = arith.constant 0 : i32
          %dma_start3A_846 = tpu.memref_slice %arg8[%dma_start3A_843, %dma_start3A_844, %dma_start3A_845] : memref<4x64x128xf32, #tpu.memory_space<vmem>> -> memref<1x64x128xf32, #tpu.memory_space<vmem>>
          %dma_start3A_847 = tpu.memref_squeeze %dma_start3A_846 : memref<1x64x128xf32, #tpu.memory_space<vmem>> -> memref<64x128xf32, #tpu.memory_space<vmem>>
          %dma_start3A_848 = arith.constant 0 : i32
          %dma_start3A_849 = tpu.memref_slice %arg6[%dma_start3A_842, %dma_start3A_848] : memref<16x64xi32, #tpu.memory_space<vmem>> -> memref<1x64xi32, #tpu.memory_space<vmem>>
          %dma_start3A_850 = tpu.memref_squeeze %dma_start3A_849 : memref<1x64xi32, #tpu.memory_space<vmem>> -> memref<64xi32, #tpu.memory_space<vmem>>
          %dma_start3A_851 = arith.constant 0 : i32
          %dma_start3A_852 = arith.constant 0 : i32
          %dma_start3A_853 = tpu.memref_slice %arg4[%dma_start3A_851, %dma_start3A_852] : memref<10000x128xf32, #tpu.memory_space<hbm>> -> memref<10000x128xf32, #tpu.memory_space<hbm>>
          tpu.enqueue_indirect_dma source(%dma_start3A_853 : memref<10000x128xf32, #tpu.memory_space<hbm>>) target(%dma_start3A_847 : memref<64x128xf32, #tpu.memory_space<vmem>>) offsets(%dma_start3A_850 : memref<64xi32, #tpu.memory_space<vmem>>) semaphore(%arg10 : memref<!tpu.dma_semaphore, #tpu.memory_space<semaphore_mem>>)
          %dma_wait3A_854 = arith.constant 1 : i32
          %dma_wait3A_855 = arith.constant 0 : i32
          %dma_wait3A_856 = arith.constant 0 : i32
          %dma_wait3A_857 = arith.constant 0 : i32
          %dma_wait3A_858 = tpu.memref_slice %arg8[%dma_wait3A_854, %dma_wait3A_856, %dma_wait3A_857] : memref<4x64x128xf32, #tpu.memory_space<vmem>> -> memref<1x64x128xf32, #tpu.memory_space<vmem>>
          %dma_wait3A_859 = tpu.memref_squeeze %dma_wait3A_858 : memref<1x64x128xf32, #tpu.memory_space<vmem>> -> memref<64x128xf32, #tpu.memory_space<vmem>>
          %dma_wait3A_860 = arith.constant 0 : i32
          %dma_wait3A_861 = tpu.memref_slice %arg7[%dma_wait3A_855, %dma_wait3A_860] : memref<16x64xi32, #tpu.memory_space<vmem>> -> memref<1x64xi32, #tpu.memory_space<vmem>>
          %dma_wait3A_862 = tpu.memref_squeeze %dma_wait3A_861 : memref<1x64xi32, #tpu.memory_space<vmem>> -> memref<64xi32, #tpu.memory_space<vmem>>
          %dma_wait3A_863 = arith.constant 0 : i32
          %dma_wait3A_864 = arith.constant 0 : i32
          %dma_wait3A_865 = tpu.memref_slice %arg9[%dma_wait3A_863, %dma_wait3A_864] : memref<10240x128xf32, #tpu.memory_space<vmem_shared>> -> memref<10240x128xf32, #tpu.memory_space<vmem_shared>>
          tpu.wait_indirect_dma semaphore(%arg15 : memref<!tpu.dma_semaphore, #tpu.memory_space<semaphore_mem>>) src(%dma_wait3A_859 : memref<64x128xf32, #tpu.memory_space<vmem>>) dst(%dma_wait3A_865 : memref<10240x128xf32, #tpu.memory_space<vmem_shared>>)
          %dma_start3A_866 = arith.constant 1 : i32
          %dma_start3A_867 = arith.constant 1 : i32
          %dma_start3A_868 = arith.constant 0 : i32
          %dma_start3A_869 = arith.constant 0 : i32
          %dma_start3A_870 = tpu.memref_slice %arg8[%dma_start3A_867, %dma_start3A_868, %dma_start3A_869] : memref<4x64x128xf32, #tpu.memory_space<vmem>> -> memref<1x64x128xf32, #tpu.memory_space<vmem>>
          %dma_start3A_871 = tpu.memref_squeeze %dma_start3A_870 : memref<1x64x128xf32, #tpu.memory_space<vmem>> -> memref<64x128xf32, #tpu.memory_space<vmem>>
          %dma_start3A_872 = arith.constant 0 : i32
          %dma_start3A_873 = tpu.memref_slice %arg6[%dma_start3A_866, %dma_start3A_872] : memref<16x64xi32, #tpu.memory_space<vmem>> -> memref<1x64xi32, #tpu.memory_space<vmem>>
          %dma_start3A_874 = tpu.memref_squeeze %dma_start3A_873 : memref<1x64xi32, #tpu.memory_space<vmem>> -> memref<64xi32, #tpu.memory_space<vmem>>
          %dma_start3A_875 = arith.constant 0 : i32
          %dma_start3A_876 = arith.constant 0 : i32
          %dma_start3A_877 = tpu.memref_slice %arg4[%dma_start3A_875, %dma_start3A_876] : memref<10000x128xf32, #tpu.memory_space<hbm>> -> memref<10000x128xf32, #tpu.memory_space<hbm>>
          tpu.enqueue_indirect_dma source(%dma_start3A_877 : memref<10000x128xf32, #tpu.memory_space<hbm>>) target(%dma_start3A_871 : memref<64x128xf32, #tpu.memory_space<vmem>>) offsets(%dma_start3A_874 : memref<64xi32, #tpu.memory_space<vmem>>) semaphore(%arg11 : memref<!tpu.dma_semaphore, #tpu.memory_space<semaphore_mem>>)
          %dma_wait3A_878 = arith.constant 2 : i32
          %dma_wait3A_879 = arith.constant 0 : i32
          %dma_wait3A_880 = arith.constant 0 : i32
          %dma_wait3A_881 = arith.constant 0 : i32
          %dma_wait3A_882 = tpu.memref_slice %arg8[%dma_wait3A_878, %dma_wait3A_880, %dma_wait3A_881] : memref<4x64x128xf32, #tpu.memory_space<vmem>> -> memref<1x64x128xf32, #tpu.memory_space<vmem>>
          %dma_wait3A_883 = tpu.memref_squeeze %dma_wait3A_882 : memref<1x64x128xf32, #tpu.memory_space<vmem>> -> memref<64x128xf32, #tpu.memory_space<vmem>>
          %dma_wait3A_884 = arith.constant 0 : i32
          %dma_wait3A_885 = tpu.memref_slice %arg7[%dma_wait3A_879, %dma_wait3A_884] : memref<16x64xi32, #tpu.memory_space<vmem>> -> memref<1x64xi32, #tpu.memory_space<vmem>>
          %dma_wait3A_886 = tpu.memref_squeeze %dma_wait3A_885 : memref<1x64xi32, #tpu.memory_space<vmem>> -> memref<64xi32, #tpu.memory_space<vmem>>
          %dma_wait3A_887 = arith.constant 0 : i32
          %dma_wait3A_888 = arith.constant 0 : i32
          %dma_wait3A_889 = tpu.memref_slice %arg9[%dma_wait3A_887, %dma_wait3A_888] : memref<10240x128xf32, #tpu.memory_space<vmem_shared>> -> memref<10240x128xf32, #tpu.memory_space<vmem_shared>>
          tpu.wait_indirect_dma semaphore(%arg16 : memref<!tpu.dma_semaphore, #tpu.memory_space<semaphore_mem>>) src(%dma_wait3A_883 : memref<64x128xf32, #tpu.memory_space<vmem>>) dst(%dma_wait3A_889 : memref<10240x128xf32, #tpu.memory_space<vmem_shared>>)
          %dma_start3A_890 = arith.constant 2 : i32
          %dma_start3A_891 = arith.constant 2 : i32
          %dma_start3A_892 = arith.constant 0 : i32
          %dma_start3A_893 = arith.constant 0 : i32
          %dma_start3A_894 = tpu.memref_slice %arg8[%dma_start3A_891, %dma_start3A_892, %dma_start3A_893] : memref<4x64x128xf32, #tpu.memory_space<vmem>> -> memref<1x64x128xf32, #tpu.memory_space<vmem>>
          %dma_start3A_895 = tpu.memref_squeeze %dma_start3A_894 : memref<1x64x128xf32, #tpu.memory_space<vmem>> -> memref<64x128xf32, #tpu.memory_space<vmem>>
          %dma_start3A_896 = arith.constant 0 : i32
          %dma_start3A_897 = tpu.memref_slice %arg6[%dma_start3A_890, %dma_start3A_896] : memref<16x64xi32, #tpu.memory_space<vmem>> -> memref<1x64xi32, #tpu.memory_space<vmem>>
          %dma_start3A_898 = tpu.memref_squeeze %dma_start3A_897 : memref<1x64xi32, #tpu.memory_space<vmem>> -> memref<64xi32, #tpu.memory_space<vmem>>
          %dma_start3A_899 = arith.constant 0 : i32
          %dma_start3A_900 = arith.constant 0 : i32
          %dma_start3A_901 = tpu.memref_slice %arg4[%dma_start3A_899, %dma_start3A_900] : memref<10000x128xf32, #tpu.memory_space<hbm>> -> memref<10000x128xf32, #tpu.memory_space<hbm>>
          tpu.enqueue_indirect_dma source(%dma_start3A_901 : memref<10000x128xf32, #tpu.memory_space<hbm>>) target(%dma_start3A_895 : memref<64x128xf32, #tpu.memory_space<vmem>>) offsets(%dma_start3A_898 : memref<64xi32, #tpu.memory_space<vmem>>) semaphore(%arg12 : memref<!tpu.dma_semaphore, #tpu.memory_space<semaphore_mem>>)
        } else {
        }
        %scan3A_819 = arith.constant 0 : i32
        scf.yield %scan3A_819 : i32
      }
      %scan3A_77 = arith.constant 20 : i32
      %dma_wait3A = arith.constant 0 : i32
      %dma_wait3A_78 = arith.constant 0 : i32
      %dma_wait3A_79 = arith.constant 0 : i32
      %dma_wait3A_80 = arith.constant 0 : i32
      %dma_wait3A_81 = tpu.memref_slice %arg8[%dma_wait3A, %dma_wait3A_79, %dma_wait3A_80] : memref<4x64x128xf32, #tpu.memory_space<vmem>> -> memref<1x64x128xf32, #tpu.memory_space<vmem>>
      %dma_wait3A_82 = tpu.memref_squeeze %dma_wait3A_81 : memref<1x64x128xf32, #tpu.memory_space<vmem>> -> memref<64x128xf32, #tpu.memory_space<vmem>>
      %dma_wait3A_83 = arith.constant 0 : i32
      %dma_wait3A_84 = tpu.memref_slice %arg7[%dma_wait3A_78, %dma_wait3A_83] : memref<16x64xi32, #tpu.memory_space<vmem>> -> memref<1x64xi32, #tpu.memory_space<vmem>>
      %dma_wait3A_85 = tpu.memref_squeeze %dma_wait3A_84 : memref<1x64xi32, #tpu.memory_space<vmem>> -> memref<64xi32, #tpu.memory_space<vmem>>
      %dma_wait3A_86 = arith.constant 0 : i32
      %dma_wait3A_87 = arith.constant 0 : i32
      %dma_wait3A_88 = tpu.memref_slice %arg9[%dma_wait3A_86, %dma_wait3A_87] : memref<10240x128xf32, #tpu.memory_space<vmem_shared>> -> memref<10240x128xf32, #tpu.memory_space<vmem_shared>>
      tpu.wait_indirect_dma semaphore(%arg14 : memref<!tpu.dma_semaphore, #tpu.memory_space<semaphore_mem>>) src(%dma_wait3A_82 : memref<64x128xf32, #tpu.memory_space<vmem>>) dst(%dma_wait3A_88 : memref<10240x128xf32, #tpu.memory_space<vmem_shared>>)
      %dma_wait3A_89 = arith.constant 1 : i32
      %dma_wait3A_90 = arith.constant 0 : i32
      %dma_wait3A_91 = arith.constant 0 : i32
      %dma_wait3A_92 = arith.constant 0 : i32
      %dma_wait3A_93 = tpu.memref_slice %arg8[%dma_wait3A_89, %dma_wait3A_91, %dma_wait3A_92] : memref<4x64x128xf32, #tpu.memory_space<vmem>> -> memref<1x64x128xf32, #tpu.memory_space<vmem>>
      %dma_wait3A_94 = tpu.memref_squeeze %dma_wait3A_93 : memref<1x64x128xf32, #tpu.memory_space<vmem>> -> memref<64x128xf32, #tpu.memory_space<vmem>>
      %dma_wait3A_95 = arith.constant 0 : i32
      %dma_wait3A_96 = tpu.memref_slice %arg7[%dma_wait3A_90, %dma_wait3A_95] : memref<16x64xi32, #tpu.memory_space<vmem>> -> memref<1x64xi32, #tpu.memory_space<vmem>>
      %dma_wait3A_97 = tpu.memref_squeeze %dma_wait3A_96 : memref<1x64xi32, #tpu.memory_space<vmem>> -> memref<64xi32, #tpu.memory_space<vmem>>
      %dma_wait3A_98 = arith.constant 0 : i32
      %dma_wait3A_99 = arith.constant 0 : i32
      %dma_wait3A_100 = tpu.memref_slice %arg9[%dma_wait3A_98, %dma_wait3A_99] : memref<10240x128xf32, #tpu.memory_space<vmem_shared>> -> memref<10240x128xf32, #tpu.memory_space<vmem_shared>>
      tpu.wait_indirect_dma semaphore(%arg15 : memref<!tpu.dma_semaphore, #tpu.memory_space<semaphore_mem>>) src(%dma_wait3A_94 : memref<64x128xf32, #tpu.memory_space<vmem>>) dst(%dma_wait3A_100 : memref<10240x128xf32, #tpu.memory_space<vmem_shared>>)
      %dma_wait3A_101 = arith.constant 2 : i32
      %dma_wait3A_102 = arith.constant 0 : i32
      %dma_wait3A_103 = arith.constant 0 : i32
      %dma_wait3A_104 = arith.constant 0 : i32
      %dma_wait3A_105 = tpu.memref_slice %arg8[%dma_wait3A_101, %dma_wait3A_103, %dma_wait3A_104] : memref<4x64x128xf32, #tpu.memory_space<vmem>> -> memref<1x64x128xf32, #tpu.memory_space<vmem>>
      %dma_wait3A_106 = tpu.memref_squeeze %dma_wait3A_105 : memref<1x64x128xf32, #tpu.memory_space<vmem>> -> memref<64x128xf32, #tpu.memory_space<vmem>>
      %dma_wait3A_107 = arith.constant 0 : i32
      %dma_wait3A_108 = tpu.memref_slice %arg7[%dma_wait3A_102, %dma_wait3A_107] : memref<16x64xi32, #tpu.memory_space<vmem>> -> memref<1x64xi32, #tpu.memory_space<vmem>>
      %dma_wait3A_109 = tpu.memref_squeeze %dma_wait3A_108 : memref<1x64xi32, #tpu.memory_space<vmem>> -> memref<64xi32, #tpu.memory_space<vmem>>
      %dma_wait3A_110 = arith.constant 0 : i32
      %dma_wait3A_111 = arith.constant 0 : i32
      %dma_wait3A_112 = tpu.memref_slice %arg9[%dma_wait3A_110, %dma_wait3A_111] : memref<10240x128xf32, #tpu.memory_space<vmem_shared>> -> memref<10240x128xf32, #tpu.memory_space<vmem_shared>>
      tpu.wait_indirect_dma semaphore(%arg16 : memref<!tpu.dma_semaphore, #tpu.memory_space<semaphore_mem>>) src(%dma_wait3A_106 : memref<64x128xf32, #tpu.memory_space<vmem>>) dst(%dma_wait3A_112 : memref<10240x128xf32, #tpu.memory_space<vmem_shared>>)
      %dma_wait3A_113 = arith.constant 3 : i32
      %dma_wait3A_114 = arith.constant 0 : i32
      %dma_wait3A_115 = arith.constant 0 : i32
      %dma_wait3A_116 = arith.constant 0 : i32
      %dma_wait3A_117 = tpu.memref_slice %arg8[%dma_wait3A_113, %dma_wait3A_115, %dma_wait3A_116] : memref<4x64x128xf32, #tpu.memory_space<vmem>> -> memref<1x64x128xf32, #tpu.memory_space<vmem>>
      %dma_wait3A_118 = tpu.memref_squeeze %dma_wait3A_117 : memref<1x64x128xf32, #tpu.memory_space<vmem>> -> memref<64x128xf32, #tpu.memory_space<vmem>>
      %dma_wait3A_119 = arith.constant 0 : i32
      %dma_wait3A_120 = tpu.memref_slice %arg7[%dma_wait3A_114, %dma_wait3A_119] : memref<16x64xi32, #tpu.memory_space<vmem>> -> memref<1x64xi32, #tpu.memory_space<vmem>>
      %dma_wait3A_121 = tpu.memref_squeeze %dma_wait3A_120 : memref<1x64xi32, #tpu.memory_space<vmem>> -> memref<64xi32, #tpu.memory_space<vmem>>
      %dma_wait3A_122 = arith.constant 0 : i32
      %dma_wait3A_123 = arith.constant 0 : i32
      %dma_wait3A_124 = tpu.memref_slice %arg9[%dma_wait3A_122, %dma_wait3A_123] : memref<10240x128xf32, #tpu.memory_space<vmem_shared>> -> memref<10240x128xf32, #tpu.memory_space<vmem_shared>>
      tpu.wait_indirect_dma semaphore(%arg17 : memref<!tpu.dma_semaphore, #tpu.memory_space<semaphore_mem>>) src(%dma_wait3A_118 : memref<64x128xf32, #tpu.memory_space<vmem>>) dst(%dma_wait3A_124 : memref<10240x128xf32, #tpu.memory_space<vmem_shared>>)
    } else {
    }
    %eq3A_20 = arith.constant 1 : i32
    %eq3A_21 = arith.cmpi eq, %arg0, %eq3A_20 : i32
    %convert_element_type3A_22 = arith.extui %eq3A_21 : i1 to i32
    %cond3A_23 = arith.constant 0 : i32
    %cond3A_24 = arith.cmpi ne, %convert_element_type3A_22, %cond3A_23 : i32
    scf.if %cond3A_24 {
      %scan3A_33 = arith.constant 0 : i32
      %scan3A_34 = arith.constant 0 : i32
      %scan3A_35 = arith.constant 64 : i32
      %scan3A_36 = arith.addi %scan3A_34, %scan3A_35 : i32
      %scan3A_37 = arith.constant 1 : i32
      %scan3A_38 = scf.for %scan3A_47 = %scan3A_34 to %scan3A_36 step %scan3A_37 iter_args(%scan3A_48 = %scan3A_33) -> (i32)  : i32 {
        %swap3A = arith.constant 0 : i32
        %swap3A_49 = arith.index_cast %swap3A : i32 to index
        %swap3A_50 = arith.index_cast %scan3A_47 : i32 to index
        %swap3A_51 = arith.constant 0 : index
        %swap3A_52 = tpu.vector_load %arg8[%swap3A_49, %swap3A_50, %swap3A_51] {strides = array<i32>} : memref<4x64x128xf32, #tpu.memory_space<vmem>>, vector<1x1x16xf32>,
        %swap3A_53 = vector.shape_cast %swap3A_52 : vector<1x1x16xf32> to vector<16xf32>
        %swap3A_54 = vector.shape_cast %broadcast_in_dim3A_2 : vector<16xf32> to vector<1x1x16xf32>
        tpu.vector_store %arg8[%swap3A_49, %swap3A_50, %swap3A_51], %swap3A_54 {strides = array<i32>} : memref<4x64x128xf32, #tpu.memory_space<vmem>>, vector<1x1x16xf32>,
        %swap3A_55 = arith.constant 0 : i32
        %swap3A_56 = arith.index_cast %swap3A_55 : i32 to index
        %swap3A_57 = arith.index_cast %scan3A_47 : i32 to index
        %swap3A_58 = arith.constant 16 : index
        %swap3A_59 = tpu.vector_load %arg8[%swap3A_56, %swap3A_57, %swap3A_58] {strides = array<i32>} : memref<4x64x128xf32, #tpu.memory_space<vmem>>, vector<1x1x16xf32>,
        %swap3A_60 = vector.shape_cast %swap3A_59 : vector<1x1x16xf32> to vector<16xf32>
        %swap3A_61 = vector.shape_cast %broadcast_in_dim3A_2 : vector<16xf32> to vector<1x1x16xf32>
        tpu.vector_store %arg8[%swap3A_56, %swap3A_57, %swap3A_58], %swap3A_61 {strides = array<i32>} : memref<4x64x128xf32, #tpu.memory_space<vmem>>, vector<1x1x16xf32>,
        %swap3A_62 = arith.constant 0 : i32
        %swap3A_63 = arith.index_cast %swap3A_62 : i32 to index
        %swap3A_64 = arith.index_cast %scan3A_47 : i32 to index
        %swap3A_65 = arith.constant 32 : index
        %swap3A_66 = tpu.vector_load %arg8[%swap3A_63, %swap3A_64, %swap3A_65] {strides = array<i32>} : memref<4x64x128xf32, #tpu.memory_space<vmem>>, vector<1x1x16xf32>,
        %swap3A_67 = vector.shape_cast %swap3A_66 : vector<1x1x16xf32> to vector<16xf32>
        %swap3A_68 = vector.shape_cast %broadcast_in_dim3A_2 : vector<16xf32> to vector<1x1x16xf32>
        tpu.vector_store %arg8[%swap3A_63, %swap3A_64, %swap3A_65], %swap3A_68 {strides = array<i32>} : memref<4x64x128xf32, #tpu.memory_space<vmem>>, vector<1x1x16xf32>,
        %swap3A_69 = arith.constant 0 : i32
        %swap3A_70 = arith.index_cast %swap3A_69 : i32 to index
        %swap3A_71 = arith.index_cast %scan3A_47 : i32 to index
        %swap3A_72 = arith.constant 48 : index
        %swap3A_73 = tpu.vector_load %arg8[%swap3A_70, %swap3A_71, %swap3A_72] {strides = array<i32>} : memref<4x64x128xf32, #tpu.memory_space<vmem>>, vector<1x1x16xf32>,
        %swap3A_74 = vector.shape_cast %swap3A_73 : vector<1x1x16xf32> to vector<16xf32>
        %swap3A_75 = vector.shape_cast %broadcast_in_dim3A_2 : vector<16xf32> to vector<1x1x16xf32>
        tpu.vector_store %arg8[%swap3A_70, %swap3A_71, %swap3A_72], %swap3A_75 {strides = array<i32>} : memref<4x64x128xf32, #tpu.memory_space<vmem>>, vector<1x1x16xf32>,
        %swap3A_76 = arith.constant 0 : i32
        %swap3A_77 = arith.index_cast %swap3A_76 : i32 to index
        %swap3A_78 = arith.index_cast %scan3A_47 : i32 to index
        %swap3A_79 = arith.constant 64 : index
        %swap3A_80 = tpu.vector_load %arg8[%swap3A_77, %swap3A_78, %swap3A_79] {strides = array<i32>} : memref<4x64x128xf32, #tpu.memory_space<vmem>>, vector<1x1x16xf32>,
        %swap3A_81 = vector.shape_cast %swap3A_80 : vector<1x1x16xf32> to vector<16xf32>
        %swap3A_82 = vector.shape_cast %broadcast_in_dim3A_2 : vector<16xf32> to vector<1x1x16xf32>
        tpu.vector_store %arg8[%swap3A_77, %swap3A_78, %swap3A_79], %swap3A_82 {strides = array<i32>} : memref<4x64x128xf32, #tpu.memory_space<vmem>>, vector<1x1x16xf32>,
        %swap3A_83 = arith.constant 0 : i32
        %swap3A_84 = arith.index_cast %swap3A_83 : i32 to index
        %swap3A_85 = arith.index_cast %scan3A_47 : i32 to index
        %swap3A_86 = arith.constant 80 : index
        %swap3A_87 = tpu.vector_load %arg8[%swap3A_84, %swap3A_85, %swap3A_86] {strides = array<i32>} : memref<4x64x128xf32, #tpu.memory_space<vmem>>, vector<1x1x16xf32>,
        %swap3A_88 = vector.shape_cast %swap3A_87 : vector<1x1x16xf32> to vector<16xf32>
        %swap3A_89 = vector.shape_cast %broadcast_in_dim3A_2 : vector<16xf32> to vector<1x1x16xf32>
        tpu.vector_store %arg8[%swap3A_84, %swap3A_85, %swap3A_86], %swap3A_89 {strides = array<i32>} : memref<4x64x128xf32, #tpu.memory_space<vmem>>, vector<1x1x16xf32>,
        %swap3A_90 = arith.constant 0 : i32
        %swap3A_91 = arith.index_cast %swap3A_90 : i32 to index
        %swap3A_92 = arith.index_cast %scan3A_47 : i32 to index
        %swap3A_93 = arith.constant 96 : index
        %swap3A_94 = tpu.vector_load %arg8[%swap3A_91, %swap3A_92, %swap3A_93] {strides = array<i32>} : memref<4x64x128xf32, #tpu.memory_space<vmem>>, vector<1x1x16xf32>,
        %swap3A_95 = vector.shape_cast %swap3A_94 : vector<1x1x16xf32> to vector<16xf32>
        %swap3A_96 = vector.shape_cast %broadcast_in_dim3A_2 : vector<16xf32> to vector<1x1x16xf32>
        tpu.vector_store %arg8[%swap3A_91, %swap3A_92, %swap3A_93], %swap3A_96 {strides = array<i32>} : memref<4x64x128xf32, #tpu.memory_space<vmem>>, vector<1x1x16xf32>,
        %swap3A_97 = arith.constant 0 : i32
        %swap3A_98 = arith.index_cast %swap3A_97 : i32 to index
        %swap3A_99 = arith.index_cast %scan3A_47 : i32 to index
        %swap3A_100 = arith.constant 112 : index
        %swap3A_101 = tpu.vector_load %arg8[%swap3A_98, %swap3A_99, %swap3A_100] {strides = array<i32>} : memref<4x64x128xf32, #tpu.memory_space<vmem>>, vector<1x1x16xf32>,
        %swap3A_102 = vector.shape_cast %swap3A_101 : vector<1x1x16xf32> to vector<16xf32>
        %swap3A_103 = vector.shape_cast %broadcast_in_dim3A_2 : vector<16xf32> to vector<1x1x16xf32>
        tpu.vector_store %arg8[%swap3A_98, %swap3A_99, %swap3A_100], %swap3A_103 {strides = array<i32>} : memref<4x64x128xf32, #tpu.memory_space<vmem>>, vector<1x1x16xf32>,
        %scan3A_104 = arith.constant 0 : i32
        scf.yield %scan3A_104 : i32
      }
      %scan3A_39 = arith.constant 64 : i32
      %scan3A_40 = arith.constant 0 : i32
      %scan3A_41 = arith.constant 0 : i32
      %scan3A_42 = arith.constant 20 : i32
      %scan3A_43 = arith.addi %scan3A_41, %scan3A_42 : i32
      %scan3A_44 = arith.constant 1 : i32
      %scan3A_45 = scf.for %scan3A_47 = %scan3A_41 to %scan3A_43 step %scan3A_44 iter_args(%scan3A_48 = %scan3A_40) -> (i32)  : i32 {
        %mul3A_49 = arith.constant 16 : i32
        %mul3A_50 = arith.muli %scan3A_47, %mul3A_49 : i32
        %add3A = arith.addi %mul3A_14, %mul3A_50 : i32
        "tpu.region"() ({
          %run_scoped3A_83 = tpu.sem_alloc : memref<!tpu.dma_semaphore, #tpu.memory_space<semaphore_mem>>
          %dma_start3A = arith.constant 0 : i32
          %dma_start3A_84 = tpu.memref_slice %arg3[%add3A, %dma_start3A] : memref<5120x64xi32, #tpu.memory_space<hbm>> -> memref<16x64xi32, #tpu.memory_space<hbm>>
          %dma_start3A_85 = arith.constant 0 : i32
          %dma_start3A_86 = tpu.memref_slice %arg3[%add3A, %dma_start3A_85] : memref<5120x64xi32, #tpu.memory_space<hbm>> -> memref<16x64xi32, #tpu.memory_space<hbm>>
          tpu.enqueue_dma source(%dma_start3A_86 : memref<16x64xi32, #tpu.memory_space<hbm>>) target(%arg7 : memref<16x64xi32, #tpu.memory_space<vmem>>) target_semaphore(%run_scoped3A_83 : memref<!tpu.dma_semaphore, #tpu.memory_space<semaphore_mem>>)
          %dma_wait3A = arith.constant 0 : i32
          %dma_wait3A_87 = tpu.memref_slice %arg3[%add3A, %dma_wait3A] : memref<5120x64xi32, #tpu.memory_space<hbm>> -> memref<16x64xi32, #tpu.memory_space<hbm>>
          %dma_wait3A_88 = arith.constant 0 : i32
          %dma_wait3A_89 = tpu.memref_slice %arg3[%add3A, %dma_wait3A_88] : memref<5120x64xi32, #tpu.memory_space<hbm>> -> memref<16x64xi32, #tpu.memory_space<hbm>>
          tpu.wait_dma2 semaphore(%run_scoped3A_83 : memref<!tpu.dma_semaphore, #tpu.memory_space<semaphore_mem>>) src(%dma_wait3A_89 : memref<16x64xi32, #tpu.memory_space<hbm>>) dst(%arg7 : memref<16x64xi32, #tpu.memory_space<vmem>>)
          tpu.yield
        }) : () -> ()
        %run_scoped3A = arith.constant 0 : i32
        %run_scoped3A_51 = arith.constant 0 : i32
        "tpu.region"() ({
          %run_scoped3A_83 = tpu.sem_alloc : memref<!tpu.dma_semaphore, #tpu.memory_space<semaphore_mem>>
          %dma_start3A = arith.constant 0 : i32
          %dma_start3A_84 = arith.constant 0 : i32
          %dma_start3A_85 = tpu.memref_slice %arg8[%run_scoped3A, %dma_start3A, %dma_start3A_84] : memref<4x64x128xf32, #tpu.memory_space<vmem>> -> memref<1x64x128xf32, #tpu.memory_space<vmem>>
          %dma_start3A_86 = tpu.memref_squeeze %dma_start3A_85 : memref<1x64x128xf32, #tpu.memory_space<vmem>> -> memref<64x128xf32, #tpu.memory_space<vmem>>
          %dma_start3A_87 = arith.constant 0 : i32
          %dma_start3A_88 = tpu.memref_slice %arg7[%run_scoped3A_51, %dma_start3A_87] : memref<16x64xi32, #tpu.memory_space<vmem>> -> memref<1x64xi32, #tpu.memory_space<vmem>>
          %dma_start3A_89 = tpu.memref_squeeze %dma_start3A_88 : memref<1x64xi32, #tpu.memory_space<vmem>> -> memref<64xi32, #tpu.memory_space<vmem>>
          %dma_start3A_90 = arith.constant 0 : i32
          %dma_start3A_91 = arith.constant 0 : i32
          %dma_start3A_92 = tpu.memref_slice %arg9[%dma_start3A_90, %dma_start3A_91] : memref<10240x128xf32, #tpu.memory_space<vmem_shared>> -> memref<10240x128xf32, #tpu.memory_space<vmem_shared>>
          tpu.enqueue_indirect_dma source(%dma_start3A_86 : memref<64x128xf32, #tpu.memory_space<vmem>>) target(%dma_start3A_92 : memref<10240x128xf32, #tpu.memory_space<vmem_shared>>) offsets(%dma_start3A_89 : memref<64xi32, #tpu.memory_space<vmem>>) semaphore(%run_scoped3A_83 : memref<!tpu.dma_semaphore, #tpu.memory_space<semaphore_mem>>) {add = true}
          %dma_wait3A = arith.constant 0 : i32
          %dma_wait3A_93 = arith.constant 0 : i32
          %dma_wait3A_94 = tpu.memref_slice %arg8[%run_scoped3A, %dma_wait3A, %dma_wait3A_93] : memref<4x64x128xf32, #tpu.memory_space<vmem>> -> memref<1x64x128xf32, #tpu.memory_space<vmem>>
          %dma_wait3A_95 = tpu.memref_squeeze %dma_wait3A_94 : memref<1x64x128xf32, #tpu.memory_space<vmem>> -> memref<64x128xf32, #tpu.memory_space<vmem>>
          %dma_wait3A_96 = arith.constant 0 : i32
          %dma_wait3A_97 = tpu.memref_slice %arg7[%run_scoped3A_51, %dma_wait3A_96] : memref<16x64xi32, #tpu.memory_space<vmem>> -> memref<1x64xi32, #tpu.memory_space<vmem>>
          %dma_wait3A_98 = tpu.memref_squeeze %dma_wait3A_97 : memref<1x64xi32, #tpu.memory_space<vmem>> -> memref<64xi32, #tpu.memory_space<vmem>>
          %dma_wait3A_99 = arith.constant 0 : i32
          %dma_wait3A_100 = arith.constant 0 : i32
          %dma_wait3A_101 = tpu.memref_slice %arg9[%dma_wait3A_99, %dma_wait3A_100] : memref<10240x128xf32, #tpu.memory_space<vmem_shared>> -> memref<10240x128xf32, #tpu.memory_space<vmem_shared>>
          tpu.wait_indirect_dma semaphore(%run_scoped3A_83 : memref<!tpu.dma_semaphore, #tpu.memory_space<semaphore_mem>>) src(%dma_wait3A_95 : memref<64x128xf32, #tpu.memory_space<vmem>>) dst(%dma_wait3A_101 : memref<10240x128xf32, #tpu.memory_space<vmem_shared>>)
          tpu.yield
        }) : () -> ()
        %run_scoped3A_52 = arith.constant 0 : i32
        %run_scoped3A_53 = arith.constant 1 : i32
        "tpu.region"() ({
          %run_scoped3A_83 = tpu.sem_alloc : memref<!tpu.dma_semaphore, #tpu.memory_space<semaphore_mem>>
          %dma_start3A = arith.constant 0 : i32
          %dma_start3A_84 = arith.constant 0 : i32
          %dma_start3A_85 = tpu.memref_slice %arg8[%run_scoped3A_52, %dma_start3A, %dma_start3A_84] : memref<4x64x128xf32, #tpu.memory_space<vmem>> -> memref<1x64x128xf32, #tpu.memory_space<vmem>>
          %dma_start3A_86 = tpu.memref_squeeze %dma_start3A_85 : memref<1x64x128xf32, #tpu.memory_space<vmem>> -> memref<64x128xf32, #tpu.memory_space<vmem>>
          %dma_start3A_87 = arith.constant 0 : i32
          %dma_start3A_88 = tpu.memref_slice %arg7[%run_scoped3A_53, %dma_start3A_87] : memref<16x64xi32, #tpu.memory_space<vmem>> -> memref<1x64xi32, #tpu.memory_space<vmem>>
          %dma_start3A_89 = tpu.memref_squeeze %dma_start3A_88 : memref<1x64xi32, #tpu.memory_space<vmem>> -> memref<64xi32, #tpu.memory_space<vmem>>
          %dma_start3A_90 = arith.constant 0 : i32
          %dma_start3A_91 = arith.constant 0 : i32
          %dma_start3A_92 = tpu.memref_slice %arg9[%dma_start3A_90, %dma_start3A_91] : memref<10240x128xf32, #tpu.memory_space<vmem_shared>> -> memref<10240x128xf32, #tpu.memory_space<vmem_shared>>
          tpu.enqueue_indirect_dma source(%dma_start3A_86 : memref<64x128xf32, #tpu.memory_space<vmem>>) target(%dma_start3A_92 : memref<10240x128xf32, #tpu.memory_space<vmem_shared>>) offsets(%dma_start3A_89 : memref<64xi32, #tpu.memory_space<vmem>>) semaphore(%run_scoped3A_83 : memref<!tpu.dma_semaphore, #tpu.memory_space<semaphore_mem>>) {add = true}
          %dma_wait3A = arith.constant 0 : i32
          %dma_wait3A_93 = arith.constant 0 : i32
          %dma_wait3A_94 = tpu.memref_slice %arg8[%run_scoped3A_52, %dma_wait3A, %dma_wait3A_93] : memref<4x64x128xf32, #tpu.memory_space<vmem>> -> memref<1x64x128xf32, #tpu.memory_space<vmem>>
          %dma_wait3A_95 = tpu.memref_squeeze %dma_wait3A_94 : memref<1x64x128xf32, #tpu.memory_space<vmem>> -> memref<64x128xf32, #tpu.memory_space<vmem>>
          %dma_wait3A_96 = arith.constant 0 : i32
          %dma_wait3A_97 = tpu.memref_slice %arg7[%run_scoped3A_53, %dma_wait3A_96] : memref<16x64xi32, #tpu.memory_space<vmem>> -> memref<1x64xi32, #tpu.memory_space<vmem>>
          %dma_wait3A_98 = tpu.memref_squeeze %dma_wait3A_97 : memref<1x64xi32, #tpu.memory_space<vmem>> -> memref<64xi32, #tpu.memory_space<vmem>>
          %dma_wait3A_99 = arith.constant 0 : i32
          %dma_wait3A_100 = arith.constant 0 : i32
          %dma_wait3A_101 = tpu.memref_slice %arg9[%dma_wait3A_99, %dma_wait3A_100] : memref<10240x128xf32, #tpu.memory_space<vmem_shared>> -> memref<10240x128xf32, #tpu.memory_space<vmem_shared>>
          tpu.wait_indirect_dma semaphore(%run_scoped3A_83 : memref<!tpu.dma_semaphore, #tpu.memory_space<semaphore_mem>>) src(%dma_wait3A_95 : memref<64x128xf32, #tpu.memory_space<vmem>>) dst(%dma_wait3A_101 : memref<10240x128xf32, #tpu.memory_space<vmem_shared>>)
          tpu.yield
        }) : () -> ()
        %run_scoped3A_54 = arith.constant 0 : i32
        %run_scoped3A_55 = arith.constant 2 : i32
        "tpu.region"() ({
          %run_scoped3A_83 = tpu.sem_alloc : memref<!tpu.dma_semaphore, #tpu.memory_space<semaphore_mem>>
          %dma_start3A = arith.constant 0 : i32
          %dma_start3A_84 = arith.constant 0 : i32
          %dma_start3A_85 = tpu.memref_slice %arg8[%run_scoped3A_54, %dma_start3A, %dma_start3A_84] : memref<4x64x128xf32, #tpu.memory_space<vmem>> -> memref<1x64x128xf32, #tpu.memory_space<vmem>>
          %dma_start3A_86 = tpu.memref_squeeze %dma_start3A_85 : memref<1x64x128xf32, #tpu.memory_space<vmem>> -> memref<64x128xf32, #tpu.memory_space<vmem>>
          %dma_start3A_87 = arith.constant 0 : i32
          %dma_start3A_88 = tpu.memref_slice %arg7[%run_scoped3A_55, %dma_start3A_87] : memref<16x64xi32, #tpu.memory_space<vmem>> -> memref<1x64xi32, #tpu.memory_space<vmem>>
          %dma_start3A_89 = tpu.memref_squeeze %dma_start3A_88 : memref<1x64xi32, #tpu.memory_space<vmem>> -> memref<64xi32, #tpu.memory_space<vmem>>
          %dma_start3A_90 = arith.constant 0 : i32
          %dma_start3A_91 = arith.constant 0 : i32
          %dma_start3A_92 = tpu.memref_slice %arg9[%dma_start3A_90, %dma_start3A_91] : memref<10240x128xf32, #tpu.memory_space<vmem_shared>> -> memref<10240x128xf32, #tpu.memory_space<vmem_shared>>
          tpu.enqueue_indirect_dma source(%dma_start3A_86 : memref<64x128xf32, #tpu.memory_space<vmem>>) target(%dma_start3A_92 : memref<10240x128xf32, #tpu.memory_space<vmem_shared>>) offsets(%dma_start3A_89 : memref<64xi32, #tpu.memory_space<vmem>>) semaphore(%run_scoped3A_83 : memref<!tpu.dma_semaphore, #tpu.memory_space<semaphore_mem>>) {add = true}
          %dma_wait3A = arith.constant 0 : i32
          %dma_wait3A_93 = arith.constant 0 : i32
          %dma_wait3A_94 = tpu.memref_slice %arg8[%run_scoped3A_54, %dma_wait3A, %dma_wait3A_93] : memref<4x64x128xf32, #tpu.memory_space<vmem>> -> memref<1x64x128xf32, #tpu.memory_space<vmem>>
          %dma_wait3A_95 = tpu.memref_squeeze %dma_wait3A_94 : memref<1x64x128xf32, #tpu.memory_space<vmem>> -> memref<64x128xf32, #tpu.memory_space<vmem>>
          %dma_wait3A_96 = arith.constant 0 : i32
          %dma_wait3A_97 = tpu.memref_slice %arg7[%run_scoped3A_55, %dma_wait3A_96] : memref<16x64xi32, #tpu.memory_space<vmem>> -> memref<1x64xi32, #tpu.memory_space<vmem>>
          %dma_wait3A_98 = tpu.memref_squeeze %dma_wait3A_97 : memref<1x64xi32, #tpu.memory_space<vmem>> -> memref<64xi32, #tpu.memory_space<vmem>>
          %dma_wait3A_99 = arith.constant 0 : i32
          %dma_wait3A_100 = arith.constant 0 : i32
          %dma_wait3A_101 = tpu.memref_slice %arg9[%dma_wait3A_99, %dma_wait3A_100] : memref<10240x128xf32, #tpu.memory_space<vmem_shared>> -> memref<10240x128xf32, #tpu.memory_space<vmem_shared>>
          tpu.wait_indirect_dma semaphore(%run_scoped3A_83 : memref<!tpu.dma_semaphore, #tpu.memory_space<semaphore_mem>>) src(%dma_wait3A_95 : memref<64x128xf32, #tpu.memory_space<vmem>>) dst(%dma_wait3A_101 : memref<10240x128xf32, #tpu.memory_space<vmem_shared>>)
          tpu.yield
        }) : () -> ()
        %run_scoped3A_56 = arith.constant 0 : i32
        %run_scoped3A_57 = arith.constant 3 : i32
        "tpu.region"() ({
          %run_scoped3A_83 = tpu.sem_alloc : memref<!tpu.dma_semaphore, #tpu.memory_space<semaphore_mem>>
          %dma_start3A = arith.constant 0 : i32
          %dma_start3A_84 = arith.constant 0 : i32
          %dma_start3A_85 = tpu.memref_slice %arg8[%run_scoped3A_56, %dma_start3A, %dma_start3A_84] : memref<4x64x128xf32, #tpu.memory_space<vmem>> -> memref<1x64x128xf32, #tpu.memory_space<vmem>>
          %dma_start3A_86 = tpu.memref_squeeze %dma_start3A_85 : memref<1x64x128xf32, #tpu.memory_space<vmem>> -> memref<64x128xf32, #tpu.memory_space<vmem>>
          %dma_start3A_87 = arith.constant 0 : i32
          %dma_start3A_88 = tpu.memref_slice %arg7[%run_scoped3A_57, %dma_start3A_87] : memref<16x64xi32, #tpu.memory_space<vmem>> -> memref<1x64xi32, #tpu.memory_space<vmem>>
          %dma_start3A_89 = tpu.memref_squeeze %dma_start3A_88 : memref<1x64xi32, #tpu.memory_space<vmem>> -> memref<64xi32, #tpu.memory_space<vmem>>
          %dma_start3A_90 = arith.constant 0 : i32
          %dma_start3A_91 = arith.constant 0 : i32
          %dma_start3A_92 = tpu.memref_slice %arg9[%dma_start3A_90, %dma_start3A_91] : memref<10240x128xf32, #tpu.memory_space<vmem_shared>> -> memref<10240x128xf32, #tpu.memory_space<vmem_shared>>
          tpu.enqueue_indirect_dma source(%dma_start3A_86 : memref<64x128xf32, #tpu.memory_space<vmem>>) target(%dma_start3A_92 : memref<10240x128xf32, #tpu.memory_space<vmem_shared>>) offsets(%dma_start3A_89 : memref<64xi32, #tpu.memory_space<vmem>>) semaphore(%run_scoped3A_83 : memref<!tpu.dma_semaphore, #tpu.memory_space<semaphore_mem>>) {add = true}
          %dma_wait3A = arith.constant 0 : i32
          %dma_wait3A_93 = arith.constant 0 : i32
          %dma_wait3A_94 = tpu.memref_slice %arg8[%run_scoped3A_56, %dma_wait3A, %dma_wait3A_93] : memref<4x64x128xf32, #tpu.memory_space<vmem>> -> memref<1x64x128xf32, #tpu.memory_space<vmem>>
          %dma_wait3A_95 = tpu.memref_squeeze %dma_wait3A_94 : memref<1x64x128xf32, #tpu.memory_space<vmem>> -> memref<64x128xf32, #tpu.memory_space<vmem>>
          %dma_wait3A_96 = arith.constant 0 : i32
          %dma_wait3A_97 = tpu.memref_slice %arg7[%run_scoped3A_57, %dma_wait3A_96] : memref<16x64xi32, #tpu.memory_space<vmem>> -> memref<1x64xi32, #tpu.memory_space<vmem>>
          %dma_wait3A_98 = tpu.memref_squeeze %dma_wait3A_97 : memref<1x64xi32, #tpu.memory_space<vmem>> -> memref<64xi32, #tpu.memory_space<vmem>>
          %dma_wait3A_99 = arith.constant 0 : i32
          %dma_wait3A_100 = arith.constant 0 : i32
          %dma_wait3A_101 = tpu.memref_slice %arg9[%dma_wait3A_99, %dma_wait3A_100] : memref<10240x128xf32, #tpu.memory_space<vmem_shared>> -> memref<10240x128xf32, #tpu.memory_space<vmem_shared>>
          tpu.wait_indirect_dma semaphore(%run_scoped3A_83 : memref<!tpu.dma_semaphore, #tpu.memory_space<semaphore_mem>>) src(%dma_wait3A_95 : memref<64x128xf32, #tpu.memory_space<vmem>>) dst(%dma_wait3A_101 : memref<10240x128xf32, #tpu.memory_space<vmem_shared>>)
          tpu.yield
        }) : () -> ()
        %run_scoped3A_58 = arith.constant 0 : i32
        %run_scoped3A_59 = arith.constant 4 : i32
        "tpu.region"() ({
          %run_scoped3A_83 = tpu.sem_alloc : memref<!tpu.dma_semaphore, #tpu.memory_space<semaphore_mem>>
          %dma_start3A = arith.constant 0 : i32
          %dma_start3A_84 = arith.constant 0 : i32
          %dma_start3A_85 = tpu.memref_slice %arg8[%run_scoped3A_58, %dma_start3A, %dma_start3A_84] : memref<4x64x128xf32, #tpu.memory_space<vmem>> -> memref<1x64x128xf32, #tpu.memory_space<vmem>>
          %dma_start3A_86 = tpu.memref_squeeze %dma_start3A_85 : memref<1x64x128xf32, #tpu.memory_space<vmem>> -> memref<64x128xf32, #tpu.memory_space<vmem>>
          %dma_start3A_87 = arith.constant 0 : i32
          %dma_start3A_88 = tpu.memref_slice %arg7[%run_scoped3A_59, %dma_start3A_87] : memref<16x64xi32, #tpu.memory_space<vmem>> -> memref<1x64xi32, #tpu.memory_space<vmem>>
          %dma_start3A_89 = tpu.memref_squeeze %dma_start3A_88 : memref<1x64xi32, #tpu.memory_space<vmem>> -> memref<64xi32, #tpu.memory_space<vmem>>
          %dma_start3A_90 = arith.constant 0 : i32
          %dma_start3A_91 = arith.constant 0 : i32
          %dma_start3A_92 = tpu.memref_slice %arg9[%dma_start3A_90, %dma_start3A_91] : memref<10240x128xf32, #tpu.memory_space<vmem_shared>> -> memref<10240x128xf32, #tpu.memory_space<vmem_shared>>
          tpu.enqueue_indirect_dma source(%dma_start3A_86 : memref<64x128xf32, #tpu.memory_space<vmem>>) target(%dma_start3A_92 : memref<10240x128xf32, #tpu.memory_space<vmem_shared>>) offsets(%dma_start3A_89 : memref<64xi32, #tpu.memory_space<vmem>>) semaphore(%run_scoped3A_83 : memref<!tpu.dma_semaphore, #tpu.memory_space<semaphore_mem>>) {add = true}
          %dma_wait3A = arith.constant 0 : i32
          %dma_wait3A_93 = arith.constant 0 : i32
          %dma_wait3A_94 = tpu.memref_slice %arg8[%run_scoped3A_58, %dma_wait3A, %dma_wait3A_93] : memref<4x64x128xf32, #tpu.memory_space<vmem>> -> memref<1x64x128xf32, #tpu.memory_space<vmem>>
          %dma_wait3A_95 = tpu.memref_squeeze %dma_wait3A_94 : memref<1x64x128xf32, #tpu.memory_space<vmem>> -> memref<64x128xf32, #tpu.memory_space<vmem>>
          %dma_wait3A_96 = arith.constant 0 : i32
          %dma_wait3A_97 = tpu.memref_slice %arg7[%run_scoped3A_59, %dma_wait3A_96] : memref<16x64xi32, #tpu.memory_space<vmem>> -> memref<1x64xi32, #tpu.memory_space<vmem>>
          %dma_wait3A_98 = tpu.memref_squeeze %dma_wait3A_97 : memref<1x64xi32, #tpu.memory_space<vmem>> -> memref<64xi32, #tpu.memory_space<vmem>>
          %dma_wait3A_99 = arith.constant 0 : i32
          %dma_wait3A_100 = arith.constant 0 : i32
          %dma_wait3A_101 = tpu.memref_slice %arg9[%dma_wait3A_99, %dma_wait3A_100] : memref<10240x128xf32, #tpu.memory_space<vmem_shared>> -> memref<10240x128xf32, #tpu.memory_space<vmem_shared>>
          tpu.wait_indirect_dma semaphore(%run_scoped3A_83 : memref<!tpu.dma_semaphore, #tpu.memory_space<semaphore_mem>>) src(%dma_wait3A_95 : memref<64x128xf32, #tpu.memory_space<vmem>>) dst(%dma_wait3A_101 : memref<10240x128xf32, #tpu.memory_space<vmem_shared>>)
          tpu.yield
        }) : () -> ()
        %run_scoped3A_60 = arith.constant 0 : i32
        %run_scoped3A_61 = arith.constant 5 : i32
        "tpu.region"() ({
          %run_scoped3A_83 = tpu.sem_alloc : memref<!tpu.dma_semaphore, #tpu.memory_space<semaphore_mem>>
          %dma_start3A = arith.constant 0 : i32
          %dma_start3A_84 = arith.constant 0 : i32
          %dma_start3A_85 = tpu.memref_slice %arg8[%run_scoped3A_60, %dma_start3A, %dma_start3A_84] : memref<4x64x128xf32, #tpu.memory_space<vmem>> -> memref<1x64x128xf32, #tpu.memory_space<vmem>>
          %dma_start3A_86 = tpu.memref_squeeze %dma_start3A_85 : memref<1x64x128xf32, #tpu.memory_space<vmem>> -> memref<64x128xf32, #tpu.memory_space<vmem>>
          %dma_start3A_87 = arith.constant 0 : i32
          %dma_start3A_88 = tpu.memref_slice %arg7[%run_scoped3A_61, %dma_start3A_87] : memref<16x64xi32, #tpu.memory_space<vmem>> -> memref<1x64xi32, #tpu.memory_space<vmem>>
          %dma_start3A_89 = tpu.memref_squeeze %dma_start3A_88 : memref<1x64xi32, #tpu.memory_space<vmem>> -> memref<64xi32, #tpu.memory_space<vmem>>
          %dma_start3A_90 = arith.constant 0 : i32
          %dma_start3A_91 = arith.constant 0 : i32
          %dma_start3A_92 = tpu.memref_slice %arg9[%dma_start3A_90, %dma_start3A_91] : memref<10240x128xf32, #tpu.memory_space<vmem_shared>> -> memref<10240x128xf32, #tpu.memory_space<vmem_shared>>
          tpu.enqueue_indirect_dma source(%dma_start3A_86 : memref<64x128xf32, #tpu.memory_space<vmem>>) target(%dma_start3A_92 : memref<10240x128xf32, #tpu.memory_space<vmem_shared>>) offsets(%dma_start3A_89 : memref<64xi32, #tpu.memory_space<vmem>>) semaphore(%run_scoped3A_83 : memref<!tpu.dma_semaphore, #tpu.memory_space<semaphore_mem>>) {add = true}
          %dma_wait3A = arith.constant 0 : i32
          %dma_wait3A_93 = arith.constant 0 : i32
          %dma_wait3A_94 = tpu.memref_slice %arg8[%run_scoped3A_60, %dma_wait3A, %dma_wait3A_93] : memref<4x64x128xf32, #tpu.memory_space<vmem>> -> memref<1x64x128xf32, #tpu.memory_space<vmem>>
          %dma_wait3A_95 = tpu.memref_squeeze %dma_wait3A_94 : memref<1x64x128xf32, #tpu.memory_space<vmem>> -> memref<64x128xf32, #tpu.memory_space<vmem>>
          %dma_wait3A_96 = arith.constant 0 : i32
          %dma_wait3A_97 = tpu.memref_slice %arg7[%run_scoped3A_61, %dma_wait3A_96] : memref<16x64xi32, #tpu.memory_space<vmem>> -> memref<1x64xi32, #tpu.memory_space<vmem>>
          %dma_wait3A_98 = tpu.memref_squeeze %dma_wait3A_97 : memref<1x64xi32, #tpu.memory_space<vmem>> -> memref<64xi32, #tpu.memory_space<vmem>>
          %dma_wait3A_99 = arith.constant 0 : i32
          %dma_wait3A_100 = arith.constant 0 : i32
          %dma_wait3A_101 = tpu.memref_slice %arg9[%dma_wait3A_99, %dma_wait3A_100] : memref<10240x128xf32, #tpu.memory_space<vmem_shared>> -> memref<10240x128xf32, #tpu.memory_space<vmem_shared>>
          tpu.wait_indirect_dma semaphore(%run_scoped3A_83 : memref<!tpu.dma_semaphore, #tpu.memory_space<semaphore_mem>>) src(%dma_wait3A_95 : memref<64x128xf32, #tpu.memory_space<vmem>>) dst(%dma_wait3A_101 : memref<10240x128xf32, #tpu.memory_space<vmem_shared>>)
          tpu.yield
        }) : () -> ()
        %run_scoped3A_62 = arith.constant 0 : i32
        %run_scoped3A_63 = arith.constant 6 : i32
        "tpu.region"() ({
          %run_scoped3A_83 = tpu.sem_alloc : memref<!tpu.dma_semaphore, #tpu.memory_space<semaphore_mem>>
          %dma_start3A = arith.constant 0 : i32
          %dma_start3A_84 = arith.constant 0 : i32
          %dma_start3A_85 = tpu.memref_slice %arg8[%run_scoped3A_62, %dma_start3A, %dma_start3A_84] : memref<4x64x128xf32, #tpu.memory_space<vmem>> -> memref<1x64x128xf32, #tpu.memory_space<vmem>>
          %dma_start3A_86 = tpu.memref_squeeze %dma_start3A_85 : memref<1x64x128xf32, #tpu.memory_space<vmem>> -> memref<64x128xf32, #tpu.memory_space<vmem>>
          %dma_start3A_87 = arith.constant 0 : i32
          %dma_start3A_88 = tpu.memref_slice %arg7[%run_scoped3A_63, %dma_start3A_87] : memref<16x64xi32, #tpu.memory_space<vmem>> -> memref<1x64xi32, #tpu.memory_space<vmem>>
          %dma_start3A_89 = tpu.memref_squeeze %dma_start3A_88 : memref<1x64xi32, #tpu.memory_space<vmem>> -> memref<64xi32, #tpu.memory_space<vmem>>
          %dma_start3A_90 = arith.constant 0 : i32
          %dma_start3A_91 = arith.constant 0 : i32
          %dma_start3A_92 = tpu.memref_slice %arg9[%dma_start3A_90, %dma_start3A_91] : memref<10240x128xf32, #tpu.memory_space<vmem_shared>> -> memref<10240x128xf32, #tpu.memory_space<vmem_shared>>
          tpu.enqueue_indirect_dma source(%dma_start3A_86 : memref<64x128xf32, #tpu.memory_space<vmem>>) target(%dma_start3A_92 : memref<10240x128xf32, #tpu.memory_space<vmem_shared>>) offsets(%dma_start3A_89 : memref<64xi32, #tpu.memory_space<vmem>>) semaphore(%run_scoped3A_83 : memref<!tpu.dma_semaphore, #tpu.memory_space<semaphore_mem>>) {add = true}
          %dma_wait3A = arith.constant 0 : i32
          %dma_wait3A_93 = arith.constant 0 : i32
          %dma_wait3A_94 = tpu.memref_slice %arg8[%run_scoped3A_62, %dma_wait3A, %dma_wait3A_93] : memref<4x64x128xf32, #tpu.memory_space<vmem>> -> memref<1x64x128xf32, #tpu.memory_space<vmem>>
          %dma_wait3A_95 = tpu.memref_squeeze %dma_wait3A_94 : memref<1x64x128xf32, #tpu.memory_space<vmem>> -> memref<64x128xf32, #tpu.memory_space<vmem>>
          %dma_wait3A_96 = arith.constant 0 : i32
          %dma_wait3A_97 = tpu.memref_slice %arg7[%run_scoped3A_63, %dma_wait3A_96] : memref<16x64xi32, #tpu.memory_space<vmem>> -> memref<1x64xi32, #tpu.memory_space<vmem>>
          %dma_wait3A_98 = tpu.memref_squeeze %dma_wait3A_97 : memref<1x64xi32, #tpu.memory_space<vmem>> -> memref<64xi32, #tpu.memory_space<vmem>>
          %dma_wait3A_99 = arith.constant 0 : i32
          %dma_wait3A_100 = arith.constant 0 : i32
          %dma_wait3A_101 = tpu.memref_slice %arg9[%dma_wait3A_99, %dma_wait3A_100] : memref<10240x128xf32, #tpu.memory_space<vmem_shared>> -> memref<10240x128xf32, #tpu.memory_space<vmem_shared>>
          tpu.wait_indirect_dma semaphore(%run_scoped3A_83 : memref<!tpu.dma_semaphore, #tpu.memory_space<semaphore_mem>>) src(%dma_wait3A_95 : memref<64x128xf32, #tpu.memory_space<vmem>>) dst(%dma_wait3A_101 : memref<10240x128xf32, #tpu.memory_space<vmem_shared>>)
          tpu.yield
        }) : () -> ()
        %run_scoped3A_64 = arith.constant 0 : i32
        %run_scoped3A_65 = arith.constant 7 : i32
        "tpu.region"() ({
          %run_scoped3A_83 = tpu.sem_alloc : memref<!tpu.dma_semaphore, #tpu.memory_space<semaphore_mem>>
          %dma_start3A = arith.constant 0 : i32
          %dma_start3A_84 = arith.constant 0 : i32
          %dma_start3A_85 = tpu.memref_slice %arg8[%run_scoped3A_64, %dma_start3A, %dma_start3A_84] : memref<4x64x128xf32, #tpu.memory_space<vmem>> -> memref<1x64x128xf32, #tpu.memory_space<vmem>>
          %dma_start3A_86 = tpu.memref_squeeze %dma_start3A_85 : memref<1x64x128xf32, #tpu.memory_space<vmem>> -> memref<64x128xf32, #tpu.memory_space<vmem>>
          %dma_start3A_87 = arith.constant 0 : i32
          %dma_start3A_88 = tpu.memref_slice %arg7[%run_scoped3A_65, %dma_start3A_87] : memref<16x64xi32, #tpu.memory_space<vmem>> -> memref<1x64xi32, #tpu.memory_space<vmem>>
          %dma_start3A_89 = tpu.memref_squeeze %dma_start3A_88 : memref<1x64xi32, #tpu.memory_space<vmem>> -> memref<64xi32, #tpu.memory_space<vmem>>
          %dma_start3A_90 = arith.constant 0 : i32
          %dma_start3A_91 = arith.constant 0 : i32
          %dma_start3A_92 = tpu.memref_slice %arg9[%dma_start3A_90, %dma_start3A_91] : memref<10240x128xf32, #tpu.memory_space<vmem_shared>> -> memref<10240x128xf32, #tpu.memory_space<vmem_shared>>
          tpu.enqueue_indirect_dma source(%dma_start3A_86 : memref<64x128xf32, #tpu.memory_space<vmem>>) target(%dma_start3A_92 : memref<10240x128xf32, #tpu.memory_space<vmem_shared>>) offsets(%dma_start3A_89 : memref<64xi32, #tpu.memory_space<vmem>>) semaphore(%run_scoped3A_83 : memref<!tpu.dma_semaphore, #tpu.memory_space<semaphore_mem>>) {add = true}
          %dma_wait3A = arith.constant 0 : i32
          %dma_wait3A_93 = arith.constant 0 : i32
          %dma_wait3A_94 = tpu.memref_slice %arg8[%run_scoped3A_64, %dma_wait3A, %dma_wait3A_93] : memref<4x64x128xf32, #tpu.memory_space<vmem>> -> memref<1x64x128xf32, #tpu.memory_space<vmem>>
          %dma_wait3A_95 = tpu.memref_squeeze %dma_wait3A_94 : memref<1x64x128xf32, #tpu.memory_space<vmem>> -> memref<64x128xf32, #tpu.memory_space<vmem>>
          %dma_wait3A_96 = arith.constant 0 : i32
          %dma_wait3A_97 = tpu.memref_slice %arg7[%run_scoped3A_65, %dma_wait3A_96] : memref<16x64xi32, #tpu.memory_space<vmem>> -> memref<1x64xi32, #tpu.memory_space<vmem>>
          %dma_wait3A_98 = tpu.memref_squeeze %dma_wait3A_97 : memref<1x64xi32, #tpu.memory_space<vmem>> -> memref<64xi32, #tpu.memory_space<vmem>>
          %dma_wait3A_99 = arith.constant 0 : i32
          %dma_wait3A_100 = arith.constant 0 : i32
          %dma_wait3A_101 = tpu.memref_slice %arg9[%dma_wait3A_99, %dma_wait3A_100] : memref<10240x128xf32, #tpu.memory_space<vmem_shared>> -> memref<10240x128xf32, #tpu.memory_space<vmem_shared>>
          tpu.wait_indirect_dma semaphore(%run_scoped3A_83 : memref<!tpu.dma_semaphore, #tpu.memory_space<semaphore_mem>>) src(%dma_wait3A_95 : memref<64x128xf32, #tpu.memory_space<vmem>>) dst(%dma_wait3A_101 : memref<10240x128xf32, #tpu.memory_space<vmem_shared>>)
          tpu.yield
        }) : () -> ()
        %run_scoped3A_66 = arith.constant 0 : i32
        %run_scoped3A_67 = arith.constant 8 : i32
        "tpu.region"() ({
          %run_scoped3A_83 = tpu.sem_alloc : memref<!tpu.dma_semaphore, #tpu.memory_space<semaphore_mem>>
          %dma_start3A = arith.constant 0 : i32
          %dma_start3A_84 = arith.constant 0 : i32
          %dma_start3A_85 = tpu.memref_slice %arg8[%run_scoped3A_66, %dma_start3A, %dma_start3A_84] : memref<4x64x128xf32, #tpu.memory_space<vmem>> -> memref<1x64x128xf32, #tpu.memory_space<vmem>>
          %dma_start3A_86 = tpu.memref_squeeze %dma_start3A_85 : memref<1x64x128xf32, #tpu.memory_space<vmem>> -> memref<64x128xf32, #tpu.memory_space<vmem>>
          %dma_start3A_87 = arith.constant 0 : i32
          %dma_start3A_88 = tpu.memref_slice %arg7[%run_scoped3A_67, %dma_start3A_87] : memref<16x64xi32, #tpu.memory_space<vmem>> -> memref<1x64xi32, #tpu.memory_space<vmem>>
          %dma_start3A_89 = tpu.memref_squeeze %dma_start3A_88 : memref<1x64xi32, #tpu.memory_space<vmem>> -> memref<64xi32, #tpu.memory_space<vmem>>
          %dma_start3A_90 = arith.constant 0 : i32
          %dma_start3A_91 = arith.constant 0 : i32
          %dma_start3A_92 = tpu.memref_slice %arg9[%dma_start3A_90, %dma_start3A_91] : memref<10240x128xf32, #tpu.memory_space<vmem_shared>> -> memref<10240x128xf32, #tpu.memory_space<vmem_shared>>
          tpu.enqueue_indirect_dma source(%dma_start3A_86 : memref<64x128xf32, #tpu.memory_space<vmem>>) target(%dma_start3A_92 : memref<10240x128xf32, #tpu.memory_space<vmem_shared>>) offsets(%dma_start3A_89 : memref<64xi32, #tpu.memory_space<vmem>>) semaphore(%run_scoped3A_83 : memref<!tpu.dma_semaphore, #tpu.memory_space<semaphore_mem>>) {add = true}
          %dma_wait3A = arith.constant 0 : i32
          %dma_wait3A_93 = arith.constant 0 : i32
          %dma_wait3A_94 = tpu.memref_slice %arg8[%run_scoped3A_66, %dma_wait3A, %dma_wait3A_93] : memref<4x64x128xf32, #tpu.memory_space<vmem>> -> memref<1x64x128xf32, #tpu.memory_space<vmem>>
          %dma_wait3A_95 = tpu.memref_squeeze %dma_wait3A_94 : memref<1x64x128xf32, #tpu.memory_space<vmem>> -> memref<64x128xf32, #tpu.memory_space<vmem>>
          %dma_wait3A_96 = arith.constant 0 : i32
          %dma_wait3A_97 = tpu.memref_slice %arg7[%run_scoped3A_67, %dma_wait3A_96] : memref<16x64xi32, #tpu.memory_space<vmem>> -> memref<1x64xi32, #tpu.memory_space<vmem>>
          %dma_wait3A_98 = tpu.memref_squeeze %dma_wait3A_97 : memref<1x64xi32, #tpu.memory_space<vmem>> -> memref<64xi32, #tpu.memory_space<vmem>>
          %dma_wait3A_99 = arith.constant 0 : i32
          %dma_wait3A_100 = arith.constant 0 : i32
          %dma_wait3A_101 = tpu.memref_slice %arg9[%dma_wait3A_99, %dma_wait3A_100] : memref<10240x128xf32, #tpu.memory_space<vmem_shared>> -> memref<10240x128xf32, #tpu.memory_space<vmem_shared>>
          tpu.wait_indirect_dma semaphore(%run_scoped3A_83 : memref<!tpu.dma_semaphore, #tpu.memory_space<semaphore_mem>>) src(%dma_wait3A_95 : memref<64x128xf32, #tpu.memory_space<vmem>>) dst(%dma_wait3A_101 : memref<10240x128xf32, #tpu.memory_space<vmem_shared>>)
          tpu.yield
        }) : () -> ()
        %run_scoped3A_68 = arith.constant 0 : i32
        %run_scoped3A_69 = arith.constant 9 : i32
        "tpu.region"() ({
          %run_scoped3A_83 = tpu.sem_alloc : memref<!tpu.dma_semaphore, #tpu.memory_space<semaphore_mem>>
          %dma_start3A = arith.constant 0 : i32
          %dma_start3A_84 = arith.constant 0 : i32
          %dma_start3A_85 = tpu.memref_slice %arg8[%run_scoped3A_68, %dma_start3A, %dma_start3A_84] : memref<4x64x128xf32, #tpu.memory_space<vmem>> -> memref<1x64x128xf32, #tpu.memory_space<vmem>>
          %dma_start3A_86 = tpu.memref_squeeze %dma_start3A_85 : memref<1x64x128xf32, #tpu.memory_space<vmem>> -> memref<64x128xf32, #tpu.memory_space<vmem>>
          %dma_start3A_87 = arith.constant 0 : i32
          %dma_start3A_88 = tpu.memref_slice %arg7[%run_scoped3A_69, %dma_start3A_87] : memref<16x64xi32, #tpu.memory_space<vmem>> -> memref<1x64xi32, #tpu.memory_space<vmem>>
          %dma_start3A_89 = tpu.memref_squeeze %dma_start3A_88 : memref<1x64xi32, #tpu.memory_space<vmem>> -> memref<64xi32, #tpu.memory_space<vmem>>
          %dma_start3A_90 = arith.constant 0 : i32
          %dma_start3A_91 = arith.constant 0 : i32
          %dma_start3A_92 = tpu.memref_slice %arg9[%dma_start3A_90, %dma_start3A_91] : memref<10240x128xf32, #tpu.memory_space<vmem_shared>> -> memref<10240x128xf32, #tpu.memory_space<vmem_shared>>
          tpu.enqueue_indirect_dma source(%dma_start3A_86 : memref<64x128xf32, #tpu.memory_space<vmem>>) target(%dma_start3A_92 : memref<10240x128xf32, #tpu.memory_space<vmem_shared>>) offsets(%dma_start3A_89 : memref<64xi32, #tpu.memory_space<vmem>>) semaphore(%run_scoped3A_83 : memref<!tpu.dma_semaphore, #tpu.memory_space<semaphore_mem>>) {add = true}
          %dma_wait3A = arith.constant 0 : i32
          %dma_wait3A_93 = arith.constant 0 : i32
          %dma_wait3A_94 = tpu.memref_slice %arg8[%run_scoped3A_68, %dma_wait3A, %dma_wait3A_93] : memref<4x64x128xf32, #tpu.memory_space<vmem>> -> memref<1x64x128xf32, #tpu.memory_space<vmem>>
          %dma_wait3A_95 = tpu.memref_squeeze %dma_wait3A_94 : memref<1x64x128xf32, #tpu.memory_space<vmem>> -> memref<64x128xf32, #tpu.memory_space<vmem>>
          %dma_wait3A_96 = arith.constant 0 : i32
          %dma_wait3A_97 = tpu.memref_slice %arg7[%run_scoped3A_69, %dma_wait3A_96] : memref<16x64xi32, #tpu.memory_space<vmem>> -> memref<1x64xi32, #tpu.memory_space<vmem>>
          %dma_wait3A_98 = tpu.memref_squeeze %dma_wait3A_97 : memref<1x64xi32, #tpu.memory_space<vmem>> -> memref<64xi32, #tpu.memory_space<vmem>>
          %dma_wait3A_99 = arith.constant 0 : i32
          %dma_wait3A_100 = arith.constant 0 : i32
          %dma_wait3A_101 = tpu.memref_slice %arg9[%dma_wait3A_99, %dma_wait3A_100] : memref<10240x128xf32, #tpu.memory_space<vmem_shared>> -> memref<10240x128xf32, #tpu.memory_space<vmem_shared>>
          tpu.wait_indirect_dma semaphore(%run_scoped3A_83 : memref<!tpu.dma_semaphore, #tpu.memory_space<semaphore_mem>>) src(%dma_wait3A_95 : memref<64x128xf32, #tpu.memory_space<vmem>>) dst(%dma_wait3A_101 : memref<10240x128xf32, #tpu.memory_space<vmem_shared>>)
          tpu.yield
        }) : () -> ()
        %run_scoped3A_70 = arith.constant 0 : i32
        %run_scoped3A_71 = arith.constant 10 : i32
        "tpu.region"() ({
          %run_scoped3A_83 = tpu.sem_alloc : memref<!tpu.dma_semaphore, #tpu.memory_space<semaphore_mem>>
          %dma_start3A = arith.constant 0 : i32
          %dma_start3A_84 = arith.constant 0 : i32
          %dma_start3A_85 = tpu.memref_slice %arg8[%run_scoped3A_70, %dma_start3A, %dma_start3A_84] : memref<4x64x128xf32, #tpu.memory_space<vmem>> -> memref<1x64x128xf32, #tpu.memory_space<vmem>>
          %dma_start3A_86 = tpu.memref_squeeze %dma_start3A_85 : memref<1x64x128xf32, #tpu.memory_space<vmem>> -> memref<64x128xf32, #tpu.memory_space<vmem>>
          %dma_start3A_87 = arith.constant 0 : i32
          %dma_start3A_88 = tpu.memref_slice %arg7[%run_scoped3A_71, %dma_start3A_87] : memref<16x64xi32, #tpu.memory_space<vmem>> -> memref<1x64xi32, #tpu.memory_space<vmem>>
          %dma_start3A_89 = tpu.memref_squeeze %dma_start3A_88 : memref<1x64xi32, #tpu.memory_space<vmem>> -> memref<64xi32, #tpu.memory_space<vmem>>
          %dma_start3A_90 = arith.constant 0 : i32
          %dma_start3A_91 = arith.constant 0 : i32
          %dma_start3A_92 = tpu.memref_slice %arg9[%dma_start3A_90, %dma_start3A_91] : memref<10240x128xf32, #tpu.memory_space<vmem_shared>> -> memref<10240x128xf32, #tpu.memory_space<vmem_shared>>
          tpu.enqueue_indirect_dma source(%dma_start3A_86 : memref<64x128xf32, #tpu.memory_space<vmem>>) target(%dma_start3A_92 : memref<10240x128xf32, #tpu.memory_space<vmem_shared>>) offsets(%dma_start3A_89 : memref<64xi32, #tpu.memory_space<vmem>>) semaphore(%run_scoped3A_83 : memref<!tpu.dma_semaphore, #tpu.memory_space<semaphore_mem>>) {add = true}
          %dma_wait3A = arith.constant 0 : i32
          %dma_wait3A_93 = arith.constant 0 : i32
          %dma_wait3A_94 = tpu.memref_slice %arg8[%run_scoped3A_70, %dma_wait3A, %dma_wait3A_93] : memref<4x64x128xf32, #tpu.memory_space<vmem>> -> memref<1x64x128xf32, #tpu.memory_space<vmem>>
          %dma_wait3A_95 = tpu.memref_squeeze %dma_wait3A_94 : memref<1x64x128xf32, #tpu.memory_space<vmem>> -> memref<64x128xf32, #tpu.memory_space<vmem>>
          %dma_wait3A_96 = arith.constant 0 : i32
          %dma_wait3A_97 = tpu.memref_slice %arg7[%run_scoped3A_71, %dma_wait3A_96] : memref<16x64xi32, #tpu.memory_space<vmem>> -> memref<1x64xi32, #tpu.memory_space<vmem>>
          %dma_wait3A_98 = tpu.memref_squeeze %dma_wait3A_97 : memref<1x64xi32, #tpu.memory_space<vmem>> -> memref<64xi32, #tpu.memory_space<vmem>>
          %dma_wait3A_99 = arith.constant 0 : i32
          %dma_wait3A_100 = arith.constant 0 : i32
          %dma_wait3A_101 = tpu.memref_slice %arg9[%dma_wait3A_99, %dma_wait3A_100] : memref<10240x128xf32, #tpu.memory_space<vmem_shared>> -> memref<10240x128xf32, #tpu.memory_space<vmem_shared>>
          tpu.wait_indirect_dma semaphore(%run_scoped3A_83 : memref<!tpu.dma_semaphore, #tpu.memory_space<semaphore_mem>>) src(%dma_wait3A_95 : memref<64x128xf32, #tpu.memory_space<vmem>>) dst(%dma_wait3A_101 : memref<10240x128xf32, #tpu.memory_space<vmem_shared>>)
          tpu.yield
        }) : () -> ()
        %run_scoped3A_72 = arith.constant 0 : i32
        %run_scoped3A_73 = arith.constant 11 : i32
        "tpu.region"() ({
          %run_scoped3A_83 = tpu.sem_alloc : memref<!tpu.dma_semaphore, #tpu.memory_space<semaphore_mem>>
          %dma_start3A = arith.constant 0 : i32
          %dma_start3A_84 = arith.constant 0 : i32
          %dma_start3A_85 = tpu.memref_slice %arg8[%run_scoped3A_72, %dma_start3A, %dma_start3A_84] : memref<4x64x128xf32, #tpu.memory_space<vmem>> -> memref<1x64x128xf32, #tpu.memory_space<vmem>>
          %dma_start3A_86 = tpu.memref_squeeze %dma_start3A_85 : memref<1x64x128xf32, #tpu.memory_space<vmem>> -> memref<64x128xf32, #tpu.memory_space<vmem>>
          %dma_start3A_87 = arith.constant 0 : i32
          %dma_start3A_88 = tpu.memref_slice %arg7[%run_scoped3A_73, %dma_start3A_87] : memref<16x64xi32, #tpu.memory_space<vmem>> -> memref<1x64xi32, #tpu.memory_space<vmem>>
          %dma_start3A_89 = tpu.memref_squeeze %dma_start3A_88 : memref<1x64xi32, #tpu.memory_space<vmem>> -> memref<64xi32, #tpu.memory_space<vmem>>
          %dma_start3A_90 = arith.constant 0 : i32
          %dma_start3A_91 = arith.constant 0 : i32
          %dma_start3A_92 = tpu.memref_slice %arg9[%dma_start3A_90, %dma_start3A_91] : memref<10240x128xf32, #tpu.memory_space<vmem_shared>> -> memref<10240x128xf32, #tpu.memory_space<vmem_shared>>
          tpu.enqueue_indirect_dma source(%dma_start3A_86 : memref<64x128xf32, #tpu.memory_space<vmem>>) target(%dma_start3A_92 : memref<10240x128xf32, #tpu.memory_space<vmem_shared>>) offsets(%dma_start3A_89 : memref<64xi32, #tpu.memory_space<vmem>>) semaphore(%run_scoped3A_83 : memref<!tpu.dma_semaphore, #tpu.memory_space<semaphore_mem>>) {add = true}
          %dma_wait3A = arith.constant 0 : i32
          %dma_wait3A_93 = arith.constant 0 : i32
          %dma_wait3A_94 = tpu.memref_slice %arg8[%run_scoped3A_72, %dma_wait3A, %dma_wait3A_93] : memref<4x64x128xf32, #tpu.memory_space<vmem>> -> memref<1x64x128xf32, #tpu.memory_space<vmem>>
          %dma_wait3A_95 = tpu.memref_squeeze %dma_wait3A_94 : memref<1x64x128xf32, #tpu.memory_space<vmem>> -> memref<64x128xf32, #tpu.memory_space<vmem>>
          %dma_wait3A_96 = arith.constant 0 : i32
          %dma_wait3A_97 = tpu.memref_slice %arg7[%run_scoped3A_73, %dma_wait3A_96] : memref<16x64xi32, #tpu.memory_space<vmem>> -> memref<1x64xi32, #tpu.memory_space<vmem>>
          %dma_wait3A_98 = tpu.memref_squeeze %dma_wait3A_97 : memref<1x64xi32, #tpu.memory_space<vmem>> -> memref<64xi32, #tpu.memory_space<vmem>>
          %dma_wait3A_99 = arith.constant 0 : i32
          %dma_wait3A_100 = arith.constant 0 : i32
          %dma_wait3A_101 = tpu.memref_slice %arg9[%dma_wait3A_99, %dma_wait3A_100] : memref<10240x128xf32, #tpu.memory_space<vmem_shared>> -> memref<10240x128xf32, #tpu.memory_space<vmem_shared>>
          tpu.wait_indirect_dma semaphore(%run_scoped3A_83 : memref<!tpu.dma_semaphore, #tpu.memory_space<semaphore_mem>>) src(%dma_wait3A_95 : memref<64x128xf32, #tpu.memory_space<vmem>>) dst(%dma_wait3A_101 : memref<10240x128xf32, #tpu.memory_space<vmem_shared>>)
          tpu.yield
        }) : () -> ()
        %run_scoped3A_74 = arith.constant 0 : i32
        %run_scoped3A_75 = arith.constant 12 : i32
        "tpu.region"() ({
          %run_scoped3A_83 = tpu.sem_alloc : memref<!tpu.dma_semaphore, #tpu.memory_space<semaphore_mem>>
          %dma_start3A = arith.constant 0 : i32
          %dma_start3A_84 = arith.constant 0 : i32
          %dma_start3A_85 = tpu.memref_slice %arg8[%run_scoped3A_74, %dma_start3A, %dma_start3A_84] : memref<4x64x128xf32, #tpu.memory_space<vmem>> -> memref<1x64x128xf32, #tpu.memory_space<vmem>>
          %dma_start3A_86 = tpu.memref_squeeze %dma_start3A_85 : memref<1x64x128xf32, #tpu.memory_space<vmem>> -> memref<64x128xf32, #tpu.memory_space<vmem>>
          %dma_start3A_87 = arith.constant 0 : i32
          %dma_start3A_88 = tpu.memref_slice %arg7[%run_scoped3A_75, %dma_start3A_87] : memref<16x64xi32, #tpu.memory_space<vmem>> -> memref<1x64xi32, #tpu.memory_space<vmem>>
          %dma_start3A_89 = tpu.memref_squeeze %dma_start3A_88 : memref<1x64xi32, #tpu.memory_space<vmem>> -> memref<64xi32, #tpu.memory_space<vmem>>
          %dma_start3A_90 = arith.constant 0 : i32
          %dma_start3A_91 = arith.constant 0 : i32
          %dma_start3A_92 = tpu.memref_slice %arg9[%dma_start3A_90, %dma_start3A_91] : memref<10240x128xf32, #tpu.memory_space<vmem_shared>> -> memref<10240x128xf32, #tpu.memory_space<vmem_shared>>
          tpu.enqueue_indirect_dma source(%dma_start3A_86 : memref<64x128xf32, #tpu.memory_space<vmem>>) target(%dma_start3A_92 : memref<10240x128xf32, #tpu.memory_space<vmem_shared>>) offsets(%dma_start3A_89 : memref<64xi32, #tpu.memory_space<vmem>>) semaphore(%run_scoped3A_83 : memref<!tpu.dma_semaphore, #tpu.memory_space<semaphore_mem>>) {add = true}
          %dma_wait3A = arith.constant 0 : i32
          %dma_wait3A_93 = arith.constant 0 : i32
          %dma_wait3A_94 = tpu.memref_slice %arg8[%run_scoped3A_74, %dma_wait3A, %dma_wait3A_93] : memref<4x64x128xf32, #tpu.memory_space<vmem>> -> memref<1x64x128xf32, #tpu.memory_space<vmem>>
          %dma_wait3A_95 = tpu.memref_squeeze %dma_wait3A_94 : memref<1x64x128xf32, #tpu.memory_space<vmem>> -> memref<64x128xf32, #tpu.memory_space<vmem>>
          %dma_wait3A_96 = arith.constant 0 : i32
          %dma_wait3A_97 = tpu.memref_slice %arg7[%run_scoped3A_75, %dma_wait3A_96] : memref<16x64xi32, #tpu.memory_space<vmem>> -> memref<1x64xi32, #tpu.memory_space<vmem>>
          %dma_wait3A_98 = tpu.memref_squeeze %dma_wait3A_97 : memref<1x64xi32, #tpu.memory_space<vmem>> -> memref<64xi32, #tpu.memory_space<vmem>>
          %dma_wait3A_99 = arith.constant 0 : i32
          %dma_wait3A_100 = arith.constant 0 : i32
          %dma_wait3A_101 = tpu.memref_slice %arg9[%dma_wait3A_99, %dma_wait3A_100] : memref<10240x128xf32, #tpu.memory_space<vmem_shared>> -> memref<10240x128xf32, #tpu.memory_space<vmem_shared>>
          tpu.wait_indirect_dma semaphore(%run_scoped3A_83 : memref<!tpu.dma_semaphore, #tpu.memory_space<semaphore_mem>>) src(%dma_wait3A_95 : memref<64x128xf32, #tpu.memory_space<vmem>>) dst(%dma_wait3A_101 : memref<10240x128xf32, #tpu.memory_space<vmem_shared>>)
          tpu.yield
        }) : () -> ()
        %run_scoped3A_76 = arith.constant 0 : i32
        %run_scoped3A_77 = arith.constant 13 : i32
        "tpu.region"() ({
          %run_scoped3A_83 = tpu.sem_alloc : memref<!tpu.dma_semaphore, #tpu.memory_space<semaphore_mem>>
          %dma_start3A = arith.constant 0 : i32
          %dma_start3A_84 = arith.constant 0 : i32
          %dma_start3A_85 = tpu.memref_slice %arg8[%run_scoped3A_76, %dma_start3A, %dma_start3A_84] : memref<4x64x128xf32, #tpu.memory_space<vmem>> -> memref<1x64x128xf32, #tpu.memory_space<vmem>>
          %dma_start3A_86 = tpu.memref_squeeze %dma_start3A_85 : memref<1x64x128xf32, #tpu.memory_space<vmem>> -> memref<64x128xf32, #tpu.memory_space<vmem>>
          %dma_start3A_87 = arith.constant 0 : i32
          %dma_start3A_88 = tpu.memref_slice %arg7[%run_scoped3A_77, %dma_start3A_87] : memref<16x64xi32, #tpu.memory_space<vmem>> -> memref<1x64xi32, #tpu.memory_space<vmem>>
          %dma_start3A_89 = tpu.memref_squeeze %dma_start3A_88 : memref<1x64xi32, #tpu.memory_space<vmem>> -> memref<64xi32, #tpu.memory_space<vmem>>
          %dma_start3A_90 = arith.constant 0 : i32
          %dma_start3A_91 = arith.constant 0 : i32
          %dma_start3A_92 = tpu.memref_slice %arg9[%dma_start3A_90, %dma_start3A_91] : memref<10240x128xf32, #tpu.memory_space<vmem_shared>> -> memref<10240x128xf32, #tpu.memory_space<vmem_shared>>
          tpu.enqueue_indirect_dma source(%dma_start3A_86 : memref<64x128xf32, #tpu.memory_space<vmem>>) target(%dma_start3A_92 : memref<10240x128xf32, #tpu.memory_space<vmem_shared>>) offsets(%dma_start3A_89 : memref<64xi32, #tpu.memory_space<vmem>>) semaphore(%run_scoped3A_83 : memref<!tpu.dma_semaphore, #tpu.memory_space<semaphore_mem>>) {add = true}
          %dma_wait3A = arith.constant 0 : i32
          %dma_wait3A_93 = arith.constant 0 : i32
          %dma_wait3A_94 = tpu.memref_slice %arg8[%run_scoped3A_76, %dma_wait3A, %dma_wait3A_93] : memref<4x64x128xf32, #tpu.memory_space<vmem>> -> memref<1x64x128xf32, #tpu.memory_space<vmem>>
          %dma_wait3A_95 = tpu.memref_squeeze %dma_wait3A_94 : memref<1x64x128xf32, #tpu.memory_space<vmem>> -> memref<64x128xf32, #tpu.memory_space<vmem>>
          %dma_wait3A_96 = arith.constant 0 : i32
          %dma_wait3A_97 = tpu.memref_slice %arg7[%run_scoped3A_77, %dma_wait3A_96] : memref<16x64xi32, #tpu.memory_space<vmem>> -> memref<1x64xi32, #tpu.memory_space<vmem>>
          %dma_wait3A_98 = tpu.memref_squeeze %dma_wait3A_97 : memref<1x64xi32, #tpu.memory_space<vmem>> -> memref<64xi32, #tpu.memory_space<vmem>>
          %dma_wait3A_99 = arith.constant 0 : i32
          %dma_wait3A_100 = arith.constant 0 : i32
          %dma_wait3A_101 = tpu.memref_slice %arg9[%dma_wait3A_99, %dma_wait3A_100] : memref<10240x128xf32, #tpu.memory_space<vmem_shared>> -> memref<10240x128xf32, #tpu.memory_space<vmem_shared>>
          tpu.wait_indirect_dma semaphore(%run_scoped3A_83 : memref<!tpu.dma_semaphore, #tpu.memory_space<semaphore_mem>>) src(%dma_wait3A_95 : memref<64x128xf32, #tpu.memory_space<vmem>>) dst(%dma_wait3A_101 : memref<10240x128xf32, #tpu.memory_space<vmem_shared>>)
          tpu.yield
        }) : () -> ()
        %run_scoped3A_78 = arith.constant 0 : i32
        %run_scoped3A_79 = arith.constant 14 : i32
        "tpu.region"() ({
          %run_scoped3A_83 = tpu.sem_alloc : memref<!tpu.dma_semaphore, #tpu.memory_space<semaphore_mem>>
          %dma_start3A = arith.constant 0 : i32
          %dma_start3A_84 = arith.constant 0 : i32
          %dma_start3A_85 = tpu.memref_slice %arg8[%run_scoped3A_78, %dma_start3A, %dma_start3A_84] : memref<4x64x128xf32, #tpu.memory_space<vmem>> -> memref<1x64x128xf32, #tpu.memory_space<vmem>>
          %dma_start3A_86 = tpu.memref_squeeze %dma_start3A_85 : memref<1x64x128xf32, #tpu.memory_space<vmem>> -> memref<64x128xf32, #tpu.memory_space<vmem>>
          %dma_start3A_87 = arith.constant 0 : i32
          %dma_start3A_88 = tpu.memref_slice %arg7[%run_scoped3A_79, %dma_start3A_87] : memref<16x64xi32, #tpu.memory_space<vmem>> -> memref<1x64xi32, #tpu.memory_space<vmem>>
          %dma_start3A_89 = tpu.memref_squeeze %dma_start3A_88 : memref<1x64xi32, #tpu.memory_space<vmem>> -> memref<64xi32, #tpu.memory_space<vmem>>
          %dma_start3A_90 = arith.constant 0 : i32
          %dma_start3A_91 = arith.constant 0 : i32
          %dma_start3A_92 = tpu.memref_slice %arg9[%dma_start3A_90, %dma_start3A_91] : memref<10240x128xf32, #tpu.memory_space<vmem_shared>> -> memref<10240x128xf32, #tpu.memory_space<vmem_shared>>
          tpu.enqueue_indirect_dma source(%dma_start3A_86 : memref<64x128xf32, #tpu.memory_space<vmem>>) target(%dma_start3A_92 : memref<10240x128xf32, #tpu.memory_space<vmem_shared>>) offsets(%dma_start3A_89 : memref<64xi32, #tpu.memory_space<vmem>>) semaphore(%run_scoped3A_83 : memref<!tpu.dma_semaphore, #tpu.memory_space<semaphore_mem>>) {add = true}
          %dma_wait3A = arith.constant 0 : i32
          %dma_wait3A_93 = arith.constant 0 : i32
          %dma_wait3A_94 = tpu.memref_slice %arg8[%run_scoped3A_78, %dma_wait3A, %dma_wait3A_93] : memref<4x64x128xf32, #tpu.memory_space<vmem>> -> memref<1x64x128xf32, #tpu.memory_space<vmem>>
          %dma_wait3A_95 = tpu.memref_squeeze %dma_wait3A_94 : memref<1x64x128xf32, #tpu.memory_space<vmem>> -> memref<64x128xf32, #tpu.memory_space<vmem>>
          %dma_wait3A_96 = arith.constant 0 : i32
          %dma_wait3A_97 = tpu.memref_slice %arg7[%run_scoped3A_79, %dma_wait3A_96] : memref<16x64xi32, #tpu.memory_space<vmem>> -> memref<1x64xi32, #tpu.memory_space<vmem>>
          %dma_wait3A_98 = tpu.memref_squeeze %dma_wait3A_97 : memref<1x64xi32, #tpu.memory_space<vmem>> -> memref<64xi32, #tpu.memory_space<vmem>>
          %dma_wait3A_99 = arith.constant 0 : i32
          %dma_wait3A_100 = arith.constant 0 : i32
          %dma_wait3A_101 = tpu.memref_slice %arg9[%dma_wait3A_99, %dma_wait3A_100] : memref<10240x128xf32, #tpu.memory_space<vmem_shared>> -> memref<10240x128xf32, #tpu.memory_space<vmem_shared>>
          tpu.wait_indirect_dma semaphore(%run_scoped3A_83 : memref<!tpu.dma_semaphore, #tpu.memory_space<semaphore_mem>>) src(%dma_wait3A_95 : memref<64x128xf32, #tpu.memory_space<vmem>>) dst(%dma_wait3A_101 : memref<10240x128xf32, #tpu.memory_space<vmem_shared>>)
          tpu.yield
        }) : () -> ()
        %run_scoped3A_80 = arith.constant 0 : i32
        %run_scoped3A_81 = arith.constant 15 : i32
        "tpu.region"() ({
          %run_scoped3A_83 = tpu.sem_alloc : memref<!tpu.dma_semaphore, #tpu.memory_space<semaphore_mem>>
          %dma_start3A = arith.constant 0 : i32
          %dma_start3A_84 = arith.constant 0 : i32
          %dma_start3A_85 = tpu.memref_slice %arg8[%run_scoped3A_80, %dma_start3A, %dma_start3A_84] : memref<4x64x128xf32, #tpu.memory_space<vmem>> -> memref<1x64x128xf32, #tpu.memory_space<vmem>>
          %dma_start3A_86 = tpu.memref_squeeze %dma_start3A_85 : memref<1x64x128xf32, #tpu.memory_space<vmem>> -> memref<64x128xf32, #tpu.memory_space<vmem>>
          %dma_start3A_87 = arith.constant 0 : i32
          %dma_start3A_88 = tpu.memref_slice %arg7[%run_scoped3A_81, %dma_start3A_87] : memref<16x64xi32, #tpu.memory_space<vmem>> -> memref<1x64xi32, #tpu.memory_space<vmem>>
          %dma_start3A_89 = tpu.memref_squeeze %dma_start3A_88 : memref<1x64xi32, #tpu.memory_space<vmem>> -> memref<64xi32, #tpu.memory_space<vmem>>
          %dma_start3A_90 = arith.constant 0 : i32
          %dma_start3A_91 = arith.constant 0 : i32
          %dma_start3A_92 = tpu.memref_slice %arg9[%dma_start3A_90, %dma_start3A_91] : memref<10240x128xf32, #tpu.memory_space<vmem_shared>> -> memref<10240x128xf32, #tpu.memory_space<vmem_shared>>
          tpu.enqueue_indirect_dma source(%dma_start3A_86 : memref<64x128xf32, #tpu.memory_space<vmem>>) target(%dma_start3A_92 : memref<10240x128xf32, #tpu.memory_space<vmem_shared>>) offsets(%dma_start3A_89 : memref<64xi32, #tpu.memory_space<vmem>>) semaphore(%run_scoped3A_83 : memref<!tpu.dma_semaphore, #tpu.memory_space<semaphore_mem>>) {add = true}
          %dma_wait3A = arith.constant 0 : i32
          %dma_wait3A_93 = arith.constant 0 : i32
          %dma_wait3A_94 = tpu.memref_slice %arg8[%run_scoped3A_80, %dma_wait3A, %dma_wait3A_93] : memref<4x64x128xf32, #tpu.memory_space<vmem>> -> memref<1x64x128xf32, #tpu.memory_space<vmem>>
          %dma_wait3A_95 = tpu.memref_squeeze %dma_wait3A_94 : memref<1x64x128xf32, #tpu.memory_space<vmem>> -> memref<64x128xf32, #tpu.memory_space<vmem>>
          %dma_wait3A_96 = arith.constant 0 : i32
          %dma_wait3A_97 = tpu.memref_slice %arg7[%run_scoped3A_81, %dma_wait3A_96] : memref<16x64xi32, #tpu.memory_space<vmem>> -> memref<1x64xi32, #tpu.memory_space<vmem>>
          %dma_wait3A_98 = tpu.memref_squeeze %dma_wait3A_97 : memref<1x64xi32, #tpu.memory_space<vmem>> -> memref<64xi32, #tpu.memory_space<vmem>>
          %dma_wait3A_99 = arith.constant 0 : i32
          %dma_wait3A_100 = arith.constant 0 : i32
          %dma_wait3A_101 = tpu.memref_slice %arg9[%dma_wait3A_99, %dma_wait3A_100] : memref<10240x128xf32, #tpu.memory_space<vmem_shared>> -> memref<10240x128xf32, #tpu.memory_space<vmem_shared>>
          tpu.wait_indirect_dma semaphore(%run_scoped3A_83 : memref<!tpu.dma_semaphore, #tpu.memory_space<semaphore_mem>>) src(%dma_wait3A_95 : memref<64x128xf32, #tpu.memory_space<vmem>>) dst(%dma_wait3A_101 : memref<10240x128xf32, #tpu.memory_space<vmem_shared>>)
          tpu.yield
        }) : () -> ()
        %scan3A_82 = arith.constant 0 : i32
        scf.yield %scan3A_82 : i32
      }
      %scan3A_46 = arith.constant 20 : i32
    } else {
    }
    %barrier3A_25 = arith.constant 0 : index
    tpu.barrier barrier_id(%barrier3A_25)
    %eq3A_26 = arith.constant 0 : i32
    %eq3A_27 = arith.cmpi eq, %arg0, %eq3A_26 : i32
    %or3A_28 = arith.constant true
    %or3A_29 = arith.ori %eq3A_27, %or3A_28 : i1
    %convert_element_type3A_30 = arith.extui %or3A_29 : i1 to i32
    %cond3A_31 = arith.constant 0 : i32
    %cond3A_32 = arith.cmpi ne, %convert_element_type3A_30, %cond3A_31 : i32
    scf.if %cond3A_32 {
      "tpu.region"() ({
        %run_scoped3A = tpu.sem_alloc : memref<!tpu.dma_semaphore, #tpu.memory_space<semaphore_mem>>
        %dma_start3A = arith.constant 0 : i32
        %dma_start3A_33 = tpu.memref_slice %arg5[%arg0, %mul3A_9, %dma_start3A] : memref<2x10240x128xf32, #tpu.memory_space<hbm>> -> memref<1x640x128xf32, #tpu.memory_space<hbm>>
        %dma_start3A_34 = tpu.memref_squeeze %dma_start3A_33 : memref<1x640x128xf32, #tpu.memory_space<hbm>> -> memref<640x128xf32, #tpu.memory_space<hbm>>
        %dma_start3A_35 = arith.constant 0 : i32
        %dma_start3A_36 = tpu.memref_slice %arg9[%mul3A_9, %dma_start3A_35] : memref<10240x128xf32, #tpu.memory_space<vmem_shared>> -> memref<640x128xf32, #tpu.memory_space<vmem_shared>>
        tpu.enqueue_dma source(%dma_start3A_36 : memref<640x128xf32, #tpu.memory_space<vmem_shared>>) target(%dma_start3A_34 : memref<640x128xf32, #tpu.memory_space<hbm>>) target_semaphore(%run_scoped3A : memref<!tpu.dma_semaphore, #tpu.memory_space<semaphore_mem>>)
        %dma_wait3A = arith.constant 0 : i32
        %dma_wait3A_37 = tpu.memref_slice %arg5[%arg0, %mul3A_9, %dma_wait3A] : memref<2x10240x128xf32, #tpu.memory_space<hbm>> -> memref<1x640x128xf32, #tpu.memory_space<hbm>>
        %dma_wait3A_38 = tpu.memref_squeeze %dma_wait3A_37 : memref<1x640x128xf32, #tpu.memory_space<hbm>> -> memref<640x128xf32, #tpu.memory_space<hbm>>
        %dma_wait3A_39 = arith.constant 0 : i32
        %dma_wait3A_40 = tpu.memref_slice %arg9[%mul3A_9, %dma_wait3A_39] : memref<10240x128xf32, #tpu.memory_space<vmem_shared>> -> memref<640x128xf32, #tpu.memory_space<vmem_shared>>
        tpu.wait_dma2 semaphore(%run_scoped3A : memref<!tpu.dma_semaphore, #tpu.memory_space<semaphore_mem>>) src(%dma_wait3A_40 : memref<640x128xf32, #tpu.memory_space<vmem_shared>>) dst(%dma_wait3A_38 : memref<640x128xf32, #tpu.memory_space<hbm>>)
        tpu.yield
      }) : () -> ()
    } else {
    }
    return
  }
}

#map = affine_map<(d0, d1) -> (0, 0)>
#map1 = affine_map<(d0, d1) -> (0, 0, 0)>
module attributes {stable_mosaic.version = 14 : i64} {
  func.func @body(%arg0: i32, %arg1: i32, %arg2: memref<5120x64xi32, #tpu.memory_space<hbm>>, %arg3: memref<5120x64xi32, #tpu.memory_space<hbm>>, %arg4: memref<10000x128xf32, #tpu.memory_space<hbm>>, %arg5: memref<2x10240x128xf32, #tpu.memory_space<hbm>>, %arg6: memref<16x64xi32, #tpu.memory_space<vmem>>, %arg7: memref<16x64xi32, #tpu.memory_space<vmem>>, %arg8: memref<4x64x128xf32, #tpu.memory_space<vmem>>, %arg9: memref<10240x128xf32, #tpu.memory_space<vmem_shared>>, %arg10: memref<!tpu.dma_semaphore, #tpu.memory_space<semaphore_mem>>, %arg11: memref<!tpu.dma_semaphore, #tpu.memory_space<semaphore_mem>>, %arg12: memref<!tpu.dma_semaphore, #tpu.memory_space<semaphore_mem>>, %arg13: memref<!tpu.dma_semaphore, #tpu.memory_space<semaphore_mem>>, %arg14: memref<!tpu.dma_semaphore, #tpu.memory_space<semaphore_mem>>, %arg15: memref<!tpu.dma_semaphore, #tpu.memory_space<semaphore_mem>>, %arg16: memref<!tpu.dma_semaphore, #tpu.memory_space<semaphore_mem>>, %arg17: memref<!tpu.dma_semaphore, #tpu.memory_space<semaphore_mem>>) attributes {dimension_semantics = [#tpu.dimension_semantics<core_parallel>, #tpu.dimension_semantics<subcore_parallel>], iteration_bounds = array<i64: 2, 16>, scalar_prefetch = 0 : i64, scratch_operands = 12 : i64, tpu.core_type = #tpu.core_type<sc_vector_subcore>, window_params = [{transform_indices = #map}, {transform_indices = #map}, {transform_indices = #map}, {transform_indices = #map1}]} {
    %broadcast_in_dim3A = arith.constant 0.000000e+00 : f32
    %broadcast_in_dim3A_0 = vector.broadcast %broadcast_in_dim3A : f32 to vector<16xf32>
    %broadcast_in_dim3A_1 = arith.constant 1.000000e+00 : f32
    %broadcast_in_dim3A_2 = vector.broadcast %broadcast_in_dim3A_1 : f32 to vector<16xf32>
    %scan3A = arith.constant 0 : i32
    %scan3A_3 = arith.constant 0 : i32
    %scan3A_4 = arith.constant 64 : i32
    %scan3A_5 = arith.addi %scan3A_3, %scan3A_4 : i32
    %scan3A_6 = arith.constant 1 : i32
    %scan3A_7 = scf.for %scan3A_28 = %scan3A_3 to %scan3A_5 step %scan3A_6 iter_args(%scan3A_29 = %scan3A) -> (i32)  : i32 {
      %swap3A = arith.constant 0 : i32
      %swap3A_30 = arith.index_cast %swap3A : i32 to index
      %swap3A_31 = arith.index_cast %scan3A_28 : i32 to index
      %swap3A_32 = arith.constant 0 : index
      %swap3A_33 = tpu.vector_load %arg8[%swap3A_30, %swap3A_31, %swap3A_32] {strides = array<i32>} : memref<4x64x128xf32, #tpu.memory_space<vmem>>, vector<1x1x16xf32>,
      %swap3A_34 = vector.shape_cast %swap3A_33 : vector<1x1x16xf32> to vector<16xf32>
      %swap3A_35 = vector.shape_cast %broadcast_in_dim3A_0 : vector<16xf32> to vector<1x1x16xf32>
      tpu.vector_store %arg8[%swap3A_30, %swap3A_31, %swap3A_32], %swap3A_35 {strides = array<i32>} : memref<4x64x128xf32, #tpu.memory_space<vmem>>, vector<1x1x16xf32>,
      %swap3A_36 = arith.constant 0 : i32
      %swap3A_37 = arith.index_cast %swap3A_36 : i32 to index
      %swap3A_38 = arith.index_cast %scan3A_28 : i32 to index
      %swap3A_39 = arith.constant 16 : index
      %swap3A_40 = tpu.vector_load %arg8[%swap3A_37, %swap3A_38, %swap3A_39] {strides = array<i32>} : memref<4x64x128xf32, #tpu.memory_space<vmem>>, vector<1x1x16xf32>,
      %swap3A_41 = vector.shape_cast %swap3A_40 : vector<1x1x16xf32> to vector<16xf32>
      %swap3A_42 = vector.shape_cast %broadcast_in_dim3A_0 : vector<16xf32> to vector<1x1x16xf32>
      tpu.vector_store %arg8[%swap3A_37, %swap3A_38, %swap3A_39], %swap3A_42 {strides = array<i32>} : memref<4x64x128xf32, #tpu.memory_space<vmem>>, vector<1x1x16xf32>,
      %swap3A_43 = arith.constant 0 : i32
      %swap3A_44 = arith.index_cast %swap3A_43 : i32 to index
      %swap3A_45 = arith.index_cast %scan3A_28 : i32 to index
      %swap3A_46 = arith.constant 32 : index
      %swap3A_47 = tpu.vector_load %arg8[%swap3A_44, %swap3A_45, %swap3A_46] {strides = array<i32>} : memref<4x64x128xf32, #tpu.memory_space<vmem>>, vector<1x1x16xf32>,
      %swap3A_48 = vector.shape_cast %swap3A_47 : vector<1x1x16xf32> to vector<16xf32>
      %swap3A_49 = vector.shape_cast %broadcast_in_dim3A_0 : vector<16xf32> to vector<1x1x16xf32>
      tpu.vector_store %arg8[%swap3A_44, %swap3A_45, %swap3A_46], %swap3A_49 {strides = array<i32>} : memref<4x64x128xf32, #tpu.memory_space<vmem>>, vector<1x1x16xf32>,
      %swap3A_50 = arith.constant 0 : i32
      %swap3A_51 = arith.index_cast %swap3A_50 : i32 to index
      %swap3A_52 = arith.index_cast %scan3A_28 : i32 to index
      %swap3A_53 = arith.constant 48 : index
      %swap3A_54 = tpu.vector_load %arg8[%swap3A_51, %swap3A_52, %swap3A_53] {strides = array<i32>} : memref<4x64x128xf32, #tpu.memory_space<vmem>>, vector<1x1x16xf32>,
      %swap3A_55 = vector.shape_cast %swap3A_54 : vector<1x1x16xf32> to vector<16xf32>
      %swap3A_56 = vector.shape_cast %broadcast_in_dim3A_0 : vector<16xf32> to vector<1x1x16xf32>
      tpu.vector_store %arg8[%swap3A_51, %swap3A_52, %swap3A_53], %swap3A_56 {strides = array<i32>} : memref<4x64x128xf32, #tpu.memory_space<vmem>>, vector<1x1x16xf32>,
      %swap3A_57 = arith.constant 0 : i32
      %swap3A_58 = arith.index_cast %swap3A_57 : i32 to index
      %swap3A_59 = arith.index_cast %scan3A_28 : i32 to index
      %swap3A_60 = arith.constant 64 : index
      %swap3A_61 = tpu.vector_load %arg8[%swap3A_58, %swap3A_59, %swap3A_60] {strides = array<i32>} : memref<4x64x128xf32, #tpu.memory_space<vmem>>, vector<1x1x16xf32>,
      %swap3A_62 = vector.shape_cast %swap3A_61 : vector<1x1x16xf32> to vector<16xf32>
      %swap3A_63 = vector.shape_cast %broadcast_in_dim3A_0 : vector<16xf32> to vector<1x1x16xf32>
      tpu.vector_store %arg8[%swap3A_58, %swap3A_59, %swap3A_60], %swap3A_63 {strides = array<i32>} : memref<4x64x128xf32, #tpu.memory_space<vmem>>, vector<1x1x16xf32>,
      %swap3A_64 = arith.constant 0 : i32
      %swap3A_65 = arith.index_cast %swap3A_64 : i32 to index
      %swap3A_66 = arith.index_cast %scan3A_28 : i32 to index
      %swap3A_67 = arith.constant 80 : index
      %swap3A_68 = tpu.vector_load %arg8[%swap3A_65, %swap3A_66, %swap3A_67] {strides = array<i32>} : memref<4x64x128xf32, #tpu.memory_space<vmem>>, vector<1x1x16xf32>,
      %swap3A_69 = vector.shape_cast %swap3A_68 : vector<1x1x16xf32> to vector<16xf32>
      %swap3A_70 = vector.shape_cast %broadcast_in_dim3A_0 : vector<16xf32> to vector<1x1x16xf32>
      tpu.vector_store %arg8[%swap3A_65, %swap3A_66, %swap3A_67], %swap3A_70 {strides = array<i32>} : memref<4x64x128xf32, #tpu.memory_space<vmem>>, vector<1x1x16xf32>,
      %swap3A_71 = arith.constant 0 : i32
      %swap3A_72 = arith.index_cast %swap3A_71 : i32 to index
      %swap3A_73 = arith.index_cast %scan3A_28 : i32 to index
      %swap3A_74 = arith.constant 96 : index
      %swap3A_75 = tpu.vector_load %arg8[%swap3A_72, %swap3A_73, %swap3A_74] {strides = array<i32>} : memref<4x64x128xf32, #tpu.memory_space<vmem>>, vector<1x1x16xf32>,
      %swap3A_76 = vector.shape_cast %swap3A_75 : vector<1x1x16xf32> to vector<16xf32>
      %swap3A_77 = vector.shape_cast %broadcast_in_dim3A_0 : vector<16xf32> to vector<1x1x16xf32>
      tpu.vector_store %arg8[%swap3A_72, %swap3A_73, %swap3A_74], %swap3A_77 {strides = array<i32>} : memref<4x64x128xf32, #tpu.memory_space<vmem>>, vector<1x1x16xf32>,
      %swap3A_78 = arith.constant 0 : i32
      %swap3A_79 = arith.index_cast %swap3A_78 : i32 to index
      %swap3A_80 = arith.index_cast %scan3A_28 : i32 to index
      %swap3A_81 = arith.constant 112 : index
      %swap3A_82 = tpu.vector_load %arg8[%swap3A_79, %swap3A_80, %swap3A_81] {strides = array<i32>} : memref<4x64x128xf32, #tpu.memory_space<vmem>>, vector<1x1x16xf32>,
      %swap3A_83 = vector.shape_cast %swap3A_82 : vector<1x1x16xf32> to vector<16xf32>
      %swap3A_84 = vector.shape_cast %broadcast_in_dim3A_0 : vector<16xf32> to vector<1x1x16xf32>
      tpu.vector_store %arg8[%swap3A_79, %swap3A_80, %swap3A_81], %swap3A_84 {strides = array<i32>} : memref<4x64x128xf32, #tpu.memory_space<vmem>>, vector<1x1x16xf32>,
      %scan3A_85 = arith.constant 0 : i32
      scf.yield %scan3A_85 : i32
    }
    %scan3A_8 = arith.constant 64 : i32
    %mul3A = arith.constant 640 : i32
    %mul3A_9 = arith.muli %arg1, %mul3A : i32
    %eq3A = arith.constant 0 : i32
    %eq3A_10 = arith.cmpi eq, %arg0, %eq3A : i32
    %or3A = arith.constant false
    %or3A_11 = arith.ori %eq3A_10, %or3A : i1
    %convert_element_type3A = arith.extui %or3A_11 : i1 to i32
    %cond3A = arith.constant 0 : i32
    %cond3A_12 = arith.cmpi ne, %convert_element_type3A, %cond3A : i32
    scf.if %cond3A_12 {
      %add3A = arith.constant 0 : i32
      %add3A_28 = arith.addi %mul3A_9, %add3A : i32
      %run_scoped3A = arith.constant 0 : i32
      "tpu.region"() ({
        %run_scoped3A_56 = tpu.sem_alloc : memref<!tpu.dma_semaphore, #tpu.memory_space<semaphore_mem>>
        %dma_start3A = arith.constant 0 : i32
        %dma_start3A_57 = arith.constant 0 : i32
        %dma_start3A_58 = tpu.memref_slice %arg8[%run_scoped3A, %dma_start3A, %dma_start3A_57] : memref<4x64x128xf32, #tpu.memory_space<vmem>> -> memref<1x64x128xf32, #tpu.memory_space<vmem>>
        %dma_start3A_59 = tpu.memref_squeeze %dma_start3A_58 : memref<1x64x128xf32, #tpu.memory_space<vmem>> -> memref<64x128xf32, #tpu.memory_space<vmem>>
        %dma_start3A_60 = arith.constant 0 : i32
        %dma_start3A_61 = tpu.memref_slice %arg9[%add3A_28, %dma_start3A_60] : memref<10240x128xf32, #tpu.memory_space<vmem_shared>> -> memref<64x128xf32, #tpu.memory_space<vmem_shared>>
        %dma_start3A_62 = arith.constant 0 : i32
        %dma_start3A_63 = tpu.memref_slice %arg9[%add3A_28, %dma_start3A_62] : memref<10240x128xf32, #tpu.memory_space<vmem_shared>> -> memref<64x128xf32, #tpu.memory_space<vmem_shared>>
        %dma_start3A_64 = arith.constant 0 : i32
        %dma_start3A_65 = arith.constant 0 : i32
        %dma_start3A_66 = tpu.memref_slice %arg8[%run_scoped3A, %dma_start3A_64, %dma_start3A_65] : memref<4x64x128xf32, #tpu.memory_space<vmem>> -> memref<1x64x128xf32, #tpu.memory_space<vmem>>
        %dma_start3A_67 = tpu.memref_squeeze %dma_start3A_66 : memref<1x64x128xf32, #tpu.memory_space<vmem>> -> memref<64x128xf32, #tpu.memory_space<vmem>>
        tpu.enqueue_dma source(%dma_start3A_67 : memref<64x128xf32, #tpu.memory_space<vmem>>) target(%dma_start3A_63 : memref<64x128xf32, #tpu.memory_space<vmem_shared>>) target_semaphore(%run_scoped3A_56 : memref<!tpu.dma_semaphore, #tpu.memory_space<semaphore_mem>>)
        %dma_wait3A = arith.constant 0 : i32
        %dma_wait3A_68 = arith.constant 0 : i32
        %dma_wait3A_69 = tpu.memref_slice %arg8[%run_scoped3A, %dma_wait3A, %dma_wait3A_68] : memref<4x64x128xf32, #tpu.memory_space<vmem>> -> memref<1x64x128xf32, #tpu.memory_space<vmem>>
        %dma_wait3A_70 = tpu.memref_squeeze %dma_wait3A_69 : memref<1x64x128xf32, #tpu.memory_space<vmem>> -> memref<64x128xf32, #tpu.memory_space<vmem>>
        %dma_wait3A_71 = arith.constant 0 : i32
        %dma_wait3A_72 = tpu.memref_slice %arg9[%add3A_28, %dma_wait3A_71] : memref<10240x128xf32, #tpu.memory_space<vmem_shared>> -> memref<64x128xf32, #tpu.memory_space<vmem_shared>>
        %dma_wait3A_73 = arith.constant 0 : i32
        %dma_wait3A_74 = tpu.memref_slice %arg9[%add3A_28, %dma_wait3A_73] : memref<10240x128xf32, #tpu.memory_space<vmem_shared>> -> memref<64x128xf32, #tpu.memory_space<vmem_shared>>
        %dma_wait3A_75 = arith.constant 0 : i32
        %dma_wait3A_76 = arith.constant 0 : i32
        %dma_wait3A_77 = tpu.memref_slice %arg8[%run_scoped3A, %dma_wait3A_75, %dma_wait3A_76] : memref<4x64x128xf32, #tpu.memory_space<vmem>> -> memref<1x64x128xf32, #tpu.memory_space<vmem>>
        %dma_wait3A_78 = tpu.memref_squeeze %dma_wait3A_77 : memref<1x64x128xf32, #tpu.memory_space<vmem>> -> memref<64x128xf32, #tpu.memory_space<vmem>>
        tpu.wait_dma2 semaphore(%run_scoped3A_56 : memref<!tpu.dma_semaphore, #tpu.memory_space<semaphore_mem>>) src(%dma_wait3A_78 : memref<64x128xf32, #tpu.memory_space<vmem>>) dst(%dma_wait3A_74 : memref<64x128xf32, #tpu.memory_space<vmem_shared>>)
        tpu.yield
      }) : () -> ()
      %add3A_29 = arith.constant 64 : i32
      %add3A_30 = arith.addi %mul3A_9, %add3A_29 : i32
      %run_scoped3A_31 = arith.constant 0 : i32
      "tpu.region"() ({
        %run_scoped3A_56 = tpu.sem_alloc : memref<!tpu.dma_semaphore, #tpu.memory_space<semaphore_mem>>
        %dma_start3A = arith.constant 0 : i32
        %dma_start3A_57 = arith.constant 0 : i32
        %dma_start3A_58 = tpu.memref_slice %arg8[%run_scoped3A_31, %dma_start3A, %dma_start3A_57] : memref<4x64x128xf32, #tpu.memory_space<vmem>> -> memref<1x64x128xf32, #tpu.memory_space<vmem>>
        %dma_start3A_59 = tpu.memref_squeeze %dma_start3A_58 : memref<1x64x128xf32, #tpu.memory_space<vmem>> -> memref<64x128xf32, #tpu.memory_space<vmem>>
        %dma_start3A_60 = arith.constant 0 : i32
        %dma_start3A_61 = tpu.memref_slice %arg9[%add3A_30, %dma_start3A_60] : memref<10240x128xf32, #tpu.memory_space<vmem_shared>> -> memref<64x128xf32, #tpu.memory_space<vmem_shared>>
        %dma_start3A_62 = arith.constant 0 : i32
        %dma_start3A_63 = tpu.memref_slice %arg9[%add3A_30, %dma_start3A_62] : memref<10240x128xf32, #tpu.memory_space<vmem_shared>> -> memref<64x128xf32, #tpu.memory_space<vmem_shared>>
        %dma_start3A_64 = arith.constant 0 : i32
        %dma_start3A_65 = arith.constant 0 : i32
        %dma_start3A_66 = tpu.memref_slice %arg8[%run_scoped3A_31, %dma_start3A_64, %dma_start3A_65] : memref<4x64x128xf32, #tpu.memory_space<vmem>> -> memref<1x64x128xf32, #tpu.memory_space<vmem>>
        %dma_start3A_67 = tpu.memref_squeeze %dma_start3A_66 : memref<1x64x128xf32, #tpu.memory_space<vmem>> -> memref<64x128xf32, #tpu.memory_space<vmem>>
        tpu.enqueue_dma source(%dma_start3A_67 : memref<64x128xf32, #tpu.memory_space<vmem>>) target(%dma_start3A_63 : memref<64x128xf32, #tpu.memory_space<vmem_shared>>) target_semaphore(%run_scoped3A_56 : memref<!tpu.dma_semaphore, #tpu.memory_space<semaphore_mem>>)
        %dma_wait3A = arith.constant 0 : i32
        %dma_wait3A_68 = arith.constant 0 : i32
        %dma_wait3A_69 = tpu.memref_slice %arg8[%run_scoped3A_31, %dma_wait3A, %dma_wait3A_68] : memref<4x64x128xf32, #tpu.memory_space<vmem>> -> memref<1x64x128xf32, #tpu.memory_space<vmem>>
        %dma_wait3A_70 = tpu.memref_squeeze %dma_wait3A_69 : memref<1x64x128xf32, #tpu.memory_space<vmem>> -> memref<64x128xf32, #tpu.memory_space<vmem>>
        %dma_wait3A_71 = arith.constant 0 : i32
        %dma_wait3A_72 = tpu.memref_slice %arg9[%add3A_30, %dma_wait3A_71] : memref<10240x128xf32, #tpu.memory_space<vmem_shared>> -> memref<64x128xf32, #tpu.memory_space<vmem_shared>>
        %dma_wait3A_73 = arith.constant 0 : i32
        %dma_wait3A_74 = tpu.memref_slice %arg9[%add3A_30, %dma_wait3A_73] : memref<10240x128xf32, #tpu.memory_space<vmem_shared>> -> memref<64x128xf32, #tpu.memory_space<vmem_shared>>
        %dma_wait3A_75 = arith.constant 0 : i32
        %dma_wait3A_76 = arith.constant 0 : i32
        %dma_wait3A_77 = tpu.memref_slice %arg8[%run_scoped3A_31, %dma_wait3A_75, %dma_wait3A_76] : memref<4x64x128xf32, #tpu.memory_space<vmem>> -> memref<1x64x128xf32, #tpu.memory_space<vmem>>
        %dma_wait3A_78 = tpu.memref_squeeze %dma_wait3A_77 : memref<1x64x128xf32, #tpu.memory_space<vmem>> -> memref<64x128xf32, #tpu.memory_space<vmem>>
        tpu.wait_dma2 semaphore(%run_scoped3A_56 : memref<!tpu.dma_semaphore, #tpu.memory_space<semaphore_mem>>) src(%dma_wait3A_78 : memref<64x128xf32, #tpu.memory_space<vmem>>) dst(%dma_wait3A_74 : memref<64x128xf32, #tpu.memory_space<vmem_shared>>)
        tpu.yield
      }) : () -> ()
      %add3A_32 = arith.constant 128 : i32
      %add3A_33 = arith.addi %mul3A_9, %add3A_32 : i32
      %run_scoped3A_34 = arith.constant 0 : i32
      "tpu.region"() ({
        %run_scoped3A_56 = tpu.sem_alloc : memref<!tpu.dma_semaphore, #tpu.memory_space<semaphore_mem>>
        %dma_start3A = arith.constant 0 : i32
        %dma_start3A_57 = arith.constant 0 : i32
        %dma_start3A_58 = tpu.memref_slice %arg8[%run_scoped3A_34, %dma_start3A, %dma_start3A_57] : memref<4x64x128xf32, #tpu.memory_space<vmem>> -> memref<1x64x128xf32, #tpu.memory_space<vmem>>
        %dma_start3A_59 = tpu.memref_squeeze %dma_start3A_58 : memref<1x64x128xf32, #tpu.memory_space<vmem>> -> memref<64x128xf32, #tpu.memory_space<vmem>>
        %dma_start3A_60 = arith.constant 0 : i32
        %dma_start3A_61 = tpu.memref_slice %arg9[%add3A_33, %dma_start3A_60] : memref<10240x128xf32, #tpu.memory_space<vmem_shared>> -> memref<64x128xf32, #tpu.memory_space<vmem_shared>>
        %dma_start3A_62 = arith.constant 0 : i32
        %dma_start3A_63 = tpu.memref_slice %arg9[%add3A_33, %dma_start3A_62] : memref<10240x128xf32, #tpu.memory_space<vmem_shared>> -> memref<64x128xf32, #tpu.memory_space<vmem_shared>>
        %dma_start3A_64 = arith.constant 0 : i32
        %dma_start3A_65 = arith.constant 0 : i32
        %dma_start3A_66 = tpu.memref_slice %arg8[%run_scoped3A_34, %dma_start3A_64, %dma_start3A_65] : memref<4x64x128xf32, #tpu.memory_space<vmem>> -> memref<1x64x128xf32, #tpu.memory_space<vmem>>
        %dma_start3A_67 = tpu.memref_squeeze %dma_start3A_66 : memref<1x64x128xf32, #tpu.memory_space<vmem>> -> memref<64x128xf32, #tpu.memory_space<vmem>>
        tpu.enqueue_dma source(%dma_start3A_67 : memref<64x128xf32, #tpu.memory_space<vmem>>) target(%dma_start3A_63 : memref<64x128xf32, #tpu.memory_space<vmem_shared>>) target_semaphore(%run_scoped3A_56 : memref<!tpu.dma_semaphore, #tpu.memory_space<semaphore_mem>>)
        %dma_wait3A = arith.constant 0 : i32
        %dma_wait3A_68 = arith.constant 0 : i32
        %dma_wait3A_69 = tpu.memref_slice %arg8[%run_scoped3A_34, %dma_wait3A, %dma_wait3A_68] : memref<4x64x128xf32, #tpu.memory_space<vmem>> -> memref<1x64x128xf32, #tpu.memory_space<vmem>>
        %dma_wait3A_70 = tpu.memref_squeeze %dma_wait3A_69 : memref<1x64x128xf32, #tpu.memory_space<vmem>> -> memref<64x128xf32, #tpu.memory_space<vmem>>
        %dma_wait3A_71 = arith.constant 0 : i32
        %dma_wait3A_72 = tpu.memref_slice %arg9[%add3A_33, %dma_wait3A_71] : memref<10240x128xf32, #tpu.memory_space<vmem_shared>> -> memref<64x128xf32, #tpu.memory_space<vmem_shared>>
        %dma_wait3A_73 = arith.constant 0 : i32
        %dma_wait3A_74 = tpu.memref_slice %arg9[%add3A_33, %dma_wait3A_73] : memref<10240x128xf32, #tpu.memory_space<vmem_shared>> -> memref<64x128xf32, #tpu.memory_space<vmem_shared>>
        %dma_wait3A_75 = arith.constant 0 : i32
        %dma_wait3A_76 = arith.constant 0 : i32
        %dma_wait3A_77 = tpu.memref_slice %arg8[%run_scoped3A_34, %dma_wait3A_75, %dma_wait3A_76] : memref<4x64x128xf32, #tpu.memory_space<vmem>> -> memref<1x64x128xf32, #tpu.memory_space<vmem>>
        %dma_wait3A_78 = tpu.memref_squeeze %dma_wait3A_77 : memref<1x64x128xf32, #tpu.memory_space<vmem>> -> memref<64x128xf32, #tpu.memory_space<vmem>>
        tpu.wait_dma2 semaphore(%run_scoped3A_56 : memref<!tpu.dma_semaphore, #tpu.memory_space<semaphore_mem>>) src(%dma_wait3A_78 : memref<64x128xf32, #tpu.memory_space<vmem>>) dst(%dma_wait3A_74 : memref<64x128xf32, #tpu.memory_space<vmem_shared>>)
        tpu.yield
      }) : () -> ()
      %add3A_35 = arith.constant 192 : i32
      %add3A_36 = arith.addi %mul3A_9, %add3A_35 : i32
      %run_scoped3A_37 = arith.constant 0 : i32
      "tpu.region"() ({
        %run_scoped3A_56 = tpu.sem_alloc : memref<!tpu.dma_semaphore, #tpu.memory_space<semaphore_mem>>
        %dma_start3A = arith.constant 0 : i32
        %dma_start3A_57 = arith.constant 0 : i32
        %dma_start3A_58 = tpu.memref_slice %arg8[%run_scoped3A_37, %dma_start3A, %dma_start3A_57] : memref<4x64x128xf32, #tpu.memory_space<vmem>> -> memref<1x64x128xf32, #tpu.memory_space<vmem>>
        %dma_start3A_59 = tpu.memref_squeeze %dma_start3A_58 : memref<1x64x128xf32, #tpu.memory_space<vmem>> -> memref<64x128xf32, #tpu.memory_space<vmem>>
        %dma_start3A_60 = arith.constant 0 : i32
        %dma_start3A_61 = tpu.memref_slice %arg9[%add3A_36, %dma_start3A_60] : memref<10240x128xf32, #tpu.memory_space<vmem_shared>> -> memref<64x128xf32, #tpu.memory_space<vmem_shared>>
        %dma_start3A_62 = arith.constant 0 : i32
        %dma_start3A_63 = tpu.memref_slice %arg9[%add3A_36, %dma_start3A_62] : memref<10240x128xf32, #tpu.memory_space<vmem_shared>> -> memref<64x128xf32, #tpu.memory_space<vmem_shared>>
        %dma_start3A_64 = arith.constant 0 : i32
        %dma_start3A_65 = arith.constant 0 : i32
        %dma_start3A_66 = tpu.memref_slice %arg8[%run_scoped3A_37, %dma_start3A_64, %dma_start3A_65] : memref<4x64x128xf32, #tpu.memory_space<vmem>> -> memref<1x64x128xf32, #tpu.memory_space<vmem>>
        %dma_start3A_67 = tpu.memref_squeeze %dma_start3A_66 : memref<1x64x128xf32, #tpu.memory_space<vmem>> -> memref<64x128xf32, #tpu.memory_space<vmem>>
        tpu.enqueue_dma source(%dma_start3A_67 : memref<64x128xf32, #tpu.memory_space<vmem>>) target(%dma_start3A_63 : memref<64x128xf32, #tpu.memory_space<vmem_shared>>) target_semaphore(%run_scoped3A_56 : memref<!tpu.dma_semaphore, #tpu.memory_space<semaphore_mem>>)
        %dma_wait3A = arith.constant 0 : i32
        %dma_wait3A_68 = arith.constant 0 : i32
        %dma_wait3A_69 = tpu.memref_slice %arg8[%run_scoped3A_37, %dma_wait3A, %dma_wait3A_68] : memref<4x64x128xf32, #tpu.memory_space<vmem>> -> memref<1x64x128xf32, #tpu.memory_space<vmem>>
        %dma_wait3A_70 = tpu.memref_squeeze %dma_wait3A_69 : memref<1x64x128xf32, #tpu.memory_space<vmem>> -> memref<64x128xf32, #tpu.memory_space<vmem>>
        %dma_wait3A_71 = arith.constant 0 : i32
        %dma_wait3A_72 = tpu.memref_slice %arg9[%add3A_36, %dma_wait3A_71] : memref<10240x128xf32, #tpu.memory_space<vmem_shared>> -> memref<64x128xf32, #tpu.memory_space<vmem_shared>>
        %dma_wait3A_73 = arith.constant 0 : i32
        %dma_wait3A_74 = tpu.memref_slice %arg9[%add3A_36, %dma_wait3A_73] : memref<10240x128xf32, #tpu.memory_space<vmem_shared>> -> memref<64x128xf32, #tpu.memory_space<vmem_shared>>
        %dma_wait3A_75 = arith.constant 0 : i32
        %dma_wait3A_76 = arith.constant 0 : i32
        %dma_wait3A_77 = tpu.memref_slice %arg8[%run_scoped3A_37, %dma_wait3A_75, %dma_wait3A_76] : memref<4x64x128xf32, #tpu.memory_space<vmem>> -> memref<1x64x128xf32, #tpu.memory_space<vmem>>
        %dma_wait3A_78 = tpu.memref_squeeze %dma_wait3A_77 : memref<1x64x128xf32, #tpu.memory_space<vmem>> -> memref<64x128xf32, #tpu.memory_space<vmem>>
        tpu.wait_dma2 semaphore(%run_scoped3A_56 : memref<!tpu.dma_semaphore, #tpu.memory_space<semaphore_mem>>) src(%dma_wait3A_78 : memref<64x128xf32, #tpu.memory_space<vmem>>) dst(%dma_wait3A_74 : memref<64x128xf32, #tpu.memory_space<vmem_shared>>)
        tpu.yield
      }) : () -> ()
      %add3A_38 = arith.constant 256 : i32
      %add3A_39 = arith.addi %mul3A_9, %add3A_38 : i32
      %run_scoped3A_40 = arith.constant 0 : i32
      "tpu.region"() ({
        %run_scoped3A_56 = tpu.sem_alloc : memref<!tpu.dma_semaphore, #tpu.memory_space<semaphore_mem>>
        %dma_start3A = arith.constant 0 : i32
        %dma_start3A_57 = arith.constant 0 : i32
        %dma_start3A_58 = tpu.memref_slice %arg8[%run_scoped3A_40, %dma_start3A, %dma_start3A_57] : memref<4x64x128xf32, #tpu.memory_space<vmem>> -> memref<1x64x128xf32, #tpu.memory_space<vmem>>
        %dma_start3A_59 = tpu.memref_squeeze %dma_start3A_58 : memref<1x64x128xf32, #tpu.memory_space<vmem>> -> memref<64x128xf32, #tpu.memory_space<vmem>>
        %dma_start3A_60 = arith.constant 0 : i32
        %dma_start3A_61 = tpu.memref_slice %arg9[%add3A_39, %dma_start3A_60] : memref<10240x128xf32, #tpu.memory_space<vmem_shared>> -> memref<64x128xf32, #tpu.memory_space<vmem_shared>>
        %dma_start3A_62 = arith.constant 0 : i32
        %dma_start3A_63 = tpu.memref_slice %arg9[%add3A_39, %dma_start3A_62] : memref<10240x128xf32, #tpu.memory_space<vmem_shared>> -> memref<64x128xf32, #tpu.memory_space<vmem_shared>>
        %dma_start3A_64 = arith.constant 0 : i32
        %dma_start3A_65 = arith.constant 0 : i32
        %dma_start3A_66 = tpu.memref_slice %arg8[%run_scoped3A_40, %dma_start3A_64, %dma_start3A_65] : memref<4x64x128xf32, #tpu.memory_space<vmem>> -> memref<1x64x128xf32, #tpu.memory_space<vmem>>
        %dma_start3A_67 = tpu.memref_squeeze %dma_start3A_66 : memref<1x64x128xf32, #tpu.memory_space<vmem>> -> memref<64x128xf32, #tpu.memory_space<vmem>>
        tpu.enqueue_dma source(%dma_start3A_67 : memref<64x128xf32, #tpu.memory_space<vmem>>) target(%dma_start3A_63 : memref<64x128xf32, #tpu.memory_space<vmem_shared>>) target_semaphore(%run_scoped3A_56 : memref<!tpu.dma_semaphore, #tpu.memory_space<semaphore_mem>>)
        %dma_wait3A = arith.constant 0 : i32
        %dma_wait3A_68 = arith.constant 0 : i32
        %dma_wait3A_69 = tpu.memref_slice %arg8[%run_scoped3A_40, %dma_wait3A, %dma_wait3A_68] : memref<4x64x128xf32, #tpu.memory_space<vmem>> -> memref<1x64x128xf32, #tpu.memory_space<vmem>>
        %dma_wait3A_70 = tpu.memref_squeeze %dma_wait3A_69 : memref<1x64x128xf32, #tpu.memory_space<vmem>> -> memref<64x128xf32, #tpu.memory_space<vmem>>
        %dma_wait3A_71 = arith.constant 0 : i32
        %dma_wait3A_72 = tpu.memref_slice %arg9[%add3A_39, %dma_wait3A_71] : memref<10240x128xf32, #tpu.memory_space<vmem_shared>> -> memref<64x128xf32, #tpu.memory_space<vmem_shared>>
        %dma_wait3A_73 = arith.constant 0 : i32
        %dma_wait3A_74 = tpu.memref_slice %arg9[%add3A_39, %dma_wait3A_73] : memref<10240x128xf32, #tpu.memory_space<vmem_shared>> -> memref<64x128xf32, #tpu.memory_space<vmem_shared>>
        %dma_wait3A_75 = arith.constant 0 : i32
        %dma_wait3A_76 = arith.constant 0 : i32
        %dma_wait3A_77 = tpu.memref_slice %arg8[%run_scoped3A_40, %dma_wait3A_75, %dma_wait3A_76] : memref<4x64x128xf32, #tpu.memory_space<vmem>> -> memref<1x64x128xf32, #tpu.memory_space<vmem>>
        %dma_wait3A_78 = tpu.memref_squeeze %dma_wait3A_77 : memref<1x64x128xf32, #tpu.memory_space<vmem>> -> memref<64x128xf32, #tpu.memory_space<vmem>>
        tpu.wait_dma2 semaphore(%run_scoped3A_56 : memref<!tpu.dma_semaphore, #tpu.memory_space<semaphore_mem>>) src(%dma_wait3A_78 : memref<64x128xf32, #tpu.memory_space<vmem>>) dst(%dma_wait3A_74 : memref<64x128xf32, #tpu.memory_space<vmem_shared>>)
        tpu.yield
      }) : () -> ()
      %add3A_41 = arith.constant 320 : i32
      %add3A_42 = arith.addi %mul3A_9, %add3A_41 : i32
      %run_scoped3A_43 = arith.constant 0 : i32
      "tpu.region"() ({
        %run_scoped3A_56 = tpu.sem_alloc : memref<!tpu.dma_semaphore, #tpu.memory_space<semaphore_mem>>
        %dma_start3A = arith.constant 0 : i32
        %dma_start3A_57 = arith.constant 0 : i32
        %dma_start3A_58 = tpu.memref_slice %arg8[%run_scoped3A_43, %dma_start3A, %dma_start3A_57] : memref<4x64x128xf32, #tpu.memory_space<vmem>> -> memref<1x64x128xf32, #tpu.memory_space<vmem>>
        %dma_start3A_59 = tpu.memref_squeeze %dma_start3A_58 : memref<1x64x128xf32, #tpu.memory_space<vmem>> -> memref<64x128xf32, #tpu.memory_space<vmem>>
        %dma_start3A_60 = arith.constant 0 : i32
        %dma_start3A_61 = tpu.memref_slice %arg9[%add3A_42, %dma_start3A_60] : memref<10240x128xf32, #tpu.memory_space<vmem_shared>> -> memref<64x128xf32, #tpu.memory_space<vmem_shared>>
        %dma_start3A_62 = arith.constant 0 : i32
        %dma_start3A_63 = tpu.memref_slice %arg9[%add3A_42, %dma_start3A_62] : memref<10240x128xf32, #tpu.memory_space<vmem_shared>> -> memref<64x128xf32, #tpu.memory_space<vmem_shared>>
        %dma_start3A_64 = arith.constant 0 : i32
        %dma_start3A_65 = arith.constant 0 : i32
        %dma_start3A_66 = tpu.memref_slice %arg8[%run_scoped3A_43, %dma_start3A_64, %dma_start3A_65] : memref<4x64x128xf32, #tpu.memory_space<vmem>> -> memref<1x64x128xf32, #tpu.memory_space<vmem>>
        %dma_start3A_67 = tpu.memref_squeeze %dma_start3A_66 : memref<1x64x128xf32, #tpu.memory_space<vmem>> -> memref<64x128xf32, #tpu.memory_space<vmem>>
        tpu.enqueue_dma source(%dma_start3A_67 : memref<64x128xf32, #tpu.memory_space<vmem>>) target(%dma_start3A_63 : memref<64x128xf32, #tpu.memory_space<vmem_shared>>) target_semaphore(%run_scoped3A_56 : memref<!tpu.dma_semaphore, #tpu.memory_space<semaphore_mem>>)
        %dma_wait3A = arith.constant 0 : i32
        %dma_wait3A_68 = arith.constant 0 : i32
        %dma_wait3A_69 = tpu.memref_slice %arg8[%run_scoped3A_43, %dma_wait3A, %dma_wait3A_68] : memref<4x64x128xf32, #tpu.memory_space<vmem>> -> memref<1x64x128xf32, #tpu.memory_space<vmem>>
        %dma_wait3A_70 = tpu.memref_squeeze %dma_wait3A_69 : memref<1x64x128xf32, #tpu.memory_space<vmem>> -> memref<64x128xf32, #tpu.memory_space<vmem>>
        %dma_wait3A_71 = arith.constant 0 : i32
        %dma_wait3A_72 = tpu.memref_slice %arg9[%add3A_42, %dma_wait3A_71] : memref<10240x128xf32, #tpu.memory_space<vmem_shared>> -> memref<64x128xf32, #tpu.memory_space<vmem_shared>>
        %dma_wait3A_73 = arith.constant 0 : i32
        %dma_wait3A_74 = tpu.memref_slice %arg9[%add3A_42, %dma_wait3A_73] : memref<10240x128xf32, #tpu.memory_space<vmem_shared>> -> memref<64x128xf32, #tpu.memory_space<vmem_shared>>
        %dma_wait3A_75 = arith.constant 0 : i32
        %dma_wait3A_76 = arith.constant 0 : i32
        %dma_wait3A_77 = tpu.memref_slice %arg8[%run_scoped3A_43, %dma_wait3A_75, %dma_wait3A_76] : memref<4x64x128xf32, #tpu.memory_space<vmem>> -> memref<1x64x128xf32, #tpu.memory_space<vmem>>
        %dma_wait3A_78 = tpu.memref_squeeze %dma_wait3A_77 : memref<1x64x128xf32, #tpu.memory_space<vmem>> -> memref<64x128xf32, #tpu.memory_space<vmem>>
        tpu.wait_dma2 semaphore(%run_scoped3A_56 : memref<!tpu.dma_semaphore, #tpu.memory_space<semaphore_mem>>) src(%dma_wait3A_78 : memref<64x128xf32, #tpu.memory_space<vmem>>) dst(%dma_wait3A_74 : memref<64x128xf32, #tpu.memory_space<vmem_shared>>)
        tpu.yield
      }) : () -> ()
      %add3A_44 = arith.constant 384 : i32
      %add3A_45 = arith.addi %mul3A_9, %add3A_44 : i32
      %run_scoped3A_46 = arith.constant 0 : i32
      "tpu.region"() ({
        %run_scoped3A_56 = tpu.sem_alloc : memref<!tpu.dma_semaphore, #tpu.memory_space<semaphore_mem>>
        %dma_start3A = arith.constant 0 : i32
        %dma_start3A_57 = arith.constant 0 : i32
        %dma_start3A_58 = tpu.memref_slice %arg8[%run_scoped3A_46, %dma_start3A, %dma_start3A_57] : memref<4x64x128xf32, #tpu.memory_space<vmem>> -> memref<1x64x128xf32, #tpu.memory_space<vmem>>
        %dma_start3A_59 = tpu.memref_squeeze %dma_start3A_58 : memref<1x64x128xf32, #tpu.memory_space<vmem>> -> memref<64x128xf32, #tpu.memory_space<vmem>>
        %dma_start3A_60 = arith.constant 0 : i32
        %dma_start3A_61 = tpu.memref_slice %arg9[%add3A_45, %dma_start3A_60] : memref<10240x128xf32, #tpu.memory_space<vmem_shared>> -> memref<64x128xf32, #tpu.memory_space<vmem_shared>>
        %dma_start3A_62 = arith.constant 0 : i32
        %dma_start3A_63 = tpu.memref_slice %arg9[%add3A_45, %dma_start3A_62] : memref<10240x128xf32, #tpu.memory_space<vmem_shared>> -> memref<64x128xf32, #tpu.memory_space<vmem_shared>>
        %dma_start3A_64 = arith.constant 0 : i32
        %dma_start3A_65 = arith.constant 0 : i32
        %dma_start3A_66 = tpu.memref_slice %arg8[%run_scoped3A_46, %dma_start3A_64, %dma_start3A_65] : memref<4x64x128xf32, #tpu.memory_space<vmem>> -> memref<1x64x128xf32, #tpu.memory_space<vmem>>
        %dma_start3A_67 = tpu.memref_squeeze %dma_start3A_66 : memref<1x64x128xf32, #tpu.memory_space<vmem>> -> memref<64x128xf32, #tpu.memory_space<vmem>>
        tpu.enqueue_dma source(%dma_start3A_67 : memref<64x128xf32, #tpu.memory_space<vmem>>) target(%dma_start3A_63 : memref<64x128xf32, #tpu.memory_space<vmem_shared>>) target_semaphore(%run_scoped3A_56 : memref<!tpu.dma_semaphore, #tpu.memory_space<semaphore_mem>>)
        %dma_wait3A = arith.constant 0 : i32
        %dma_wait3A_68 = arith.constant 0 : i32
        %dma_wait3A_69 = tpu.memref_slice %arg8[%run_scoped3A_46, %dma_wait3A, %dma_wait3A_68] : memref<4x64x128xf32, #tpu.memory_space<vmem>> -> memref<1x64x128xf32, #tpu.memory_space<vmem>>
        %dma_wait3A_70 = tpu.memref_squeeze %dma_wait3A_69 : memref<1x64x128xf32, #tpu.memory_space<vmem>> -> memref<64x128xf32, #tpu.memory_space<vmem>>
        %dma_wait3A_71 = arith.constant 0 : i32
        %dma_wait3A_72 = tpu.memref_slice %arg9[%add3A_45, %dma_wait3A_71] : memref<10240x128xf32, #tpu.memory_space<vmem_shared>> -> memref<64x128xf32, #tpu.memory_space<vmem_shared>>
        %dma_wait3A_73 = arith.constant 0 : i32
        %dma_wait3A_74 = tpu.memref_slice %arg9[%add3A_45, %dma_wait3A_73] : memref<10240x128xf32, #tpu.memory_space<vmem_shared>> -> memref<64x128xf32, #tpu.memory_space<vmem_shared>>
        %dma_wait3A_75 = arith.constant 0 : i32
        %dma_wait3A_76 = arith.constant 0 : i32
        %dma_wait3A_77 = tpu.memref_slice %arg8[%run_scoped3A_46, %dma_wait3A_75, %dma_wait3A_76] : memref<4x64x128xf32, #tpu.memory_space<vmem>> -> memref<1x64x128xf32, #tpu.memory_space<vmem>>
        %dma_wait3A_78 = tpu.memref_squeeze %dma_wait3A_77 : memref<1x64x128xf32, #tpu.memory_space<vmem>> -> memref<64x128xf32, #tpu.memory_space<vmem>>
        tpu.wait_dma2 semaphore(%run_scoped3A_56 : memref<!tpu.dma_semaphore, #tpu.memory_space<semaphore_mem>>) src(%dma_wait3A_78 : memref<64x128xf32, #tpu.memory_space<vmem>>) dst(%dma_wait3A_74 : memref<64x128xf32, #tpu.memory_space<vmem_shared>>)
        tpu.yield
      }) : () -> ()
      %add3A_47 = arith.constant 448 : i32
      %add3A_48 = arith.addi %mul3A_9, %add3A_47 : i32
      %run_scoped3A_49 = arith.constant 0 : i32
      "tpu.region"() ({
        %run_scoped3A_56 = tpu.sem_alloc : memref<!tpu.dma_semaphore, #tpu.memory_space<semaphore_mem>>
        %dma_start3A = arith.constant 0 : i32
        %dma_start3A_57 = arith.constant 0 : i32
        %dma_start3A_58 = tpu.memref_slice %arg8[%run_scoped3A_49, %dma_start3A, %dma_start3A_57] : memref<4x64x128xf32, #tpu.memory_space<vmem>> -> memref<1x64x128xf32, #tpu.memory_space<vmem>>
        %dma_start3A_59 = tpu.memref_squeeze %dma_start3A_58 : memref<1x64x128xf32, #tpu.memory_space<vmem>> -> memref<64x128xf32, #tpu.memory_space<vmem>>
        %dma_start3A_60 = arith.constant 0 : i32
        %dma_start3A_61 = tpu.memref_slice %arg9[%add3A_48, %dma_start3A_60] : memref<10240x128xf32, #tpu.memory_space<vmem_shared>> -> memref<64x128xf32, #tpu.memory_space<vmem_shared>>
        %dma_start3A_62 = arith.constant 0 : i32
        %dma_start3A_63 = tpu.memref_slice %arg9[%add3A_48, %dma_start3A_62] : memref<10240x128xf32, #tpu.memory_space<vmem_shared>> -> memref<64x128xf32, #tpu.memory_space<vmem_shared>>
        %dma_start3A_64 = arith.constant 0 : i32
        %dma_start3A_65 = arith.constant 0 : i32
        %dma_start3A_66 = tpu.memref_slice %arg8[%run_scoped3A_49, %dma_start3A_64, %dma_start3A_65] : memref<4x64x128xf32, #tpu.memory_space<vmem>> -> memref<1x64x128xf32, #tpu.memory_space<vmem>>
        %dma_start3A_67 = tpu.memref_squeeze %dma_start3A_66 : memref<1x64x128xf32, #tpu.memory_space<vmem>> -> memref<64x128xf32, #tpu.memory_space<vmem>>
        tpu.enqueue_dma source(%dma_start3A_67 : memref<64x128xf32, #tpu.memory_space<vmem>>) target(%dma_start3A_63 : memref<64x128xf32, #tpu.memory_space<vmem_shared>>) target_semaphore(%run_scoped3A_56 : memref<!tpu.dma_semaphore, #tpu.memory_space<semaphore_mem>>)
        %dma_wait3A = arith.constant 0 : i32
        %dma_wait3A_68 = arith.constant 0 : i32
        %dma_wait3A_69 = tpu.memref_slice %arg8[%run_scoped3A_49, %dma_wait3A, %dma_wait3A_68] : memref<4x64x128xf32, #tpu.memory_space<vmem>> -> memref<1x64x128xf32, #tpu.memory_space<vmem>>
        %dma_wait3A_70 = tpu.memref_squeeze %dma_wait3A_69 : memref<1x64x128xf32, #tpu.memory_space<vmem>> -> memref<64x128xf32, #tpu.memory_space<vmem>>
        %dma_wait3A_71 = arith.constant 0 : i32
        %dma_wait3A_72 = tpu.memref_slice %arg9[%add3A_48, %dma_wait3A_71] : memref<10240x128xf32, #tpu.memory_space<vmem_shared>> -> memref<64x128xf32, #tpu.memory_space<vmem_shared>>
        %dma_wait3A_73 = arith.constant 0 : i32
        %dma_wait3A_74 = tpu.memref_slice %arg9[%add3A_48, %dma_wait3A_73] : memref<10240x128xf32, #tpu.memory_space<vmem_shared>> -> memref<64x128xf32, #tpu.memory_space<vmem_shared>>
        %dma_wait3A_75 = arith.constant 0 : i32
        %dma_wait3A_76 = arith.constant 0 : i32
        %dma_wait3A_77 = tpu.memref_slice %arg8[%run_scoped3A_49, %dma_wait3A_75, %dma_wait3A_76] : memref<4x64x128xf32, #tpu.memory_space<vmem>> -> memref<1x64x128xf32, #tpu.memory_space<vmem>>
        %dma_wait3A_78 = tpu.memref_squeeze %dma_wait3A_77 : memref<1x64x128xf32, #tpu.memory_space<vmem>> -> memref<64x128xf32, #tpu.memory_space<vmem>>
        tpu.wait_dma2 semaphore(%run_scoped3A_56 : memref<!tpu.dma_semaphore, #tpu.memory_space<semaphore_mem>>) src(%dma_wait3A_78 : memref<64x128xf32, #tpu.memory_space<vmem>>) dst(%dma_wait3A_74 : memref<64x128xf32, #tpu.memory_space<vmem_shared>>)
        tpu.yield
      }) : () -> ()
      %add3A_50 = arith.constant 512 : i32
      %add3A_51 = arith.addi %mul3A_9, %add3A_50 : i32
      %run_scoped3A_52 = arith.constant 0 : i32
      "tpu.region"() ({
        %run_scoped3A_56 = tpu.sem_alloc : memref<!tpu.dma_semaphore, #tpu.memory_space<semaphore_mem>>
        %dma_start3A = arith.constant 0 : i32
        %dma_start3A_57 = arith.constant 0 : i32
        %dma_start3A_58 = tpu.memref_slice %arg8[%run_scoped3A_52, %dma_start3A, %dma_start3A_57] : memref<4x64x128xf32, #tpu.memory_space<vmem>> -> memref<1x64x128xf32, #tpu.memory_space<vmem>>
        %dma_start3A_59 = tpu.memref_squeeze %dma_start3A_58 : memref<1x64x128xf32, #tpu.memory_space<vmem>> -> memref<64x128xf32, #tpu.memory_space<vmem>>
        %dma_start3A_60 = arith.constant 0 : i32
        %dma_start3A_61 = tpu.memref_slice %arg9[%add3A_51, %dma_start3A_60] : memref<10240x128xf32, #tpu.memory_space<vmem_shared>> -> memref<64x128xf32, #tpu.memory_space<vmem_shared>>
        %dma_start3A_62 = arith.constant 0 : i32
        %dma_start3A_63 = tpu.memref_slice %arg9[%add3A_51, %dma_start3A_62] : memref<10240x128xf32, #tpu.memory_space<vmem_shared>> -> memref<64x128xf32, #tpu.memory_space<vmem_shared>>
        %dma_start3A_64 = arith.constant 0 : i32
        %dma_start3A_65 = arith.constant 0 : i32
        %dma_start3A_66 = tpu.memref_slice %arg8[%run_scoped3A_52, %dma_start3A_64, %dma_start3A_65] : memref<4x64x128xf32, #tpu.memory_space<vmem>> -> memref<1x64x128xf32, #tpu.memory_space<vmem>>
        %dma_start3A_67 = tpu.memref_squeeze %dma_start3A_66 : memref<1x64x128xf32, #tpu.memory_space<vmem>> -> memref<64x128xf32, #tpu.memory_space<vmem>>
        tpu.enqueue_dma source(%dma_start3A_67 : memref<64x128xf32, #tpu.memory_space<vmem>>) target(%dma_start3A_63 : memref<64x128xf32, #tpu.memory_space<vmem_shared>>) target_semaphore(%run_scoped3A_56 : memref<!tpu.dma_semaphore, #tpu.memory_space<semaphore_mem>>)
        %dma_wait3A = arith.constant 0 : i32
        %dma_wait3A_68 = arith.constant 0 : i32
        %dma_wait3A_69 = tpu.memref_slice %arg8[%run_scoped3A_52, %dma_wait3A, %dma_wait3A_68] : memref<4x64x128xf32, #tpu.memory_space<vmem>> -> memref<1x64x128xf32, #tpu.memory_space<vmem>>
        %dma_wait3A_70 = tpu.memref_squeeze %dma_wait3A_69 : memref<1x64x128xf32, #tpu.memory_space<vmem>> -> memref<64x128xf32, #tpu.memory_space<vmem>>
        %dma_wait3A_71 = arith.constant 0 : i32
        %dma_wait3A_72 = tpu.memref_slice %arg9[%add3A_51, %dma_wait3A_71] : memref<10240x128xf32, #tpu.memory_space<vmem_shared>> -> memref<64x128xf32, #tpu.memory_space<vmem_shared>>
        %dma_wait3A_73 = arith.constant 0 : i32
        %dma_wait3A_74 = tpu.memref_slice %arg9[%add3A_51, %dma_wait3A_73] : memref<10240x128xf32, #tpu.memory_space<vmem_shared>> -> memref<64x128xf32, #tpu.memory_space<vmem_shared>>
        %dma_wait3A_75 = arith.constant 0 : i32
        %dma_wait3A_76 = arith.constant 0 : i32
        %dma_wait3A_77 = tpu.memref_slice %arg8[%run_scoped3A_52, %dma_wait3A_75, %dma_wait3A_76] : memref<4x64x128xf32, #tpu.memory_space<vmem>> -> memref<1x64x128xf32, #tpu.memory_space<vmem>>
        %dma_wait3A_78 = tpu.memref_squeeze %dma_wait3A_77 : memref<1x64x128xf32, #tpu.memory_space<vmem>> -> memref<64x128xf32, #tpu.memory_space<vmem>>
        tpu.wait_dma2 semaphore(%run_scoped3A_56 : memref<!tpu.dma_semaphore, #tpu.memory_space<semaphore_mem>>) src(%dma_wait3A_78 : memref<64x128xf32, #tpu.memory_space<vmem>>) dst(%dma_wait3A_74 : memref<64x128xf32, #tpu.memory_space<vmem_shared>>)
        tpu.yield
      }) : () -> ()
      %add3A_53 = arith.constant 576 : i32
      %add3A_54 = arith.addi %mul3A_9, %add3A_53 : i32
      %run_scoped3A_55 = arith.constant 0 : i32
      "tpu.region"() ({
        %run_scoped3A_56 = tpu.sem_alloc : memref<!tpu.dma_semaphore, #tpu.memory_space<semaphore_mem>>
        %dma_start3A = arith.constant 0 : i32
        %dma_start3A_57 = arith.constant 0 : i32
        %dma_start3A_58 = tpu.memref_slice %arg8[%run_scoped3A_55, %dma_start3A, %dma_start3A_57] : memref<4x64x128xf32, #tpu.memory_space<vmem>> -> memref<1x64x128xf32, #tpu.memory_space<vmem>>
        %dma_start3A_59 = tpu.memref_squeeze %dma_start3A_58 : memref<1x64x128xf32, #tpu.memory_space<vmem>> -> memref<64x128xf32, #tpu.memory_space<vmem>>
        %dma_start3A_60 = arith.constant 0 : i32
        %dma_start3A_61 = tpu.memref_slice %arg9[%add3A_54, %dma_start3A_60] : memref<10240x128xf32, #tpu.memory_space<vmem_shared>> -> memref<64x128xf32, #tpu.memory_space<vmem_shared>>
        %dma_start3A_62 = arith.constant 0 : i32
        %dma_start3A_63 = tpu.memref_slice %arg9[%add3A_54, %dma_start3A_62] : memref<10240x128xf32, #tpu.memory_space<vmem_shared>> -> memref<64x128xf32, #tpu.memory_space<vmem_shared>>
        %dma_start3A_64 = arith.constant 0 : i32
        %dma_start3A_65 = arith.constant 0 : i32
        %dma_start3A_66 = tpu.memref_slice %arg8[%run_scoped3A_55, %dma_start3A_64, %dma_start3A_65] : memref<4x64x128xf32, #tpu.memory_space<vmem>> -> memref<1x64x128xf32, #tpu.memory_space<vmem>>
        %dma_start3A_67 = tpu.memref_squeeze %dma_start3A_66 : memref<1x64x128xf32, #tpu.memory_space<vmem>> -> memref<64x128xf32, #tpu.memory_space<vmem>>
        tpu.enqueue_dma source(%dma_start3A_67 : memref<64x128xf32, #tpu.memory_space<vmem>>) target(%dma_start3A_63 : memref<64x128xf32, #tpu.memory_space<vmem_shared>>) target_semaphore(%run_scoped3A_56 : memref<!tpu.dma_semaphore, #tpu.memory_space<semaphore_mem>>)
        %dma_wait3A = arith.constant 0 : i32
        %dma_wait3A_68 = arith.constant 0 : i32
        %dma_wait3A_69 = tpu.memref_slice %arg8[%run_scoped3A_55, %dma_wait3A, %dma_wait3A_68] : memref<4x64x128xf32, #tpu.memory_space<vmem>> -> memref<1x64x128xf32, #tpu.memory_space<vmem>>
        %dma_wait3A_70 = tpu.memref_squeeze %dma_wait3A_69 : memref<1x64x128xf32, #tpu.memory_space<vmem>> -> memref<64x128xf32, #tpu.memory_space<vmem>>
        %dma_wait3A_71 = arith.constant 0 : i32
        %dma_wait3A_72 = tpu.memref_slice %arg9[%add3A_54, %dma_wait3A_71] : memref<10240x128xf32, #tpu.memory_space<vmem_shared>> -> memref<64x128xf32, #tpu.memory_space<vmem_shared>>
        %dma_wait3A_73 = arith.constant 0 : i32
        %dma_wait3A_74 = tpu.memref_slice %arg9[%add3A_54, %dma_wait3A_73] : memref<10240x128xf32, #tpu.memory_space<vmem_shared>> -> memref<64x128xf32, #tpu.memory_space<vmem_shared>>
        %dma_wait3A_75 = arith.constant 0 : i32
        %dma_wait3A_76 = arith.constant 0 : i32
        %dma_wait3A_77 = tpu.memref_slice %arg8[%run_scoped3A_55, %dma_wait3A_75, %dma_wait3A_76] : memref<4x64x128xf32, #tpu.memory_space<vmem>> -> memref<1x64x128xf32, #tpu.memory_space<vmem>>
        %dma_wait3A_78 = tpu.memref_squeeze %dma_wait3A_77 : memref<1x64x128xf32, #tpu.memory_space<vmem>> -> memref<64x128xf32, #tpu.memory_space<vmem>>
        tpu.wait_dma2 semaphore(%run_scoped3A_56 : memref<!tpu.dma_semaphore, #tpu.memory_space<semaphore_mem>>) src(%dma_wait3A_78 : memref<64x128xf32, #tpu.memory_space<vmem>>) dst(%dma_wait3A_74 : memref<64x128xf32, #tpu.memory_space<vmem_shared>>)
        tpu.yield
      }) : () -> ()
    } else {
    }
    %barrier3A = arith.constant 0 : index
    tpu.barrier barrier_id(%barrier3A)
    %mul3A_13 = arith.constant 320 : i32
    %mul3A_14 = arith.muli %arg1, %mul3A_13 : i32
    %eq3A_15 = arith.constant 0 : i32
    %eq3A_16 = arith.cmpi eq, %arg0, %eq3A_15 : i32
    %convert_element_type3A_17 = arith.extui %eq3A_16 : i1 to i32
    %cond3A_18 = arith.constant 0 : i32
    %cond3A_19 = arith.cmpi ne, %convert_element_type3A_17, %cond3A_18 : i32
    scf.if %cond3A_19 {
      %add3A = arith.constant 0 : i32
      %add3A_28 = arith.addi %mul3A_14, %add3A : i32
      "tpu.region"() ({
        %run_scoped3A = tpu.sem_alloc : memref<!tpu.dma_semaphore, #tpu.memory_space<semaphore_mem>>
        %dma_start3A_120 = arith.constant 0 : i32
        %dma_start3A_121 = tpu.memref_slice %arg2[%add3A_28, %dma_start3A_120] : memref<5120x64xi32, #tpu.memory_space<hbm>> -> memref<16x64xi32, #tpu.memory_space<hbm>>
        %dma_start3A_122 = arith.constant 0 : i32
        %dma_start3A_123 = tpu.memref_slice %arg2[%add3A_28, %dma_start3A_122] : memref<5120x64xi32, #tpu.memory_space<hbm>> -> memref<16x64xi32, #tpu.memory_space<hbm>>
        tpu.enqueue_dma source(%dma_start3A_123 : memref<16x64xi32, #tpu.memory_space<hbm>>) target(%arg6 : memref<16x64xi32, #tpu.memory_space<vmem>>) target_semaphore(%run_scoped3A : memref<!tpu.dma_semaphore, #tpu.memory_space<semaphore_mem>>)
        %dma_wait3A_124 = arith.constant 0 : i32
        %dma_wait3A_125 = tpu.memref_slice %arg2[%add3A_28, %dma_wait3A_124] : memref<5120x64xi32, #tpu.memory_space<hbm>> -> memref<16x64xi32, #tpu.memory_space<hbm>>
        %dma_wait3A_126 = arith.constant 0 : i32
        %dma_wait3A_127 = tpu.memref_slice %arg2[%add3A_28, %dma_wait3A_126] : memref<5120x64xi32, #tpu.memory_space<hbm>> -> memref<16x64xi32, #tpu.memory_space<hbm>>
        tpu.wait_dma2 semaphore(%run_scoped3A : memref<!tpu.dma_semaphore, #tpu.memory_space<semaphore_mem>>) src(%dma_wait3A_127 : memref<16x64xi32, #tpu.memory_space<hbm>>) dst(%arg6 : memref<16x64xi32, #tpu.memory_space<vmem>>)
        tpu.yield
      }) : () -> ()
      %add3A_29 = arith.constant 0 : i32
      %add3A_30 = arith.addi %mul3A_14, %add3A_29 : i32
      "tpu.region"() ({
        %run_scoped3A = tpu.sem_alloc : memref<!tpu.dma_semaphore, #tpu.memory_space<semaphore_mem>>
        %dma_start3A_120 = arith.constant 0 : i32
        %dma_start3A_121 = tpu.memref_slice %arg3[%add3A_30, %dma_start3A_120] : memref<5120x64xi32, #tpu.memory_space<hbm>> -> memref<16x64xi32, #tpu.memory_space<hbm>>
        %dma_start3A_122 = arith.constant 0 : i32
        %dma_start3A_123 = tpu.memref_slice %arg3[%add3A_30, %dma_start3A_122] : memref<5120x64xi32, #tpu.memory_space<hbm>> -> memref<16x64xi32, #tpu.memory_space<hbm>>
        tpu.enqueue_dma source(%dma_start3A_123 : memref<16x64xi32, #tpu.memory_space<hbm>>) target(%arg7 : memref<16x64xi32, #tpu.memory_space<vmem>>) target_semaphore(%run_scoped3A : memref<!tpu.dma_semaphore, #tpu.memory_space<semaphore_mem>>)
        %dma_wait3A_124 = arith.constant 0 : i32
        %dma_wait3A_125 = tpu.memref_slice %arg3[%add3A_30, %dma_wait3A_124] : memref<5120x64xi32, #tpu.memory_space<hbm>> -> memref<16x64xi32, #tpu.memory_space<hbm>>
        %dma_wait3A_126 = arith.constant 0 : i32
        %dma_wait3A_127 = tpu.memref_slice %arg3[%add3A_30, %dma_wait3A_126] : memref<5120x64xi32, #tpu.memory_space<hbm>> -> memref<16x64xi32, #tpu.memory_space<hbm>>
        tpu.wait_dma2 semaphore(%run_scoped3A : memref<!tpu.dma_semaphore, #tpu.memory_space<semaphore_mem>>) src(%dma_wait3A_127 : memref<16x64xi32, #tpu.memory_space<hbm>>) dst(%arg7 : memref<16x64xi32, #tpu.memory_space<vmem>>)
        tpu.yield
      }) : () -> ()
      %dma_start3A = arith.constant 0 : i32
      %dma_start3A_31 = arith.constant 0 : i32
      %dma_start3A_32 = arith.constant 0 : i32
      %dma_start3A_33 = arith.constant 0 : i32
      %dma_start3A_34 = tpu.memref_slice %arg8[%dma_start3A_31, %dma_start3A_32, %dma_start3A_33] : memref<4x64x128xf32, #tpu.memory_space<vmem>> -> memref<1x64x128xf32, #tpu.memory_space<vmem>>
      %dma_start3A_35 = tpu.memref_squeeze %dma_start3A_34 : memref<1x64x128xf32, #tpu.memory_space<vmem>> -> memref<64x128xf32, #tpu.memory_space<vmem>>
      %dma_start3A_36 = arith.constant 0 : i32
      %dma_start3A_37 = tpu.memref_slice %arg6[%dma_start3A, %dma_start3A_36] : memref<16x64xi32, #tpu.memory_space<vmem>> -> memref<1x64xi32, #tpu.memory_space<vmem>>
      %dma_start3A_38 = tpu.memref_squeeze %dma_start3A_37 : memref<1x64xi32, #tpu.memory_space<vmem>> -> memref<64xi32, #tpu.memory_space<vmem>>
      %dma_start3A_39 = arith.constant 0 : i32
      %dma_start3A_40 = arith.constant 0 : i32
      %dma_start3A_41 = tpu.memref_slice %arg4[%dma_start3A_39, %dma_start3A_40] : memref<10000x128xf32, #tpu.memory_space<hbm>> -> memref<10000x128xf32, #tpu.memory_space<hbm>>
      tpu.enqueue_indirect_dma source(%dma_start3A_41 : memref<10000x128xf32, #tpu.memory_space<hbm>>) target(%dma_start3A_35 : memref<64x128xf32, #tpu.memory_space<vmem>>) offsets(%dma_start3A_38 : memref<64xi32, #tpu.memory_space<vmem>>) semaphore(%arg10 : memref<!tpu.dma_semaphore, #tpu.memory_space<semaphore_mem>>)
      %dma_start3A_42 = arith.constant 1 : i32
      %dma_start3A_43 = arith.constant 1 : i32
      %dma_start3A_44 = arith.constant 0 : i32
      %dma_start3A_45 = arith.constant 0 : i32
      %dma_start3A_46 = tpu.memref_slice %arg8[%dma_start3A_43, %dma_start3A_44, %dma_start3A_45] : memref<4x64x128xf32, #tpu.memory_space<vmem>> -> memref<1x64x128xf32, #tpu.memory_space<vmem>>
      %dma_start3A_47 = tpu.memref_squeeze %dma_start3A_46 : memref<1x64x128xf32, #tpu.memory_space<vmem>> -> memref<64x128xf32, #tpu.memory_space<vmem>>
      %dma_start3A_48 = arith.constant 0 : i32
      %dma_start3A_49 = tpu.memref_slice %arg6[%dma_start3A_42, %dma_start3A_48] : memref<16x64xi32, #tpu.memory_space<vmem>> -> memref<1x64xi32, #tpu.memory_space<vmem>>
      %dma_start3A_50 = tpu.memref_squeeze %dma_start3A_49 : memref<1x64xi32, #tpu.memory_space<vmem>> -> memref<64xi32, #tpu.memory_space<vmem>>
      %dma_start3A_51 = arith.constant 0 : i32
      %dma_start3A_52 = arith.constant 0 : i32
      %dma_start3A_53 = tpu.memref_slice %arg4[%dma_start3A_51, %dma_start3A_52] : memref<10000x128xf32, #tpu.memory_space<hbm>> -> memref<10000x128xf32, #tpu.memory_space<hbm>>
      tpu.enqueue_indirect_dma source(%dma_start3A_53 : memref<10000x128xf32, #tpu.memory_space<hbm>>) target(%dma_start3A_47 : memref<64x128xf32, #tpu.memory_space<vmem>>) offsets(%dma_start3A_50 : memref<64xi32, #tpu.memory_space<vmem>>) semaphore(%arg11 : memref<!tpu.dma_semaphore, #tpu.memory_space<semaphore_mem>>)
      %dma_start3A_54 = arith.constant 2 : i32
      %dma_start3A_55 = arith.constant 2 : i32
      %dma_start3A_56 = arith.constant 0 : i32
      %dma_start3A_57 = arith.constant 0 : i32
      %dma_start3A_58 = tpu.memref_slice %arg8[%dma_start3A_55, %dma_start3A_56, %dma_start3A_57] : memref<4x64x128xf32, #tpu.memory_space<vmem>> -> memref<1x64x128xf32, #tpu.memory_space<vmem>>
      %dma_start3A_59 = tpu.memref_squeeze %dma_start3A_58 : memref<1x64x128xf32, #tpu.memory_space<vmem>> -> memref<64x128xf32, #tpu.memory_space<vmem>>
      %dma_start3A_60 = arith.constant 0 : i32
      %dma_start3A_61 = tpu.memref_slice %arg6[%dma_start3A_54, %dma_start3A_60] : memref<16x64xi32, #tpu.memory_space<vmem>> -> memref<1x64xi32, #tpu.memory_space<vmem>>
      %dma_start3A_62 = tpu.memref_squeeze %dma_start3A_61 : memref<1x64xi32, #tpu.memory_space<vmem>> -> memref<64xi32, #tpu.memory_space<vmem>>
      %dma_start3A_63 = arith.constant 0 : i32
      %dma_start3A_64 = arith.constant 0 : i32
      %dma_start3A_65 = tpu.memref_slice %arg4[%dma_start3A_63, %dma_start3A_64] : memref<10000x128xf32, #tpu.memory_space<hbm>> -> memref<10000x128xf32, #tpu.memory_space<hbm>>
      tpu.enqueue_indirect_dma source(%dma_start3A_65 : memref<10000x128xf32, #tpu.memory_space<hbm>>) target(%dma_start3A_59 : memref<64x128xf32, #tpu.memory_space<vmem>>) offsets(%dma_start3A_62 : memref<64xi32, #tpu.memory_space<vmem>>) semaphore(%arg12 : memref<!tpu.dma_semaphore, #tpu.memory_space<semaphore_mem>>)
      %scan3A_66 = arith.constant 0 : i32
      %scan3A_67 = arith.constant 0 : i32
      %scan3A_68 = arith.constant 20 : i32
      %scan3A_69 = arith.addi %scan3A_67, %scan3A_68 : i32
      %scan3A_70 = arith.constant 1 : i32
      %scan3A_71 = scf.for %scan3A_120 = %scan3A_67 to %scan3A_69 step %scan3A_70 iter_args(%scan3A_121 = %scan3A_66) -> (i32)  : i32 {
        %dma_wait3A_122 = arith.constant 0 : i32
        %dma_wait3A_123 = arith.constant 0 : i32
        %dma_wait3A_124 = arith.constant 0 : i32
        %dma_wait3A_125 = arith.constant 0 : i32
        %dma_wait3A_126 = tpu.memref_slice %arg8[%dma_wait3A_123, %dma_wait3A_124, %dma_wait3A_125] : memref<4x64x128xf32, #tpu.memory_space<vmem>> -> memref<1x64x128xf32, #tpu.memory_space<vmem>>
        %dma_wait3A_127 = tpu.memref_squeeze %dma_wait3A_126 : memref<1x64x128xf32, #tpu.memory_space<vmem>> -> memref<64x128xf32, #tpu.memory_space<vmem>>
        %dma_wait3A_128 = arith.constant 0 : i32
        %dma_wait3A_129 = tpu.memref_slice %arg6[%dma_wait3A_122, %dma_wait3A_128] : memref<16x64xi32, #tpu.memory_space<vmem>> -> memref<1x64xi32, #tpu.memory_space<vmem>>
        %dma_wait3A_130 = tpu.memref_squeeze %dma_wait3A_129 : memref<1x64xi32, #tpu.memory_space<vmem>> -> memref<64xi32, #tpu.memory_space<vmem>>
        %dma_wait3A_131 = arith.constant 0 : i32
        %dma_wait3A_132 = arith.constant 0 : i32
        %dma_wait3A_133 = tpu.memref_slice %arg4[%dma_wait3A_131, %dma_wait3A_132] : memref<10000x128xf32, #tpu.memory_space<hbm>> -> memref<10000x128xf32, #tpu.memory_space<hbm>>
        tpu.wait_indirect_dma semaphore(%arg10 : memref<!tpu.dma_semaphore, #tpu.memory_space<semaphore_mem>>) src(%dma_wait3A_133 : memref<10000x128xf32, #tpu.memory_space<hbm>>) dst(%dma_wait3A_127 : memref<64x128xf32, #tpu.memory_space<vmem>>)
        %dma_start3A_134 = arith.constant 0 : i32
        %dma_start3A_135 = arith.constant 0 : i32
        %dma_start3A_136 = arith.constant 0 : i32
        %dma_start3A_137 = arith.constant 0 : i32
        %dma_start3A_138 = tpu.memref_slice %arg8[%dma_start3A_134, %dma_start3A_136, %dma_start3A_137] : memref<4x64x128xf32, #tpu.memory_space<vmem>> -> memref<1x64x128xf32, #tpu.memory_space<vmem>>
        %dma_start3A_139 = tpu.memref_squeeze %dma_start3A_138 : memref<1x64x128xf32, #tpu.memory_space<vmem>> -> memref<64x128xf32, #tpu.memory_space<vmem>>
        %dma_start3A_140 = arith.constant 0 : i32
        %dma_start3A_141 = tpu.memref_slice %arg7[%dma_start3A_135, %dma_start3A_140] : memref<16x64xi32, #tpu.memory_space<vmem>> -> memref<1x64xi32, #tpu.memory_space<vmem>>
        %dma_start3A_142 = tpu.memref_squeeze %dma_start3A_141 : memref<1x64xi32, #tpu.memory_space<vmem>> -> memref<64xi32, #tpu.memory_space<vmem>>
        %dma_start3A_143 = arith.constant 0 : i32
        %dma_start3A_144 = arith.constant 0 : i32
        %dma_start3A_145 = tpu.memref_slice %arg9[%dma_start3A_143, %dma_start3A_144] : memref<10240x128xf32, #tpu.memory_space<vmem_shared>> -> memref<10240x128xf32, #tpu.memory_space<vmem_shared>>
        tpu.enqueue_indirect_dma source(%dma_start3A_139 : memref<64x128xf32, #tpu.memory_space<vmem>>) target(%dma_start3A_145 : memref<10240x128xf32, #tpu.memory_space<vmem_shared>>) offsets(%dma_start3A_142 : memref<64xi32, #tpu.memory_space<vmem>>) semaphore(%arg14 : memref<!tpu.dma_semaphore, #tpu.memory_space<semaphore_mem>>) {add = true}
        %gt3A = arith.constant 0 : i32
        %gt3A_146 = arith.cmpi sgt, %scan3A_120, %gt3A : i32
        %convert_element_type3A_147 = arith.extui %gt3A_146 : i1 to i32
        %cond3A_148 = arith.constant 0 : i32
        %cond3A_149 = arith.cmpi ne, %convert_element_type3A_147, %cond3A_148 : i32
        scf.if %cond3A_149 {
          %dma_wait3A_815 = arith.constant 3 : i32
          %dma_wait3A_816 = arith.constant 0 : i32
          %dma_wait3A_817 = arith.constant 0 : i32
          %dma_wait3A_818 = arith.constant 0 : i32
          %dma_wait3A_819 = tpu.memref_slice %arg8[%dma_wait3A_815, %dma_wait3A_817, %dma_wait3A_818] : memref<4x64x128xf32, #tpu.memory_space<vmem>> -> memref<1x64x128xf32, #tpu.memory_space<vmem>>
          %dma_wait3A_820 = tpu.memref_squeeze %dma_wait3A_819 : memref<1x64x128xf32, #tpu.memory_space<vmem>> -> memref<64x128xf32, #tpu.memory_space<vmem>>
          %dma_wait3A_821 = arith.constant 0 : i32
          %dma_wait3A_822 = tpu.memref_slice %arg7[%dma_wait3A_816, %dma_wait3A_821] : memref<16x64xi32, #tpu.memory_space<vmem>> -> memref<1x64xi32, #tpu.memory_space<vmem>>
          %dma_wait3A_823 = tpu.memref_squeeze %dma_wait3A_822 : memref<1x64xi32, #tpu.memory_space<vmem>> -> memref<64xi32, #tpu.memory_space<vmem>>
          %dma_wait3A_824 = arith.constant 0 : i32
          %dma_wait3A_825 = arith.constant 0 : i32
          %dma_wait3A_826 = tpu.memref_slice %arg9[%dma_wait3A_824, %dma_wait3A_825] : memref<10240x128xf32, #tpu.memory_space<vmem_shared>> -> memref<10240x128xf32, #tpu.memory_space<vmem_shared>>
          tpu.wait_indirect_dma semaphore(%arg17 : memref<!tpu.dma_semaphore, #tpu.memory_space<semaphore_mem>>) src(%dma_wait3A_820 : memref<64x128xf32, #tpu.memory_space<vmem>>) dst(%dma_wait3A_826 : memref<10240x128xf32, #tpu.memory_space<vmem_shared>>)
        } else {
        }
        %dma_start3A_150 = arith.constant 3 : i32
        %dma_start3A_151 = arith.constant 3 : i32
        %dma_start3A_152 = arith.constant 0 : i32
        %dma_start3A_153 = arith.constant 0 : i32
        %dma_start3A_154 = tpu.memref_slice %arg8[%dma_start3A_151, %dma_start3A_152, %dma_start3A_153] : memref<4x64x128xf32, #tpu.memory_space<vmem>> -> memref<1x64x128xf32, #tpu.memory_space<vmem>>
        %dma_start3A_155 = tpu.memref_squeeze %dma_start3A_154 : memref<1x64x128xf32, #tpu.memory_space<vmem>> -> memref<64x128xf32, #tpu.memory_space<vmem>>
        %dma_start3A_156 = arith.constant 0 : i32
        %dma_start3A_157 = tpu.memref_slice %arg6[%dma_start3A_150, %dma_start3A_156] : memref<16x64xi32, #tpu.memory_space<vmem>> -> memref<1x64xi32, #tpu.memory_space<vmem>>
        %dma_start3A_158 = tpu.memref_squeeze %dma_start3A_157 : memref<1x64xi32, #tpu.memory_space<vmem>> -> memref<64xi32, #tpu.memory_space<vmem>>
        %dma_start3A_159 = arith.constant 0 : i32
        %dma_start3A_160 = arith.constant 0 : i32
        %dma_start3A_161 = tpu.memref_slice %arg4[%dma_start3A_159, %dma_start3A_160] : memref<10000x128xf32, #tpu.memory_space<hbm>> -> memref<10000x128xf32, #tpu.memory_space<hbm>>
        tpu.enqueue_indirect_dma source(%dma_start3A_161 : memref<10000x128xf32, #tpu.memory_space<hbm>>) target(%dma_start3A_155 : memref<64x128xf32, #tpu.memory_space<vmem>>) offsets(%dma_start3A_158 : memref<64xi32, #tpu.memory_space<vmem>>) semaphore(%arg13 : memref<!tpu.dma_semaphore, #tpu.memory_space<semaphore_mem>>)
        %dma_wait3A_162 = arith.constant 0 : i32
        %dma_wait3A_163 = arith.constant 1 : i32
        %dma_wait3A_164 = arith.constant 0 : i32
        %dma_wait3A_165 = arith.constant 0 : i32
        %dma_wait3A_166 = tpu.memref_slice %arg8[%dma_wait3A_163, %dma_wait3A_164, %dma_wait3A_165] : memref<4x64x128xf32, #tpu.memory_space<vmem>> -> memref<1x64x128xf32, #tpu.memory_space<vmem>>
        %dma_wait3A_167 = tpu.memref_squeeze %dma_wait3A_166 : memref<1x64x128xf32, #tpu.memory_space<vmem>> -> memref<64x128xf32, #tpu.memory_space<vmem>>
        %dma_wait3A_168 = arith.constant 0 : i32
        %dma_wait3A_169 = tpu.memref_slice %arg6[%dma_wait3A_162, %dma_wait3A_168] : memref<16x64xi32, #tpu.memory_space<vmem>> -> memref<1x64xi32, #tpu.memory_space<vmem>>
        %dma_wait3A_170 = tpu.memref_squeeze %dma_wait3A_169 : memref<1x64xi32, #tpu.memory_space<vmem>> -> memref<64xi32, #tpu.memory_space<vmem>>
        %dma_wait3A_171 = arith.constant 0 : i32
        %dma_wait3A_172 = arith.constant 0 : i32
        %dma_wait3A_173 = tpu.memref_slice %arg4[%dma_wait3A_171, %dma_wait3A_172] : memref<10000x128xf32, #tpu.memory_space<hbm>> -> memref<10000x128xf32, #tpu.memory_space<hbm>>
        tpu.wait_indirect_dma semaphore(%arg11 : memref<!tpu.dma_semaphore, #tpu.memory_space<semaphore_mem>>) src(%dma_wait3A_173 : memref<10000x128xf32, #tpu.memory_space<hbm>>) dst(%dma_wait3A_167 : memref<64x128xf32, #tpu.memory_space<vmem>>)
        %dma_start3A_174 = arith.constant 1 : i32
        %dma_start3A_175 = arith.constant 1 : i32
        %dma_start3A_176 = arith.constant 0 : i32
        %dma_start3A_177 = arith.constant 0 : i32
        %dma_start3A_178 = tpu.memref_slice %arg8[%dma_start3A_174, %dma_start3A_176, %dma_start3A_177] : memref<4x64x128xf32, #tpu.memory_space<vmem>> -> memref<1x64x128xf32, #tpu.memory_space<vmem>>
        %dma_start3A_179 = tpu.memref_squeeze %dma_start3A_178 : memref<1x64x128xf32, #tpu.memory_space<vmem>> -> memref<64x128xf32, #tpu.memory_space<vmem>>
        %dma_start3A_180 = arith.constant 0 : i32
        %dma_start3A_181 = tpu.memref_slice %arg7[%dma_start3A_175, %dma_start3A_180] : memref<16x64xi32, #tpu.memory_space<vmem>> -> memref<1x64xi32, #tpu.memory_space<vmem>>
        %dma_start3A_182 = tpu.memref_squeeze %dma_start3A_181 : memref<1x64xi32, #tpu.memory_space<vmem>> -> memref<64xi32, #tpu.memory_space<vmem>>
        %dma_start3A_183 = arith.constant 0 : i32
        %dma_start3A_184 = arith.constant 0 : i32
        %dma_start3A_185 = tpu.memref_slice %arg9[%dma_start3A_183, %dma_start3A_184] : memref<10240x128xf32, #tpu.memory_space<vmem_shared>> -> memref<10240x128xf32, #tpu.memory_space<vmem_shared>>
        tpu.enqueue_indirect_dma source(%dma_start3A_179 : memref<64x128xf32, #tpu.memory_space<vmem>>) target(%dma_start3A_185 : memref<10240x128xf32, #tpu.memory_space<vmem_shared>>) offsets(%dma_start3A_182 : memref<64xi32, #tpu.memory_space<vmem>>) semaphore(%arg15 : memref<!tpu.dma_semaphore, #tpu.memory_space<semaphore_mem>>) {add = true}
        %dma_wait3A_186 = arith.constant 0 : i32
        %dma_wait3A_187 = arith.constant 0 : i32
        %dma_wait3A_188 = arith.constant 0 : i32
        %dma_wait3A_189 = arith.constant 0 : i32
        %dma_wait3A_190 = tpu.memref_slice %arg8[%dma_wait3A_186, %dma_wait3A_188, %dma_wait3A_189] : memref<4x64x128xf32, #tpu.memory_space<vmem>> -> memref<1x64x128xf32, #tpu.memory_space<vmem>>
        %dma_wait3A_191 = tpu.memref_squeeze %dma_wait3A_190 : memref<1x64x128xf32, #tpu.memory_space<vmem>> -> memref<64x128xf32, #tpu.memory_space<vmem>>
        %dma_wait3A_192 = arith.constant 0 : i32
        %dma_wait3A_193 = tpu.memref_slice %arg7[%dma_wait3A_187, %dma_wait3A_192] : memref<16x64xi32, #tpu.memory_space<vmem>> -> memref<1x64xi32, #tpu.memory_space<vmem>>
        %dma_wait3A_194 = tpu.memref_squeeze %dma_wait3A_193 : memref<1x64xi32, #tpu.memory_space<vmem>> -> memref<64xi32, #tpu.memory_space<vmem>>
        %dma_wait3A_195 = arith.constant 0 : i32
        %dma_wait3A_196 = arith.constant 0 : i32
        %dma_wait3A_197 = tpu.memref_slice %arg9[%dma_wait3A_195, %dma_wait3A_196] : memref<10240x128xf32, #tpu.memory_space<vmem_shared>> -> memref<10240x128xf32, #tpu.memory_space<vmem_shared>>
        tpu.wait_indirect_dma semaphore(%arg14 : memref<!tpu.dma_semaphore, #tpu.memory_space<semaphore_mem>>) src(%dma_wait3A_191 : memref<64x128xf32, #tpu.memory_space<vmem>>) dst(%dma_wait3A_197 : memref<10240x128xf32, #tpu.memory_space<vmem_shared>>)
        %dma_start3A_198 = arith.constant 4 : i32
        %dma_start3A_199 = arith.constant 0 : i32
        %dma_start3A_200 = arith.constant 0 : i32
        %dma_start3A_201 = arith.constant 0 : i32
        %dma_start3A_202 = tpu.memref_slice %arg8[%dma_start3A_199, %dma_start3A_200, %dma_start3A_201] : memref<4x64x128xf32, #tpu.memory_space<vmem>> -> memref<1x64x128xf32, #tpu.memory_space<vmem>>
        %dma_start3A_203 = tpu.memref_squeeze %dma_start3A_202 : memref<1x64x128xf32, #tpu.memory_space<vmem>> -> memref<64x128xf32, #tpu.memory_space<vmem>>
        %dma_start3A_204 = arith.constant 0 : i32
        %dma_start3A_205 = tpu.memref_slice %arg6[%dma_start3A_198, %dma_start3A_204] : memref<16x64xi32, #tpu.memory_space<vmem>> -> memref<1x64xi32, #tpu.memory_space<vmem>>
        %dma_start3A_206 = tpu.memref_squeeze %dma_start3A_205 : memref<1x64xi32, #tpu.memory_space<vmem>> -> memref<64xi32, #tpu.memory_space<vmem>>
        %dma_start3A_207 = arith.constant 0 : i32
        %dma_start3A_208 = arith.constant 0 : i32
        %dma_start3A_209 = tpu.memref_slice %arg4[%dma_start3A_207, %dma_start3A_208] : memref<10000x128xf32, #tpu.memory_space<hbm>> -> memref<10000x128xf32, #tpu.memory_space<hbm>>
        tpu.enqueue_indirect_dma source(%dma_start3A_209 : memref<10000x128xf32, #tpu.memory_space<hbm>>) target(%dma_start3A_203 : memref<64x128xf32, #tpu.memory_space<vmem>>) offsets(%dma_start3A_206 : memref<64xi32, #tpu.memory_space<vmem>>) semaphore(%arg10 : memref<!tpu.dma_semaphore, #tpu.memory_space<semaphore_mem>>)
        %dma_wait3A_210 = arith.constant 0 : i32
        %dma_wait3A_211 = arith.constant 2 : i32
        %dma_wait3A_212 = arith.constant 0 : i32
        %dma_wait3A_213 = arith.constant 0 : i32
        %dma_wait3A_214 = tpu.memref_slice %arg8[%dma_wait3A_211, %dma_wait3A_212, %dma_wait3A_213] : memref<4x64x128xf32, #tpu.memory_space<vmem>> -> memref<1x64x128xf32, #tpu.memory_space<vmem>>
        %dma_wait3A_215 = tpu.memref_squeeze %dma_wait3A_214 : memref<1x64x128xf32, #tpu.memory_space<vmem>> -> memref<64x128xf32, #tpu.memory_space<vmem>>
        %dma_wait3A_216 = arith.constant 0 : i32
        %dma_wait3A_217 = tpu.memref_slice %arg6[%dma_wait3A_210, %dma_wait3A_216] : memref<16x64xi32, #tpu.memory_space<vmem>> -> memref<1x64xi32, #tpu.memory_space<vmem>>
        %dma_wait3A_218 = tpu.memref_squeeze %dma_wait3A_217 : memref<1x64xi32, #tpu.memory_space<vmem>> -> memref<64xi32, #tpu.memory_space<vmem>>
        %dma_wait3A_219 = arith.constant 0 : i32
        %dma_wait3A_220 = arith.constant 0 : i32
        %dma_wait3A_221 = tpu.memref_slice %arg4[%dma_wait3A_219, %dma_wait3A_220] : memref<10000x128xf32, #tpu.memory_space<hbm>> -> memref<10000x128xf32, #tpu.memory_space<hbm>>
        tpu.wait_indirect_dma semaphore(%arg12 : memref<!tpu.dma_semaphore, #tpu.memory_space<semaphore_mem>>) src(%dma_wait3A_221 : memref<10000x128xf32, #tpu.memory_space<hbm>>) dst(%dma_wait3A_215 : memref<64x128xf32, #tpu.memory_space<vmem>>)
        %dma_start3A_222 = arith.constant 2 : i32
        %dma_start3A_223 = arith.constant 2 : i32
        %dma_start3A_224 = arith.constant 0 : i32
        %dma_start3A_225 = arith.constant 0 : i32
        %dma_start3A_226 = tpu.memref_slice %arg8[%dma_start3A_222, %dma_start3A_224, %dma_start3A_225] : memref<4x64x128xf32, #tpu.memory_space<vmem>> -> memref<1x64x128xf32, #tpu.memory_space<vmem>>
        %dma_start3A_227 = tpu.memref_squeeze %dma_start3A_226 : memref<1x64x128xf32, #tpu.memory_space<vmem>> -> memref<64x128xf32, #tpu.memory_space<vmem>>
        %dma_start3A_228 = arith.constant 0 : i32
        %dma_start3A_229 = tpu.memref_slice %arg7[%dma_start3A_223, %dma_start3A_228] : memref<16x64xi32, #tpu.memory_space<vmem>> -> memref<1x64xi32, #tpu.memory_space<vmem>>
        %dma_start3A_230 = tpu.memref_squeeze %dma_start3A_229 : memref<1x64xi32, #tpu.memory_space<vmem>> -> memref<64xi32, #tpu.memory_space<vmem>>
        %dma_start3A_231 = arith.constant 0 : i32
        %dma_start3A_232 = arith.constant 0 : i32
        %dma_start3A_233 = tpu.memref_slice %arg9[%dma_start3A_231, %dma_start3A_232] : memref<10240x128xf32, #tpu.memory_space<vmem_shared>> -> memref<10240x128xf32, #tpu.memory_space<vmem_shared>>
        tpu.enqueue_indirect_dma source(%dma_start3A_227 : memref<64x128xf32, #tpu.memory_space<vmem>>) target(%dma_start3A_233 : memref<10240x128xf32, #tpu.memory_space<vmem_shared>>) offsets(%dma_start3A_230 : memref<64xi32, #tpu.memory_space<vmem>>) semaphore(%arg16 : memref<!tpu.dma_semaphore, #tpu.memory_space<semaphore_mem>>) {add = true}
        %dma_wait3A_234 = arith.constant 1 : i32
        %dma_wait3A_235 = arith.constant 0 : i32
        %dma_wait3A_236 = arith.constant 0 : i32
        %dma_wait3A_237 = arith.constant 0 : i32
        %dma_wait3A_238 = tpu.memref_slice %arg8[%dma_wait3A_234, %dma_wait3A_236, %dma_wait3A_237] : memref<4x64x128xf32, #tpu.memory_space<vmem>> -> memref<1x64x128xf32, #tpu.memory_space<vmem>>
        %dma_wait3A_239 = tpu.memref_squeeze %dma_wait3A_238 : memref<1x64x128xf32, #tpu.memory_space<vmem>> -> memref<64x128xf32, #tpu.memory_space<vmem>>
        %dma_wait3A_240 = arith.constant 0 : i32
        %dma_wait3A_241 = tpu.memref_slice %arg7[%dma_wait3A_235, %dma_wait3A_240] : memref<16x64xi32, #tpu.memory_space<vmem>> -> memref<1x64xi32, #tpu.memory_space<vmem>>
        %dma_wait3A_242 = tpu.memref_squeeze %dma_wait3A_241 : memref<1x64xi32, #tpu.memory_space<vmem>> -> memref<64xi32, #tpu.memory_space<vmem>>
        %dma_wait3A_243 = arith.constant 0 : i32
        %dma_wait3A_244 = arith.constant 0 : i32
        %dma_wait3A_245 = tpu.memref_slice %arg9[%dma_wait3A_243, %dma_wait3A_244] : memref<10240x128xf32, #tpu.memory_space<vmem_shared>> -> memref<10240x128xf32, #tpu.memory_space<vmem_shared>>
        tpu.wait_indirect_dma semaphore(%arg15 : memref<!tpu.dma_semaphore, #tpu.memory_space<semaphore_mem>>) src(%dma_wait3A_239 : memref<64x128xf32, #tpu.memory_space<vmem>>) dst(%dma_wait3A_245 : memref<10240x128xf32, #tpu.memory_space<vmem_shared>>)
        %dma_start3A_246 = arith.constant 5 : i32
        %dma_start3A_247 = arith.constant 1 : i32
        %dma_start3A_248 = arith.constant 0 : i32
        %dma_start3A_249 = arith.constant 0 : i32
        %dma_start3A_250 = tpu.memref_slice %arg8[%dma_start3A_247, %dma_start3A_248, %dma_start3A_249] : memref<4x64x128xf32, #tpu.memory_space<vmem>> -> memref<1x64x128xf32, #tpu.memory_space<vmem>>
        %dma_start3A_251 = tpu.memref_squeeze %dma_start3A_250 : memref<1x64x128xf32, #tpu.memory_space<vmem>> -> memref<64x128xf32, #tpu.memory_space<vmem>>
        %dma_start3A_252 = arith.constant 0 : i32
        %dma_start3A_253 = tpu.memref_slice %arg6[%dma_start3A_246, %dma_start3A_252] : memref<16x64xi32, #tpu.memory_space<vmem>> -> memref<1x64xi32, #tpu.memory_space<vmem>>
        %dma_start3A_254 = tpu.memref_squeeze %dma_start3A_253 : memref<1x64xi32, #tpu.memory_space<vmem>> -> memref<64xi32, #tpu.memory_space<vmem>>
        %dma_start3A_255 = arith.constant 0 : i32
        %dma_start3A_256 = arith.constant 0 : i32
        %dma_start3A_257 = tpu.memref_slice %arg4[%dma_start3A_255, %dma_start3A_256] : memref<10000x128xf32, #tpu.memory_space<hbm>> -> memref<10000x128xf32, #tpu.memory_space<hbm>>
        tpu.enqueue_indirect_dma source(%dma_start3A_257 : memref<10000x128xf32, #tpu.memory_space<hbm>>) target(%dma_start3A_251 : memref<64x128xf32, #tpu.memory_space<vmem>>) offsets(%dma_start3A_254 : memref<64xi32, #tpu.memory_space<vmem>>) semaphore(%arg11 : memref<!tpu.dma_semaphore, #tpu.memory_space<semaphore_mem>>)
        %dma_wait3A_258 = arith.constant 0 : i32
        %dma_wait3A_259 = arith.constant 3 : i32
        %dma_wait3A_260 = arith.constant 0 : i32
        %dma_wait3A_261 = arith.constant 0 : i32
        %dma_wait3A_262 = tpu.memref_slice %arg8[%dma_wait3A_259, %dma_wait3A_260, %dma_wait3A_261] : memref<4x64x128xf32, #tpu.memory_space<vmem>> -> memref<1x64x128xf32, #tpu.memory_space<vmem>>
        %dma_wait3A_263 = tpu.memref_squeeze %dma_wait3A_262 : memref<1x64x128xf32, #tpu.memory_space<vmem>> -> memref<64x128xf32, #tpu.memory_space<vmem>>
        %dma_wait3A_264 = arith.constant 0 : i32
        %dma_wait3A_265 = tpu.memref_slice %arg6[%dma_wait3A_258, %dma_wait3A_264] : memref<16x64xi32, #tpu.memory_space<vmem>> -> memref<1x64xi32, #tpu.memory_space<vmem>>
        %dma_wait3A_266 = tpu.memref_squeeze %dma_wait3A_265 : memref<1x64xi32, #tpu.memory_space<vmem>> -> memref<64xi32, #tpu.memory_space<vmem>>
        %dma_wait3A_267 = arith.constant 0 : i32
        %dma_wait3A_268 = arith.constant 0 : i32
        %dma_wait3A_269 = tpu.memref_slice %arg4[%dma_wait3A_267, %dma_wait3A_268] : memref<10000x128xf32, #tpu.memory_space<hbm>> -> memref<10000x128xf32, #tpu.memory_space<hbm>>
        tpu.wait_indirect_dma semaphore(%arg13 : memref<!tpu.dma_semaphore, #tpu.memory_space<semaphore_mem>>) src(%dma_wait3A_269 : memref<10000x128xf32, #tpu.memory_space<hbm>>) dst(%dma_wait3A_263 : memref<64x128xf32, #tpu.memory_space<vmem>>)
        %dma_start3A_270 = arith.constant 3 : i32
        %dma_start3A_271 = arith.constant 3 : i32
        %dma_start3A_272 = arith.constant 0 : i32
        %dma_start3A_273 = arith.constant 0 : i32
        %dma_start3A_274 = tpu.memref_slice %arg8[%dma_start3A_270, %dma_start3A_272, %dma_start3A_273] : memref<4x64x128xf32, #tpu.memory_space<vmem>> -> memref<1x64x128xf32, #tpu.memory_space<vmem>>
        %dma_start3A_275 = tpu.memref_squeeze %dma_start3A_274 : memref<1x64x128xf32, #tpu.memory_space<vmem>> -> memref<64x128xf32, #tpu.memory_space<vmem>>
        %dma_start3A_276 = arith.constant 0 : i32
        %dma_start3A_277 = tpu.memref_slice %arg7[%dma_start3A_271, %dma_start3A_276] : memref<16x64xi32, #tpu.memory_space<vmem>> -> memref<1x64xi32, #tpu.memory_space<vmem>>
        %dma_start3A_278 = tpu.memref_squeeze %dma_start3A_277 : memref<1x64xi32, #tpu.memory_space<vmem>> -> memref<64xi32, #tpu.memory_space<vmem>>
        %dma_start3A_279 = arith.constant 0 : i32
        %dma_start3A_280 = arith.constant 0 : i32
        %dma_start3A_281 = tpu.memref_slice %arg9[%dma_start3A_279, %dma_start3A_280] : memref<10240x128xf32, #tpu.memory_space<vmem_shared>> -> memref<10240x128xf32, #tpu.memory_space<vmem_shared>>
        tpu.enqueue_indirect_dma source(%dma_start3A_275 : memref<64x128xf32, #tpu.memory_space<vmem>>) target(%dma_start3A_281 : memref<10240x128xf32, #tpu.memory_space<vmem_shared>>) offsets(%dma_start3A_278 : memref<64xi32, #tpu.memory_space<vmem>>) semaphore(%arg17 : memref<!tpu.dma_semaphore, #tpu.memory_space<semaphore_mem>>) {add = true}
        %dma_wait3A_282 = arith.constant 2 : i32
        %dma_wait3A_283 = arith.constant 0 : i32
        %dma_wait3A_284 = arith.constant 0 : i32
        %dma_wait3A_285 = arith.constant 0 : i32
        %dma_wait3A_286 = tpu.memref_slice %arg8[%dma_wait3A_282, %dma_wait3A_284, %dma_wait3A_285] : memref<4x64x128xf32, #tpu.memory_space<vmem>> -> memref<1x64x128xf32, #tpu.memory_space<vmem>>
        %dma_wait3A_287 = tpu.memref_squeeze %dma_wait3A_286 : memref<1x64x128xf32, #tpu.memory_space<vmem>> -> memref<64x128xf32, #tpu.memory_space<vmem>>
        %dma_wait3A_288 = arith.constant 0 : i32
        %dma_wait3A_289 = tpu.memref_slice %arg7[%dma_wait3A_283, %dma_wait3A_288] : memref<16x64xi32, #tpu.memory_space<vmem>> -> memref<1x64xi32, #tpu.memory_space<vmem>>
        %dma_wait3A_290 = tpu.memref_squeeze %dma_wait3A_289 : memref<1x64xi32, #tpu.memory_space<vmem>> -> memref<64xi32, #tpu.memory_space<vmem>>
        %dma_wait3A_291 = arith.constant 0 : i32
        %dma_wait3A_292 = arith.constant 0 : i32
        %dma_wait3A_293 = tpu.memref_slice %arg9[%dma_wait3A_291, %dma_wait3A_292] : memref<10240x128xf32, #tpu.memory_space<vmem_shared>> -> memref<10240x128xf32, #tpu.memory_space<vmem_shared>>
        tpu.wait_indirect_dma semaphore(%arg16 : memref<!tpu.dma_semaphore, #tpu.memory_space<semaphore_mem>>) src(%dma_wait3A_287 : memref<64x128xf32, #tpu.memory_space<vmem>>) dst(%dma_wait3A_293 : memref<10240x128xf32, #tpu.memory_space<vmem_shared>>)
        %dma_start3A_294 = arith.constant 6 : i32
        %dma_start3A_295 = arith.constant 2 : i32
        %dma_start3A_296 = arith.constant 0 : i32
        %dma_start3A_297 = arith.constant 0 : i32
        %dma_start3A_298 = tpu.memref_slice %arg8[%dma_start3A_295, %dma_start3A_296, %dma_start3A_297] : memref<4x64x128xf32, #tpu.memory_space<vmem>> -> memref<1x64x128xf32, #tpu.memory_space<vmem>>
        %dma_start3A_299 = tpu.memref_squeeze %dma_start3A_298 : memref<1x64x128xf32, #tpu.memory_space<vmem>> -> memref<64x128xf32, #tpu.memory_space<vmem>>
        %dma_start3A_300 = arith.constant 0 : i32
        %dma_start3A_301 = tpu.memref_slice %arg6[%dma_start3A_294, %dma_start3A_300] : memref<16x64xi32, #tpu.memory_space<vmem>> -> memref<1x64xi32, #tpu.memory_space<vmem>>
        %dma_start3A_302 = tpu.memref_squeeze %dma_start3A_301 : memref<1x64xi32, #tpu.memory_space<vmem>> -> memref<64xi32, #tpu.memory_space<vmem>>
        %dma_start3A_303 = arith.constant 0 : i32
        %dma_start3A_304 = arith.constant 0 : i32
        %dma_start3A_305 = tpu.memref_slice %arg4[%dma_start3A_303, %dma_start3A_304] : memref<10000x128xf32, #tpu.memory_space<hbm>> -> memref<10000x128xf32, #tpu.memory_space<hbm>>
        tpu.enqueue_indirect_dma source(%dma_start3A_305 : memref<10000x128xf32, #tpu.memory_space<hbm>>) target(%dma_start3A_299 : memref<64x128xf32, #tpu.memory_space<vmem>>) offsets(%dma_start3A_302 : memref<64xi32, #tpu.memory_space<vmem>>) semaphore(%arg12 : memref<!tpu.dma_semaphore, #tpu.memory_space<semaphore_mem>>)
        %dma_wait3A_306 = arith.constant 0 : i32
        %dma_wait3A_307 = arith.constant 0 : i32
        %dma_wait3A_308 = arith.constant 0 : i32
        %dma_wait3A_309 = arith.constant 0 : i32
        %dma_wait3A_310 = tpu.memref_slice %arg8[%dma_wait3A_307, %dma_wait3A_308, %dma_wait3A_309] : memref<4x64x128xf32, #tpu.memory_space<vmem>> -> memref<1x64x128xf32, #tpu.memory_space<vmem>>
        %dma_wait3A_311 = tpu.memref_squeeze %dma_wait3A_310 : memref<1x64x128xf32, #tpu.memory_space<vmem>> -> memref<64x128xf32, #tpu.memory_space<vmem>>
        %dma_wait3A_312 = arith.constant 0 : i32
        %dma_wait3A_313 = tpu.memref_slice %arg6[%dma_wait3A_306, %dma_wait3A_312] : memref<16x64xi32, #tpu.memory_space<vmem>> -> memref<1x64xi32, #tpu.memory_space<vmem>>
        %dma_wait3A_314 = tpu.memref_squeeze %dma_wait3A_313 : memref<1x64xi32, #tpu.memory_space<vmem>> -> memref<64xi32, #tpu.memory_space<vmem>>
        %dma_wait3A_315 = arith.constant 0 : i32
        %dma_wait3A_316 = arith.constant 0 : i32
        %dma_wait3A_317 = tpu.memref_slice %arg4[%dma_wait3A_315, %dma_wait3A_316] : memref<10000x128xf32, #tpu.memory_space<hbm>> -> memref<10000x128xf32, #tpu.memory_space<hbm>>
        tpu.wait_indirect_dma semaphore(%arg10 : memref<!tpu.dma_semaphore, #tpu.memory_space<semaphore_mem>>) src(%dma_wait3A_317 : memref<10000x128xf32, #tpu.memory_space<hbm>>) dst(%dma_wait3A_311 : memref<64x128xf32, #tpu.memory_space<vmem>>)
        %dma_start3A_318 = arith.constant 0 : i32
        %dma_start3A_319 = arith.constant 4 : i32
        %dma_start3A_320 = arith.constant 0 : i32
        %dma_start3A_321 = arith.constant 0 : i32
        %dma_start3A_322 = tpu.memref_slice %arg8[%dma_start3A_318, %dma_start3A_320, %dma_start3A_321] : memref<4x64x128xf32, #tpu.memory_space<vmem>> -> memref<1x64x128xf32, #tpu.memory_space<vmem>>
        %dma_start3A_323 = tpu.memref_squeeze %dma_start3A_322 : memref<1x64x128xf32, #tpu.memory_space<vmem>> -> memref<64x128xf32, #tpu.memory_space<vmem>>
        %dma_start3A_324 = arith.constant 0 : i32
        %dma_start3A_325 = tpu.memref_slice %arg7[%dma_start3A_319, %dma_start3A_324] : memref<16x64xi32, #tpu.memory_space<vmem>> -> memref<1x64xi32, #tpu.memory_space<vmem>>
        %dma_start3A_326 = tpu.memref_squeeze %dma_start3A_325 : memref<1x64xi32, #tpu.memory_space<vmem>> -> memref<64xi32, #tpu.memory_space<vmem>>
        %dma_start3A_327 = arith.constant 0 : i32
        %dma_start3A_328 = arith.constant 0 : i32
        %dma_start3A_329 = tpu.memref_slice %arg9[%dma_start3A_327, %dma_start3A_328] : memref<10240x128xf32, #tpu.memory_space<vmem_shared>> -> memref<10240x128xf32, #tpu.memory_space<vmem_shared>>
        tpu.enqueue_indirect_dma source(%dma_start3A_323 : memref<64x128xf32, #tpu.memory_space<vmem>>) target(%dma_start3A_329 : memref<10240x128xf32, #tpu.memory_space<vmem_shared>>) offsets(%dma_start3A_326 : memref<64xi32, #tpu.memory_space<vmem>>) semaphore(%arg14 : memref<!tpu.dma_semaphore, #tpu.memory_space<semaphore_mem>>) {add = true}
        %dma_wait3A_330 = arith.constant 3 : i32
        %dma_wait3A_331 = arith.constant 0 : i32
        %dma_wait3A_332 = arith.constant 0 : i32
        %dma_wait3A_333 = arith.constant 0 : i32
        %dma_wait3A_334 = tpu.memref_slice %arg8[%dma_wait3A_330, %dma_wait3A_332, %dma_wait3A_333] : memref<4x64x128xf32, #tpu.memory_space<vmem>> -> memref<1x64x128xf32, #tpu.memory_space<vmem>>
        %dma_wait3A_335 = tpu.memref_squeeze %dma_wait3A_334 : memref<1x64x128xf32, #tpu.memory_space<vmem>> -> memref<64x128xf32, #tpu.memory_space<vmem>>
        %dma_wait3A_336 = arith.constant 0 : i32
        %dma_wait3A_337 = tpu.memref_slice %arg7[%dma_wait3A_331, %dma_wait3A_336] : memref<16x64xi32, #tpu.memory_space<vmem>> -> memref<1x64xi32, #tpu.memory_space<vmem>>
        %dma_wait3A_338 = tpu.memref_squeeze %dma_wait3A_337 : memref<1x64xi32, #tpu.memory_space<vmem>> -> memref<64xi32, #tpu.memory_space<vmem>>
        %dma_wait3A_339 = arith.constant 0 : i32
        %dma_wait3A_340 = arith.constant 0 : i32
        %dma_wait3A_341 = tpu.memref_slice %arg9[%dma_wait3A_339, %dma_wait3A_340] : memref<10240x128xf32, #tpu.memory_space<vmem_shared>> -> memref<10240x128xf32, #tpu.memory_space<vmem_shared>>
        tpu.wait_indirect_dma semaphore(%arg17 : memref<!tpu.dma_semaphore, #tpu.memory_space<semaphore_mem>>) src(%dma_wait3A_335 : memref<64x128xf32, #tpu.memory_space<vmem>>) dst(%dma_wait3A_341 : memref<10240x128xf32, #tpu.memory_space<vmem_shared>>)
        %dma_start3A_342 = arith.constant 7 : i32
        %dma_start3A_343 = arith.constant 3 : i32
        %dma_start3A_344 = arith.constant 0 : i32
        %dma_start3A_345 = arith.constant 0 : i32
        %dma_start3A_346 = tpu.memref_slice %arg8[%dma_start3A_343, %dma_start3A_344, %dma_start3A_345] : memref<4x64x128xf32, #tpu.memory_space<vmem>> -> memref<1x64x128xf32, #tpu.memory_space<vmem>>
        %dma_start3A_347 = tpu.memref_squeeze %dma_start3A_346 : memref<1x64x128xf32, #tpu.memory_space<vmem>> -> memref<64x128xf32, #tpu.memory_space<vmem>>
        %dma_start3A_348 = arith.constant 0 : i32
        %dma_start3A_349 = tpu.memref_slice %arg6[%dma_start3A_342, %dma_start3A_348] : memref<16x64xi32, #tpu.memory_space<vmem>> -> memref<1x64xi32, #tpu.memory_space<vmem>>
        %dma_start3A_350 = tpu.memref_squeeze %dma_start3A_349 : memref<1x64xi32, #tpu.memory_space<vmem>> -> memref<64xi32, #tpu.memory_space<vmem>>
        %dma_start3A_351 = arith.constant 0 : i32
        %dma_start3A_352 = arith.constant 0 : i32
        %dma_start3A_353 = tpu.memref_slice %arg4[%dma_start3A_351, %dma_start3A_352] : memref<10000x128xf32, #tpu.memory_space<hbm>> -> memref<10000x128xf32, #tpu.memory_space<hbm>>
        tpu.enqueue_indirect_dma source(%dma_start3A_353 : memref<10000x128xf32, #tpu.memory_space<hbm>>) target(%dma_start3A_347 : memref<64x128xf32, #tpu.memory_space<vmem>>) offsets(%dma_start3A_350 : memref<64xi32, #tpu.memory_space<vmem>>) semaphore(%arg13 : memref<!tpu.dma_semaphore, #tpu.memory_space<semaphore_mem>>)
        %dma_wait3A_354 = arith.constant 0 : i32
        %dma_wait3A_355 = arith.constant 1 : i32
        %dma_wait3A_356 = arith.constant 0 : i32
        %dma_wait3A_357 = arith.constant 0 : i32
        %dma_wait3A_358 = tpu.memref_slice %arg8[%dma_wait3A_355, %dma_wait3A_356, %dma_wait3A_357] : memref<4x64x128xf32, #tpu.memory_space<vmem>> -> memref<1x64x128xf32, #tpu.memory_space<vmem>>
        %dma_wait3A_359 = tpu.memref_squeeze %dma_wait3A_358 : memref<1x64x128xf32, #tpu.memory_space<vmem>> -> memref<64x128xf32, #tpu.memory_space<vmem>>
        %dma_wait3A_360 = arith.constant 0 : i32
        %dma_wait3A_361 = tpu.memref_slice %arg6[%dma_wait3A_354, %dma_wait3A_360] : memref<16x64xi32, #tpu.memory_space<vmem>> -> memref<1x64xi32, #tpu.memory_space<vmem>>
        %dma_wait3A_362 = tpu.memref_squeeze %dma_wait3A_361 : memref<1x64xi32, #tpu.memory_space<vmem>> -> memref<64xi32, #tpu.memory_space<vmem>>
        %dma_wait3A_363 = arith.constant 0 : i32
        %dma_wait3A_364 = arith.constant 0 : i32
        %dma_wait3A_365 = tpu.memref_slice %arg4[%dma_wait3A_363, %dma_wait3A_364] : memref<10000x128xf32, #tpu.memory_space<hbm>> -> memref<10000x128xf32, #tpu.memory_space<hbm>>
        tpu.wait_indirect_dma semaphore(%arg11 : memref<!tpu.dma_semaphore, #tpu.memory_space<semaphore_mem>>) src(%dma_wait3A_365 : memref<10000x128xf32, #tpu.memory_space<hbm>>) dst(%dma_wait3A_359 : memref<64x128xf32, #tpu.memory_space<vmem>>)
        %dma_start3A_366 = arith.constant 1 : i32
        %dma_start3A_367 = arith.constant 5 : i32
        %dma_start3A_368 = arith.constant 0 : i32
        %dma_start3A_369 = arith.constant 0 : i32
        %dma_start3A_370 = tpu.memref_slice %arg8[%dma_start3A_366, %dma_start3A_368, %dma_start3A_369] : memref<4x64x128xf32, #tpu.memory_space<vmem>> -> memref<1x64x128xf32, #tpu.memory_space<vmem>>
        %dma_start3A_371 = tpu.memref_squeeze %dma_start3A_370 : memref<1x64x128xf32, #tpu.memory_space<vmem>> -> memref<64x128xf32, #tpu.memory_space<vmem>>
        %dma_start3A_372 = arith.constant 0 : i32
        %dma_start3A_373 = tpu.memref_slice %arg7[%dma_start3A_367, %dma_start3A_372] : memref<16x64xi32, #tpu.memory_space<vmem>> -> memref<1x64xi32, #tpu.memory_space<vmem>>
        %dma_start3A_374 = tpu.memref_squeeze %dma_start3A_373 : memref<1x64xi32, #tpu.memory_space<vmem>> -> memref<64xi32, #tpu.memory_space<vmem>>
        %dma_start3A_375 = arith.constant 0 : i32
        %dma_start3A_376 = arith.constant 0 : i32
        %dma_start3A_377 = tpu.memref_slice %arg9[%dma_start3A_375, %dma_start3A_376] : memref<10240x128xf32, #tpu.memory_space<vmem_shared>> -> memref<10240x128xf32, #tpu.memory_space<vmem_shared>>
        tpu.enqueue_indirect_dma source(%dma_start3A_371 : memref<64x128xf32, #tpu.memory_space<vmem>>) target(%dma_start3A_377 : memref<10240x128xf32, #tpu.memory_space<vmem_shared>>) offsets(%dma_start3A_374 : memref<64xi32, #tpu.memory_space<vmem>>) semaphore(%arg15 : memref<!tpu.dma_semaphore, #tpu.memory_space<semaphore_mem>>) {add = true}
        %dma_wait3A_378 = arith.constant 0 : i32
        %dma_wait3A_379 = arith.constant 0 : i32
        %dma_wait3A_380 = arith.constant 0 : i32
        %dma_wait3A_381 = arith.constant 0 : i32
        %dma_wait3A_382 = tpu.memref_slice %arg8[%dma_wait3A_378, %dma_wait3A_380, %dma_wait3A_381] : memref<4x64x128xf32, #tpu.memory_space<vmem>> -> memref<1x64x128xf32, #tpu.memory_space<vmem>>
        %dma_wait3A_383 = tpu.memref_squeeze %dma_wait3A_382 : memref<1x64x128xf32, #tpu.memory_space<vmem>> -> memref<64x128xf32, #tpu.memory_space<vmem>>
        %dma_wait3A_384 = arith.constant 0 : i32
        %dma_wait3A_385 = tpu.memref_slice %arg7[%dma_wait3A_379, %dma_wait3A_384] : memref<16x64xi32, #tpu.memory_space<vmem>> -> memref<1x64xi32, #tpu.memory_space<vmem>>
        %dma_wait3A_386 = tpu.memref_squeeze %dma_wait3A_385 : memref<1x64xi32, #tpu.memory_space<vmem>> -> memref<64xi32, #tpu.memory_space<vmem>>
        %dma_wait3A_387 = arith.constant 0 : i32
        %dma_wait3A_388 = arith.constant 0 : i32
        %dma_wait3A_389 = tpu.memref_slice %arg9[%dma_wait3A_387, %dma_wait3A_388] : memref<10240x128xf32, #tpu.memory_space<vmem_shared>> -> memref<10240x128xf32, #tpu.memory_space<vmem_shared>>
        tpu.wait_indirect_dma semaphore(%arg14 : memref<!tpu.dma_semaphore, #tpu.memory_space<semaphore_mem>>) src(%dma_wait3A_383 : memref<64x128xf32, #tpu.memory_space<vmem>>) dst(%dma_wait3A_389 : memref<10240x128xf32, #tpu.memory_space<vmem_shared>>)
        %dma_start3A_390 = arith.constant 8 : i32
        %dma_start3A_391 = arith.constant 0 : i32
        %dma_start3A_392 = arith.constant 0 : i32
        %dma_start3A_393 = arith.constant 0 : i32
        %dma_start3A_394 = tpu.memref_slice %arg8[%dma_start3A_391, %dma_start3A_392, %dma_start3A_393] : memref<4x64x128xf32, #tpu.memory_space<vmem>> -> memref<1x64x128xf32, #tpu.memory_space<vmem>>
        %dma_start3A_395 = tpu.memref_squeeze %dma_start3A_394 : memref<1x64x128xf32, #tpu.memory_space<vmem>> -> memref<64x128xf32, #tpu.memory_space<vmem>>
        %dma_start3A_396 = arith.constant 0 : i32
        %dma_start3A_397 = tpu.memref_slice %arg6[%dma_start3A_390, %dma_start3A_396] : memref<16x64xi32, #tpu.memory_space<vmem>> -> memref<1x64xi32, #tpu.memory_space<vmem>>
        %dma_start3A_398 = tpu.memref_squeeze %dma_start3A_397 : memref<1x64xi32, #tpu.memory_space<vmem>> -> memref<64xi32, #tpu.memory_space<vmem>>
        %dma_start3A_399 = arith.constant 0 : i32
        %dma_start3A_400 = arith.constant 0 : i32
        %dma_start3A_401 = tpu.memref_slice %arg4[%dma_start3A_399, %dma_start3A_400] : memref<10000x128xf32, #tpu.memory_space<hbm>> -> memref<10000x128xf32, #tpu.memory_space<hbm>>
        tpu.enqueue_indirect_dma source(%dma_start3A_401 : memref<10000x128xf32, #tpu.memory_space<hbm>>) target(%dma_start3A_395 : memref<64x128xf32, #tpu.memory_space<vmem>>) offsets(%dma_start3A_398 : memref<64xi32, #tpu.memory_space<vmem>>) semaphore(%arg10 : memref<!tpu.dma_semaphore, #tpu.memory_space<semaphore_mem>>)
        %dma_wait3A_402 = arith.constant 0 : i32
        %dma_wait3A_403 = arith.constant 2 : i32
        %dma_wait3A_404 = arith.constant 0 : i32
        %dma_wait3A_405 = arith.constant 0 : i32
        %dma_wait3A_406 = tpu.memref_slice %arg8[%dma_wait3A_403, %dma_wait3A_404, %dma_wait3A_405] : memref<4x64x128xf32, #tpu.memory_space<vmem>> -> memref<1x64x128xf32, #tpu.memory_space<vmem>>
        %dma_wait3A_407 = tpu.memref_squeeze %dma_wait3A_406 : memref<1x64x128xf32, #tpu.memory_space<vmem>> -> memref<64x128xf32, #tpu.memory_space<vmem>>
        %dma_wait3A_408 = arith.constant 0 : i32
        %dma_wait3A_409 = tpu.memref_slice %arg6[%dma_wait3A_402, %dma_wait3A_408] : memref<16x64xi32, #tpu.memory_space<vmem>> -> memref<1x64xi32, #tpu.memory_space<vmem>>
        %dma_wait3A_410 = tpu.memref_squeeze %dma_wait3A_409 : memref<1x64xi32, #tpu.memory_space<vmem>> -> memref<64xi32, #tpu.memory_space<vmem>>
        %dma_wait3A_411 = arith.constant 0 : i32
        %dma_wait3A_412 = arith.constant 0 : i32
        %dma_wait3A_413 = tpu.memref_slice %arg4[%dma_wait3A_411, %dma_wait3A_412] : memref<10000x128xf32, #tpu.memory_space<hbm>> -> memref<10000x128xf32, #tpu.memory_space<hbm>>
        tpu.wait_indirect_dma semaphore(%arg12 : memref<!tpu.dma_semaphore, #tpu.memory_space<semaphore_mem>>) src(%dma_wait3A_413 : memref<10000x128xf32, #tpu.memory_space<hbm>>) dst(%dma_wait3A_407 : memref<64x128xf32, #tpu.memory_space<vmem>>)
        %dma_start3A_414 = arith.constant 2 : i32
        %dma_start3A_415 = arith.constant 6 : i32
        %dma_start3A_416 = arith.constant 0 : i32
        %dma_start3A_417 = arith.constant 0 : i32
        %dma_start3A_418 = tpu.memref_slice %arg8[%dma_start3A_414, %dma_start3A_416, %dma_start3A_417] : memref<4x64x128xf32, #tpu.memory_space<vmem>> -> memref<1x64x128xf32, #tpu.memory_space<vmem>>
        %dma_start3A_419 = tpu.memref_squeeze %dma_start3A_418 : memref<1x64x128xf32, #tpu.memory_space<vmem>> -> memref<64x128xf32, #tpu.memory_space<vmem>>
        %dma_start3A_420 = arith.constant 0 : i32
        %dma_start3A_421 = tpu.memref_slice %arg7[%dma_start3A_415, %dma_start3A_420] : memref<16x64xi32, #tpu.memory_space<vmem>> -> memref<1x64xi32, #tpu.memory_space<vmem>>
        %dma_start3A_422 = tpu.memref_squeeze %dma_start3A_421 : memref<1x64xi32, #tpu.memory_space<vmem>> -> memref<64xi32, #tpu.memory_space<vmem>>
        %dma_start3A_423 = arith.constant 0 : i32
        %dma_start3A_424 = arith.constant 0 : i32
        %dma_start3A_425 = tpu.memref_slice %arg9[%dma_start3A_423, %dma_start3A_424] : memref<10240x128xf32, #tpu.memory_space<vmem_shared>> -> memref<10240x128xf32, #tpu.memory_space<vmem_shared>>
        tpu.enqueue_indirect_dma source(%dma_start3A_419 : memref<64x128xf32, #tpu.memory_space<vmem>>) target(%dma_start3A_425 : memref<10240x128xf32, #tpu.memory_space<vmem_shared>>) offsets(%dma_start3A_422 : memref<64xi32, #tpu.memory_space<vmem>>) semaphore(%arg16 : memref<!tpu.dma_semaphore, #tpu.memory_space<semaphore_mem>>) {add = true}
        %dma_wait3A_426 = arith.constant 1 : i32
        %dma_wait3A_427 = arith.constant 0 : i32
        %dma_wait3A_428 = arith.constant 0 : i32
        %dma_wait3A_429 = arith.constant 0 : i32
        %dma_wait3A_430 = tpu.memref_slice %arg8[%dma_wait3A_426, %dma_wait3A_428, %dma_wait3A_429] : memref<4x64x128xf32, #tpu.memory_space<vmem>> -> memref<1x64x128xf32, #tpu.memory_space<vmem>>
        %dma_wait3A_431 = tpu.memref_squeeze %dma_wait3A_430 : memref<1x64x128xf32, #tpu.memory_space<vmem>> -> memref<64x128xf32, #tpu.memory_space<vmem>>
        %dma_wait3A_432 = arith.constant 0 : i32
        %dma_wait3A_433 = tpu.memref_slice %arg7[%dma_wait3A_427, %dma_wait3A_432] : memref<16x64xi32, #tpu.memory_space<vmem>> -> memref<1x64xi32, #tpu.memory_space<vmem>>
        %dma_wait3A_434 = tpu.memref_squeeze %dma_wait3A_433 : memref<1x64xi32, #tpu.memory_space<vmem>> -> memref<64xi32, #tpu.memory_space<vmem>>
        %dma_wait3A_435 = arith.constant 0 : i32
        %dma_wait3A_436 = arith.constant 0 : i32
        %dma_wait3A_437 = tpu.memref_slice %arg9[%dma_wait3A_435, %dma_wait3A_436] : memref<10240x128xf32, #tpu.memory_space<vmem_shared>> -> memref<10240x128xf32, #tpu.memory_space<vmem_shared>>
        tpu.wait_indirect_dma semaphore(%arg15 : memref<!tpu.dma_semaphore, #tpu.memory_space<semaphore_mem>>) src(%dma_wait3A_431 : memref<64x128xf32, #tpu.memory_space<vmem>>) dst(%dma_wait3A_437 : memref<10240x128xf32, #tpu.memory_space<vmem_shared>>)
        %dma_start3A_438 = arith.constant 9 : i32
        %dma_start3A_439 = arith.constant 1 : i32
        %dma_start3A_440 = arith.constant 0 : i32
        %dma_start3A_441 = arith.constant 0 : i32
        %dma_start3A_442 = tpu.memref_slice %arg8[%dma_start3A_439, %dma_start3A_440, %dma_start3A_441] : memref<4x64x128xf32, #tpu.memory_space<vmem>> -> memref<1x64x128xf32, #tpu.memory_space<vmem>>
        %dma_start3A_443 = tpu.memref_squeeze %dma_start3A_442 : memref<1x64x128xf32, #tpu.memory_space<vmem>> -> memref<64x128xf32, #tpu.memory_space<vmem>>
        %dma_start3A_444 = arith.constant 0 : i32
        %dma_start3A_445 = tpu.memref_slice %arg6[%dma_start3A_438, %dma_start3A_444] : memref<16x64xi32, #tpu.memory_space<vmem>> -> memref<1x64xi32, #tpu.memory_space<vmem>>
        %dma_start3A_446 = tpu.memref_squeeze %dma_start3A_445 : memref<1x64xi32, #tpu.memory_space<vmem>> -> memref<64xi32, #tpu.memory_space<vmem>>
        %dma_start3A_447 = arith.constant 0 : i32
        %dma_start3A_448 = arith.constant 0 : i32
        %dma_start3A_449 = tpu.memref_slice %arg4[%dma_start3A_447, %dma_start3A_448] : memref<10000x128xf32, #tpu.memory_space<hbm>> -> memref<10000x128xf32, #tpu.memory_space<hbm>>
        tpu.enqueue_indirect_dma source(%dma_start3A_449 : memref<10000x128xf32, #tpu.memory_space<hbm>>) target(%dma_start3A_443 : memref<64x128xf32, #tpu.memory_space<vmem>>) offsets(%dma_start3A_446 : memref<64xi32, #tpu.memory_space<vmem>>) semaphore(%arg11 : memref<!tpu.dma_semaphore, #tpu.memory_space<semaphore_mem>>)
        %dma_wait3A_450 = arith.constant 0 : i32
        %dma_wait3A_451 = arith.constant 3 : i32
        %dma_wait3A_452 = arith.constant 0 : i32
        %dma_wait3A_453 = arith.constant 0 : i32
        %dma_wait3A_454 = tpu.memref_slice %arg8[%dma_wait3A_451, %dma_wait3A_452, %dma_wait3A_453] : memref<4x64x128xf32, #tpu.memory_space<vmem>> -> memref<1x64x128xf32, #tpu.memory_space<vmem>>
        %dma_wait3A_455 = tpu.memref_squeeze %dma_wait3A_454 : memref<1x64x128xf32, #tpu.memory_space<vmem>> -> memref<64x128xf32, #tpu.memory_space<vmem>>
        %dma_wait3A_456 = arith.constant 0 : i32
        %dma_wait3A_457 = tpu.memref_slice %arg6[%dma_wait3A_450, %dma_wait3A_456] : memref<16x64xi32, #tpu.memory_space<vmem>> -> memref<1x64xi32, #tpu.memory_space<vmem>>
        %dma_wait3A_458 = tpu.memref_squeeze %dma_wait3A_457 : memref<1x64xi32, #tpu.memory_space<vmem>> -> memref<64xi32, #tpu.memory_space<vmem>>
        %dma_wait3A_459 = arith.constant 0 : i32
        %dma_wait3A_460 = arith.constant 0 : i32
        %dma_wait3A_461 = tpu.memref_slice %arg4[%dma_wait3A_459, %dma_wait3A_460] : memref<10000x128xf32, #tpu.memory_space<hbm>> -> memref<10000x128xf32, #tpu.memory_space<hbm>>
        tpu.wait_indirect_dma semaphore(%arg13 : memref<!tpu.dma_semaphore, #tpu.memory_space<semaphore_mem>>) src(%dma_wait3A_461 : memref<10000x128xf32, #tpu.memory_space<hbm>>) dst(%dma_wait3A_455 : memref<64x128xf32, #tpu.memory_space<vmem>>)
        %dma_start3A_462 = arith.constant 3 : i32
        %dma_start3A_463 = arith.constant 7 : i32
        %dma_start3A_464 = arith.constant 0 : i32
        %dma_start3A_465 = arith.constant 0 : i32
        %dma_start3A_466 = tpu.memref_slice %arg8[%dma_start3A_462, %dma_start3A_464, %dma_start3A_465] : memref<4x64x128xf32, #tpu.memory_space<vmem>> -> memref<1x64x128xf32, #tpu.memory_space<vmem>>
        %dma_start3A_467 = tpu.memref_squeeze %dma_start3A_466 : memref<1x64x128xf32, #tpu.memory_space<vmem>> -> memref<64x128xf32, #tpu.memory_space<vmem>>
        %dma_start3A_468 = arith.constant 0 : i32
        %dma_start3A_469 = tpu.memref_slice %arg7[%dma_start3A_463, %dma_start3A_468] : memref<16x64xi32, #tpu.memory_space<vmem>> -> memref<1x64xi32, #tpu.memory_space<vmem>>
        %dma_start3A_470 = tpu.memref_squeeze %dma_start3A_469 : memref<1x64xi32, #tpu.memory_space<vmem>> -> memref<64xi32, #tpu.memory_space<vmem>>
        %dma_start3A_471 = arith.constant 0 : i32
        %dma_start3A_472 = arith.constant 0 : i32
        %dma_start3A_473 = tpu.memref_slice %arg9[%dma_start3A_471, %dma_start3A_472] : memref<10240x128xf32, #tpu.memory_space<vmem_shared>> -> memref<10240x128xf32, #tpu.memory_space<vmem_shared>>
        tpu.enqueue_indirect_dma source(%dma_start3A_467 : memref<64x128xf32, #tpu.memory_space<vmem>>) target(%dma_start3A_473 : memref<10240x128xf32, #tpu.memory_space<vmem_shared>>) offsets(%dma_start3A_470 : memref<64xi32, #tpu.memory_space<vmem>>) semaphore(%arg17 : memref<!tpu.dma_semaphore, #tpu.memory_space<semaphore_mem>>) {add = true}
        %dma_wait3A_474 = arith.constant 2 : i32
        %dma_wait3A_475 = arith.constant 0 : i32
        %dma_wait3A_476 = arith.constant 0 : i32
        %dma_wait3A_477 = arith.constant 0 : i32
        %dma_wait3A_478 = tpu.memref_slice %arg8[%dma_wait3A_474, %dma_wait3A_476, %dma_wait3A_477] : memref<4x64x128xf32, #tpu.memory_space<vmem>> -> memref<1x64x128xf32, #tpu.memory_space<vmem>>
        %dma_wait3A_479 = tpu.memref_squeeze %dma_wait3A_478 : memref<1x64x128xf32, #tpu.memory_space<vmem>> -> memref<64x128xf32, #tpu.memory_space<vmem>>
        %dma_wait3A_480 = arith.constant 0 : i32
        %dma_wait3A_481 = tpu.memref_slice %arg7[%dma_wait3A_475, %dma_wait3A_480] : memref<16x64xi32, #tpu.memory_space<vmem>> -> memref<1x64xi32, #tpu.memory_space<vmem>>
        %dma_wait3A_482 = tpu.memref_squeeze %dma_wait3A_481 : memref<1x64xi32, #tpu.memory_space<vmem>> -> memref<64xi32, #tpu.memory_space<vmem>>
        %dma_wait3A_483 = arith.constant 0 : i32
        %dma_wait3A_484 = arith.constant 0 : i32
        %dma_wait3A_485 = tpu.memref_slice %arg9[%dma_wait3A_483, %dma_wait3A_484] : memref<10240x128xf32, #tpu.memory_space<vmem_shared>> -> memref<10240x128xf32, #tpu.memory_space<vmem_shared>>
        tpu.wait_indirect_dma semaphore(%arg16 : memref<!tpu.dma_semaphore, #tpu.memory_space<semaphore_mem>>) src(%dma_wait3A_479 : memref<64x128xf32, #tpu.memory_space<vmem>>) dst(%dma_wait3A_485 : memref<10240x128xf32, #tpu.memory_space<vmem_shared>>)
        %dma_start3A_486 = arith.constant 10 : i32
        %dma_start3A_487 = arith.constant 2 : i32
        %dma_start3A_488 = arith.constant 0 : i32
        %dma_start3A_489 = arith.constant 0 : i32
        %dma_start3A_490 = tpu.memref_slice %arg8[%dma_start3A_487, %dma_start3A_488, %dma_start3A_489] : memref<4x64x128xf32, #tpu.memory_space<vmem>> -> memref<1x64x128xf32, #tpu.memory_space<vmem>>
        %dma_start3A_491 = tpu.memref_squeeze %dma_start3A_490 : memref<1x64x128xf32, #tpu.memory_space<vmem>> -> memref<64x128xf32, #tpu.memory_space<vmem>>
        %dma_start3A_492 = arith.constant 0 : i32
        %dma_start3A_493 = tpu.memref_slice %arg6[%dma_start3A_486, %dma_start3A_492] : memref<16x64xi32, #tpu.memory_space<vmem>> -> memref<1x64xi32, #tpu.memory_space<vmem>>
        %dma_start3A_494 = tpu.memref_squeeze %dma_start3A_493 : memref<1x64xi32, #tpu.memory_space<vmem>> -> memref<64xi32, #tpu.memory_space<vmem>>
        %dma_start3A_495 = arith.constant 0 : i32
        %dma_start3A_496 = arith.constant 0 : i32
        %dma_start3A_497 = tpu.memref_slice %arg4[%dma_start3A_495, %dma_start3A_496] : memref<10000x128xf32, #tpu.memory_space<hbm>> -> memref<10000x128xf32, #tpu.memory_space<hbm>>
        tpu.enqueue_indirect_dma source(%dma_start3A_497 : memref<10000x128xf32, #tpu.memory_space<hbm>>) target(%dma_start3A_491 : memref<64x128xf32, #tpu.memory_space<vmem>>) offsets(%dma_start3A_494 : memref<64xi32, #tpu.memory_space<vmem>>) semaphore(%arg12 : memref<!tpu.dma_semaphore, #tpu.memory_space<semaphore_mem>>)
        %dma_wait3A_498 = arith.constant 0 : i32
        %dma_wait3A_499 = arith.constant 0 : i32
        %dma_wait3A_500 = arith.constant 0 : i32
        %dma_wait3A_501 = arith.constant 0 : i32
        %dma_wait3A_502 = tpu.memref_slice %arg8[%dma_wait3A_499, %dma_wait3A_500, %dma_wait3A_501] : memref<4x64x128xf32, #tpu.memory_space<vmem>> -> memref<1x64x128xf32, #tpu.memory_space<vmem>>
        %dma_wait3A_503 = tpu.memref_squeeze %dma_wait3A_502 : memref<1x64x128xf32, #tpu.memory_space<vmem>> -> memref<64x128xf32, #tpu.memory_space<vmem>>
        %dma_wait3A_504 = arith.constant 0 : i32
        %dma_wait3A_505 = tpu.memref_slice %arg6[%dma_wait3A_498, %dma_wait3A_504] : memref<16x64xi32, #tpu.memory_space<vmem>> -> memref<1x64xi32, #tpu.memory_space<vmem>>
        %dma_wait3A_506 = tpu.memref_squeeze %dma_wait3A_505 : memref<1x64xi32, #tpu.memory_space<vmem>> -> memref<64xi32, #tpu.memory_space<vmem>>
        %dma_wait3A_507 = arith.constant 0 : i32
        %dma_wait3A_508 = arith.constant 0 : i32
        %dma_wait3A_509 = tpu.memref_slice %arg4[%dma_wait3A_507, %dma_wait3A_508] : memref<10000x128xf32, #tpu.memory_space<hbm>> -> memref<10000x128xf32, #tpu.memory_space<hbm>>
        tpu.wait_indirect_dma semaphore(%arg10 : memref<!tpu.dma_semaphore, #tpu.memory_space<semaphore_mem>>) src(%dma_wait3A_509 : memref<10000x128xf32, #tpu.memory_space<hbm>>) dst(%dma_wait3A_503 : memref<64x128xf32, #tpu.memory_space<vmem>>)
        %dma_start3A_510 = arith.constant 0 : i32
        %dma_start3A_511 = arith.constant 8 : i32
        %dma_start3A_512 = arith.constant 0 : i32
        %dma_start3A_513 = arith.constant 0 : i32
        %dma_start3A_514 = tpu.memref_slice %arg8[%dma_start3A_510, %dma_start3A_512, %dma_start3A_513] : memref<4x64x128xf32, #tpu.memory_space<vmem>> -> memref<1x64x128xf32, #tpu.memory_space<vmem>>
        %dma_start3A_515 = tpu.memref_squeeze %dma_start3A_514 : memref<1x64x128xf32, #tpu.memory_space<vmem>> -> memref<64x128xf32, #tpu.memory_space<vmem>>
        %dma_start3A_516 = arith.constant 0 : i32
        %dma_start3A_517 = tpu.memref_slice %arg7[%dma_start3A_511, %dma_start3A_516] : memref<16x64xi32, #tpu.memory_space<vmem>> -> memref<1x64xi32, #tpu.memory_space<vmem>>
        %dma_start3A_518 = tpu.memref_squeeze %dma_start3A_517 : memref<1x64xi32, #tpu.memory_space<vmem>> -> memref<64xi32, #tpu.memory_space<vmem>>
        %dma_start3A_519 = arith.constant 0 : i32
        %dma_start3A_520 = arith.constant 0 : i32
        %dma_start3A_521 = tpu.memref_slice %arg9[%dma_start3A_519, %dma_start3A_520] : memref<10240x128xf32, #tpu.memory_space<vmem_shared>> -> memref<10240x128xf32, #tpu.memory_space<vmem_shared>>
        tpu.enqueue_indirect_dma source(%dma_start3A_515 : memref<64x128xf32, #tpu.memory_space<vmem>>) target(%dma_start3A_521 : memref<10240x128xf32, #tpu.memory_space<vmem_shared>>) offsets(%dma_start3A_518 : memref<64xi32, #tpu.memory_space<vmem>>) semaphore(%arg14 : memref<!tpu.dma_semaphore, #tpu.memory_space<semaphore_mem>>) {add = true}
        %dma_wait3A_522 = arith.constant 3 : i32
        %dma_wait3A_523 = arith.constant 0 : i32
        %dma_wait3A_524 = arith.constant 0 : i32
        %dma_wait3A_525 = arith.constant 0 : i32
        %dma_wait3A_526 = tpu.memref_slice %arg8[%dma_wait3A_522, %dma_wait3A_524, %dma_wait3A_525] : memref<4x64x128xf32, #tpu.memory_space<vmem>> -> memref<1x64x128xf32, #tpu.memory_space<vmem>>
        %dma_wait3A_527 = tpu.memref_squeeze %dma_wait3A_526 : memref<1x64x128xf32, #tpu.memory_space<vmem>> -> memref<64x128xf32, #tpu.memory_space<vmem>>
        %dma_wait3A_528 = arith.constant 0 : i32
        %dma_wait3A_529 = tpu.memref_slice %arg7[%dma_wait3A_523, %dma_wait3A_528] : memref<16x64xi32, #tpu.memory_space<vmem>> -> memref<1x64xi32, #tpu.memory_space<vmem>>
        %dma_wait3A_530 = tpu.memref_squeeze %dma_wait3A_529 : memref<1x64xi32, #tpu.memory_space<vmem>> -> memref<64xi32, #tpu.memory_space<vmem>>
        %dma_wait3A_531 = arith.constant 0 : i32
        %dma_wait3A_532 = arith.constant 0 : i32
        %dma_wait3A_533 = tpu.memref_slice %arg9[%dma_wait3A_531, %dma_wait3A_532] : memref<10240x128xf32, #tpu.memory_space<vmem_shared>> -> memref<10240x128xf32, #tpu.memory_space<vmem_shared>>
        tpu.wait_indirect_dma semaphore(%arg17 : memref<!tpu.dma_semaphore, #tpu.memory_space<semaphore_mem>>) src(%dma_wait3A_527 : memref<64x128xf32, #tpu.memory_space<vmem>>) dst(%dma_wait3A_533 : memref<10240x128xf32, #tpu.memory_space<vmem_shared>>)
        %dma_start3A_534 = arith.constant 11 : i32
        %dma_start3A_535 = arith.constant 3 : i32
        %dma_start3A_536 = arith.constant 0 : i32
        %dma_start3A_537 = arith.constant 0 : i32
        %dma_start3A_538 = tpu.memref_slice %arg8[%dma_start3A_535, %dma_start3A_536, %dma_start3A_537] : memref<4x64x128xf32, #tpu.memory_space<vmem>> -> memref<1x64x128xf32, #tpu.memory_space<vmem>>
        %dma_start3A_539 = tpu.memref_squeeze %dma_start3A_538 : memref<1x64x128xf32, #tpu.memory_space<vmem>> -> memref<64x128xf32, #tpu.memory_space<vmem>>
        %dma_start3A_540 = arith.constant 0 : i32
        %dma_start3A_541 = tpu.memref_slice %arg6[%dma_start3A_534, %dma_start3A_540] : memref<16x64xi32, #tpu.memory_space<vmem>> -> memref<1x64xi32, #tpu.memory_space<vmem>>
        %dma_start3A_542 = tpu.memref_squeeze %dma_start3A_541 : memref<1x64xi32, #tpu.memory_space<vmem>> -> memref<64xi32, #tpu.memory_space<vmem>>
        %dma_start3A_543 = arith.constant 0 : i32
        %dma_start3A_544 = arith.constant 0 : i32
        %dma_start3A_545 = tpu.memref_slice %arg4[%dma_start3A_543, %dma_start3A_544] : memref<10000x128xf32, #tpu.memory_space<hbm>> -> memref<10000x128xf32, #tpu.memory_space<hbm>>
        tpu.enqueue_indirect_dma source(%dma_start3A_545 : memref<10000x128xf32, #tpu.memory_space<hbm>>) target(%dma_start3A_539 : memref<64x128xf32, #tpu.memory_space<vmem>>) offsets(%dma_start3A_542 : memref<64xi32, #tpu.memory_space<vmem>>) semaphore(%arg13 : memref<!tpu.dma_semaphore, #tpu.memory_space<semaphore_mem>>)
        %dma_wait3A_546 = arith.constant 0 : i32
        %dma_wait3A_547 = arith.constant 1 : i32
        %dma_wait3A_548 = arith.constant 0 : i32
        %dma_wait3A_549 = arith.constant 0 : i32
        %dma_wait3A_550 = tpu.memref_slice %arg8[%dma_wait3A_547, %dma_wait3A_548, %dma_wait3A_549] : memref<4x64x128xf32, #tpu.memory_space<vmem>> -> memref<1x64x128xf32, #tpu.memory_space<vmem>>
        %dma_wait3A_551 = tpu.memref_squeeze %dma_wait3A_550 : memref<1x64x128xf32, #tpu.memory_space<vmem>> -> memref<64x128xf32, #tpu.memory_space<vmem>>
        %dma_wait3A_552 = arith.constant 0 : i32
        %dma_wait3A_553 = tpu.memref_slice %arg6[%dma_wait3A_546, %dma_wait3A_552] : memref<16x64xi32, #tpu.memory_space<vmem>> -> memref<1x64xi32, #tpu.memory_space<vmem>>
        %dma_wait3A_554 = tpu.memref_squeeze %dma_wait3A_553 : memref<1x64xi32, #tpu.memory_space<vmem>> -> memref<64xi32, #tpu.memory_space<vmem>>
        %dma_wait3A_555 = arith.constant 0 : i32
        %dma_wait3A_556 = arith.constant 0 : i32
        %dma_wait3A_557 = tpu.memref_slice %arg4[%dma_wait3A_555, %dma_wait3A_556] : memref<10000x128xf32, #tpu.memory_space<hbm>> -> memref<10000x128xf32, #tpu.memory_space<hbm>>
        tpu.wait_indirect_dma semaphore(%arg11 : memref<!tpu.dma_semaphore, #tpu.memory_space<semaphore_mem>>) src(%dma_wait3A_557 : memref<10000x128xf32, #tpu.memory_space<hbm>>) dst(%dma_wait3A_551 : memref<64x128xf32, #tpu.memory_space<vmem>>)
        %dma_start3A_558 = arith.constant 1 : i32
        %dma_start3A_559 = arith.constant 9 : i32
        %dma_start3A_560 = arith.constant 0 : i32
        %dma_start3A_561 = arith.constant 0 : i32
        %dma_start3A_562 = tpu.memref_slice %arg8[%dma_start3A_558, %dma_start3A_560, %dma_start3A_561] : memref<4x64x128xf32, #tpu.memory_space<vmem>> -> memref<1x64x128xf32, #tpu.memory_space<vmem>>
        %dma_start3A_563 = tpu.memref_squeeze %dma_start3A_562 : memref<1x64x128xf32, #tpu.memory_space<vmem>> -> memref<64x128xf32, #tpu.memory_space<vmem>>
        %dma_start3A_564 = arith.constant 0 : i32
        %dma_start3A_565 = tpu.memref_slice %arg7[%dma_start3A_559, %dma_start3A_564] : memref<16x64xi32, #tpu.memory_space<vmem>> -> memref<1x64xi32, #tpu.memory_space<vmem>>
        %dma_start3A_566 = tpu.memref_squeeze %dma_start3A_565 : memref<1x64xi32, #tpu.memory_space<vmem>> -> memref<64xi32, #tpu.memory_space<vmem>>
        %dma_start3A_567 = arith.constant 0 : i32
        %dma_start3A_568 = arith.constant 0 : i32
        %dma_start3A_569 = tpu.memref_slice %arg9[%dma_start3A_567, %dma_start3A_568] : memref<10240x128xf32, #tpu.memory_space<vmem_shared>> -> memref<10240x128xf32, #tpu.memory_space<vmem_shared>>
        tpu.enqueue_indirect_dma source(%dma_start3A_563 : memref<64x128xf32, #tpu.memory_space<vmem>>) target(%dma_start3A_569 : memref<10240x128xf32, #tpu.memory_space<vmem_shared>>) offsets(%dma_start3A_566 : memref<64xi32, #tpu.memory_space<vmem>>) semaphore(%arg15 : memref<!tpu.dma_semaphore, #tpu.memory_space<semaphore_mem>>) {add = true}
        %dma_wait3A_570 = arith.constant 0 : i32
        %dma_wait3A_571 = arith.constant 0 : i32
        %dma_wait3A_572 = arith.constant 0 : i32
        %dma_wait3A_573 = arith.constant 0 : i32
        %dma_wait3A_574 = tpu.memref_slice %arg8[%dma_wait3A_570, %dma_wait3A_572, %dma_wait3A_573] : memref<4x64x128xf32, #tpu.memory_space<vmem>> -> memref<1x64x128xf32, #tpu.memory_space<vmem>>
        %dma_wait3A_575 = tpu.memref_squeeze %dma_wait3A_574 : memref<1x64x128xf32, #tpu.memory_space<vmem>> -> memref<64x128xf32, #tpu.memory_space<vmem>>
        %dma_wait3A_576 = arith.constant 0 : i32
        %dma_wait3A_577 = tpu.memref_slice %arg7[%dma_wait3A_571, %dma_wait3A_576] : memref<16x64xi32, #tpu.memory_space<vmem>> -> memref<1x64xi32, #tpu.memory_space<vmem>>
        %dma_wait3A_578 = tpu.memref_squeeze %dma_wait3A_577 : memref<1x64xi32, #tpu.memory_space<vmem>> -> memref<64xi32, #tpu.memory_space<vmem>>
        %dma_wait3A_579 = arith.constant 0 : i32
        %dma_wait3A_580 = arith.constant 0 : i32
        %dma_wait3A_581 = tpu.memref_slice %arg9[%dma_wait3A_579, %dma_wait3A_580] : memref<10240x128xf32, #tpu.memory_space<vmem_shared>> -> memref<10240x128xf32, #tpu.memory_space<vmem_shared>>
        tpu.wait_indirect_dma semaphore(%arg14 : memref<!tpu.dma_semaphore, #tpu.memory_space<semaphore_mem>>) src(%dma_wait3A_575 : memref<64x128xf32, #tpu.memory_space<vmem>>) dst(%dma_wait3A_581 : memref<10240x128xf32, #tpu.memory_space<vmem_shared>>)
        %dma_start3A_582 = arith.constant 12 : i32
        %dma_start3A_583 = arith.constant 0 : i32
        %dma_start3A_584 = arith.constant 0 : i32
        %dma_start3A_585 = arith.constant 0 : i32
        %dma_start3A_586 = tpu.memref_slice %arg8[%dma_start3A_583, %dma_start3A_584, %dma_start3A_585] : memref<4x64x128xf32, #tpu.memory_space<vmem>> -> memref<1x64x128xf32, #tpu.memory_space<vmem>>
        %dma_start3A_587 = tpu.memref_squeeze %dma_start3A_586 : memref<1x64x128xf32, #tpu.memory_space<vmem>> -> memref<64x128xf32, #tpu.memory_space<vmem>>
        %dma_start3A_588 = arith.constant 0 : i32
        %dma_start3A_589 = tpu.memref_slice %arg6[%dma_start3A_582, %dma_start3A_588] : memref<16x64xi32, #tpu.memory_space<vmem>> -> memref<1x64xi32, #tpu.memory_space<vmem>>
        %dma_start3A_590 = tpu.memref_squeeze %dma_start3A_589 : memref<1x64xi32, #tpu.memory_space<vmem>> -> memref<64xi32, #tpu.memory_space<vmem>>
        %dma_start3A_591 = arith.constant 0 : i32
        %dma_start3A_592 = arith.constant 0 : i32
        %dma_start3A_593 = tpu.memref_slice %arg4[%dma_start3A_591, %dma_start3A_592] : memref<10000x128xf32, #tpu.memory_space<hbm>> -> memref<10000x128xf32, #tpu.memory_space<hbm>>
        tpu.enqueue_indirect_dma source(%dma_start3A_593 : memref<10000x128xf32, #tpu.memory_space<hbm>>) target(%dma_start3A_587 : memref<64x128xf32, #tpu.memory_space<vmem>>) offsets(%dma_start3A_590 : memref<64xi32, #tpu.memory_space<vmem>>) semaphore(%arg10 : memref<!tpu.dma_semaphore, #tpu.memory_space<semaphore_mem>>)
        %dma_wait3A_594 = arith.constant 0 : i32
        %dma_wait3A_595 = arith.constant 2 : i32
        %dma_wait3A_596 = arith.constant 0 : i32
        %dma_wait3A_597 = arith.constant 0 : i32
        %dma_wait3A_598 = tpu.memref_slice %arg8[%dma_wait3A_595, %dma_wait3A_596, %dma_wait3A_597] : memref<4x64x128xf32, #tpu.memory_space<vmem>> -> memref<1x64x128xf32, #tpu.memory_space<vmem>>
        %dma_wait3A_599 = tpu.memref_squeeze %dma_wait3A_598 : memref<1x64x128xf32, #tpu.memory_space<vmem>> -> memref<64x128xf32, #tpu.memory_space<vmem>>
        %dma_wait3A_600 = arith.constant 0 : i32
        %dma_wait3A_601 = tpu.memref_slice %arg6[%dma_wait3A_594, %dma_wait3A_600] : memref<16x64xi32, #tpu.memory_space<vmem>> -> memref<1x64xi32, #tpu.memory_space<vmem>>
        %dma_wait3A_602 = tpu.memref_squeeze %dma_wait3A_601 : memref<1x64xi32, #tpu.memory_space<vmem>> -> memref<64xi32, #tpu.memory_space<vmem>>
        %dma_wait3A_603 = arith.constant 0 : i32
        %dma_wait3A_604 = arith.constant 0 : i32
        %dma_wait3A_605 = tpu.memref_slice %arg4[%dma_wait3A_603, %dma_wait3A_604] : memref<10000x128xf32, #tpu.memory_space<hbm>> -> memref<10000x128xf32, #tpu.memory_space<hbm>>
        tpu.wait_indirect_dma semaphore(%arg12 : memref<!tpu.dma_semaphore, #tpu.memory_space<semaphore_mem>>) src(%dma_wait3A_605 : memref<10000x128xf32, #tpu.memory_space<hbm>>) dst(%dma_wait3A_599 : memref<64x128xf32, #tpu.memory_space<vmem>>)
        %dma_start3A_606 = arith.constant 2 : i32
        %dma_start3A_607 = arith.constant 10 : i32
        %dma_start3A_608 = arith.constant 0 : i32
        %dma_start3A_609 = arith.constant 0 : i32
        %dma_start3A_610 = tpu.memref_slice %arg8[%dma_start3A_606, %dma_start3A_608, %dma_start3A_609] : memref<4x64x128xf32, #tpu.memory_space<vmem>> -> memref<1x64x128xf32, #tpu.memory_space<vmem>>
        %dma_start3A_611 = tpu.memref_squeeze %dma_start3A_610 : memref<1x64x128xf32, #tpu.memory_space<vmem>> -> memref<64x128xf32, #tpu.memory_space<vmem>>
        %dma_start3A_612 = arith.constant 0 : i32
        %dma_start3A_613 = tpu.memref_slice %arg7[%dma_start3A_607, %dma_start3A_612] : memref<16x64xi32, #tpu.memory_space<vmem>> -> memref<1x64xi32, #tpu.memory_space<vmem>>
        %dma_start3A_614 = tpu.memref_squeeze %dma_start3A_613 : memref<1x64xi32, #tpu.memory_space<vmem>> -> memref<64xi32, #tpu.memory_space<vmem>>
        %dma_start3A_615 = arith.constant 0 : i32
        %dma_start3A_616 = arith.constant 0 : i32
        %dma_start3A_617 = tpu.memref_slice %arg9[%dma_start3A_615, %dma_start3A_616] : memref<10240x128xf32, #tpu.memory_space<vmem_shared>> -> memref<10240x128xf32, #tpu.memory_space<vmem_shared>>
        tpu.enqueue_indirect_dma source(%dma_start3A_611 : memref<64x128xf32, #tpu.memory_space<vmem>>) target(%dma_start3A_617 : memref<10240x128xf32, #tpu.memory_space<vmem_shared>>) offsets(%dma_start3A_614 : memref<64xi32, #tpu.memory_space<vmem>>) semaphore(%arg16 : memref<!tpu.dma_semaphore, #tpu.memory_space<semaphore_mem>>) {add = true}
        %dma_wait3A_618 = arith.constant 1 : i32
        %dma_wait3A_619 = arith.constant 0 : i32
        %dma_wait3A_620 = arith.constant 0 : i32
        %dma_wait3A_621 = arith.constant 0 : i32
        %dma_wait3A_622 = tpu.memref_slice %arg8[%dma_wait3A_618, %dma_wait3A_620, %dma_wait3A_621] : memref<4x64x128xf32, #tpu.memory_space<vmem>> -> memref<1x64x128xf32, #tpu.memory_space<vmem>>
        %dma_wait3A_623 = tpu.memref_squeeze %dma_wait3A_622 : memref<1x64x128xf32, #tpu.memory_space<vmem>> -> memref<64x128xf32, #tpu.memory_space<vmem>>
        %dma_wait3A_624 = arith.constant 0 : i32
        %dma_wait3A_625 = tpu.memref_slice %arg7[%dma_wait3A_619, %dma_wait3A_624] : memref<16x64xi32, #tpu.memory_space<vmem>> -> memref<1x64xi32, #tpu.memory_space<vmem>>
        %dma_wait3A_626 = tpu.memref_squeeze %dma_wait3A_625 : memref<1x64xi32, #tpu.memory_space<vmem>> -> memref<64xi32, #tpu.memory_space<vmem>>
        %dma_wait3A_627 = arith.constant 0 : i32
        %dma_wait3A_628 = arith.constant 0 : i32
        %dma_wait3A_629 = tpu.memref_slice %arg9[%dma_wait3A_627, %dma_wait3A_628] : memref<10240x128xf32, #tpu.memory_space<vmem_shared>> -> memref<10240x128xf32, #tpu.memory_space<vmem_shared>>
        tpu.wait_indirect_dma semaphore(%arg15 : memref<!tpu.dma_semaphore, #tpu.memory_space<semaphore_mem>>) src(%dma_wait3A_623 : memref<64x128xf32, #tpu.memory_space<vmem>>) dst(%dma_wait3A_629 : memref<10240x128xf32, #tpu.memory_space<vmem_shared>>)
        %dma_start3A_630 = arith.constant 13 : i32
        %dma_start3A_631 = arith.constant 1 : i32
        %dma_start3A_632 = arith.constant 0 : i32
        %dma_start3A_633 = arith.constant 0 : i32
        %dma_start3A_634 = tpu.memref_slice %arg8[%dma_start3A_631, %dma_start3A_632, %dma_start3A_633] : memref<4x64x128xf32, #tpu.memory_space<vmem>> -> memref<1x64x128xf32, #tpu.memory_space<vmem>>
        %dma_start3A_635 = tpu.memref_squeeze %dma_start3A_634 : memref<1x64x128xf32, #tpu.memory_space<vmem>> -> memref<64x128xf32, #tpu.memory_space<vmem>>
        %dma_start3A_636 = arith.constant 0 : i32
        %dma_start3A_637 = tpu.memref_slice %arg6[%dma_start3A_630, %dma_start3A_636] : memref<16x64xi32, #tpu.memory_space<vmem>> -> memref<1x64xi32, #tpu.memory_space<vmem>>
        %dma_start3A_638 = tpu.memref_squeeze %dma_start3A_637 : memref<1x64xi32, #tpu.memory_space<vmem>> -> memref<64xi32, #tpu.memory_space<vmem>>
        %dma_start3A_639 = arith.constant 0 : i32
        %dma_start3A_640 = arith.constant 0 : i32
        %dma_start3A_641 = tpu.memref_slice %arg4[%dma_start3A_639, %dma_start3A_640] : memref<10000x128xf32, #tpu.memory_space<hbm>> -> memref<10000x128xf32, #tpu.memory_space<hbm>>
        tpu.enqueue_indirect_dma source(%dma_start3A_641 : memref<10000x128xf32, #tpu.memory_space<hbm>>) target(%dma_start3A_635 : memref<64x128xf32, #tpu.memory_space<vmem>>) offsets(%dma_start3A_638 : memref<64xi32, #tpu.memory_space<vmem>>) semaphore(%arg11 : memref<!tpu.dma_semaphore, #tpu.memory_space<semaphore_mem>>)
        %dma_wait3A_642 = arith.constant 0 : i32
        %dma_wait3A_643 = arith.constant 3 : i32
        %dma_wait3A_644 = arith.constant 0 : i32
        %dma_wait3A_645 = arith.constant 0 : i32
        %dma_wait3A_646 = tpu.memref_slice %arg8[%dma_wait3A_643, %dma_wait3A_644, %dma_wait3A_645] : memref<4x64x128xf32, #tpu.memory_space<vmem>> -> memref<1x64x128xf32, #tpu.memory_space<vmem>>
        %dma_wait3A_647 = tpu.memref_squeeze %dma_wait3A_646 : memref<1x64x128xf32, #tpu.memory_space<vmem>> -> memref<64x128xf32, #tpu.memory_space<vmem>>
        %dma_wait3A_648 = arith.constant 0 : i32
        %dma_wait3A_649 = tpu.memref_slice %arg6[%dma_wait3A_642, %dma_wait3A_648] : memref<16x64xi32, #tpu.memory_space<vmem>> -> memref<1x64xi32, #tpu.memory_space<vmem>>
        %dma_wait3A_650 = tpu.memref_squeeze %dma_wait3A_649 : memref<1x64xi32, #tpu.memory_space<vmem>> -> memref<64xi32, #tpu.memory_space<vmem>>
        %dma_wait3A_651 = arith.constant 0 : i32
        %dma_wait3A_652 = arith.constant 0 : i32
        %dma_wait3A_653 = tpu.memref_slice %arg4[%dma_wait3A_651, %dma_wait3A_652] : memref<10000x128xf32, #tpu.memory_space<hbm>> -> memref<10000x128xf32, #tpu.memory_space<hbm>>
        tpu.wait_indirect_dma semaphore(%arg13 : memref<!tpu.dma_semaphore, #tpu.memory_space<semaphore_mem>>) src(%dma_wait3A_653 : memref<10000x128xf32, #tpu.memory_space<hbm>>) dst(%dma_wait3A_647 : memref<64x128xf32, #tpu.memory_space<vmem>>)
        %dma_start3A_654 = arith.constant 3 : i32
        %dma_start3A_655 = arith.constant 11 : i32
        %dma_start3A_656 = arith.constant 0 : i32
        %dma_start3A_657 = arith.constant 0 : i32
        %dma_start3A_658 = tpu.memref_slice %arg8[%dma_start3A_654, %dma_start3A_656, %dma_start3A_657] : memref<4x64x128xf32, #tpu.memory_space<vmem>> -> memref<1x64x128xf32, #tpu.memory_space<vmem>>
        %dma_start3A_659 = tpu.memref_squeeze %dma_start3A_658 : memref<1x64x128xf32, #tpu.memory_space<vmem>> -> memref<64x128xf32, #tpu.memory_space<vmem>>
        %dma_start3A_660 = arith.constant 0 : i32
        %dma_start3A_661 = tpu.memref_slice %arg7[%dma_start3A_655, %dma_start3A_660] : memref<16x64xi32, #tpu.memory_space<vmem>> -> memref<1x64xi32, #tpu.memory_space<vmem>>
        %dma_start3A_662 = tpu.memref_squeeze %dma_start3A_661 : memref<1x64xi32, #tpu.memory_space<vmem>> -> memref<64xi32, #tpu.memory_space<vmem>>
        %dma_start3A_663 = arith.constant 0 : i32
        %dma_start3A_664 = arith.constant 0 : i32
        %dma_start3A_665 = tpu.memref_slice %arg9[%dma_start3A_663, %dma_start3A_664] : memref<10240x128xf32, #tpu.memory_space<vmem_shared>> -> memref<10240x128xf32, #tpu.memory_space<vmem_shared>>
        tpu.enqueue_indirect_dma source(%dma_start3A_659 : memref<64x128xf32, #tpu.memory_space<vmem>>) target(%dma_start3A_665 : memref<10240x128xf32, #tpu.memory_space<vmem_shared>>) offsets(%dma_start3A_662 : memref<64xi32, #tpu.memory_space<vmem>>) semaphore(%arg17 : memref<!tpu.dma_semaphore, #tpu.memory_space<semaphore_mem>>) {add = true}
        %dma_wait3A_666 = arith.constant 2 : i32
        %dma_wait3A_667 = arith.constant 0 : i32
        %dma_wait3A_668 = arith.constant 0 : i32
        %dma_wait3A_669 = arith.constant 0 : i32
        %dma_wait3A_670 = tpu.memref_slice %arg8[%dma_wait3A_666, %dma_wait3A_668, %dma_wait3A_669] : memref<4x64x128xf32, #tpu.memory_space<vmem>> -> memref<1x64x128xf32, #tpu.memory_space<vmem>>
        %dma_wait3A_671 = tpu.memref_squeeze %dma_wait3A_670 : memref<1x64x128xf32, #tpu.memory_space<vmem>> -> memref<64x128xf32, #tpu.memory_space<vmem>>
        %dma_wait3A_672 = arith.constant 0 : i32
        %dma_wait3A_673 = tpu.memref_slice %arg7[%dma_wait3A_667, %dma_wait3A_672] : memref<16x64xi32, #tpu.memory_space<vmem>> -> memref<1x64xi32, #tpu.memory_space<vmem>>
        %dma_wait3A_674 = tpu.memref_squeeze %dma_wait3A_673 : memref<1x64xi32, #tpu.memory_space<vmem>> -> memref<64xi32, #tpu.memory_space<vmem>>
        %dma_wait3A_675 = arith.constant 0 : i32
        %dma_wait3A_676 = arith.constant 0 : i32
        %dma_wait3A_677 = tpu.memref_slice %arg9[%dma_wait3A_675, %dma_wait3A_676] : memref<10240x128xf32, #tpu.memory_space<vmem_shared>> -> memref<10240x128xf32, #tpu.memory_space<vmem_shared>>
        tpu.wait_indirect_dma semaphore(%arg16 : memref<!tpu.dma_semaphore, #tpu.memory_space<semaphore_mem>>) src(%dma_wait3A_671 : memref<64x128xf32, #tpu.memory_space<vmem>>) dst(%dma_wait3A_677 : memref<10240x128xf32, #tpu.memory_space<vmem_shared>>)
        %dma_start3A_678 = arith.constant 14 : i32
        %dma_start3A_679 = arith.constant 2 : i32
        %dma_start3A_680 = arith.constant 0 : i32
        %dma_start3A_681 = arith.constant 0 : i32
        %dma_start3A_682 = tpu.memref_slice %arg8[%dma_start3A_679, %dma_start3A_680, %dma_start3A_681] : memref<4x64x128xf32, #tpu.memory_space<vmem>> -> memref<1x64x128xf32, #tpu.memory_space<vmem>>
        %dma_start3A_683 = tpu.memref_squeeze %dma_start3A_682 : memref<1x64x128xf32, #tpu.memory_space<vmem>> -> memref<64x128xf32, #tpu.memory_space<vmem>>
        %dma_start3A_684 = arith.constant 0 : i32
        %dma_start3A_685 = tpu.memref_slice %arg6[%dma_start3A_678, %dma_start3A_684] : memref<16x64xi32, #tpu.memory_space<vmem>> -> memref<1x64xi32, #tpu.memory_space<vmem>>
        %dma_start3A_686 = tpu.memref_squeeze %dma_start3A_685 : memref<1x64xi32, #tpu.memory_space<vmem>> -> memref<64xi32, #tpu.memory_space<vmem>>
        %dma_start3A_687 = arith.constant 0 : i32
        %dma_start3A_688 = arith.constant 0 : i32
        %dma_start3A_689 = tpu.memref_slice %arg4[%dma_start3A_687, %dma_start3A_688] : memref<10000x128xf32, #tpu.memory_space<hbm>> -> memref<10000x128xf32, #tpu.memory_space<hbm>>
        tpu.enqueue_indirect_dma source(%dma_start3A_689 : memref<10000x128xf32, #tpu.memory_space<hbm>>) target(%dma_start3A_683 : memref<64x128xf32, #tpu.memory_space<vmem>>) offsets(%dma_start3A_686 : memref<64xi32, #tpu.memory_space<vmem>>) semaphore(%arg12 : memref<!tpu.dma_semaphore, #tpu.memory_space<semaphore_mem>>)
        %dma_wait3A_690 = arith.constant 0 : i32
        %dma_wait3A_691 = arith.constant 0 : i32
        %dma_wait3A_692 = arith.constant 0 : i32
        %dma_wait3A_693 = arith.constant 0 : i32
        %dma_wait3A_694 = tpu.memref_slice %arg8[%dma_wait3A_691, %dma_wait3A_692, %dma_wait3A_693] : memref<4x64x128xf32, #tpu.memory_space<vmem>> -> memref<1x64x128xf32, #tpu.memory_space<vmem>>
        %dma_wait3A_695 = tpu.memref_squeeze %dma_wait3A_694 : memref<1x64x128xf32, #tpu.memory_space<vmem>> -> memref<64x128xf32, #tpu.memory_space<vmem>>
        %dma_wait3A_696 = arith.constant 0 : i32
        %dma_wait3A_697 = tpu.memref_slice %arg6[%dma_wait3A_690, %dma_wait3A_696] : memref<16x64xi32, #tpu.memory_space<vmem>> -> memref<1x64xi32, #tpu.memory_space<vmem>>
        %dma_wait3A_698 = tpu.memref_squeeze %dma_wait3A_697 : memref<1x64xi32, #tpu.memory_space<vmem>> -> memref<64xi32, #tpu.memory_space<vmem>>
        %dma_wait3A_699 = arith.constant 0 : i32
        %dma_wait3A_700 = arith.constant 0 : i32
        %dma_wait3A_701 = tpu.memref_slice %arg4[%dma_wait3A_699, %dma_wait3A_700] : memref<10000x128xf32, #tpu.memory_space<hbm>> -> memref<10000x128xf32, #tpu.memory_space<hbm>>
        tpu.wait_indirect_dma semaphore(%arg10 : memref<!tpu.dma_semaphore, #tpu.memory_space<semaphore_mem>>) src(%dma_wait3A_701 : memref<10000x128xf32, #tpu.memory_space<hbm>>) dst(%dma_wait3A_695 : memref<64x128xf32, #tpu.memory_space<vmem>>)
        %dma_start3A_702 = arith.constant 0 : i32
        %dma_start3A_703 = arith.constant 12 : i32
        %dma_start3A_704 = arith.constant 0 : i32
        %dma_start3A_705 = arith.constant 0 : i32
        %dma_start3A_706 = tpu.memref_slice %arg8[%dma_start3A_702, %dma_start3A_704, %dma_start3A_705] : memref<4x64x128xf32, #tpu.memory_space<vmem>> -> memref<1x64x128xf32, #tpu.memory_space<vmem>>
        %dma_start3A_707 = tpu.memref_squeeze %dma_start3A_706 : memref<1x64x128xf32, #tpu.memory_space<vmem>> -> memref<64x128xf32, #tpu.memory_space<vmem>>
        %dma_start3A_708 = arith.constant 0 : i32
        %dma_start3A_709 = tpu.memref_slice %arg7[%dma_start3A_703, %dma_start3A_708] : memref<16x64xi32, #tpu.memory_space<vmem>> -> memref<1x64xi32, #tpu.memory_space<vmem>>
        %dma_start3A_710 = tpu.memref_squeeze %dma_start3A_709 : memref<1x64xi32, #tpu.memory_space<vmem>> -> memref<64xi32, #tpu.memory_space<vmem>>
        %dma_start3A_711 = arith.constant 0 : i32
        %dma_start3A_712 = arith.constant 0 : i32
        %dma_start3A_713 = tpu.memref_slice %arg9[%dma_start3A_711, %dma_start3A_712] : memref<10240x128xf32, #tpu.memory_space<vmem_shared>> -> memref<10240x128xf32, #tpu.memory_space<vmem_shared>>
        tpu.enqueue_indirect_dma source(%dma_start3A_707 : memref<64x128xf32, #tpu.memory_space<vmem>>) target(%dma_start3A_713 : memref<10240x128xf32, #tpu.memory_space<vmem_shared>>) offsets(%dma_start3A_710 : memref<64xi32, #tpu.memory_space<vmem>>) semaphore(%arg14 : memref<!tpu.dma_semaphore, #tpu.memory_space<semaphore_mem>>) {add = true}
        %dma_wait3A_714 = arith.constant 3 : i32
        %dma_wait3A_715 = arith.constant 0 : i32
        %dma_wait3A_716 = arith.constant 0 : i32
        %dma_wait3A_717 = arith.constant 0 : i32
        %dma_wait3A_718 = tpu.memref_slice %arg8[%dma_wait3A_714, %dma_wait3A_716, %dma_wait3A_717] : memref<4x64x128xf32, #tpu.memory_space<vmem>> -> memref<1x64x128xf32, #tpu.memory_space<vmem>>
        %dma_wait3A_719 = tpu.memref_squeeze %dma_wait3A_718 : memref<1x64x128xf32, #tpu.memory_space<vmem>> -> memref<64x128xf32, #tpu.memory_space<vmem>>
        %dma_wait3A_720 = arith.constant 0 : i32
        %dma_wait3A_721 = tpu.memref_slice %arg7[%dma_wait3A_715, %dma_wait3A_720] : memref<16x64xi32, #tpu.memory_space<vmem>> -> memref<1x64xi32, #tpu.memory_space<vmem>>
        %dma_wait3A_722 = tpu.memref_squeeze %dma_wait3A_721 : memref<1x64xi32, #tpu.memory_space<vmem>> -> memref<64xi32, #tpu.memory_space<vmem>>
        %dma_wait3A_723 = arith.constant 0 : i32
        %dma_wait3A_724 = arith.constant 0 : i32
        %dma_wait3A_725 = tpu.memref_slice %arg9[%dma_wait3A_723, %dma_wait3A_724] : memref<10240x128xf32, #tpu.memory_space<vmem_shared>> -> memref<10240x128xf32, #tpu.memory_space<vmem_shared>>
        tpu.wait_indirect_dma semaphore(%arg17 : memref<!tpu.dma_semaphore, #tpu.memory_space<semaphore_mem>>) src(%dma_wait3A_719 : memref<64x128xf32, #tpu.memory_space<vmem>>) dst(%dma_wait3A_725 : memref<10240x128xf32, #tpu.memory_space<vmem_shared>>)
        %dma_start3A_726 = arith.constant 15 : i32
        %dma_start3A_727 = arith.constant 3 : i32
        %dma_start3A_728 = arith.constant 0 : i32
        %dma_start3A_729 = arith.constant 0 : i32
        %dma_start3A_730 = tpu.memref_slice %arg8[%dma_start3A_727, %dma_start3A_728, %dma_start3A_729] : memref<4x64x128xf32, #tpu.memory_space<vmem>> -> memref<1x64x128xf32, #tpu.memory_space<vmem>>
        %dma_start3A_731 = tpu.memref_squeeze %dma_start3A_730 : memref<1x64x128xf32, #tpu.memory_space<vmem>> -> memref<64x128xf32, #tpu.memory_space<vmem>>
        %dma_start3A_732 = arith.constant 0 : i32
        %dma_start3A_733 = tpu.memref_slice %arg6[%dma_start3A_726, %dma_start3A_732] : memref<16x64xi32, #tpu.memory_space<vmem>> -> memref<1x64xi32, #tpu.memory_space<vmem>>
        %dma_start3A_734 = tpu.memref_squeeze %dma_start3A_733 : memref<1x64xi32, #tpu.memory_space<vmem>> -> memref<64xi32, #tpu.memory_space<vmem>>
        %dma_start3A_735 = arith.constant 0 : i32
        %dma_start3A_736 = arith.constant 0 : i32
        %dma_start3A_737 = tpu.memref_slice %arg4[%dma_start3A_735, %dma_start3A_736] : memref<10000x128xf32, #tpu.memory_space<hbm>> -> memref<10000x128xf32, #tpu.memory_space<hbm>>
        tpu.enqueue_indirect_dma source(%dma_start3A_737 : memref<10000x128xf32, #tpu.memory_space<hbm>>) target(%dma_start3A_731 : memref<64x128xf32, #tpu.memory_space<vmem>>) offsets(%dma_start3A_734 : memref<64xi32, #tpu.memory_space<vmem>>) semaphore(%arg13 : memref<!tpu.dma_semaphore, #tpu.memory_space<semaphore_mem>>)
        %dma_wait3A_738 = arith.constant 0 : i32
        %dma_wait3A_739 = arith.constant 1 : i32
        %dma_wait3A_740 = arith.constant 0 : i32
        %dma_wait3A_741 = arith.constant 0 : i32
        %dma_wait3A_742 = tpu.memref_slice %arg8[%dma_wait3A_739, %dma_wait3A_740, %dma_wait3A_741] : memref<4x64x128xf32, #tpu.memory_space<vmem>> -> memref<1x64x128xf32, #tpu.memory_space<vmem>>
        %dma_wait3A_743 = tpu.memref_squeeze %dma_wait3A_742 : memref<1x64x128xf32, #tpu.memory_space<vmem>> -> memref<64x128xf32, #tpu.memory_space<vmem>>
        %dma_wait3A_744 = arith.constant 0 : i32
        %dma_wait3A_745 = tpu.memref_slice %arg6[%dma_wait3A_738, %dma_wait3A_744] : memref<16x64xi32, #tpu.memory_space<vmem>> -> memref<1x64xi32, #tpu.memory_space<vmem>>
        %dma_wait3A_746 = tpu.memref_squeeze %dma_wait3A_745 : memref<1x64xi32, #tpu.memory_space<vmem>> -> memref<64xi32, #tpu.memory_space<vmem>>
        %dma_wait3A_747 = arith.constant 0 : i32
        %dma_wait3A_748 = arith.constant 0 : i32
        %dma_wait3A_749 = tpu.memref_slice %arg4[%dma_wait3A_747, %dma_wait3A_748] : memref<10000x128xf32, #tpu.memory_space<hbm>> -> memref<10000x128xf32, #tpu.memory_space<hbm>>
        tpu.wait_indirect_dma semaphore(%arg11 : memref<!tpu.dma_semaphore, #tpu.memory_space<semaphore_mem>>) src(%dma_wait3A_749 : memref<10000x128xf32, #tpu.memory_space<hbm>>) dst(%dma_wait3A_743 : memref<64x128xf32, #tpu.memory_space<vmem>>)
        %dma_start3A_750 = arith.constant 1 : i32
        %dma_start3A_751 = arith.constant 13 : i32
        %dma_start3A_752 = arith.constant 0 : i32
        %dma_start3A_753 = arith.constant 0 : i32
        %dma_start3A_754 = tpu.memref_slice %arg8[%dma_start3A_750, %dma_start3A_752, %dma_start3A_753] : memref<4x64x128xf32, #tpu.memory_space<vmem>> -> memref<1x64x128xf32, #tpu.memory_space<vmem>>
        %dma_start3A_755 = tpu.memref_squeeze %dma_start3A_754 : memref<1x64x128xf32, #tpu.memory_space<vmem>> -> memref<64x128xf32, #tpu.memory_space<vmem>>
        %dma_start3A_756 = arith.constant 0 : i32
        %dma_start3A_757 = tpu.memref_slice %arg7[%dma_start3A_751, %dma_start3A_756] : memref<16x64xi32, #tpu.memory_space<vmem>> -> memref<1x64xi32, #tpu.memory_space<vmem>>
        %dma_start3A_758 = tpu.memref_squeeze %dma_start3A_757 : memref<1x64xi32, #tpu.memory_space<vmem>> -> memref<64xi32, #tpu.memory_space<vmem>>
        %dma_start3A_759 = arith.constant 0 : i32
        %dma_start3A_760 = arith.constant 0 : i32
        %dma_start3A_761 = tpu.memref_slice %arg9[%dma_start3A_759, %dma_start3A_760] : memref<10240x128xf32, #tpu.memory_space<vmem_shared>> -> memref<10240x128xf32, #tpu.memory_space<vmem_shared>>
        tpu.enqueue_indirect_dma source(%dma_start3A_755 : memref<64x128xf32, #tpu.memory_space<vmem>>) target(%dma_start3A_761 : memref<10240x128xf32, #tpu.memory_space<vmem_shared>>) offsets(%dma_start3A_758 : memref<64xi32, #tpu.memory_space<vmem>>) semaphore(%arg15 : memref<!tpu.dma_semaphore, #tpu.memory_space<semaphore_mem>>) {add = true}
        %dma_wait3A_762 = arith.constant 0 : i32
        %dma_wait3A_763 = arith.constant 2 : i32
        %dma_wait3A_764 = arith.constant 0 : i32
        %dma_wait3A_765 = arith.constant 0 : i32
        %dma_wait3A_766 = tpu.memref_slice %arg8[%dma_wait3A_763, %dma_wait3A_764, %dma_wait3A_765] : memref<4x64x128xf32, #tpu.memory_space<vmem>> -> memref<1x64x128xf32, #tpu.memory_space<vmem>>
        %dma_wait3A_767 = tpu.memref_squeeze %dma_wait3A_766 : memref<1x64x128xf32, #tpu.memory_space<vmem>> -> memref<64x128xf32, #tpu.memory_space<vmem>>
        %dma_wait3A_768 = arith.constant 0 : i32
        %dma_wait3A_769 = tpu.memref_slice %arg6[%dma_wait3A_762, %dma_wait3A_768] : memref<16x64xi32, #tpu.memory_space<vmem>> -> memref<1x64xi32, #tpu.memory_space<vmem>>
        %dma_wait3A_770 = tpu.memref_squeeze %dma_wait3A_769 : memref<1x64xi32, #tpu.memory_space<vmem>> -> memref<64xi32, #tpu.memory_space<vmem>>
        %dma_wait3A_771 = arith.constant 0 : i32
        %dma_wait3A_772 = arith.constant 0 : i32
        %dma_wait3A_773 = tpu.memref_slice %arg4[%dma_wait3A_771, %dma_wait3A_772] : memref<10000x128xf32, #tpu.memory_space<hbm>> -> memref<10000x128xf32, #tpu.memory_space<hbm>>
        tpu.wait_indirect_dma semaphore(%arg12 : memref<!tpu.dma_semaphore, #tpu.memory_space<semaphore_mem>>) src(%dma_wait3A_773 : memref<10000x128xf32, #tpu.memory_space<hbm>>) dst(%dma_wait3A_767 : memref<64x128xf32, #tpu.memory_space<vmem>>)
        %dma_start3A_774 = arith.constant 2 : i32
        %dma_start3A_775 = arith.constant 14 : i32
        %dma_start3A_776 = arith.constant 0 : i32
        %dma_start3A_777 = arith.constant 0 : i32
        %dma_start3A_778 = tpu.memref_slice %arg8[%dma_start3A_774, %dma_start3A_776, %dma_start3A_777] : memref<4x64x128xf32, #tpu.memory_space<vmem>> -> memref<1x64x128xf32, #tpu.memory_space<vmem>>
        %dma_start3A_779 = tpu.memref_squeeze %dma_start3A_778 : memref<1x64x128xf32, #tpu.memory_space<vmem>> -> memref<64x128xf32, #tpu.memory_space<vmem>>
        %dma_start3A_780 = arith.constant 0 : i32
        %dma_start3A_781 = tpu.memref_slice %arg7[%dma_start3A_775, %dma_start3A_780] : memref<16x64xi32, #tpu.memory_space<vmem>> -> memref<1x64xi32, #tpu.memory_space<vmem>>
        %dma_start3A_782 = tpu.memref_squeeze %dma_start3A_781 : memref<1x64xi32, #tpu.memory_space<vmem>> -> memref<64xi32, #tpu.memory_space<vmem>>
        %dma_start3A_783 = arith.constant 0 : i32
        %dma_start3A_784 = arith.constant 0 : i32
        %dma_start3A_785 = tpu.memref_slice %arg9[%dma_start3A_783, %dma_start3A_784] : memref<10240x128xf32, #tpu.memory_space<vmem_shared>> -> memref<10240x128xf32, #tpu.memory_space<vmem_shared>>
        tpu.enqueue_indirect_dma source(%dma_start3A_779 : memref<64x128xf32, #tpu.memory_space<vmem>>) target(%dma_start3A_785 : memref<10240x128xf32, #tpu.memory_space<vmem_shared>>) offsets(%dma_start3A_782 : memref<64xi32, #tpu.memory_space<vmem>>) semaphore(%arg16 : memref<!tpu.dma_semaphore, #tpu.memory_space<semaphore_mem>>) {add = true}
        %dma_wait3A_786 = arith.constant 0 : i32
        %dma_wait3A_787 = arith.constant 3 : i32
        %dma_wait3A_788 = arith.constant 0 : i32
        %dma_wait3A_789 = arith.constant 0 : i32
        %dma_wait3A_790 = tpu.memref_slice %arg8[%dma_wait3A_787, %dma_wait3A_788, %dma_wait3A_789] : memref<4x64x128xf32, #tpu.memory_space<vmem>> -> memref<1x64x128xf32, #tpu.memory_space<vmem>>
        %dma_wait3A_791 = tpu.memref_squeeze %dma_wait3A_790 : memref<1x64x128xf32, #tpu.memory_space<vmem>> -> memref<64x128xf32, #tpu.memory_space<vmem>>
        %dma_wait3A_792 = arith.constant 0 : i32
        %dma_wait3A_793 = tpu.memref_slice %arg6[%dma_wait3A_786, %dma_wait3A_792] : memref<16x64xi32, #tpu.memory_space<vmem>> -> memref<1x64xi32, #tpu.memory_space<vmem>>
        %dma_wait3A_794 = tpu.memref_squeeze %dma_wait3A_793 : memref<1x64xi32, #tpu.memory_space<vmem>> -> memref<64xi32, #tpu.memory_space<vmem>>
        %dma_wait3A_795 = arith.constant 0 : i32
        %dma_wait3A_796 = arith.constant 0 : i32
        %dma_wait3A_797 = tpu.memref_slice %arg4[%dma_wait3A_795, %dma_wait3A_796] : memref<10000x128xf32, #tpu.memory_space<hbm>> -> memref<10000x128xf32, #tpu.memory_space<hbm>>
        tpu.wait_indirect_dma semaphore(%arg13 : memref<!tpu.dma_semaphore, #tpu.memory_space<semaphore_mem>>) src(%dma_wait3A_797 : memref<10000x128xf32, #tpu.memory_space<hbm>>) dst(%dma_wait3A_791 : memref<64x128xf32, #tpu.memory_space<vmem>>)
        %dma_start3A_798 = arith.constant 3 : i32
        %dma_start3A_799 = arith.constant 15 : i32
        %dma_start3A_800 = arith.constant 0 : i32
        %dma_start3A_801 = arith.constant 0 : i32
        %dma_start3A_802 = tpu.memref_slice %arg8[%dma_start3A_798, %dma_start3A_800, %dma_start3A_801] : memref<4x64x128xf32, #tpu.memory_space<vmem>> -> memref<1x64x128xf32, #tpu.memory_space<vmem>>
        %dma_start3A_803 = tpu.memref_squeeze %dma_start3A_802 : memref<1x64x128xf32, #tpu.memory_space<vmem>> -> memref<64x128xf32, #tpu.memory_space<vmem>>
        %dma_start3A_804 = arith.constant 0 : i32
        %dma_start3A_805 = tpu.memref_slice %arg7[%dma_start3A_799, %dma_start3A_804] : memref<16x64xi32, #tpu.memory_space<vmem>> -> memref<1x64xi32, #tpu.memory_space<vmem>>
        %dma_start3A_806 = tpu.memref_squeeze %dma_start3A_805 : memref<1x64xi32, #tpu.memory_space<vmem>> -> memref<64xi32, #tpu.memory_space<vmem>>
        %dma_start3A_807 = arith.constant 0 : i32
        %dma_start3A_808 = arith.constant 0 : i32
        %dma_start3A_809 = tpu.memref_slice %arg9[%dma_start3A_807, %dma_start3A_808] : memref<10240x128xf32, #tpu.memory_space<vmem_shared>> -> memref<10240x128xf32, #tpu.memory_space<vmem_shared>>
        tpu.enqueue_indirect_dma source(%dma_start3A_803 : memref<64x128xf32, #tpu.memory_space<vmem>>) target(%dma_start3A_809 : memref<10240x128xf32, #tpu.memory_space<vmem_shared>>) offsets(%dma_start3A_806 : memref<64xi32, #tpu.memory_space<vmem>>) semaphore(%arg17 : memref<!tpu.dma_semaphore, #tpu.memory_space<semaphore_mem>>) {add = true}
        %lt3A = arith.constant 19 : i32
        %lt3A_810 = arith.cmpi slt, %scan3A_120, %lt3A : i32
        %convert_element_type3A_811 = arith.extui %lt3A_810 : i1 to i32
        %cond3A_812 = arith.constant 0 : i32
        %cond3A_813 = arith.cmpi ne, %convert_element_type3A_811, %cond3A_812 : i32
        scf.if %cond3A_813 {
          %add3A_815 = arith.constant 1 : i32
          %add3A_816 = arith.addi %scan3A_120, %add3A_815 : i32
          %mul3A_817 = arith.constant 16 : i32
          %mul3A_818 = arith.muli %add3A_816, %mul3A_817 : i32
          %add3A_819 = arith.addi %mul3A_14, %mul3A_818 : i32
          "tpu.region"() ({
            %run_scoped3A = tpu.sem_alloc : memref<!tpu.dma_semaphore, #tpu.memory_space<semaphore_mem>>
            %dma_start3A_897 = arith.constant 0 : i32
            %dma_start3A_898 = tpu.memref_slice %arg2[%add3A_819, %dma_start3A_897] : memref<5120x64xi32, #tpu.memory_space<hbm>> -> memref<16x64xi32, #tpu.memory_space<hbm>>
            %dma_start3A_899 = arith.constant 0 : i32
            %dma_start3A_900 = tpu.memref_slice %arg2[%add3A_819, %dma_start3A_899] : memref<5120x64xi32, #tpu.memory_space<hbm>> -> memref<16x64xi32, #tpu.memory_space<hbm>>
            tpu.enqueue_dma source(%dma_start3A_900 : memref<16x64xi32, #tpu.memory_space<hbm>>) target(%arg6 : memref<16x64xi32, #tpu.memory_space<vmem>>) target_semaphore(%run_scoped3A : memref<!tpu.dma_semaphore, #tpu.memory_space<semaphore_mem>>)
            %dma_wait3A_901 = arith.constant 0 : i32
            %dma_wait3A_902 = tpu.memref_slice %arg2[%add3A_819, %dma_wait3A_901] : memref<5120x64xi32, #tpu.memory_space<hbm>> -> memref<16x64xi32, #tpu.memory_space<hbm>>
            %dma_wait3A_903 = arith.constant 0 : i32
            %dma_wait3A_904 = tpu.memref_slice %arg2[%add3A_819, %dma_wait3A_903] : memref<5120x64xi32, #tpu.memory_space<hbm>> -> memref<16x64xi32, #tpu.memory_space<hbm>>
            tpu.wait_dma2 semaphore(%run_scoped3A : memref<!tpu.dma_semaphore, #tpu.memory_space<semaphore_mem>>) src(%dma_wait3A_904 : memref<16x64xi32, #tpu.memory_space<hbm>>) dst(%arg6 : memref<16x64xi32, #tpu.memory_space<vmem>>)
            tpu.yield
          }) : () -> ()
          %add3A_820 = arith.constant 1 : i32
          %add3A_821 = arith.addi %scan3A_120, %add3A_820 : i32
          %mul3A_822 = arith.constant 16 : i32
          %mul3A_823 = arith.muli %add3A_821, %mul3A_822 : i32
          %add3A_824 = arith.addi %mul3A_14, %mul3A_823 : i32
          "tpu.region"() ({
            %run_scoped3A = tpu.sem_alloc : memref<!tpu.dma_semaphore, #tpu.memory_space<semaphore_mem>>
            %dma_start3A_897 = arith.constant 0 : i32
            %dma_start3A_898 = tpu.memref_slice %arg3[%add3A_824, %dma_start3A_897] : memref<5120x64xi32, #tpu.memory_space<hbm>> -> memref<16x64xi32, #tpu.memory_space<hbm>>
            %dma_start3A_899 = arith.constant 0 : i32
            %dma_start3A_900 = tpu.memref_slice %arg3[%add3A_824, %dma_start3A_899] : memref<5120x64xi32, #tpu.memory_space<hbm>> -> memref<16x64xi32, #tpu.memory_space<hbm>>
            tpu.enqueue_dma source(%dma_start3A_900 : memref<16x64xi32, #tpu.memory_space<hbm>>) target(%arg7 : memref<16x64xi32, #tpu.memory_space<vmem>>) target_semaphore(%run_scoped3A : memref<!tpu.dma_semaphore, #tpu.memory_space<semaphore_mem>>)
            %dma_wait3A_901 = arith.constant 0 : i32
            %dma_wait3A_902 = tpu.memref_slice %arg3[%add3A_824, %dma_wait3A_901] : memref<5120x64xi32, #tpu.memory_space<hbm>> -> memref<16x64xi32, #tpu.memory_space<hbm>>
            %dma_wait3A_903 = arith.constant 0 : i32
            %dma_wait3A_904 = tpu.memref_slice %arg3[%add3A_824, %dma_wait3A_903] : memref<5120x64xi32, #tpu.memory_space<hbm>> -> memref<16x64xi32, #tpu.memory_space<hbm>>
            tpu.wait_dma2 semaphore(%run_scoped3A : memref<!tpu.dma_semaphore, #tpu.memory_space<semaphore_mem>>) src(%dma_wait3A_904 : memref<16x64xi32, #tpu.memory_space<hbm>>) dst(%arg7 : memref<16x64xi32, #tpu.memory_space<vmem>>)
            tpu.yield
          }) : () -> ()
          %dma_wait3A_825 = arith.constant 0 : i32
          %dma_wait3A_826 = arith.constant 0 : i32
          %dma_wait3A_827 = arith.constant 0 : i32
          %dma_wait3A_828 = arith.constant 0 : i32
          %dma_wait3A_829 = tpu.memref_slice %arg8[%dma_wait3A_825, %dma_wait3A_827, %dma_wait3A_828] : memref<4x64x128xf32, #tpu.memory_space<vmem>> -> memref<1x64x128xf32, #tpu.memory_space<vmem>>
          %dma_wait3A_830 = tpu.memref_squeeze %dma_wait3A_829 : memref<1x64x128xf32, #tpu.memory_space<vmem>> -> memref<64x128xf32, #tpu.memory_space<vmem>>
          %dma_wait3A_831 = arith.constant 0 : i32
          %dma_wait3A_832 = tpu.memref_slice %arg7[%dma_wait3A_826, %dma_wait3A_831] : memref<16x64xi32, #tpu.memory_space<vmem>> -> memref<1x64xi32, #tpu.memory_space<vmem>>
          %dma_wait3A_833 = tpu.memref_squeeze %dma_wait3A_832 : memref<1x64xi32, #tpu.memory_space<vmem>> -> memref<64xi32, #tpu.memory_space<vmem>>
          %dma_wait3A_834 = arith.constant 0 : i32
          %dma_wait3A_835 = arith.constant 0 : i32
          %dma_wait3A_836 = tpu.memref_slice %arg9[%dma_wait3A_834, %dma_wait3A_835] : memref<10240x128xf32, #tpu.memory_space<vmem_shared>> -> memref<10240x128xf32, #tpu.memory_space<vmem_shared>>
          tpu.wait_indirect_dma semaphore(%arg14 : memref<!tpu.dma_semaphore, #tpu.memory_space<semaphore_mem>>) src(%dma_wait3A_830 : memref<64x128xf32, #tpu.memory_space<vmem>>) dst(%dma_wait3A_836 : memref<10240x128xf32, #tpu.memory_space<vmem_shared>>)
          %dma_start3A_837 = arith.constant 0 : i32
          %dma_start3A_838 = arith.constant 0 : i32
          %dma_start3A_839 = arith.constant 0 : i32
          %dma_start3A_840 = arith.constant 0 : i32
          %dma_start3A_841 = tpu.memref_slice %arg8[%dma_start3A_838, %dma_start3A_839, %dma_start3A_840] : memref<4x64x128xf32, #tpu.memory_space<vmem>> -> memref<1x64x128xf32, #tpu.memory_space<vmem>>
          %dma_start3A_842 = tpu.memref_squeeze %dma_start3A_841 : memref<1x64x128xf32, #tpu.memory_space<vmem>> -> memref<64x128xf32, #tpu.memory_space<vmem>>
          %dma_start3A_843 = arith.constant 0 : i32
          %dma_start3A_844 = tpu.memref_slice %arg6[%dma_start3A_837, %dma_start3A_843] : memref<16x64xi32, #tpu.memory_space<vmem>> -> memref<1x64xi32, #tpu.memory_space<vmem>>
          %dma_start3A_845 = tpu.memref_squeeze %dma_start3A_844 : memref<1x64xi32, #tpu.memory_space<vmem>> -> memref<64xi32, #tpu.memory_space<vmem>>
          %dma_start3A_846 = arith.constant 0 : i32
          %dma_start3A_847 = arith.constant 0 : i32
          %dma_start3A_848 = tpu.memref_slice %arg4[%dma_start3A_846, %dma_start3A_847] : memref<10000x128xf32, #tpu.memory_space<hbm>> -> memref<10000x128xf32, #tpu.memory_space<hbm>>
          tpu.enqueue_indirect_dma source(%dma_start3A_848 : memref<10000x128xf32, #tpu.memory_space<hbm>>) target(%dma_start3A_842 : memref<64x128xf32, #tpu.memory_space<vmem>>) offsets(%dma_start3A_845 : memref<64xi32, #tpu.memory_space<vmem>>) semaphore(%arg10 : memref<!tpu.dma_semaphore, #tpu.memory_space<semaphore_mem>>)
          %dma_wait3A_849 = arith.constant 1 : i32
          %dma_wait3A_850 = arith.constant 0 : i32
          %dma_wait3A_851 = arith.constant 0 : i32
          %dma_wait3A_852 = arith.constant 0 : i32
          %dma_wait3A_853 = tpu.memref_slice %arg8[%dma_wait3A_849, %dma_wait3A_851, %dma_wait3A_852] : memref<4x64x128xf32, #tpu.memory_space<vmem>> -> memref<1x64x128xf32, #tpu.memory_space<vmem>>
          %dma_wait3A_854 = tpu.memref_squeeze %dma_wait3A_853 : memref<1x64x128xf32, #tpu.memory_space<vmem>> -> memref<64x128xf32, #tpu.memory_space<vmem>>
          %dma_wait3A_855 = arith.constant 0 : i32
          %dma_wait3A_856 = tpu.memref_slice %arg7[%dma_wait3A_850, %dma_wait3A_855] : memref<16x64xi32, #tpu.memory_space<vmem>> -> memref<1x64xi32, #tpu.memory_space<vmem>>
          %dma_wait3A_857 = tpu.memref_squeeze %dma_wait3A_856 : memref<1x64xi32, #tpu.memory_space<vmem>> -> memref<64xi32, #tpu.memory_space<vmem>>
          %dma_wait3A_858 = arith.constant 0 : i32
          %dma_wait3A_859 = arith.constant 0 : i32
          %dma_wait3A_860 = tpu.memref_slice %arg9[%dma_wait3A_858, %dma_wait3A_859] : memref<10240x128xf32, #tpu.memory_space<vmem_shared>> -> memref<10240x128xf32, #tpu.memory_space<vmem_shared>>
          tpu.wait_indirect_dma semaphore(%arg15 : memref<!tpu.dma_semaphore, #tpu.memory_space<semaphore_mem>>) src(%dma_wait3A_854 : memref<64x128xf32, #tpu.memory_space<vmem>>) dst(%dma_wait3A_860 : memref<10240x128xf32, #tpu.memory_space<vmem_shared>>)
          %dma_start3A_861 = arith.constant 1 : i32
          %dma_start3A_862 = arith.constant 1 : i32
          %dma_start3A_863 = arith.constant 0 : i32
          %dma_start3A_864 = arith.constant 0 : i32
          %dma_start3A_865 = tpu.memref_slice %arg8[%dma_start3A_862, %dma_start3A_863, %dma_start3A_864] : memref<4x64x128xf32, #tpu.memory_space<vmem>> -> memref<1x64x128xf32, #tpu.memory_space<vmem>>
          %dma_start3A_866 = tpu.memref_squeeze %dma_start3A_865 : memref<1x64x128xf32, #tpu.memory_space<vmem>> -> memref<64x128xf32, #tpu.memory_space<vmem>>
          %dma_start3A_867 = arith.constant 0 : i32
          %dma_start3A_868 = tpu.memref_slice %arg6[%dma_start3A_861, %dma_start3A_867] : memref<16x64xi32, #tpu.memory_space<vmem>> -> memref<1x64xi32, #tpu.memory_space<vmem>>
          %dma_start3A_869 = tpu.memref_squeeze %dma_start3A_868 : memref<1x64xi32, #tpu.memory_space<vmem>> -> memref<64xi32, #tpu.memory_space<vmem>>
          %dma_start3A_870 = arith.constant 0 : i32
          %dma_start3A_871 = arith.constant 0 : i32
          %dma_start3A_872 = tpu.memref_slice %arg4[%dma_start3A_870, %dma_start3A_871] : memref<10000x128xf32, #tpu.memory_space<hbm>> -> memref<10000x128xf32, #tpu.memory_space<hbm>>
          tpu.enqueue_indirect_dma source(%dma_start3A_872 : memref<10000x128xf32, #tpu.memory_space<hbm>>) target(%dma_start3A_866 : memref<64x128xf32, #tpu.memory_space<vmem>>) offsets(%dma_start3A_869 : memref<64xi32, #tpu.memory_space<vmem>>) semaphore(%arg11 : memref<!tpu.dma_semaphore, #tpu.memory_space<semaphore_mem>>)
          %dma_wait3A_873 = arith.constant 2 : i32
          %dma_wait3A_874 = arith.constant 0 : i32
          %dma_wait3A_875 = arith.constant 0 : i32
          %dma_wait3A_876 = arith.constant 0 : i32
          %dma_wait3A_877 = tpu.memref_slice %arg8[%dma_wait3A_873, %dma_wait3A_875, %dma_wait3A_876] : memref<4x64x128xf32, #tpu.memory_space<vmem>> -> memref<1x64x128xf32, #tpu.memory_space<vmem>>
          %dma_wait3A_878 = tpu.memref_squeeze %dma_wait3A_877 : memref<1x64x128xf32, #tpu.memory_space<vmem>> -> memref<64x128xf32, #tpu.memory_space<vmem>>
          %dma_wait3A_879 = arith.constant 0 : i32
          %dma_wait3A_880 = tpu.memref_slice %arg7[%dma_wait3A_874, %dma_wait3A_879] : memref<16x64xi32, #tpu.memory_space<vmem>> -> memref<1x64xi32, #tpu.memory_space<vmem>>
          %dma_wait3A_881 = tpu.memref_squeeze %dma_wait3A_880 : memref<1x64xi32, #tpu.memory_space<vmem>> -> memref<64xi32, #tpu.memory_space<vmem>>
          %dma_wait3A_882 = arith.constant 0 : i32
          %dma_wait3A_883 = arith.constant 0 : i32
          %dma_wait3A_884 = tpu.memref_slice %arg9[%dma_wait3A_882, %dma_wait3A_883] : memref<10240x128xf32, #tpu.memory_space<vmem_shared>> -> memref<10240x128xf32, #tpu.memory_space<vmem_shared>>
          tpu.wait_indirect_dma semaphore(%arg16 : memref<!tpu.dma_semaphore, #tpu.memory_space<semaphore_mem>>) src(%dma_wait3A_878 : memref<64x128xf32, #tpu.memory_space<vmem>>) dst(%dma_wait3A_884 : memref<10240x128xf32, #tpu.memory_space<vmem_shared>>)
          %dma_start3A_885 = arith.constant 2 : i32
          %dma_start3A_886 = arith.constant 2 : i32
          %dma_start3A_887 = arith.constant 0 : i32
          %dma_start3A_888 = arith.constant 0 : i32
          %dma_start3A_889 = tpu.memref_slice %arg8[%dma_start3A_886, %dma_start3A_887, %dma_start3A_888] : memref<4x64x128xf32, #tpu.memory_space<vmem>> -> memref<1x64x128xf32, #tpu.memory_space<vmem>>
          %dma_start3A_890 = tpu.memref_squeeze %dma_start3A_889 : memref<1x64x128xf32, #tpu.memory_space<vmem>> -> memref<64x128xf32, #tpu.memory_space<vmem>>
          %dma_start3A_891 = arith.constant 0 : i32
          %dma_start3A_892 = tpu.memref_slice %arg6[%dma_start3A_885, %dma_start3A_891] : memref<16x64xi32, #tpu.memory_space<vmem>> -> memref<1x64xi32, #tpu.memory_space<vmem>>
          %dma_start3A_893 = tpu.memref_squeeze %dma_start3A_892 : memref<1x64xi32, #tpu.memory_space<vmem>> -> memref<64xi32, #tpu.memory_space<vmem>>
          %dma_start3A_894 = arith.constant 0 : i32
          %dma_start3A_895 = arith.constant 0 : i32
          %dma_start3A_896 = tpu.memref_slice %arg4[%dma_start3A_894, %dma_start3A_895] : memref<10000x128xf32, #tpu.memory_space<hbm>> -> memref<10000x128xf32, #tpu.memory_space<hbm>>
          tpu.enqueue_indirect_dma source(%dma_start3A_896 : memref<10000x128xf32, #tpu.memory_space<hbm>>) target(%dma_start3A_890 : memref<64x128xf32, #tpu.memory_space<vmem>>) offsets(%dma_start3A_893 : memref<64xi32, #tpu.memory_space<vmem>>) semaphore(%arg12 : memref<!tpu.dma_semaphore, #tpu.memory_space<semaphore_mem>>)
        } else {
        }
        %scan3A_814 = arith.constant 0 : i32
        scf.yield %scan3A_814 : i32
      }
      %scan3A_72 = arith.constant 20 : i32
      %dma_wait3A = arith.constant 0 : i32
      %dma_wait3A_73 = arith.constant 0 : i32
      %dma_wait3A_74 = arith.constant 0 : i32
      %dma_wait3A_75 = arith.constant 0 : i32
      %dma_wait3A_76 = tpu.memref_slice %arg8[%dma_wait3A, %dma_wait3A_74, %dma_wait3A_75] : memref<4x64x128xf32, #tpu.memory_space<vmem>> -> memref<1x64x128xf32, #tpu.memory_space<vmem>>
      %dma_wait3A_77 = tpu.memref_squeeze %dma_wait3A_76 : memref<1x64x128xf32, #tpu.memory_space<vmem>> -> memref<64x128xf32, #tpu.memory_space<vmem>>
      %dma_wait3A_78 = arith.constant 0 : i32
      %dma_wait3A_79 = tpu.memref_slice %arg7[%dma_wait3A_73, %dma_wait3A_78] : memref<16x64xi32, #tpu.memory_space<vmem>> -> memref<1x64xi32, #tpu.memory_space<vmem>>
      %dma_wait3A_80 = tpu.memref_squeeze %dma_wait3A_79 : memref<1x64xi32, #tpu.memory_space<vmem>> -> memref<64xi32, #tpu.memory_space<vmem>>
      %dma_wait3A_81 = arith.constant 0 : i32
      %dma_wait3A_82 = arith.constant 0 : i32
      %dma_wait3A_83 = tpu.memref_slice %arg9[%dma_wait3A_81, %dma_wait3A_82] : memref<10240x128xf32, #tpu.memory_space<vmem_shared>> -> memref<10240x128xf32, #tpu.memory_space<vmem_shared>>
      tpu.wait_indirect_dma semaphore(%arg14 : memref<!tpu.dma_semaphore, #tpu.memory_space<semaphore_mem>>) src(%dma_wait3A_77 : memref<64x128xf32, #tpu.memory_space<vmem>>) dst(%dma_wait3A_83 : memref<10240x128xf32, #tpu.memory_space<vmem_shared>>)
      %dma_wait3A_84 = arith.constant 1 : i32
      %dma_wait3A_85 = arith.constant 0 : i32
      %dma_wait3A_86 = arith.constant 0 : i32
      %dma_wait3A_87 = arith.constant 0 : i32
      %dma_wait3A_88 = tpu.memref_slice %arg8[%dma_wait3A_84, %dma_wait3A_86, %dma_wait3A_87] : memref<4x64x128xf32, #tpu.memory_space<vmem>> -> memref<1x64x128xf32, #tpu.memory_space<vmem>>
      %dma_wait3A_89 = tpu.memref_squeeze %dma_wait3A_88 : memref<1x64x128xf32, #tpu.memory_space<vmem>> -> memref<64x128xf32, #tpu.memory_space<vmem>>
      %dma_wait3A_90 = arith.constant 0 : i32
      %dma_wait3A_91 = tpu.memref_slice %arg7[%dma_wait3A_85, %dma_wait3A_90] : memref<16x64xi32, #tpu.memory_space<vmem>> -> memref<1x64xi32, #tpu.memory_space<vmem>>
      %dma_wait3A_92 = tpu.memref_squeeze %dma_wait3A_91 : memref<1x64xi32, #tpu.memory_space<vmem>> -> memref<64xi32, #tpu.memory_space<vmem>>
      %dma_wait3A_93 = arith.constant 0 : i32
      %dma_wait3A_94 = arith.constant 0 : i32
      %dma_wait3A_95 = tpu.memref_slice %arg9[%dma_wait3A_93, %dma_wait3A_94] : memref<10240x128xf32, #tpu.memory_space<vmem_shared>> -> memref<10240x128xf32, #tpu.memory_space<vmem_shared>>
      tpu.wait_indirect_dma semaphore(%arg15 : memref<!tpu.dma_semaphore, #tpu.memory_space<semaphore_mem>>) src(%dma_wait3A_89 : memref<64x128xf32, #tpu.memory_space<vmem>>) dst(%dma_wait3A_95 : memref<10240x128xf32, #tpu.memory_space<vmem_shared>>)
      %dma_wait3A_96 = arith.constant 2 : i32
      %dma_wait3A_97 = arith.constant 0 : i32
      %dma_wait3A_98 = arith.constant 0 : i32
      %dma_wait3A_99 = arith.constant 0 : i32
      %dma_wait3A_100 = tpu.memref_slice %arg8[%dma_wait3A_96, %dma_wait3A_98, %dma_wait3A_99] : memref<4x64x128xf32, #tpu.memory_space<vmem>> -> memref<1x64x128xf32, #tpu.memory_space<vmem>>
      %dma_wait3A_101 = tpu.memref_squeeze %dma_wait3A_100 : memref<1x64x128xf32, #tpu.memory_space<vmem>> -> memref<64x128xf32, #tpu.memory_space<vmem>>
      %dma_wait3A_102 = arith.constant 0 : i32
      %dma_wait3A_103 = tpu.memref_slice %arg7[%dma_wait3A_97, %dma_wait3A_102] : memref<16x64xi32, #tpu.memory_space<vmem>> -> memref<1x64xi32, #tpu.memory_space<vmem>>
      %dma_wait3A_104 = tpu.memref_squeeze %dma_wait3A_103 : memref<1x64xi32, #tpu.memory_space<vmem>> -> memref<64xi32, #tpu.memory_space<vmem>>
      %dma_wait3A_105 = arith.constant 0 : i32
      %dma_wait3A_106 = arith.constant 0 : i32
      %dma_wait3A_107 = tpu.memref_slice %arg9[%dma_wait3A_105, %dma_wait3A_106] : memref<10240x128xf32, #tpu.memory_space<vmem_shared>> -> memref<10240x128xf32, #tpu.memory_space<vmem_shared>>
      tpu.wait_indirect_dma semaphore(%arg16 : memref<!tpu.dma_semaphore, #tpu.memory_space<semaphore_mem>>) src(%dma_wait3A_101 : memref<64x128xf32, #tpu.memory_space<vmem>>) dst(%dma_wait3A_107 : memref<10240x128xf32, #tpu.memory_space<vmem_shared>>)
      %dma_wait3A_108 = arith.constant 3 : i32
      %dma_wait3A_109 = arith.constant 0 : i32
      %dma_wait3A_110 = arith.constant 0 : i32
      %dma_wait3A_111 = arith.constant 0 : i32
      %dma_wait3A_112 = tpu.memref_slice %arg8[%dma_wait3A_108, %dma_wait3A_110, %dma_wait3A_111] : memref<4x64x128xf32, #tpu.memory_space<vmem>> -> memref<1x64x128xf32, #tpu.memory_space<vmem>>
      %dma_wait3A_113 = tpu.memref_squeeze %dma_wait3A_112 : memref<1x64x128xf32, #tpu.memory_space<vmem>> -> memref<64x128xf32, #tpu.memory_space<vmem>>
      %dma_wait3A_114 = arith.constant 0 : i32
      %dma_wait3A_115 = tpu.memref_slice %arg7[%dma_wait3A_109, %dma_wait3A_114] : memref<16x64xi32, #tpu.memory_space<vmem>> -> memref<1x64xi32, #tpu.memory_space<vmem>>
      %dma_wait3A_116 = tpu.memref_squeeze %dma_wait3A_115 : memref<1x64xi32, #tpu.memory_space<vmem>> -> memref<64xi32, #tpu.memory_space<vmem>>
      %dma_wait3A_117 = arith.constant 0 : i32
      %dma_wait3A_118 = arith.constant 0 : i32
      %dma_wait3A_119 = tpu.memref_slice %arg9[%dma_wait3A_117, %dma_wait3A_118] : memref<10240x128xf32, #tpu.memory_space<vmem_shared>> -> memref<10240x128xf32, #tpu.memory_space<vmem_shared>>
      tpu.wait_indirect_dma semaphore(%arg17 : memref<!tpu.dma_semaphore, #tpu.memory_space<semaphore_mem>>) src(%dma_wait3A_113 : memref<64x128xf32, #tpu.memory_space<vmem>>) dst(%dma_wait3A_119 : memref<10240x128xf32, #tpu.memory_space<vmem_shared>>)
    } else {
    }
    %barrier3A_20 = arith.constant 0 : index
    tpu.barrier barrier_id(%barrier3A_20)
    %eq3A_21 = arith.constant 0 : i32
    %eq3A_22 = arith.cmpi eq, %arg0, %eq3A_21 : i32
    %or3A_23 = arith.constant false
    %or3A_24 = arith.ori %eq3A_22, %or3A_23 : i1
    %convert_element_type3A_25 = arith.extui %or3A_24 : i1 to i32
    %cond3A_26 = arith.constant 0 : i32
    %cond3A_27 = arith.cmpi ne, %convert_element_type3A_25, %cond3A_26 : i32
    scf.if %cond3A_27 {
      "tpu.region"() ({
        %run_scoped3A = tpu.sem_alloc : memref<!tpu.dma_semaphore, #tpu.memory_space<semaphore_mem>>
        %dma_start3A = arith.constant 0 : i32
        %dma_start3A_28 = tpu.memref_slice %arg5[%arg0, %mul3A_9, %dma_start3A] : memref<2x10240x128xf32, #tpu.memory_space<hbm>> -> memref<1x640x128xf32, #tpu.memory_space<hbm>>
        %dma_start3A_29 = tpu.memref_squeeze %dma_start3A_28 : memref<1x640x128xf32, #tpu.memory_space<hbm>> -> memref<640x128xf32, #tpu.memory_space<hbm>>
        %dma_start3A_30 = arith.constant 0 : i32
        %dma_start3A_31 = tpu.memref_slice %arg9[%mul3A_9, %dma_start3A_30] : memref<10240x128xf32, #tpu.memory_space<vmem_shared>> -> memref<640x128xf32, #tpu.memory_space<vmem_shared>>
        tpu.enqueue_dma source(%dma_start3A_31 : memref<640x128xf32, #tpu.memory_space<vmem_shared>>) target(%dma_start3A_29 : memref<640x128xf32, #tpu.memory_space<hbm>>) target_semaphore(%run_scoped3A : memref<!tpu.dma_semaphore, #tpu.memory_space<semaphore_mem>>)
        %dma_wait3A = arith.constant 0 : i32
        %dma_wait3A_32 = tpu.memref_slice %arg5[%arg0, %mul3A_9, %dma_wait3A] : memref<2x10240x128xf32, #tpu.memory_space<hbm>> -> memref<1x640x128xf32, #tpu.memory_space<hbm>>
        %dma_wait3A_33 = tpu.memref_squeeze %dma_wait3A_32 : memref<1x640x128xf32, #tpu.memory_space<hbm>> -> memref<640x128xf32, #tpu.memory_space<hbm>>
        %dma_wait3A_34 = arith.constant 0 : i32
        %dma_wait3A_35 = tpu.memref_slice %arg9[%mul3A_9, %dma_wait3A_34] : memref<10240x128xf32, #tpu.memory_space<vmem_shared>> -> memref<640x128xf32, #tpu.memory_space<vmem_shared>>
        tpu.wait_dma2 semaphore(%run_scoped3A : memref<!tpu.dma_semaphore, #tpu.memory_space<semaphore_mem>>) src(%dma_wait3A_35 : memref<640x128xf32, #tpu.memory_space<vmem_shared>>) dst(%dma_wait3A_33 : memref<640x128xf32, #tpu.memory_space<hbm>>)
        tpu.yield
      }) : () -> ()
    } else {
    }
    return
  }
}

module attributes {stable_mosaic.version = 14 : i64} {
  func.func @_tc1_body(%arg0: i32, %arg1: memref<1000x128xf32, #tpu.memory_space<vmem>>, %arg2: memref<1000x128xf32, #tpu.memory_space<vmem>>, %arg3: memref<1000x128xf32, #tpu.memory_space<vmem>>, %arg4: memref<128x128xf32, #tpu.memory_space<vmem>>, %arg5: memref<128x128xf32, #tpu.memory_space<vmem>>, %arg6: memref<1x128xf32, #tpu.memory_space<vmem>>, %arg7: memref<1000x128xf32, #tpu.memory_space<vmem>>) attributes {dimension_semantics = [#tpu.dimension_semantics<arbitrary>], iteration_bounds = array<i64: 10>, scalar_prefetch = 0 : i64, scratch_operands = 0 : i64, tpu.core_type = #tpu.core_type<tc>, window_params = [{transform_indices = @transform_0, window_bounds = array<i64: 1000, 128>}, {transform_indices = @transform_1, window_bounds = array<i64: 1000, 128>}, {transform_indices = @transform_2, window_bounds = array<i64: 1000, 128>}, {pipeline_mode = #tpu.pipeline_mode<synchronous>, transform_indices = @transform_3, window_bounds = array<i64: 128, 128>}, {pipeline_mode = #tpu.pipeline_mode<synchronous>, transform_indices = @transform_4, window_bounds = array<i64: 128, 128>}, {pipeline_mode = #tpu.pipeline_mode<synchronous>, transform_indices = @transform_5, window_bounds = array<i64: 1, 128>}, {transform_indices = @transform_6, window_bounds = array<i64: 1000, 128>}]} {
    %get3A = arith.constant 0 : index
    %get3A_0 = arith.constant 0 : index
    %get3A_1 = vector.load %arg3[%get3A, %get3A_0] : memref<1000x128xf32, #tpu.memory_space<vmem>>, vector<1000x1xf32>
    %max3A = arith.constant 1.000000e+00 : f32
    %max3A_2 = vector.broadcast %max3A : f32 to vector<1000x1xf32>
    %max3A_3 = arith.maximumf %get3A_1, %max3A_2 : vector<1000x1xf32>
    %div3A = arith.constant 1.000000e+00 : f32
    %div3A_4 = vector.broadcast %div3A : f32 to vector<1000x1xf32>
    %div3A_5 = arith.divf %div3A_4, %max3A_3 : vector<1000x1xf32>
    %get3A_6 = arith.constant 0 : index
    %get3A_7 = arith.constant 0 : index
    %get3A_8 = vector.load %arg2[%get3A_6, %get3A_7] : memref<1000x128xf32, #tpu.memory_space<vmem>>, vector<1000x128xf32>
    %mul3A = vector.broadcast %div3A_5 : vector<1000x1xf32> to vector<1000x128xf32>
    %mul3A_9 = arith.mulf %get3A_8, %mul3A : vector<1000x128xf32>
    %get3A_10 = arith.constant 0 : index
    %get3A_11 = arith.constant 0 : index
    %get3A_12 = vector.load %arg1[%get3A_10, %get3A_11] : memref<1000x128xf32, #tpu.memory_space<vmem>>, vector<1000x128xf32>
    %get3A_13 = arith.constant 0 : index
    %get3A_14 = arith.constant 0 : index
    %get3A_15 = vector.load %arg4[%get3A_13, %get3A_14] : memref<128x128xf32, #tpu.memory_space<vmem>>, vector<128x128xf32>
    %dot_general3A = arith.constant dense<0.000000e+00> : vector<1000x128xf32>
    %dot_general3A_16 = tpu.matmul %get3A_12, %get3A_15, %dot_general3A {dimension_numbers = #tpu.dot_dimension_numbers<[1], [0], [0], [1], [0, 0, 1, 1], [], []>, transpose_lhs_hint = false} : vector<1000x128xf32>, vector<128x128xf32>, vector<1000x128xf32> -> vector<1000x128xf32>
    %get3A_17 = arith.constant 0 : index
    %get3A_18 = arith.constant 0 : index
    %get3A_19 = vector.load %arg5[%get3A_17, %get3A_18] : memref<128x128xf32, #tpu.memory_space<vmem>>, vector<128x128xf32>
    %dot_general3A_20 = arith.constant dense<0.000000e+00> : vector<1000x128xf32>
    %dot_general3A_21 = tpu.matmul %mul3A_9, %get3A_19, %dot_general3A_20 {dimension_numbers = #tpu.dot_dimension_numbers<[1], [0], [0], [1], [0, 0, 1, 1], [], []>, transpose_lhs_hint = false} : vector<1000x128xf32>, vector<128x128xf32>, vector<1000x128xf32> -> vector<1000x128xf32>
    %add3A = arith.addf %dot_general3A_16, %dot_general3A_21 : vector<1000x128xf32>
    %get3A_22 = arith.constant 0 : index
    %get3A_23 = arith.constant 0 : index
    %get3A_24 = vector.load %arg6[%get3A_22, %get3A_23] : memref<1x128xf32, #tpu.memory_space<vmem>>, vector<1x128xf32>
    %add3A_25 = vector.broadcast %get3A_24 : vector<1x128xf32> to vector<1000x128xf32>
    %add3A_26 = arith.addf %add3A, %add3A_25 : vector<1000x128xf32>
    %max3A_27 = arith.constant 0.000000e+00 : f32
    %max3A_28 = vector.broadcast %max3A_27 : f32 to vector<1000x128xf32>
    %max3A_29 = arith.maximumf %add3A_26, %max3A_28 : vector<1000x128xf32>
    %swap3A = arith.constant 0 : index
    %swap3A_30 = arith.constant 0 : index
    %swap3A_31 = vector.load %arg7[%swap3A, %swap3A_30] : memref<1000x128xf32, #tpu.memory_space<vmem>>, vector<1000x128xf32>
    tpu.vector_store %arg7[%swap3A, %swap3A_30], %max3A_29 {strides = array<i32>} : memref<1000x128xf32, #tpu.memory_space<vmem>>, vector<1000x128xf32>,
    return
  }
  func.func @transform_0(%arg0: i32) -> (i32, i32) {
    %c0_i32 = arith.constant 0 : i32
    %c0_i32_0 = arith.constant 0 : i32
    return %arg0, %c0_i32 : i32, i32
  }
  func.func @transform_1(%arg0: i32) -> (i32, i32) {
    %c0_i32 = arith.constant 0 : i32
    %c0_i32_0 = arith.constant 0 : i32
    return %arg0, %c0_i32 : i32, i32
  }
  func.func @transform_2(%arg0: i32) -> (i32, i32) {
    %c0_i32 = arith.constant 0 : i32
    %c0_i32_0 = arith.constant 0 : i32
    return %arg0, %c0_i32 : i32, i32
  }
  func.func @transform_3(%arg0: i32) -> (i32, i32) {
    %c0_i32 = arith.constant 0 : i32
    %c0_i32_0 = arith.constant 0 : i32
    %c0_i32_1 = arith.constant 0 : i32
    return %c0_i32, %c0_i32_0 : i32, i32
  }
  func.func @transform_4(%arg0: i32) -> (i32, i32) {
    %c0_i32 = arith.constant 0 : i32
    %c0_i32_0 = arith.constant 0 : i32
    %c0_i32_1 = arith.constant 0 : i32
    return %c0_i32, %c0_i32_0 : i32, i32
  }
  func.func @transform_5(%arg0: i32) -> (i32, i32) {
    %c0_i32 = arith.constant 0 : i32
    %c0_i32_0 = arith.constant 0 : i32
    %c0_i32_1 = arith.constant 0 : i32
    return %c0_i32, %c0_i32_0 : i32, i32
  }
  func.func @transform_6(%arg0: i32) -> (i32, i32) {
    %c0_i32 = arith.constant 0 : i32
    %c0_i32_0 = arith.constant 0 : i32
    return %arg0, %c0_i32 : i32, i32
  }
}

module attributes {stable_mosaic.version = 14 : i64} {
  func.func @_tc2_body(%arg0: i32, %arg1: memref<1000x128xf32, #tpu.memory_space<vmem>>, %arg2: memref<1000x128xf32, #tpu.memory_space<vmem>>, %arg3: memref<1000x128xf32, #tpu.memory_space<vmem>>, %arg4: memref<128x64xf32, #tpu.memory_space<vmem>>, %arg5: memref<128x64xf32, #tpu.memory_space<vmem>>, %arg6: memref<1x64xf32, #tpu.memory_space<vmem>>, %arg7: memref<1000x64xf32, #tpu.memory_space<vmem>>) attributes {dimension_semantics = [#tpu.dimension_semantics<arbitrary>], iteration_bounds = array<i64: 10>, scalar_prefetch = 0 : i64, scratch_operands = 0 : i64, tpu.core_type = #tpu.core_type<tc>, window_params = [{transform_indices = @transform_0, window_bounds = array<i64: 1000, 128>}, {transform_indices = @transform_1, window_bounds = array<i64: 1000, 128>}, {transform_indices = @transform_2, window_bounds = array<i64: 1000, 128>}, {pipeline_mode = #tpu.pipeline_mode<synchronous>, transform_indices = @transform_3, window_bounds = array<i64: 128, 64>}, {pipeline_mode = #tpu.pipeline_mode<synchronous>, transform_indices = @transform_4, window_bounds = array<i64: 128, 64>}, {pipeline_mode = #tpu.pipeline_mode<synchronous>, transform_indices = @transform_5, window_bounds = array<i64: 1, 64>}, {transform_indices = @transform_6, window_bounds = array<i64: 1000, 64>}]} {
    %get3A = arith.constant 0 : index
    %get3A_0 = arith.constant 0 : index
    %get3A_1 = vector.load %arg3[%get3A, %get3A_0] : memref<1000x128xf32, #tpu.memory_space<vmem>>, vector<1000x1xf32>
    %max3A = arith.constant 1.000000e+00 : f32
    %max3A_2 = vector.broadcast %max3A : f32 to vector<1000x1xf32>
    %max3A_3 = arith.maximumf %get3A_1, %max3A_2 : vector<1000x1xf32>
    %div3A = arith.constant 1.000000e+00 : f32
    %div3A_4 = vector.broadcast %div3A : f32 to vector<1000x1xf32>
    %div3A_5 = arith.divf %div3A_4, %max3A_3 : vector<1000x1xf32>
    %get3A_6 = arith.constant 0 : index
    %get3A_7 = arith.constant 0 : index
    %get3A_8 = vector.load %arg2[%get3A_6, %get3A_7] : memref<1000x128xf32, #tpu.memory_space<vmem>>, vector<1000x128xf32>
    %mul3A = vector.broadcast %div3A_5 : vector<1000x1xf32> to vector<1000x128xf32>
    %mul3A_9 = arith.mulf %get3A_8, %mul3A : vector<1000x128xf32>
    %get3A_10 = arith.constant 0 : index
    %get3A_11 = arith.constant 0 : index
    %get3A_12 = vector.load %arg1[%get3A_10, %get3A_11] : memref<1000x128xf32, #tpu.memory_space<vmem>>, vector<1000x128xf32>
    %get3A_13 = arith.constant 0 : index
    %get3A_14 = arith.constant 0 : index
    %get3A_15 = vector.load %arg4[%get3A_13, %get3A_14] : memref<128x64xf32, #tpu.memory_space<vmem>>, vector<128x64xf32>
    %dot_general3A = arith.constant dense<0.000000e+00> : vector<1000x64xf32>
    %dot_general3A_16 = tpu.matmul %get3A_12, %get3A_15, %dot_general3A {dimension_numbers = #tpu.dot_dimension_numbers<[1], [0], [0], [1], [0, 0, 1, 1], [], []>, transpose_lhs_hint = false} : vector<1000x128xf32>, vector<128x64xf32>, vector<1000x64xf32> -> vector<1000x64xf32>
    %get3A_17 = arith.constant 0 : index
    %get3A_18 = arith.constant 0 : index
    %get3A_19 = vector.load %arg5[%get3A_17, %get3A_18] : memref<128x64xf32, #tpu.memory_space<vmem>>, vector<128x64xf32>
    %dot_general3A_20 = arith.constant dense<0.000000e+00> : vector<1000x64xf32>
    %dot_general3A_21 = tpu.matmul %mul3A_9, %get3A_19, %dot_general3A_20 {dimension_numbers = #tpu.dot_dimension_numbers<[1], [0], [0], [1], [0, 0, 1, 1], [], []>, transpose_lhs_hint = false} : vector<1000x128xf32>, vector<128x64xf32>, vector<1000x64xf32> -> vector<1000x64xf32>
    %add3A = arith.addf %dot_general3A_16, %dot_general3A_21 : vector<1000x64xf32>
    %get3A_22 = arith.constant 0 : index
    %get3A_23 = arith.constant 0 : index
    %get3A_24 = vector.load %arg6[%get3A_22, %get3A_23] : memref<1x64xf32, #tpu.memory_space<vmem>>, vector<1x64xf32>
    %add3A_25 = vector.broadcast %get3A_24 : vector<1x64xf32> to vector<1000x64xf32>
    %add3A_26 = arith.addf %add3A, %add3A_25 : vector<1000x64xf32>
    %swap3A = arith.constant 0 : index
    %swap3A_27 = arith.constant 0 : index
    %swap3A_28 = vector.load %arg7[%swap3A, %swap3A_27] : memref<1000x64xf32, #tpu.memory_space<vmem>>, vector<1000x64xf32>
    tpu.vector_store %arg7[%swap3A, %swap3A_27], %add3A_26 {strides = array<i32>} : memref<1000x64xf32, #tpu.memory_space<vmem>>, vector<1000x64xf32>,
    return
  }
  func.func @transform_0(%arg0: i32) -> (i32, i32) {
    %c0_i32 = arith.constant 0 : i32
    %c0_i32_0 = arith.constant 0 : i32
    return %arg0, %c0_i32 : i32, i32
  }
  func.func @transform_1(%arg0: i32) -> (i32, i32) {
    %c0_i32 = arith.constant 0 : i32
    %c0_i32_0 = arith.constant 0 : i32
    return %arg0, %c0_i32 : i32, i32
  }
  func.func @transform_2(%arg0: i32) -> (i32, i32) {
    %c0_i32 = arith.constant 0 : i32
    %c0_i32_0 = arith.constant 0 : i32
    return %arg0, %c0_i32 : i32, i32
  }
  func.func @transform_3(%arg0: i32) -> (i32, i32) {
    %c0_i32 = arith.constant 0 : i32
    %c0_i32_0 = arith.constant 0 : i32
    %c0_i32_1 = arith.constant 0 : i32
    return %c0_i32, %c0_i32_0 : i32, i32
  }
  func.func @transform_4(%arg0: i32) -> (i32, i32) {
    %c0_i32 = arith.constant 0 : i32
    %c0_i32_0 = arith.constant 0 : i32
    %c0_i32_1 = arith.constant 0 : i32
    return %c0_i32, %c0_i32_0 : i32, i32
  }
  func.func @transform_5(%arg0: i32) -> (i32, i32) {
    %c0_i32 = arith.constant 0 : i32
    %c0_i32_0 = arith.constant 0 : i32
    %c0_i32_1 = arith.constant 0 : i32
    return %c0_i32, %c0_i32_0 : i32, i32
  }
  func.func @transform_6(%arg0: i32) -> (i32, i32) {
    %c0_i32 = arith.constant 0 : i32
    %c0_i32_0 = arith.constant 0 : i32
    return %arg0, %c0_i32 : i32, i32
  }
}

</mosaic_0001>

<sc_bundles>
// kernel: kernel.6.cloned.1.call-start
scs
__scs_entry_jumppad:
0x0: {  	(pc) =	sbr.rel $0x88, $3  }
0x1: {  	(tag) =	ssettag $0x0;
	lr =	simm.s32 $0x1  }
0x2: {  	[smem:$0x3F99] =	sst lr;
	_ =	strace $0xD0000000  }
0x3: {  	_ = 	snop  }
0x4: {  	_ = 	snop  }
0x5: {  	_ = 	snop  }
0x6: {  	_ = 	snop  }
0x7: {  	_ = 	snop  }
__scs_overlays_trampoline_lowered:
0x8: {  	[smem:$0x3FA8] =	sst s0  }
0x9: {  	[smem:$0x3FA9] =	sst s1  }
0xa: {  	[smem:$0x3FAA] =	sst s2  }
0xb: {  	[smem:$0x3FAB] =	sst s3  }
0xc: {  	[smem:$0x3FAC] =	sst s4  }
0xd: {  	[smem:$0x3FAD] =	sst s5  }
0xe: {  	[smem:$0x3FAE] =	sst s6  }
0xf: {  	[smem:$0x3FAF] =	sst s7  }
0x10: {  	[smem:$0x3FB0] =	sst s8  }
0x11: {  	[smem:$0x3FB1] =	sst s9;
	s0 =	simm.s32 @!p0 $0x0  }
0x12: {  	s1 =	sld [smem:$0x3F97];
	s0 =	simm.s32 @p0 $0x1  }
0x13: {  	[smem:$0x3FB2] =	sst s0;
	s0 =	simm.s32 @!p1 $0x0  }
0x14: {  	s2 =	sld [smem:$0x3F96];
	s0 =	simm.s32 @p1 $0x1  }
0x15: {  	[smem:$0x3FB3] =	sst s0;
	s0 =	simm.s32 @!p2 $0x0  }
0x16: {  	s3 =	sld [smem:$0x3FDB];
	s0 =	simm.s32 @p2 $0x1  }
0x17: {  	s4 =	simm.s32 $0x1BF5;
	[smem:$0x3FB5] =	sst s0  }
0x18: {  	s0 =	sld [smem:$0x3F98];
	_ =	swait.ge [sflag:s4], $0x0  }
0x19: {  	s7 =	sld [smem:$0x3F99]  }
0x1a: {  	s8 =	sadd.s32 $0xFFFFE003, lr  }
0x1b: {  	s9 =	sadd.s32 $0xFFFFFEF7, lr;
	s5 =	simm.s32 $0xFFFFFFFF;
	p2 =	slt.u32 s8, $0xFFFFF086  }
0x1c: {  	p1 =	slt.u32 s9, $0xF7A;
	s5 =	simm.s32 @!p2 $0x0  }
0x1d: {  	s5 =	simm.s32 @p1 $0x1;
	p0 =	seq.s32 s7, s2  }
0x1e: {  	s7 =	smul.u32 @!p0 $0xF7A, s2;
	p2 =	seq.s32 @!p0 s5, $0x0  }
0x1f: {  	s9 =	smul.u32 $0xF7A, s1;
	s8 =	simm.s32 @!p0 $0x1BF5;
	p2 =	por !p2, p0  }
0x20: {  	[sflag:s8] =	ssyncset.s32 @!p0 $0xFFFFF086;
	s6 =	sadd.s32 @!p0 s3, s7;
	s7 =	simm.s32 @!p0 $0x108  }
0x21: {  	s3 =	sadd.s32 s3, s9;
	s6 =	sadd.s32 @!p0 $0x88, s6;
	s7 =	simm.s32 @p2 $0x1082  }
0x22: {  	[simem:s7], [sflag:s8] =	dma.local @!p0 [hbm:s6], $0xF7A  }
0x23: {  	s9 =	sor.u32 $0xD0000000, s2;
	s6 =	simm.s32 $0x108;
	_ =	swait.ge @!p0 [sflag:s8], $0x0  }
0x24: {  	s3 =	sadd.s32 $0x88, s3;
	s6 =	simm.s32 @!p1 $0x1082;
	[sflag:s4] =	ssyncset.s32 $0xFFFFF086  }
0x25: {  	[simem:s6], [sflag:s4] =	dma.local [hbm:s3], $0xF7A  }
0x26: {  	[smem:$0x3F99] =	sst s1;
	(tag) =	ssettag s2;
	_ =	strace s9  }
0x27: {  	s1 =	sld [smem:$0x3FA9]  }
0x28: {  	s2 =	sld [smem:$0x3FAA]  }
0x29: {  	s4 =	sld [smem:$0x3FAC]  }
0x2a: {  	p0 =	seq.s32 s5, $0x0;
	s5 =	sld [smem:$0x3FAD]  }
0x2b: {  	s6 =	sld [smem:$0x3FAE]  }
0x2c: {  	s7 =	sld [smem:$0x3FAF]  }
0x2d: {  	s3 =	simm.s32 $0x108;
	s8 =	sld [smem:$0x3FB0]  }
0x2e: {  	s3 =	simm.s32 @!p0 $0x1082;
	s9 =	sld [smem:$0x3FB1]  }
0x2f: {  	lr =	sadd.s32 s0, s3;
	s0 =	sld [smem:$0x3FA8]  }
0x30: {  	s3 =	sld [smem:$0x3FAB]  }
0x31: {  	[smem:$0x3FB4] =	sst s10  }
0x32: {  	s10 =	sld [smem:$0x3FB2];
	_ =	sdelay $0x3  }
0x33: {  	p0 =	seq.s32 s10, $0x1;
	s10 =	sld [smem:$0x3FB4];
	_ =	sdelay $0x3  }
0x34: {  	[smem:$0x3FB4] =	sst s10  }
0x35: {  	s10 =	sld [smem:$0x3FB3];
	_ =	sdelay $0x3  }
0x36: {  	p1 =	seq.s32 s10, $0x1;
	s10 =	sld [smem:$0x3FB4];
	_ =	sdelay $0x3  }
0x37: {  	[smem:$0x3FB4] =	sst s10  }
0x38: {  	s10 =	sld [smem:$0x3FB5]  }
0x39: {  	_ = 	snop;
	(pc) =	sbr.ind lr, $3  }
0x3a: {  	_ = 	snop  }
0x3b: {  	_ = 	snop  }
0x3c: {  	p2 =	seq.s32 s10, $0x1;
	s10 =	sld [smem:$0x3FB4]  }
0x3d: {  	_ =	shalt  }
0x3e: {  	_ =	shalt  }
0x3f: {  	_ =	shalt  }
0x40: {  	_ =	shalt  }
0x41: {  	_ =	shalt  }
0x42: {  	_ =	shalt  }
0x43: {  	_ =	shalt  }
0x44: {  	_ =	shalt  }
0x45: {  	_ =	shalt  }
0x46: {  	_ =	shalt  }
0x47: {  	_ =	shalt  }
0x48: {  	_ =	shalt  }
0x49: {  	_ =	shalt  }
0x4a: {  	_ =	shalt  }
0x4b: {  	_ =	shalt  }
0x4c: {  	_ =	shalt  }
0x4d: {  	_ =	shalt  }
0x4e: {  	_ =	shalt  }
0x4f: {  	_ =	shalt  }
0x50: {  	_ =	shalt  }
0x51: {  	_ =	shalt  }
0x52: {  	_ =	shalt  }
0x53: {  	_ =	shalt  }
0x54: {  	_ =	shalt  }
0x55: {  	_ =	shalt  }
0x56: {  	_ =	shalt  }
0x57: {  	_ =	shalt  }
0x58: {  	_ =	shalt  }
0x59: {  	_ =	shalt  }
0x5a: {  	_ =	shalt  }
0x5b: {  	_ =	shalt  }
0x5c: {  	_ =	shalt  }
0x5d: {  	_ =	shalt  }
0x5e: {  	_ =	shalt  }
0x5f: {  	_ =	shalt  }
0x60: {  	_ =	shalt  }
0x61: {  	_ =	shalt  }
0x62: {  	_ =	shalt  }
0x63: {  	_ =	shalt  }
0x64: {  	_ =	shalt  }
0x65: {  	_ =	shalt  }
0x66: {  	_ =	shalt  }
0x67: {  	_ =	shalt  }
0x68: {  	_ =	shalt  }
0x69: {  	_ =	shalt  }
0x6a: {  	_ =	shalt  }
0x6b: {  	_ =	shalt  }
0x6c: {  	_ =	shalt  }
0x6d: {  	_ =	shalt  }
0x6e: {  	_ =	shalt  }
0x6f: {  	_ =	shalt  }
0x70: {  	_ =	shalt  }
0x71: {  	_ =	shalt  }
0x72: {  	_ =	shalt  }
0x73: {  	_ =	shalt  }
0x74: {  	_ =	shalt  }
0x75: {  	_ =	shalt  }
0x76: {  	_ =	shalt  }
0x77: {  	_ =	shalt  }
0x78: {  	_ =	shalt  }
0x79: {  	_ =	shalt  }
0x7a: {  	_ =	shalt  }
0x7b: {  	_ =	shalt  }
0x7c: {  	_ =	shalt  }
0x7d: {  	_ =	shalt  }
0x7e: {  	_ =	shalt  }
0x7f: {  	_ =	shalt  }
0x80: {  	_ =	shalt  }
0x81: {  	_ =	shalt  }
0x82: {  	_ =	shalt  }
0x83: {  	_ =	shalt  }
0x84: {  	_ =	shalt  }
0x85: {  	_ =	shalt  }
0x86: {  	_ =	shalt  }
0x87: {  	_ =	shalt  }
.Lfunc_end0:
.L_simem_size_0:
called_computation_lowered:
.L_overlay_start_0:
0x88: {  	s2 =	sld [smem:$0x3FD9]  }
0x89: {  	s3 =	sld [smem:$0x3FFE];
	_ =	sdelay $0x1  }
0x8a: {  	s1 =	srdreg.scid  }
0x8b: {  	s0 =	sand.u32 $0x1, s1  }
0x8c: {  	s17 =	sshll.u32 s0, $0xA;
	s2 =	sadd.s32 s3, s2  }
0x8d: {  	s2 =	sadd.s32 s2, s17  }
0x8e: {  	[smem:$0x3FC0] =	sst s2  }
0x8f: {  	_ = 	snop  }
0x90: {  	s2 =	sld [smem:$0x3FC9];
	(tm) =	ssettm $0x1  }
0x91: {  	s18 =	sld [smem:$0x3FFB];
	_ =	sdelay $0x3  }
0x92: {  	_ =	strace s18  }
0x93: {  	s3 =	sld [smem:$0x3FFC];
	_ =	sdelay $0x3  }
0x94: {  	_ =	strace s3  }
0x95: {  	s3 =	sld [smem:$0x3FFD];
	_ =	sdelay $0x3  }
0x96: {  	_ =	strace s3  }
0x97: {  	_ =	strace $0x8FFFFFFF  }
0x98: {  	s19 =	sld [smem:$0x3FDB];
	_ =	sdelay $0x1  }
0x99: {  	s4 =	simm.s32 $_scs_section_size  }
0x9a: {  	s5 =	simm.s32 $_size__tile_overlayer_lowered;
	s6 =	simm.s32 $_tile_overlayer_lowered  }
0x9b: {  	s22 =	simm.s32 $0x1BFF;
	s21 =	sshll.u32 s6, $0x1;
	s3 =	sadd.s32 s4, s19  }
0x9c: {  	s7 =	simm.s32 $0x0;
	s20 =	sshll.u32 s5, $0x1;
	s5 =	sadd.s32 s21, s3  }
0x9d: {  	[timem:s7], [sflag:s22] =	dma.local [hbm:s5], s20  }
0x9e: {  	_ =	swait.ge [sflag:s22], s20  }
0x9f: {  	s4 =	ssub.s32 $0x0, s20;
	[sflag:s22] =	ssyncset.done $0x0  }
0xa0: {  	[sflag:s22] =	ssyncadd.s32 s4;
	_ =	sdelay $0x1  }
0xa1: {  	s23 =	simm.s32 $0x1B8B  }
0xa2: {  	_ =	swait.ge [sflag:s23], $0x1  }
0xa3: {  	[sflag:s23] =	ssyncset.done $0x0  }
0xa4: {  	s25 =	simm.s32 $0x1B8E;
	s24 =	sld [smem:$0x3FFE];
	[sflag:s23] =	ssyncadd.s32 $0xFFFFFFFF  }
0xa5: {  	s26 =	simm.s32 $execute0_lowered;
	[smem:$0x3FD2] =	sst s25  }
0xa6: {  	s5 =	sshll.u32 s26, $0x1;
	_ =	strace $0x80000046;
	[dreg:$0x1] =	wrdreg $0xFFFFFFFF  }
0xa7: {  	s28 =	simm.s32 $_size_execute0_lowered;
	s3 =	sadd.s32 s3, s5;
	[dreg:$0x0] =	wrdreg $0x0  }
0xa8: {  	s5 =	sshll.u32 s28, $0x1;
	[dreg:$0x2] =	wrdreg s3  }
0xa9: {  	[dreg:$0x3] =	wrdreg s5  }
0xaa: {  	[dreg:$0x4] =	wrdreg $0xC0  }
0xab: {  	_ =	task [dreg:s7], $0x5FFFF  }
0xac: {  	[dreg:$0x1] =	wrdreg $0xFFFFFFFF  }
0xad: {  	[dreg:$0x0] =	wrdreg $0x60  }
0xae: {  	[dreg:$0x2] =	wrdreg s24  }
0xaf: {  	[dreg:$0x3] =	wrdreg s2  }
0xb0: {  	[dreg:$0x4] =	wrdreg $0x90000  }
0xb1: {  	[dreg:$0x5] =	wrdreg $0x9  }
0xb2: {  	_ =	task.clear_ibuf [dreg:s7], $0x6FFFF;
	_ =	strace $0x90000046  }
0xb3: {  	s29 =	simm.s32 $0x9;
	_ =	strace $0x80000048  }
0xb4: {  	_ =	swait.ge [sflag:s29], $0x1  }
0xb5: {  	[sflag:s29] =	ssyncadd.s32 $0xFFFFFFFF  }
0xb6: {  	_ =	strace $0x90000048  }
0xb7: {  	_ =	sfence  }
0xb8: {  	s30 =	sld [smem:$0x0];
	_ =	sdelay $0x2  }
0xb9: {  	s31 =	sshll.u32 s1, $0xD;
	s1 =	sshrl.u32 s1, $0x2  }
0xba: {  	s3 =	sand.u32 $0x4000, s31;
	s1 =	sadd.s32 s1, s30  }
0xbb: {  	s0 =	sor.u32 s3, s0;
	s1 =	sshll.u32 s1, $0x11  }
0xbc: {  	s0 =	sor.u32 s1, s0  }
0xbd: {  	s0 =	sadd.s32 $0x8F2B, s0  }
0xbe: {  	[sflag:s0] =	ssyncadd.remote.s32 $0x1  }
0xbf: {  	_ =	sfence.sel $0xFFFF  }
0xc0: {  	[dreg:$0x0] =	wrdreg $0xFFFFFFFF;
	(pc) =	sbr.abs _section_cstart, $3  }
0xc1: {  	[dreg:$0x1] =	wrdreg $0xFFFFFFFF  }
0xc2: {  	_ =	task.clear_ibuf [dreg:s7], $0x2FFFF;
	_ =	strace $0x9FFFFFFF  }
0xc3: {  	(tm) =	ssettm $0x7FFFFFFF  }
tec
execute0_lowered:
.L_overlay_start_1:
0x0: {  	(tag) =	ssettag $0x1  }
0x1: {  	s0 =	rddreg [dreg:$0x0]  }
0x2: {  	s8 =	stileid.u32;
	s17 =	rddreg [dreg:$0x1]  }
0x3: {  	s1 =	srdreg.scid;
	s3 =	rddreg [dreg:$0x2]  }
0x4: {  	s4 =	simm.s32 $0x0;
	s2 =	simm.s32 $0x980;
	s29 =	simm.s32 $0xA00  }
0x5: {  	s31 =	simm.s32 $0xB00;
	s9 =	simm.s32 $0xE80;
	s5 =	smul.u32 $0x1400, s8  }
0x6: {  	s28 =	simm.s32 $0x7;
	s30 =	simm.s32 $0x8;
	s7 =	smul.u32 $0x14000, s8  }
0x7: {  	s1 =	sand.u32 $0x1, s1;
	[smem:$0x7FF] =	sst s4;
	s8 =	smul.u32 $0x50000, s8  }
0x8: {  	s6 =	smul.u32 $0x140000, s1;
	_ =	strace $0x80000047;
	s5 =	sadd.s32 s5, s0  }
0x9: {  	s10 =	ssub.s32 $0x2, s1;
	p0 =	seq.s32 s1, $0x1;
	s23 =	sadd.s32 $0x2000, s5  }
0xa: {  	s1 =	simm.s32 $0xB80;
	s25 =	sadd.s32 $0x16100, s5;
	[dreg:$0xe] =	wrdreg s23  }
0xb: {  	s8 =	sshrl.u32 s8, $0x2;
	s26 =	sadd.s32 $0x2100, s5;
	[dreg:$0x11] =	wrdreg s25  }
0xc: {  	s11 =	sshrl.u32 s10, $0x1;
	s14 =	sadd.s32 s8, s3;
	[dreg:$0x12] =	wrdreg s26  }
0xd: {  	s6 =	sadd.s32 s7, s6;
	s12 =	sadd.s32 $0x2000, s14;
	[dreg:$0x4] =	wrdreg s14  }
0xe: {  	s7 =	simm.s32 $0xD80;
	s13 =	sadd.s32 $0x4000, s14;
	[dreg:$0x5] =	wrdreg s12  }
0xf: {  	s8 =	simm.s32 $0xE00;
	s15 =	sadd.s32 $0x6000, s14;
	[dreg:$0x6] =	wrdreg s13  }
0x10: {  	s6 =	sshrl.u32 s6, $0x3;
	s16 =	sadd.s32 $0x8000, s14;
	[dreg:$0x7] =	wrdreg s15  }
0x11: {  	s18 =	sadd.s32 $0xA000, s14;
	s19 =	sadd.s32 $0xC000, s14;
	[dreg:$0x8] =	wrdreg s16  }
0x12: {  	s20 =	sadd.s32 $0xE000, s14;
	s21 =	sadd.s32 $0x10000, s14;
	[dreg:$0x9] =	wrdreg s18  }
0x13: {  	s22 =	sadd.s32 $0x12000, s14;
	s23 =	simm.s32 $0x800;
	[dreg:$0xa] =	wrdreg s19  }
0x14: {  	s25 =	simm.s32 $0x880;
	s26 =	simm.s32 $0x900;
	[dreg:$0xb] =	wrdreg s20  }
0x15: {  	s0 =	sadd.s32 s6, s0;
	s6 =	ssub.s32 s10, s11;
	[dreg:$0xc] =	wrdreg s21  }
0x16: {  	[dreg:$0xd] =	wrdreg s22;
	s16 =	sadd.s32 $0x16000, s5;
	s21 =	simm.s32 $0x1000  }
.Ltmp0:
0x17: {  	s22 =	simm.s32 $0x9;
	s13 =	simm.s32 $0xA80;
	(pc) =	sbr.rel .LBB2_1-.Ltmp0, $4  }
0x18: {  	s15 =	simm.s32 $0xC00;
	s10 =	simm.s32 $0xF00;
	s11 =	simm.s32 $0xF80  }
0x19: {  	s19 =	simm.s32 $0x0;
	s20 =	simm.s32 $0x7000;
	s0 =	sadd.s32 $0x2A000, s0  }
0x1a: {  	s24 =	smax.u32 s6, $0x1;
	s6 =	simm.s32 $0xD00;
	[dreg:$0xf] =	wrdreg s0  }
0x1b: {  	v0 =	vimm.f32 $0.0e+00;
	v1 =	vimm.f32 $1.000000000e+00;
	[dreg:$0x10] =	wrdreg s24;
	s24 =	simm.s32 $0x40;
	s0 =	simm.s32 $0xC80  }
.LBB2_7:
0x1c: {  	_ =	swait.ge [sflag:s13], $0x2000  }
0x1d: {  	[sflag:s13] =	ssyncset.done $0x0  }
0x1e: {  	[sflag:s13] =	ssyncadd.s32 $0xFFFFE000  }
0x1f: {  	_ =	swait.ge [sflag:s2], $0x2000  }
0x20: {  	[sflag:s2] =	ssyncset.done $0x0  }
0x21: {  	[sflag:s2] =	ssyncadd.s32 $0xFFFFE000  }
0x22: {  	_ =	swait.ge [sflag:s28], $0x2000  }
0x23: {  	[sflag:s28] =	ssyncset.done $0x0  }
0x24: {  	s26 =	simm.s32 $0x8;
	s17 =	smov.u32 s25;
	[sflag:s28] =	ssyncadd.s32 $0xFFFFE000  }
0x25: {  	s25 =	simm.s32 $0x880;
	s4 =	simm.s32 $0x0;
	_ =	swait.ge [sflag:s26], $0x2000  }
0x26: {  	s13 =	simm.s32 $0xA80;
	s2 =	simm.s32 $0x980;
	[sflag:s26] =	ssyncset.done $0x0  }
0x27: {  	s19 =	rddreg [dreg:$0x13];
	[sflag:s26] =	ssyncadd.s32 $0xFFFFE000;
	s26 =	simm.s32 $0x900  }
.LBB2_13:
0x28: {  	s5 =	stileid.u32;
	[bflag:$0x0] =	sbarrier.arrive $0xFFFF  }
0x29: {  	s5 =	sshll.u32 s5, $0x6;
	s14 =	rddreg [dreg:$0x4]  }
0x2a: {  	s18 =	rddreg [dreg:$0xf];
	s5 =	sor.u32 $0x1C09, s5;
	s12 =	sshrl.u32 s14, $0x3  }
0x2b: {  	[hbm:s18], [sflag:s5] =	dma.local [spmem:s12], $0x2800  }
0x2c: {  	_ =	swait.ge [sflag:s22], $0x2800  }
0x2d: {  	s19 =	sadd.s32 $0x1, s19;
	s18 =	rddreg [dreg:$0x10]  }
0x2e: {  	p1 =	sne.s32 s19, s18  }
.Ltmp1:
0x2f: {  	_ = 	snop;
	(pc) =	sbr.rel @!p1 .LBB2_14-.Ltmp1, $3  }
0x30: {  	_ =	sdelay $0x1  }
0x31: {  	[sflag:s22] =	ssyncset.done $0x0  }
0x32: {  	[sflag:s22] =	ssyncadd.s32 $0xFFFFD800  }
.LBB2_1:
0x33: {  	s12 =	simm.s32 $0x0;
	s18 =	simm.s32 $0x200  }
.LBB2_2:
0x34: {  	p1 =	sne.s32 s18, $0x7E00;
	[tilespmem:s12+$0x1070] =	vst v0  }
0x35: {  	[tilespmem:s12+$0x1000] =	vst v0  }
0x36: {  	[tilespmem:s12+$0x1010] =	vst v0  }
.Ltmp2:
0x37: {  	[tilespmem:s12+$0x1020] =	vst v0;
	(pc) =	sbr.rel @p1 .LBB2_2-.Ltmp2, $4  }
0x38: {  	[tilespmem:s12+$0x1030] =	vst v0  }
0x39: {  	[tilespmem:s12+$0x1040] =	vst v0  }
0x3a: {  	[tilespmem:s12+$0x1050] =	vst v0  }
0x3b: {  	[tilespmem:s12+$0x1060] =	vst v0;
	s12 =	sshra.s32 s18, $0x2;
	s18 =	sadd.s32 $0x200, s18  }
0x3c: {  	[tilespmem:s12+$0x1070] =	vst v0  }
0x3d: {  	[tilespmem:s12+$0x1000] =	vst v0  }
0x3e: {  	[tilespmem:s12+$0x1010] =	vst v0  }
0x3f: {  	[tilespmem:s12+$0x1020] =	vst v0  }
0x40: {  	[tilespmem:s12+$0x1030] =	vst v0  }
0x41: {  	[tilespmem:s12+$0x1040] =	vst v0  }
0x42: {  	[tilespmem:s12+$0x1050] =	vst v0  }
0x43: {  	[tilespmem:s12+$0x1060] =	vst v0  }
0x44: {  	[spmem:s14] =	stream.linear.scatter [tilespmem:s21], [sflag:$0x9], $0x2000, $0x38;
	[tilespmem:$0x1D000] =	vst v63  }
0x45: {  	_ =	swait.ge [sflag:s22], $0x2000  }
0x46: {  	[sflag:s22] =	ssyncset.done $0x0  }
0x47: {  	s5 =	rddreg [dreg:$0x5];
	[sflag:s22] =	ssyncadd.s32 $0xFFFFE000  }
0x48: {  	[spmem:s5] =	stream.linear.scatter [tilespmem:s21], [sflag:$0x9], $0x2000, $0x38;
	[tilespmem:$0x1D000] =	vst v63  }
0x49: {  	_ =	swait.ge [sflag:s22], $0x2000  }
0x4a: {  	[sflag:s22] =	ssyncset.done $0x0  }
0x4b: {  	s14 =	rddreg [dreg:$0x6];
	[sflag:s22] =	ssyncadd.s32 $0xFFFFE000  }
0x4c: {  	[spmem:s14] =	stream.linear.scatter [tilespmem:s21], [sflag:$0x9], $0x2000, $0x38;
	[tilespmem:$0x1D000] =	vst v63  }
0x4d: {  	_ =	swait.ge [sflag:s22], $0x2000  }
0x4e: {  	[sflag:s22] =	ssyncset.done $0x0  }
0x4f: {  	s18 =	rddreg [dreg:$0x7];
	[sflag:s22] =	ssyncadd.s32 $0xFFFFE000  }
0x50: {  	[spmem:s18] =	stream.linear.scatter [tilespmem:s21], [sflag:$0x9], $0x2000, $0x38;
	[tilespmem:$0x1D000] =	vst v63  }
0x51: {  	_ =	swait.ge [sflag:s22], $0x2000  }
0x52: {  	[sflag:s22] =	ssyncset.done $0x0  }
0x53: {  	s12 =	rddreg [dreg:$0x8];
	[sflag:s22] =	ssyncadd.s32 $0xFFFFE000  }
0x54: {  	[spmem:s12] =	stream.linear.scatter [tilespmem:s21], [sflag:$0x9], $0x2000, $0x38;
	[tilespmem:$0x1D000] =	vst v63  }
0x55: {  	_ =	swait.ge [sflag:s22], $0x2000  }
0x56: {  	[sflag:s22] =	ssyncset.done $0x0  }
0x57: {  	s14 =	rddreg [dreg:$0x9];
	[sflag:s22] =	ssyncadd.s32 $0xFFFFE000  }
0x58: {  	[spmem:s14] =	stream.linear.scatter [tilespmem:s21], [sflag:$0x9], $0x2000, $0x38;
	[tilespmem:$0x1D000] =	vst v63  }
0x59: {  	_ =	swait.ge [sflag:s22], $0x2000  }
0x5a: {  	[sflag:s22] =	ssyncset.done $0x0  }
0x5b: {  	s18 =	rddreg [dreg:$0xa];
	[sflag:s22] =	ssyncadd.s32 $0xFFFFE000  }
0x5c: {  	[spmem:s18] =	stream.linear.scatter [tilespmem:s21], [sflag:$0x9], $0x2000, $0x38;
	[tilespmem:$0x1D000] =	vst v63  }
0x5d: {  	_ =	swait.ge [sflag:s22], $0x2000  }
0x5e: {  	[sflag:s22] =	ssyncset.done $0x0  }
0x5f: {  	s12 =	rddreg [dreg:$0xb];
	[sflag:s22] =	ssyncadd.s32 $0xFFFFE000  }
0x60: {  	[spmem:s12] =	stream.linear.scatter [tilespmem:s21], [sflag:$0x9], $0x2000, $0x38;
	[tilespmem:$0x1D000] =	vst v63  }
0x61: {  	_ =	swait.ge [sflag:s22], $0x2000  }
0x62: {  	[sflag:s22] =	ssyncset.done $0x0  }
0x63: {  	s14 =	rddreg [dreg:$0xc];
	[sflag:s22] =	ssyncadd.s32 $0xFFFFE000  }
0x64: {  	[spmem:s14] =	stream.linear.scatter [tilespmem:s21], [sflag:$0x9], $0x2000, $0x38;
	[tilespmem:$0x1D000] =	vst v63  }
0x65: {  	_ =	swait.ge [sflag:s22], $0x2000  }
0x66: {  	[sflag:s22] =	ssyncset.done $0x0  }
0x67: {  	s18 =	rddreg [dreg:$0xd];
	[sflag:s22] =	ssyncadd.s32 $0xFFFFE000  }
0x68: {  	[spmem:s18] =	stream.linear.scatter [tilespmem:s21], [sflag:$0x9], $0x2000, $0x38;
	[tilespmem:$0x1D000] =	vst v63  }
.Ltmp3:
0x69: {  	_ =	swait.ge [sflag:s22], $0x2000;
	(pc) =	sbr.rel @!p0 .LBB2_4-.Ltmp3, $4  }
0x6a: {  	[sflag:s22] =	ssyncset.done $0x0  }
0x6b: {  	[sflag:s22] =	ssyncadd.s32 $0xFFFFE000  }
0x6c: {  	[bflag:$0x0] =	sbarrier.arrive $0xFFFF  }
0x6d: {  	s14 =	simm.s32 $0x0  }
0x6e: {  	s12 =	sshra.s32 s14, $0x2;
	s18 =	sadd.s32 $0x200, s14  }
.LBB2_9:
0x6f: {  	p1 =	sne.s32 s18, $0x7E00;
	[tilespmem:s12+$0x1070] =	vst v1  }
0x70: {  	[tilespmem:s12+$0x1000] =	vst v1  }
0x71: {  	[tilespmem:s12+$0x1010] =	vst v1  }
.Ltmp4:
0x72: {  	[tilespmem:s12+$0x1020] =	vst v1;
	(pc) =	sbr.rel @p1 .LBB2_9-.Ltmp4, $4  }
0x73: {  	[tilespmem:s12+$0x1030] =	vst v1  }
0x74: {  	[tilespmem:s12+$0x1040] =	vst v1  }
0x75: {  	[tilespmem:s12+$0x1050] =	vst v1  }
0x76: {  	[tilespmem:s12+$0x1060] =	vst v1;
	s12 =	sshra.s32 s18, $0x2;
	s18 =	sadd.s32 $0x200, s18  }
0x77: {  	[tilespmem:s12+$0x1070] =	vst v1  }
0x78: {  	[tilespmem:s12+$0x1000] =	vst v1  }
0x79: {  	[tilespmem:s12+$0x1010] =	vst v1  }
0x7a: {  	[tilespmem:s12+$0x1020] =	vst v1  }
0x7b: {  	[tilespmem:s12+$0x1030] =	vst v1  }
0x7c: {  	[tilespmem:s12+$0x1040] =	vst v1  }
0x7d: {  	[tilespmem:s12+$0x1050] =	vst v1  }
0x7e: {  	[tilespmem:s12+$0x1060] =	vst v1;
	s18 =	sadd.s32 $0x0, s16  }
0x7f: {  	[tilespmem:s23], [sflag:$0x9] =	stream.linear.gather [hbm4b:s18+s4], $0x800, $0x38;
	[tilespmem:$0x1D000] =	vst v63  }
0x80: {  	_ =	swait.ge [sflag:s22], $0x800  }
0x81: {  	[sflag:s22] =	ssyncset.done $0x0  }
0x82: {  	[sflag:s22] =	ssyncadd.s32 $0xFFFFF800  }
0x83: {  	[spmem:s3] =	stream.indirect.scatter.add.f32 [tilespmem:s21], [sflag:$0x9], $0x80, s23, s24, $0xb8;
	[tilespmem:$0x1D000] =	vst v63  }
0x84: {  	_ =	swait.ge [sflag:s22], $0x2000  }
0x85: {  	[sflag:s22] =	ssyncset.done $0x0  }
0x86: {  	[sflag:s22] =	ssyncadd.s32 $0xFFFFE000  }
0x87: {  	[spmem:s3] =	stream.indirect.scatter.add.f32 [tilespmem:s21], [sflag:$0x9], $0x80, s25, s24, $0xb8;
	[tilespmem:$0x1D000] =	vst v63  }
0x88: {  	_ =	swait.ge [sflag:s22], $0x2000  }
0x89: {  	[sflag:s22] =	ssyncset.done $0x0  }
0x8a: {  	[sflag:s22] =	ssyncadd.s32 $0xFFFFE000  }
0x8b: {  	[spmem:s3] =	stream.indirect.scatter.add.f32 [tilespmem:s21], [sflag:$0x9], $0x80, s26, s24, $0xb8;
	[tilespmem:$0x1D000] =	vst v63  }
0x8c: {  	_ =	swait.ge [sflag:s22], $0x2000  }
0x8d: {  	[sflag:s22] =	ssyncset.done $0x0  }
0x8e: {  	[sflag:s22] =	ssyncadd.s32 $0xFFFFE000  }
0x8f: {  	[spmem:s3] =	stream.indirect.scatter.add.f32 [tilespmem:s21], [sflag:$0x9], $0x80, s2, s24, $0xb8;
	[tilespmem:$0x1D000] =	vst v63  }
0x90: {  	_ =	swait.ge [sflag:s22], $0x2000  }
0x91: {  	[sflag:s22] =	ssyncset.done $0x0  }
0x92: {  	[sflag:s22] =	ssyncadd.s32 $0xFFFFE000  }
0x93: {  	[spmem:s3] =	stream.indirect.scatter.add.f32 [tilespmem:s21], [sflag:$0x9], $0x80, s29, s24, $0xb8;
	[tilespmem:$0x1D000] =	vst v63  }
0x94: {  	_ =	swait.ge [sflag:s22], $0x2000  }
0x95: {  	[sflag:s22] =	ssyncset.done $0x0  }
0x96: {  	[sflag:s22] =	ssyncadd.s32 $0xFFFFE000  }
0x97: {  	[spmem:s3] =	stream.indirect.scatter.add.f32 [tilespmem:s21], [sflag:$0x9], $0x80, s13, s24, $0xb8;
	[tilespmem:$0x1D000] =	vst v63  }
0x98: {  	_ =	swait.ge [sflag:s22], $0x2000  }
0x99: {  	[sflag:s22] =	ssyncset.done $0x0  }
0x9a: {  	[sflag:s22] =	ssyncadd.s32 $0xFFFFE000  }
0x9b: {  	[spmem:s3] =	stream.indirect.scatter.add.f32 [tilespmem:s21], [sflag:$0x9], $0x80, s31, s24, $0xb8;
	[tilespmem:$0x1D000] =	vst v63  }
0x9c: {  	_ =	swait.ge [sflag:s22], $0x2000  }
0x9d: {  	[sflag:s22] =	ssyncset.done $0x0  }
0x9e: {  	[sflag:s22] =	ssyncadd.s32 $0xFFFFE000  }
0x9f: {  	[spmem:s3] =	stream.indirect.scatter.add.f32 [tilespmem:s21], [sflag:$0x9], $0x80, s1, s24, $0xb8;
	[tilespmem:$0x1D000] =	vst v63  }
0xa0: {  	_ =	swait.ge [sflag:s22], $0x2000  }
0xa1: {  	[sflag:s22] =	ssyncset.done $0x0  }
0xa2: {  	[sflag:s22] =	ssyncadd.s32 $0xFFFFE000  }
0xa3: {  	[spmem:s3] =	stream.indirect.scatter.add.f32 [tilespmem:s21], [sflag:$0x9], $0x80, s15, s24, $0xb8;
	[tilespmem:$0x1D000] =	vst v63  }
0xa4: {  	_ =	swait.ge [sflag:s22], $0x2000  }
0xa5: {  	[sflag:s22] =	ssyncset.done $0x0  }
0xa6: {  	[sflag:s22] =	ssyncadd.s32 $0xFFFFE000  }
0xa7: {  	[spmem:s3] =	stream.indirect.scatter.add.f32 [tilespmem:s21], [sflag:$0x9], $0x80, s0, s24, $0xb8;
	[tilespmem:$0x1D000] =	vst v63  }
0xa8: {  	_ =	swait.ge [sflag:s22], $0x2000  }
0xa9: {  	[sflag:s22] =	ssyncset.done $0x0  }
0xaa: {  	[sflag:s22] =	ssyncadd.s32 $0xFFFFE000  }
0xab: {  	[spmem:s3] =	stream.indirect.scatter.add.f32 [tilespmem:s21], [sflag:$0x9], $0x80, s6, s24, $0xb8;
	[tilespmem:$0x1D000] =	vst v63  }
0xac: {  	_ =	swait.ge [sflag:s22], $0x2000  }
0xad: {  	[sflag:s22] =	ssyncset.done $0x0  }
0xae: {  	[sflag:s22] =	ssyncadd.s32 $0xFFFFE000  }
0xaf: {  	[spmem:s3] =	stream.indirect.scatter.add.f32 [tilespmem:s21], [sflag:$0x9], $0x80, s7, s24, $0xb8;
	[tilespmem:$0x1D000] =	vst v63  }
0xb0: {  	_ =	swait.ge [sflag:s22], $0x2000  }
0xb1: {  	[sflag:s22] =	ssyncset.done $0x0  }
0xb2: {  	[sflag:s22] =	ssyncadd.s32 $0xFFFFE000  }
0xb3: {  	[spmem:s3] =	stream.indirect.scatter.add.f32 [tilespmem:s21], [sflag:$0x9], $0x80, s8, s24, $0xb8;
	[tilespmem:$0x1D000] =	vst v63  }
0xb4: {  	_ =	swait.ge [sflag:s22], $0x2000  }
0xb5: {  	[sflag:s22] =	ssyncset.done $0x0  }
0xb6: {  	[sflag:s22] =	ssyncadd.s32 $0xFFFFE000  }
0xb7: {  	[spmem:s3] =	stream.indirect.scatter.add.f32 [tilespmem:s21], [sflag:$0x9], $0x80, s9, s24, $0xb8;
	[tilespmem:$0x1D000] =	vst v63  }
0xb8: {  	_ =	swait.ge [sflag:s22], $0x2000  }
0xb9: {  	[sflag:s22] =	ssyncset.done $0x0  }
0xba: {  	[sflag:s22] =	ssyncadd.s32 $0xFFFFE000  }
0xbb: {  	[spmem:s3] =	stream.indirect.scatter.add.f32 [tilespmem:s21], [sflag:$0x9], $0x80, s10, s24, $0xb8;
	[tilespmem:$0x1D000] =	vst v63  }
0xbc: {  	_ =	swait.ge [sflag:s22], $0x2000  }
0xbd: {  	[sflag:s22] =	ssyncset.done $0x0  }
0xbe: {  	[sflag:s22] =	ssyncadd.s32 $0xFFFFE000  }
0xbf: {  	[spmem:s3] =	stream.indirect.scatter.add.f32 [tilespmem:s21], [sflag:$0x9], $0x80, s11, s24, $0xb8;
	[tilespmem:$0x1D000] =	vst v63  }
0xc0: {  	_ =	swait.ge [sflag:s22], $0x2000  }
0xc1: {  	s12 =	simm.s32 $0x100;
	s18 =	simm.s32 $0x200;
	[sflag:s22] =	ssyncset.done $0x0  }
.LBB2_11:
0xc2: {  	s5 =	sadd.s32 s12, s16  }
0xc3: {  	[sflag:s22] =	ssyncadd.s32 $0xFFFFE000;
	s12 =	smov.u32 s18;
	s14 =	sadd.s32 $0x100, s18  }
0xc4: {  	[tilespmem:s23], [sflag:$0x9] =	stream.linear.gather [hbm4b:s5+s4], $0x800, $0x38;
	[tilespmem:$0x1D000] =	vst v63  }
0xc5: {  	p1 =	sne.s32 s18, $0x1300;
	_ =	swait.ge [sflag:s22], $0x800  }
0xc6: {  	[sflag:s22] =	ssyncset.done $0x0  }
0xc7: {  	[sflag:s22] =	ssyncadd.s32 $0xFFFFF800  }
0xc8: {  	[spmem:s3] =	stream.indirect.scatter.add.f32 [tilespmem:s21], [sflag:$0x9], $0x80, s23, s24, $0xb8;
	[tilespmem:$0x1D000] =	vst v63  }
0xc9: {  	_ =	swait.ge [sflag:s22], $0x2000  }
0xca: {  	[sflag:s22] =	ssyncset.done $0x0  }
0xcb: {  	[sflag:s22] =	ssyncadd.s32 $0xFFFFE000  }
0xcc: {  	[spmem:s3] =	stream.indirect.scatter.add.f32 [tilespmem:s21], [sflag:$0x9], $0x80, s25, s24, $0xb8;
	[tilespmem:$0x1D000] =	vst v63  }
0xcd: {  	_ =	swait.ge [sflag:s22], $0x2000  }
0xce: {  	[sflag:s22] =	ssyncset.done $0x0  }
0xcf: {  	[sflag:s22] =	ssyncadd.s32 $0xFFFFE000  }
0xd0: {  	[spmem:s3] =	stream.indirect.scatter.add.f32 [tilespmem:s21], [sflag:$0x9], $0x80, s26, s24, $0xb8;
	[tilespmem:$0x1D000] =	vst v63  }
0xd1: {  	_ =	swait.ge [sflag:s22], $0x2000  }
0xd2: {  	[sflag:s22] =	ssyncset.done $0x0  }
0xd3: {  	[sflag:s22] =	ssyncadd.s32 $0xFFFFE000  }
0xd4: {  	[spmem:s3] =	stream.indirect.scatter.add.f32 [tilespmem:s21], [sflag:$0x9], $0x80, s2, s24, $0xb8;
	[tilespmem:$0x1D000] =	vst v63  }
0xd5: {  	_ =	swait.ge [sflag:s22], $0x2000  }
0xd6: {  	[sflag:s22] =	ssyncset.done $0x0  }
0xd7: {  	[sflag:s22] =	ssyncadd.s32 $0xFFFFE000  }
0xd8: {  	[spmem:s3] =	stream.indirect.scatter.add.f32 [tilespmem:s21], [sflag:$0x9], $0x80, s29, s24, $0xb8;
	[tilespmem:$0x1D000] =	vst v63  }
0xd9: {  	_ =	swait.ge [sflag:s22], $0x2000  }
0xda: {  	[sflag:s22] =	ssyncset.done $0x0  }
0xdb: {  	[sflag:s22] =	ssyncadd.s32 $0xFFFFE000  }
0xdc: {  	[spmem:s3] =	stream.indirect.scatter.add.f32 [tilespmem:s21], [sflag:$0x9], $0x80, s13, s24, $0xb8;
	[tilespmem:$0x1D000] =	vst v63  }
0xdd: {  	_ =	swait.ge [sflag:s22], $0x2000  }
0xde: {  	[sflag:s22] =	ssyncset.done $0x0  }
0xdf: {  	[sflag:s22] =	ssyncadd.s32 $0xFFFFE000  }
0xe0: {  	[spmem:s3] =	stream.indirect.scatter.add.f32 [tilespmem:s21], [sflag:$0x9], $0x80, s31, s24, $0xb8;
	[tilespmem:$0x1D000] =	vst v63  }
0xe1: {  	_ =	swait.ge [sflag:s22], $0x2000  }
0xe2: {  	[sflag:s22] =	ssyncset.done $0x0  }
0xe3: {  	[sflag:s22] =	ssyncadd.s32 $0xFFFFE000  }
0xe4: {  	[spmem:s3] =	stream.indirect.scatter.add.f32 [tilespmem:s21], [sflag:$0x9], $0x80, s1, s24, $0xb8;
	[tilespmem:$0x1D000] =	vst v63  }
0xe5: {  	_ =	swait.ge [sflag:s22], $0x2000  }
0xe6: {  	[sflag:s22] =	ssyncset.done $0x0  }
0xe7: {  	[sflag:s22] =	ssyncadd.s32 $0xFFFFE000  }
0xe8: {  	[spmem:s3] =	stream.indirect.scatter.add.f32 [tilespmem:s21], [sflag:$0x9], $0x80, s15, s24, $0xb8;
	[tilespmem:$0x1D000] =	vst v63  }
0xe9: {  	_ =	swait.ge [sflag:s22], $0x2000  }
0xea: {  	[sflag:s22] =	ssyncset.done $0x0  }
0xeb: {  	[sflag:s22] =	ssyncadd.s32 $0xFFFFE000  }
0xec: {  	[spmem:s3] =	stream.indirect.scatter.add.f32 [tilespmem:s21], [sflag:$0x9], $0x80, s0, s24, $0xb8;
	[tilespmem:$0x1D000] =	vst v63  }
0xed: {  	_ =	swait.ge [sflag:s22], $0x2000  }
0xee: {  	[sflag:s22] =	ssyncset.done $0x0  }
0xef: {  	[sflag:s22] =	ssyncadd.s32 $0xFFFFE000  }
0xf0: {  	[spmem:s3] =	stream.indirect.scatter.add.f32 [tilespmem:s21], [sflag:$0x9], $0x80, s6, s24, $0xb8;
	[tilespmem:$0x1D000] =	vst v63  }
0xf1: {  	_ =	swait.ge [sflag:s22], $0x2000  }
0xf2: {  	[sflag:s22] =	ssyncset.done $0x0  }
0xf3: {  	[sflag:s22] =	ssyncadd.s32 $0xFFFFE000  }
0xf4: {  	[spmem:s3] =	stream.indirect.scatter.add.f32 [tilespmem:s21], [sflag:$0x9], $0x80, s7, s24, $0xb8;
	[tilespmem:$0x1D000] =	vst v63  }
0xf5: {  	_ =	swait.ge [sflag:s22], $0x2000  }
0xf6: {  	[sflag:s22] =	ssyncset.done $0x0  }
0xf7: {  	[sflag:s22] =	ssyncadd.s32 $0xFFFFE000  }
0xf8: {  	[spmem:s3] =	stream.indirect.scatter.add.f32 [tilespmem:s21], [sflag:$0x9], $0x80, s8, s24, $0xb8;
	[tilespmem:$0x1D000] =	vst v63  }
0xf9: {  	_ =	swait.ge [sflag:s22], $0x2000  }
0xfa: {  	[sflag:s22] =	ssyncset.done $0x0  }
0xfb: {  	[sflag:s22] =	ssyncadd.s32 $0xFFFFE000  }
0xfc: {  	[spmem:s3] =	stream.indirect.scatter.add.f32 [tilespmem:s21], [sflag:$0x9], $0x80, s9, s24, $0xb8;
	[tilespmem:$0x1D000] =	vst v63  }
0xfd: {  	_ =	swait.ge [sflag:s22], $0x2000  }
0xfe: {  	[sflag:s22] =	ssyncset.done $0x0  }
0xff: {  	[sflag:s22] =	ssyncadd.s32 $0xFFFFE000  }
0x100: {  	[spmem:s3] =	stream.indirect.scatter.add.f32 [tilespmem:s21], [sflag:$0x9], $0x80, s10, s24, $0xb8;
	[tilespmem:$0x1D000] =	vst v63  }
0x101: {  	_ =	swait.ge [sflag:s22], $0x2000  }
.Ltmp5:
0x102: {  	[sflag:s22] =	ssyncset.done $0x0;
	(pc) =	sbr.rel @p1 .LBB2_11-.Ltmp5, $4  }
0x103: {  	[sflag:s22] =	ssyncadd.s32 $0xFFFFE000  }
0x104: {  	[spmem:s3] =	stream.indirect.scatter.add.f32 [tilespmem:s21], [sflag:$0x9], $0x80, s11, s24, $0xb8;
	[tilespmem:$0x1D000] =	vst v63  }
0x105: {  	_ =	swait.ge [sflag:s22], $0x2000  }
0x106: {  	s18 =	smov.u32 s14;
	[sflag:s22] =	ssyncset.done $0x0  }
0x107: {  	s5 =	sadd.s32 s12, s16;
	[sflag:s22] =	ssyncadd.s32 $0xFFFFE000  }
0x108: {  	[tilespmem:s23], [sflag:$0x9] =	stream.linear.gather [hbm4b:s5+s4], $0x800, $0x38;
	[tilespmem:$0x1D000] =	vst v63  }
0x109: {  	_ =	swait.ge [sflag:s22], $0x800  }
0x10a: {  	[sflag:s22] =	ssyncset.done $0x0  }
0x10b: {  	[sflag:s22] =	ssyncadd.s32 $0xFFFFF800  }
0x10c: {  	[spmem:s3] =	stream.indirect.scatter.add.f32 [tilespmem:s21], [sflag:$0x9], $0x80, s23, s24, $0xb8;
	[tilespmem:$0x1D000] =	vst v63  }
0x10d: {  	_ =	swait.ge [sflag:s22], $0x2000  }
0x10e: {  	[sflag:s22] =	ssyncset.done $0x0  }
0x10f: {  	[sflag:s22] =	ssyncadd.s32 $0xFFFFE000  }
0x110: {  	[spmem:s3] =	stream.indirect.scatter.add.f32 [tilespmem:s21], [sflag:$0x9], $0x80, s25, s24, $0xb8;
	[tilespmem:$0x1D000] =	vst v63  }
0x111: {  	_ =	swait.ge [sflag:s22], $0x2000  }
0x112: {  	[sflag:s22] =	ssyncset.done $0x0  }
0x113: {  	[sflag:s22] =	ssyncadd.s32 $0xFFFFE000  }
0x114: {  	[spmem:s3] =	stream.indirect.scatter.add.f32 [tilespmem:s21], [sflag:$0x9], $0x80, s26, s24, $0xb8;
	[tilespmem:$0x1D000] =	vst v63  }
0x115: {  	_ =	swait.ge [sflag:s22], $0x2000  }
0x116: {  	[sflag:s22] =	ssyncset.done $0x0  }
0x117: {  	[sflag:s22] =	ssyncadd.s32 $0xFFFFE000  }
0x118: {  	[spmem:s3] =	stream.indirect.scatter.add.f32 [tilespmem:s21], [sflag:$0x9], $0x80, s2, s24, $0xb8;
	[tilespmem:$0x1D000] =	vst v63  }
0x119: {  	_ =	swait.ge [sflag:s22], $0x2000  }
0x11a: {  	[sflag:s22] =	ssyncset.done $0x0  }
0x11b: {  	[sflag:s22] =	ssyncadd.s32 $0xFFFFE000  }
0x11c: {  	[spmem:s3] =	stream.indirect.scatter.add.f32 [tilespmem:s21], [sflag:$0x9], $0x80, s29, s24, $0xb8;
	[tilespmem:$0x1D000] =	vst v63  }
0x11d: {  	_ =	swait.ge [sflag:s22], $0x2000  }
0x11e: {  	[sflag:s22] =	ssyncset.done $0x0  }
0x11f: {  	[sflag:s22] =	ssyncadd.s32 $0xFFFFE000  }
0x120: {  	[spmem:s3] =	stream.indirect.scatter.add.f32 [tilespmem:s21], [sflag:$0x9], $0x80, s13, s24, $0xb8;
	[tilespmem:$0x1D000] =	vst v63  }
0x121: {  	_ =	swait.ge [sflag:s22], $0x2000  }
0x122: {  	[sflag:s22] =	ssyncset.done $0x0  }
0x123: {  	[sflag:s22] =	ssyncadd.s32 $0xFFFFE000  }
0x124: {  	[spmem:s3] =	stream.indirect.scatter.add.f32 [tilespmem:s21], [sflag:$0x9], $0x80, s31, s24, $0xb8;
	[tilespmem:$0x1D000] =	vst v63  }
0x125: {  	_ =	swait.ge [sflag:s22], $0x2000  }
0x126: {  	[sflag:s22] =	ssyncset.done $0x0  }
0x127: {  	[sflag:s22] =	ssyncadd.s32 $0xFFFFE000  }
0x128: {  	[spmem:s3] =	stream.indirect.scatter.add.f32 [tilespmem:s21], [sflag:$0x9], $0x80, s1, s24, $0xb8;
	[tilespmem:$0x1D000] =	vst v63  }
0x129: {  	_ =	swait.ge [sflag:s22], $0x2000  }
0x12a: {  	[sflag:s22] =	ssyncset.done $0x0  }
0x12b: {  	[sflag:s22] =	ssyncadd.s32 $0xFFFFE000  }
0x12c: {  	[spmem:s3] =	stream.indirect.scatter.add.f32 [tilespmem:s21], [sflag:$0x9], $0x80, s15, s24, $0xb8;
	[tilespmem:$0x1D000] =	vst v63  }
0x12d: {  	_ =	swait.ge [sflag:s22], $0x2000  }
0x12e: {  	[sflag:s22] =	ssyncset.done $0x0  }
0x12f: {  	[sflag:s22] =	ssyncadd.s32 $0xFFFFE000  }
0x130: {  	[spmem:s3] =	stream.indirect.scatter.add.f32 [tilespmem:s21], [sflag:$0x9], $0x80, s0, s24, $0xb8;
	[tilespmem:$0x1D000] =	vst v63  }
0x131: {  	_ =	swait.ge [sflag:s22], $0x2000  }
0x132: {  	[sflag:s22] =	ssyncset.done $0x0  }
0x133: {  	[sflag:s22] =	ssyncadd.s32 $0xFFFFE000  }
0x134: {  	[spmem:s3] =	stream.indirect.scatter.add.f32 [tilespmem:s21], [sflag:$0x9], $0x80, s6, s24, $0xb8;
	[tilespmem:$0x1D000] =	vst v63  }
0x135: {  	_ =	swait.ge [sflag:s22], $0x2000  }
0x136: {  	[sflag:s22] =	ssyncset.done $0x0  }
0x137: {  	[sflag:s22] =	ssyncadd.s32 $0xFFFFE000  }
0x138: {  	[spmem:s3] =	stream.indirect.scatter.add.f32 [tilespmem:s21], [sflag:$0x9], $0x80, s7, s24, $0xb8;
	[tilespmem:$0x1D000] =	vst v63  }
0x139: {  	_ =	swait.ge [sflag:s22], $0x2000  }
0x13a: {  	[sflag:s22] =	ssyncset.done $0x0  }
0x13b: {  	[sflag:s22] =	ssyncadd.s32 $0xFFFFE000  }
0x13c: {  	[spmem:s3] =	stream.indirect.scatter.add.f32 [tilespmem:s21], [sflag:$0x9], $0x80, s8, s24, $0xb8;
	[tilespmem:$0x1D000] =	vst v63  }
0x13d: {  	_ =	swait.ge [sflag:s22], $0x2000  }
0x13e: {  	[sflag:s22] =	ssyncset.done $0x0  }
0x13f: {  	[sflag:s22] =	ssyncadd.s32 $0xFFFFE000  }
0x140: {  	[spmem:s3] =	stream.indirect.scatter.add.f32 [tilespmem:s21], [sflag:$0x9], $0x80, s9, s24, $0xb8;
	[tilespmem:$0x1D000] =	vst v63  }
0x141: {  	_ =	swait.ge [sflag:s22], $0x2000  }
0x142: {  	[sflag:s22] =	ssyncset.done $0x0  }
0x143: {  	[sflag:s22] =	ssyncadd.s32 $0xFFFFE000  }
0x144: {  	[spmem:s3] =	stream.indirect.scatter.add.f32 [tilespmem:s21], [sflag:$0x9], $0x80, s10, s24, $0xb8;
	[tilespmem:$0x1D000] =	vst v63  }
0x145: {  	_ =	swait.ge [sflag:s22], $0x2000  }
0x146: {  	[sflag:s22] =	ssyncset.done $0x0  }
.Ltmp6:
0x147: {  	[sflag:s22] =	ssyncadd.s32 $0xFFFFE000;
	(pc) =	sbr.rel .LBB2_13-.Ltmp6, $4  }
0x148: {  	[spmem:s3] =	stream.indirect.scatter.add.f32 [tilespmem:s21], [sflag:$0x9], $0x80, s11, s24, $0xb8;
	[tilespmem:$0x1D000] =	vst v63  }
0x149: {  	_ =	swait.ge [sflag:s22], $0x2000  }
0x14a: {  	[sflag:s22] =	ssyncset.done $0x0  }
0x14b: {  	[sflag:s22] =	ssyncadd.s32 $0xFFFFE000  }
.LBB2_4:
0x14c: {  	[dreg:$0x13] =	wrdreg s19  }
0x14d: {  	s12 =	simm.s32 $0x0;
	s5 =	rddreg [dreg:$0xe]  }
0x14e: {  	[tilespmem:s12], [sflag:$0x9] =	stream.linear.gather [hbm4b:s5+s12], $0x800, $0x38;
	[tilespmem:$0x1D000] =	vst v63  }
0x14f: {  	_ =	swait.ge [sflag:s22], $0x800  }
0x150: {  	[sflag:s22] =	ssyncset.done $0x0  }
0x151: {  	[sflag:s22] =	ssyncadd.s32 $0xFFFFF800  }
0x152: {  	[tilespmem:s23], [sflag:$0x9] =	stream.linear.gather [hbm4b:s16+s12], $0x800, $0x38;
	[tilespmem:$0x1D000] =	vst v63  }
0x153: {  	_ =	swait.ge [sflag:s22], $0x800  }
0x154: {  	[sflag:s22] =	ssyncset.done $0x0  }
0x155: {  	[sflag:s22] =	ssyncadd.s32 $0xFFFFF800  }
0x156: {  	[tilespmem:s21], [sflag:$0x1] =	stream.indirect.gather [hbm4b:s17+s24], $0x80, s12, s24, $0xb8;
	[tilespmem:$0x1D000] =	vst v63  }
0x157: {  	s19 =	simm.s32 $0x80;
	s18 =	simm.s32 $0x3000;
	s29 =	simm.s32 $0x100  }
0x158: {  	[tilespmem:s18], [sflag:$0x2] =	stream.indirect.gather [hbm4b:s17+s24], $0x80, s19, s24, $0xb8;
	[tilespmem:$0x1D000] =	vst v63  }
0x159: {  	s2 =	simm.s32 $0x6;
	s13 =	simm.s32 $0x5;
	s19 =	simm.s32 $0x5000  }
0x15a: {  	[tilespmem:s19], [sflag:$0x3] =	stream.indirect.gather [hbm4b:s17+s24], $0x80, s29, s24, $0xb8;
	[tilespmem:$0x1D000] =	vst v63  }
.LBB2_5:
0x15b: {  	s5 =	simm.s32 $0x1  }
0x15c: {  	_ =	swait.ge [sflag:s5], $0x2000  }
0x15d: {  	p1 =	seq.s32 s12, $0x0;
	[sflag:s5] =	ssyncset.done $0x0  }
0x15e: {  	s14 =	simm.s32 @!p1 $0x8;
	[sflag:s5] =	ssyncadd.s32 $0xFFFFE000  }
0x15f: {  	[spmem:s3] =	stream.indirect.scatter.add.f32 [tilespmem:s21], [sflag:$0x5], $0x80, s23, s24, $0xb8;
	[tilespmem:$0x1D000] =	vst v63  }
0x160: {  	_ =	swait.ge @!p1 [sflag:s14], $0x2000  }
0x161: {  	[sflag:s14] =	ssyncset.done @!p1 $0x0  }
0x162: {  	s4 =	simm.s32 $0x180;
	[sflag:s14] =	ssyncadd.s32 @!p1 $0xFFFFE000;
	s14 =	simm.s32 $0x2  }
0x163: {  	[tilespmem:s20], [sflag:$0x4] =	stream.indirect.gather [hbm4b:s17+s24], $0x80, s4, s24, $0xb8;
	[tilespmem:$0x1D000] =	vst v63  }
0x164: {  	_ =	swait.ge [sflag:s14], $0x2000  }
0x165: {  	[sflag:s14] =	ssyncset.done $0x0  }
0x166: {  	[sflag:s14] =	ssyncadd.s32 $0xFFFFE000  }
0x167: {  	[spmem:s3] =	stream.indirect.scatter.add.f32 [tilespmem:s18], [sflag:$0x6], $0x80, s25, s24, $0xb8;
	[tilespmem:$0x1D000] =	vst v63  }
0x168: {  	_ =	swait.ge [sflag:s13], $0x2000  }
0x169: {  	s4 =	simm.s32 $0x200;
	[sflag:s13] =	ssyncset.done $0x0  }
0x16a: {  	s25 =	smov.u32 s17;
	s17 =	simm.s32 $0x3;
	[sflag:s13] =	ssyncadd.s32 $0xFFFFE000  }
0x16b: {  	[tilespmem:s21], [sflag:$0x1] =	stream.indirect.gather [hbm4b:s25+s24], $0x80, s4, s24, $0xb8;
	[tilespmem:$0x1D000] =	vst v63  }
0x16c: {  	_ =	swait.ge [sflag:s17], $0x2000  }
0x16d: {  	[sflag:s17] =	ssyncset.done $0x0  }
0x16e: {  	[sflag:s17] =	ssyncadd.s32 $0xFFFFE000  }
0x16f: {  	[spmem:s3] =	stream.indirect.scatter.add.f32 [tilespmem:s19], [sflag:$0x7], $0x80, s26, s24, $0xb8;
	[tilespmem:$0x1D000] =	vst v63  }
0x170: {  	_ =	swait.ge [sflag:s2], $0x2000  }
0x171: {  	[sflag:s2] =	ssyncset.done $0x0  }
0x172: {  	s4 =	simm.s32 $0x280;
	s26 =	simm.s32 $0x4;
	[sflag:s2] =	ssyncadd.s32 $0xFFFFE000  }
0x173: {  	[tilespmem:s18], [sflag:$0x2] =	stream.indirect.gather [hbm4b:s25+s24], $0x80, s4, s24, $0xb8;
	[tilespmem:$0x1D000] =	vst v63  }
0x174: {  	_ =	swait.ge [sflag:s26], $0x2000  }
0x175: {  	[sflag:s26] =	ssyncset.done $0x0  }
0x176: {  	s29 =	simm.s32 $0x980;
	[sflag:s26] =	ssyncadd.s32 $0xFFFFE000  }
0x177: {  	[spmem:s3] =	stream.indirect.scatter.add.f32 [tilespmem:s20], [sflag:$0x8], $0x80, s29, s24, $0xb8;
	[tilespmem:$0x1D000] =	vst v63  }
0x178: {  	_ =	swait.ge [sflag:s28], $0x2000  }
0x179: {  	[sflag:s28] =	ssyncset.done $0x0  }
0x17a: {  	s29 =	simm.s32 $0x300;
	[sflag:s28] =	ssyncadd.s32 $0xFFFFE000  }
0x17b: {  	[tilespmem:s19], [sflag:$0x3] =	stream.indirect.gather [hbm4b:s25+s24], $0x80, s29, s24, $0xb8;
	[tilespmem:$0x1D000] =	vst v63  }
0x17c: {  	_ =	swait.ge [sflag:s5], $0x2000  }
0x17d: {  	[sflag:s5] =	ssyncset.done $0x0  }
0x17e: {  	s29 =	simm.s32 $0xA00;
	[sflag:s5] =	ssyncadd.s32 $0xFFFFE000  }
0x17f: {  	[spmem:s3] =	stream.indirect.scatter.add.f32 [tilespmem:s21], [sflag:$0x5], $0x80, s29, s24, $0xb8;
	[tilespmem:$0x1D000] =	vst v63  }
0x180: {  	_ =	swait.ge [sflag:s30], $0x2000  }
0x181: {  	[sflag:s30] =	ssyncset.done $0x0  }
0x182: {  	s4 =	simm.s32 $0x380;
	[sflag:s30] =	ssyncadd.s32 $0xFFFFE000  }
0x183: {  	[tilespmem:s20], [sflag:$0x4] =	stream.indirect.gather [hbm4b:s25+s24], $0x80, s4, s24, $0xb8;
	[tilespmem:$0x1D000] =	vst v63  }
0x184: {  	_ =	swait.ge [sflag:s14], $0x2000  }
0x185: {  	[sflag:s14] =	ssyncset.done $0x0  }
0x186: {  	s4 =	simm.s32 $0xA80;
	[sflag:s14] =	ssyncadd.s32 $0xFFFFE000  }
0x187: {  	[spmem:s3] =	stream.indirect.scatter.add.f32 [tilespmem:s18], [sflag:$0x6], $0x80, s4, s24, $0xb8;
	[tilespmem:$0x1D000] =	vst v63  }
0x188: {  	_ =	swait.ge [sflag:s13], $0x2000  }
0x189: {  	[sflag:s13] =	ssyncset.done $0x0  }
0x18a: {  	s4 =	simm.s32 $0x400;
	[sflag:s13] =	ssyncadd.s32 $0xFFFFE000  }
0x18b: {  	[tilespmem:s21], [sflag:$0x1] =	stream.indirect.gather [hbm4b:s25+s24], $0x80, s4, s24, $0xb8;
	[tilespmem:$0x1D000] =	vst v63  }
0x18c: {  	_ =	swait.ge [sflag:s17], $0x2000  }
0x18d: {  	[sflag:s17] =	ssyncset.done $0x0  }
0x18e: {  	[sflag:s17] =	ssyncadd.s32 $0xFFFFE000  }
0x18f: {  	[spmem:s3] =	stream.indirect.scatter.add.f32 [tilespmem:s19], [sflag:$0x7], $0x80, s31, s24, $0xb8;
	[tilespmem:$0x1D000] =	vst v63  }
0x190: {  	_ =	swait.ge [sflag:s2], $0x2000  }
0x191: {  	[sflag:s2] =	ssyncset.done $0x0  }
0x192: {  	s4 =	simm.s32 $0x480;
	[sflag:s2] =	ssyncadd.s32 $0xFFFFE000  }
0x193: {  	[tilespmem:s18], [sflag:$0x2] =	stream.indirect.gather [hbm4b:s25+s24], $0x80, s4, s24, $0xb8;
	[tilespmem:$0x1D000] =	vst v63  }
0x194: {  	_ =	swait.ge [sflag:s26], $0x2000  }
0x195: {  	[sflag:s26] =	ssyncset.done $0x0  }
0x196: {  	[sflag:s26] =	ssyncadd.s32 $0xFFFFE000  }
0x197: {  	[spmem:s3] =	stream.indirect.scatter.add.f32 [tilespmem:s20], [sflag:$0x8], $0x80, s1, s24, $0xb8;
	[tilespmem:$0x1D000] =	vst v63  }
0x198: {  	_ =	swait.ge [sflag:s28], $0x2000  }
0x199: {  	[sflag:s28] =	ssyncset.done $0x0  }
0x19a: {  	s4 =	simm.s32 $0x500;
	[sflag:s28] =	ssyncadd.s32 $0xFFFFE000  }
0x19b: {  	[tilespmem:s19], [sflag:$0x3] =	stream.indirect.gather [hbm4b:s25+s24], $0x80, s4, s24, $0xb8;
	[tilespmem:$0x1D000] =	vst v63  }
0x19c: {  	_ =	swait.ge [sflag:s5], $0x2000  }
0x19d: {  	[sflag:s5] =	ssyncset.done $0x0  }
0x19e: {  	[sflag:s5] =	ssyncadd.s32 $0xFFFFE000  }
0x19f: {  	[spmem:s3] =	stream.indirect.scatter.add.f32 [tilespmem:s21], [sflag:$0x5], $0x80, s15, s24, $0xb8;
	[tilespmem:$0x1D000] =	vst v63  }
0x1a0: {  	_ =	swait.ge [sflag:s30], $0x2000  }
0x1a1: {  	[sflag:s30] =	ssyncset.done $0x0  }
0x1a2: {  	s4 =	simm.s32 $0x580;
	[sflag:s30] =	ssyncadd.s32 $0xFFFFE000  }
0x1a3: {  	[tilespmem:s20], [sflag:$0x4] =	stream.indirect.gather [hbm4b:s25+s24], $0x80, s4, s24, $0xb8;
	[tilespmem:$0x1D000] =	vst v63  }
0x1a4: {  	_ =	swait.ge [sflag:s14], $0x2000  }
0x1a5: {  	[sflag:s14] =	ssyncset.done $0x0  }
0x1a6: {  	[sflag:s14] =	ssyncadd.s32 $0xFFFFE000  }
0x1a7: {  	[spmem:s3] =	stream.indirect.scatter.add.f32 [tilespmem:s18], [sflag:$0x6], $0x80, s0, s24, $0xb8;
	[tilespmem:$0x1D000] =	vst v63  }
0x1a8: {  	_ =	swait.ge [sflag:s13], $0x2000  }
0x1a9: {  	[sflag:s13] =	ssyncset.done $0x0  }
0x1aa: {  	s4 =	simm.s32 $0x600;
	[sflag:s13] =	ssyncadd.s32 $0xFFFFE000  }
0x1ab: {  	[tilespmem:s21], [sflag:$0x1] =	stream.indirect.gather [hbm4b:s25+s24], $0x80, s4, s24, $0xb8;
	[tilespmem:$0x1D000] =	vst v63  }
0x1ac: {  	_ =	swait.ge [sflag:s17], $0x2000  }
0x1ad: {  	[sflag:s17] =	ssyncset.done $0x0  }
0x1ae: {  	[sflag:s17] =	ssyncadd.s32 $0xFFFFE000  }
0x1af: {  	[spmem:s3] =	stream.indirect.scatter.add.f32 [tilespmem:s19], [sflag:$0x7], $0x80, s6, s24, $0xb8;
	[tilespmem:$0x1D000] =	vst v63  }
0x1b0: {  	_ =	swait.ge [sflag:s2], $0x2000  }
0x1b1: {  	[sflag:s2] =	ssyncset.done $0x0  }
0x1b2: {  	s4 =	simm.s32 $0x680;
	[sflag:s2] =	ssyncadd.s32 $0xFFFFE000  }
0x1b3: {  	[tilespmem:s18], [sflag:$0x2] =	stream.indirect.gather [hbm4b:s25+s24], $0x80, s4, s24, $0xb8;
	[tilespmem:$0x1D000] =	vst v63  }
0x1b4: {  	_ =	swait.ge [sflag:s26], $0x2000  }
0x1b5: {  	[sflag:s26] =	ssyncset.done $0x0  }
0x1b6: {  	[sflag:s26] =	ssyncadd.s32 $0xFFFFE000  }
0x1b7: {  	[spmem:s3] =	stream.indirect.scatter.add.f32 [tilespmem:s20], [sflag:$0x8], $0x80, s7, s24, $0xb8;
	[tilespmem:$0x1D000] =	vst v63  }
0x1b8: {  	_ =	swait.ge [sflag:s28], $0x2000  }
0x1b9: {  	[sflag:s28] =	ssyncset.done $0x0  }
0x1ba: {  	s4 =	simm.s32 $0x700;
	[sflag:s28] =	ssyncadd.s32 $0xFFFFE000  }
0x1bb: {  	[tilespmem:s19], [sflag:$0x3] =	stream.indirect.gather [hbm4b:s25+s24], $0x80, s4, s24, $0xb8;
	[tilespmem:$0x1D000] =	vst v63  }
0x1bc: {  	_ =	swait.ge [sflag:s5], $0x2000  }
0x1bd: {  	[sflag:s5] =	ssyncset.done $0x0  }
0x1be: {  	[sflag:s5] =	ssyncadd.s32 $0xFFFFE000  }
0x1bf: {  	[spmem:s3] =	stream.indirect.scatter.add.f32 [tilespmem:s21], [sflag:$0x5], $0x80, s8, s24, $0xb8;
	[tilespmem:$0x1D000] =	vst v63  }
0x1c0: {  	_ =	swait.ge [sflag:s30], $0x2000  }
0x1c1: {  	[sflag:s30] =	ssyncset.done $0x0  }
0x1c2: {  	s5 =	simm.s32 $0x780;
	[sflag:s30] =	ssyncadd.s32 $0xFFFFE000  }
0x1c3: {  	[tilespmem:s20], [sflag:$0x4] =	stream.indirect.gather [hbm4b:s25+s24], $0x80, s5, s24, $0xb8;
	[tilespmem:$0x1D000] =	vst v63  }
0x1c4: {  	_ =	swait.ge [sflag:s14], $0x2000  }
0x1c5: {  	[sflag:s14] =	ssyncset.done $0x0  }
0x1c6: {  	[sflag:s14] =	ssyncadd.s32 $0xFFFFE000  }
0x1c7: {  	[spmem:s3] =	stream.indirect.scatter.add.f32 [tilespmem:s18], [sflag:$0x6], $0x80, s9, s24, $0xb8;
	[tilespmem:$0x1D000] =	vst v63  }
0x1c8: {  	_ =	swait.ge [sflag:s17], $0x2000  }
0x1c9: {  	[sflag:s17] =	ssyncset.done $0x0  }
0x1ca: {  	p1 =	seq.s32 s12, $0x1300;
	[sflag:s17] =	ssyncadd.s32 $0xFFFFE000  }
0x1cb: {  	[spmem:s3] =	stream.indirect.scatter.add.f32 [tilespmem:s19], [sflag:$0x7], $0x80, s10, s24, $0xb8;
	[tilespmem:$0x1D000] =	vst v63  }
.Ltmp7:
0x1cc: {  	_ = 	snop;
	(pc) =	sbr.rel @p1 .LBB2_7-.Ltmp7, $4  }
0x1cd: {  	_ =	swait.ge [sflag:s26], $0x2000  }
0x1ce: {  	[sflag:s26] =	ssyncset.done $0x0  }
0x1cf: {  	[sflag:s26] =	ssyncadd.s32 $0xFFFFE000  }
0x1d0: {  	[spmem:s3] =	stream.indirect.scatter.add.f32 [tilespmem:s20], [sflag:$0x8], $0x80, s11, s24, $0xb8;
	[tilespmem:$0x1D000] =	vst v63  }
0x1d1: {  	s4 =	rddreg [dreg:$0x12]  }
0x1d2: {  	s29 =	simm.s32 $0x0;
	s14 =	sadd.s32 s12, s4  }
0x1d3: {  	[tilespmem:s29], [sflag:$0x9] =	stream.linear.gather [hbm4b:s14+s29], $0x800, $0x38;
	[tilespmem:$0x1D000] =	vst v63  }
0x1d4: {  	_ =	swait.ge [sflag:s22], $0x800  }
0x1d5: {  	[sflag:s22] =	ssyncset.done $0x0;
	s5 =	rddreg [dreg:$0x11]  }
0x1d6: {  	[sflag:s22] =	ssyncadd.s32 $0xFFFFF800;
	s17 =	sadd.s32 s12, s5  }
0x1d7: {  	[tilespmem:s23], [sflag:$0x9] =	stream.linear.gather [hbm4b:s17+s29], $0x800, $0x38;
	[tilespmem:$0x1D000] =	vst v63  }
0x1d8: {  	_ =	swait.ge [sflag:s22], $0x800  }
0x1d9: {  	[sflag:s22] =	ssyncset.done $0x0  }
0x1da: {  	[sflag:s22] =	ssyncadd.s32 $0xFFFFF800  }
0x1db: {  	_ =	swait.ge [sflag:s13], $0x2000  }
0x1dc: {  	[sflag:s13] =	ssyncset.done $0x0  }
0x1dd: {  	[sflag:s13] =	ssyncadd.s32 $0xFFFFE000  }
0x1de: {  	[tilespmem:s21], [sflag:$0x1] =	stream.indirect.gather [hbm4b:s25+s24], $0x80, s29, s24, $0xb8;
	[tilespmem:$0x1D000] =	vst v63  }
0x1df: {  	_ =	swait.ge [sflag:s2], $0x2000  }
0x1e0: {  	[sflag:s2] =	ssyncset.done $0x0  }
0x1e1: {  	s18 =	simm.s32 $0x3000;
	s26 =	simm.s32 $0x80;
	[sflag:s2] =	ssyncadd.s32 $0xFFFFE000  }
0x1e2: {  	[tilespmem:s18], [sflag:$0x2] =	stream.indirect.gather [hbm4b:s25+s24], $0x80, s26, s24, $0xb8;
	[tilespmem:$0x1D000] =	vst v63  }
.Ltmp8:
0x1e3: {  	_ =	swait.ge [sflag:s28], $0x2000;
	(pc) =	sbr.rel .LBB2_5-.Ltmp8, $4  }
0x1e4: {  	s19 =	simm.s32 $0x5000;
	[sflag:s28] =	ssyncset.done $0x0  }
0x1e5: {  	s12 =	sadd.s32 $0x100, s12;
	s29 =	simm.s32 $0x100;
	[sflag:s28] =	ssyncadd.s32 $0xFFFFE000  }
0x1e6: {  	[tilespmem:s19], [sflag:$0x3] =	stream.indirect.gather [hbm4b:s25+s24], $0x80, s29, s24, $0xb8;
	[tilespmem:$0x1D000] =	vst v63  }
0x1e7: {  	s17 =	smov.u32 s25;
	s26 =	simm.s32 $0x900;
	s25 =	simm.s32 $0x880  }
.LBB2_14:
0x1e8: {  	_ =	sfence.sel $0x180000  }
0x1e9: {  	[bflag:$0x0] =	sbarrier.arrive $0xFFFF  }
0x1ea: {  	_ =	strace $0x90000047  }
0x1eb: {  	s0 =	stileid.u32;
	[bflag:$0x2] =	sbarrier.arrive $0xFFFF  }
0x1ec: {  	p0 =	sne.s32 s0, $0x0;
	s0 =	rddreg [dreg:$0x3]  }
0x1ed: {  	s0 =	sadd.s32 @!p0 $0x100000, s0  }
0x1ee: {  	[sflag:s0] =	ssyncadd.tile.s32 @!p0 $0x1;
	_ =	shalt  }
.Lfunc_end2:
_tile_overlayer_lowered:
.L_overlay_start_2:
0x1ef: {  	(tag) =	ssettag $0x2  }
0x1f0: {  	s0 =	rddreg [dreg:$0x0];
	s2 =	stileid.u32  }
0x1f1: {  	s1 =	rddreg [dreg:$0x1];
	p0 =	sne.s32 s2, $0x0  }
0x1f2: {  	s3 =	rddreg [dreg:$0x2];
	[bflag:$0x3] =	sbarrier.arrive $0xFFFF;
	s2 =	simm.s32 @!p0 $0x1C09  }
0x1f3: {  	[timem:s3], [sflag:s2] =	dma.local @!p0 [hbm:s0], s1  }
0x1f4: {  	s0 =	simm.s32 @!p0 $0x9  }
0x1f5: {  	_ =	swait.ge @!p0 [sflag:s0], s1  }
0x1f6: {  	s1 =	ssub.s32 @!p0 $0x0, s1;
	[sflag:s0] =	ssyncset.done @!p0 $0x0  }
0x1f7: {  	[sflag:s0] =	ssyncadd.s32 @!p0 s1  }
0x1f8: {  	[bflag:$0x3] =	sbarrier.arrive $0xFFFF  }
0x1f9: {  	_ =	shalt  }

// kernel: kernel.9.cloned.1.call-start
scs
__scs_entry_jumppad:
0x0: {  	(pc) =	sbr.rel $0x88, $3  }
0x1: {  	(tag) =	ssettag $0x0;
	lr =	simm.s32 $0x1  }
0x2: {  	[smem:$0x3F99] =	sst lr;
	_ =	strace $0xD0000000  }
0x3: {  	_ = 	snop  }
0x4: {  	_ = 	snop  }
0x5: {  	_ = 	snop  }
0x6: {  	_ = 	snop  }
0x7: {  	_ = 	snop  }
__scs_overlays_trampoline_lowered:
0x8: {  	[smem:$0x3FA8] =	sst s0  }
0x9: {  	[smem:$0x3FA9] =	sst s1  }
0xa: {  	[smem:$0x3FAA] =	sst s2  }
0xb: {  	[smem:$0x3FAB] =	sst s3  }
0xc: {  	[smem:$0x3FAC] =	sst s4  }
0xd: {  	[smem:$0x3FAD] =	sst s5  }
0xe: {  	[smem:$0x3FAE] =	sst s6  }
0xf: {  	[smem:$0x3FAF] =	sst s7  }
0x10: {  	[smem:$0x3FB0] =	sst s8  }
0x11: {  	[smem:$0x3FB1] =	sst s9;
	s0 =	simm.s32 @!p0 $0x0  }
0x12: {  	s1 =	sld [smem:$0x3F97];
	s0 =	simm.s32 @p0 $0x1  }
0x13: {  	[smem:$0x3FB2] =	sst s0;
	s0 =	simm.s32 @!p1 $0x0  }
0x14: {  	s2 =	sld [smem:$0x3F96];
	s0 =	simm.s32 @p1 $0x1  }
0x15: {  	[smem:$0x3FB3] =	sst s0;
	s0 =	simm.s32 @!p2 $0x0  }
0x16: {  	s3 =	sld [smem:$0x3FDB];
	s0 =	simm.s32 @p2 $0x1  }
0x17: {  	s4 =	simm.s32 $0x1BF5;
	[smem:$0x3FB5] =	sst s0  }
0x18: {  	s0 =	sld [smem:$0x3F98];
	_ =	swait.ge [sflag:s4], $0x0  }
0x19: {  	s7 =	sld [smem:$0x3F99]  }
0x1a: {  	s8 =	sadd.s32 $0xFFFFE003, lr  }
0x1b: {  	s9 =	sadd.s32 $0xFFFFFEF7, lr;
	s5 =	simm.s32 $0xFFFFFFFF;
	p2 =	slt.u32 s8, $0xFFFFF086  }
0x1c: {  	p1 =	slt.u32 s9, $0xF7A;
	s5 =	simm.s32 @!p2 $0x0  }
0x1d: {  	s5 =	simm.s32 @p1 $0x1;
	p0 =	seq.s32 s7, s2  }
0x1e: {  	s7 =	smul.u32 @!p0 $0xF7A, s2;
	p2 =	seq.s32 @!p0 s5, $0x0  }
0x1f: {  	s9 =	smul.u32 $0xF7A, s1;
	s8 =	simm.s32 @!p0 $0x1BF5;
	p2 =	por !p2, p0  }
0x20: {  	[sflag:s8] =	ssyncset.s32 @!p0 $0xFFFFF086;
	s6 =	sadd.s32 @!p0 s3, s7;
	s7 =	simm.s32 @!p0 $0x108  }
0x21: {  	s3 =	sadd.s32 s3, s9;
	s6 =	sadd.s32 @!p0 $0x88, s6;
	s7 =	simm.s32 @p2 $0x1082  }
0x22: {  	[simem:s7], [sflag:s8] =	dma.local @!p0 [hbm:s6], $0xF7A  }
0x23: {  	s9 =	sor.u32 $0xD0000000, s2;
	s6 =	simm.s32 $0x108;
	_ =	swait.ge @!p0 [sflag:s8], $0x0  }
0x24: {  	s3 =	sadd.s32 $0x88, s3;
	s6 =	simm.s32 @!p1 $0x1082;
	[sflag:s4] =	ssyncset.s32 $0xFFFFF086  }
0x25: {  	[simem:s6], [sflag:s4] =	dma.local [hbm:s3], $0xF7A  }
0x26: {  	[smem:$0x3F99] =	sst s1;
	(tag) =	ssettag s2;
	_ =	strace s9  }
0x27: {  	s1 =	sld [smem:$0x3FA9]  }
0x28: {  	s2 =	sld [smem:$0x3FAA]  }
0x29: {  	s4 =	sld [smem:$0x3FAC]  }
0x2a: {  	p0 =	seq.s32 s5, $0x0;
	s5 =	sld [smem:$0x3FAD]  }
0x2b: {  	s6 =	sld [smem:$0x3FAE]  }
0x2c: {  	s7 =	sld [smem:$0x3FAF]  }
0x2d: {  	s3 =	simm.s32 $0x108;
	s8 =	sld [smem:$0x3FB0]  }
0x2e: {  	s3 =	simm.s32 @!p0 $0x1082;
	s9 =	sld [smem:$0x3FB1]  }
0x2f: {  	lr =	sadd.s32 s0, s3;
	s0 =	sld [smem:$0x3FA8]  }
0x30: {  	s3 =	sld [smem:$0x3FAB]  }
0x31: {  	[smem:$0x3FB4] =	sst s10  }
0x32: {  	s10 =	sld [smem:$0x3FB2];
	_ =	sdelay $0x3  }
0x33: {  	p0 =	seq.s32 s10, $0x1;
	s10 =	sld [smem:$0x3FB4];
	_ =	sdelay $0x3  }
0x34: {  	[smem:$0x3FB4] =	sst s10  }
0x35: {  	s10 =	sld [smem:$0x3FB3];
	_ =	sdelay $0x3  }
0x36: {  	p1 =	seq.s32 s10, $0x1;
	s10 =	sld [smem:$0x3FB4];
	_ =	sdelay $0x3  }
0x37: {  	[smem:$0x3FB4] =	sst s10  }
0x38: {  	s10 =	sld [smem:$0x3FB5]  }
0x39: {  	_ = 	snop;
	(pc) =	sbr.ind lr, $3  }
0x3a: {  	_ = 	snop  }
0x3b: {  	_ = 	snop  }
0x3c: {  	p2 =	seq.s32 s10, $0x1;
	s10 =	sld [smem:$0x3FB4]  }
0x3d: {  	_ =	shalt  }
0x3e: {  	_ =	shalt  }
0x3f: {  	_ =	shalt  }
0x40: {  	_ =	shalt  }
0x41: {  	_ =	shalt  }
0x42: {  	_ =	shalt  }
0x43: {  	_ =	shalt  }
0x44: {  	_ =	shalt  }
0x45: {  	_ =	shalt  }
0x46: {  	_ =	shalt  }
0x47: {  	_ =	shalt  }
0x48: {  	_ =	shalt  }
0x49: {  	_ =	shalt  }
0x4a: {  	_ =	shalt  }
0x4b: {  	_ =	shalt  }
0x4c: {  	_ =	shalt  }
0x4d: {  	_ =	shalt  }
0x4e: {  	_ =	shalt  }
0x4f: {  	_ =	shalt  }
0x50: {  	_ =	shalt  }
0x51: {  	_ =	shalt  }
0x52: {  	_ =	shalt  }
0x53: {  	_ =	shalt  }
0x54: {  	_ =	shalt  }
0x55: {  	_ =	shalt  }
0x56: {  	_ =	shalt  }
0x57: {  	_ =	shalt  }
0x58: {  	_ =	shalt  }
0x59: {  	_ =	shalt  }
0x5a: {  	_ =	shalt  }
0x5b: {  	_ =	shalt  }
0x5c: {  	_ =	shalt  }
0x5d: {  	_ =	shalt  }
0x5e: {  	_ =	shalt  }
0x5f: {  	_ =	shalt  }
0x60: {  	_ =	shalt  }
0x61: {  	_ =	shalt  }
0x62: {  	_ =	shalt  }
0x63: {  	_ =	shalt  }
0x64: {  	_ =	shalt  }
0x65: {  	_ =	shalt  }
0x66: {  	_ =	shalt  }
0x67: {  	_ =	shalt  }
0x68: {  	_ =	shalt  }
0x69: {  	_ =	shalt  }
0x6a: {  	_ =	shalt  }
0x6b: {  	_ =	shalt  }
0x6c: {  	_ =	shalt  }
0x6d: {  	_ =	shalt  }
0x6e: {  	_ =	shalt  }
0x6f: {  	_ =	shalt  }
0x70: {  	_ =	shalt  }
0x71: {  	_ =	shalt  }
0x72: {  	_ =	shalt  }
0x73: {  	_ =	shalt  }
0x74: {  	_ =	shalt  }
0x75: {  	_ =	shalt  }
0x76: {  	_ =	shalt  }
0x77: {  	_ =	shalt  }
0x78: {  	_ =	shalt  }
0x79: {  	_ =	shalt  }
0x7a: {  	_ =	shalt  }
0x7b: {  	_ =	shalt  }
0x7c: {  	_ =	shalt  }
0x7d: {  	_ =	shalt  }
0x7e: {  	_ =	shalt  }
0x7f: {  	_ =	shalt  }
0x80: {  	_ =	shalt  }
0x81: {  	_ =	shalt  }
0x82: {  	_ =	shalt  }
0x83: {  	_ =	shalt  }
0x84: {  	_ =	shalt  }
0x85: {  	_ =	shalt  }
0x86: {  	_ =	shalt  }
0x87: {  	_ =	shalt  }
.Lfunc_end0:
.L_simem_size_0:
called_computation.1_lowered:
.L_overlay_start_0:
0x88: {  	s2 =	sld [smem:$0x3FD9]  }
0x89: {  	s3 =	sld [smem:$0x3FFE];
	_ =	sdelay $0x1  }
0x8a: {  	s1 =	srdreg.scid  }
0x8b: {  	s0 =	sand.u32 $0x1, s1  }
0x8c: {  	s16 =	sshll.u32 s0, $0xA;
	s2 =	sadd.s32 s3, s2  }
0x8d: {  	s2 =	sadd.s32 s2, s16  }
0x8e: {  	[smem:$0x3FC0] =	sst s2  }
0x8f: {  	_ = 	snop  }
0x90: {  	(tm) =	ssettm $0x1  }
0x91: {  	s17 =	sld [smem:$0x3FFB];
	_ =	sdelay $0x3  }
0x92: {  	_ =	strace s17  }
0x93: {  	s2 =	sld [smem:$0x3FFC];
	_ =	sdelay $0x3  }
0x94: {  	_ =	strace s2  }
0x95: {  	s2 =	sld [smem:$0x3FFD];
	_ =	sdelay $0x3  }
0x96: {  	_ =	strace s2  }
0x97: {  	_ =	strace $0x8FFFFFFF  }
0x98: {  	s18 =	sld [smem:$0x3FDB];
	_ =	sdelay $0x1  }
0x99: {  	s19 =	simm.s32 $_scs_section_size  }
0x9a: {  	s4 =	simm.s32 $_size__tile_overlayer_lowered;
	s5 =	simm.s32 $_tile_overlayer_lowered  }
0x9b: {  	s22 =	simm.s32 $0x1BFF;
	s21 =	sshll.u32 s5, $0x1;
	s2 =	sadd.s32 s19, s18  }
0x9c: {  	s6 =	simm.s32 $0x0;
	s20 =	sshll.u32 s4, $0x1;
	s4 =	sadd.s32 s21, s2  }
0x9d: {  	[timem:s6], [sflag:s22] =	dma.local [hbm:s4], s20  }
0x9e: {  	_ =	swait.ge [sflag:s22], s20  }
0x9f: {  	s3 =	ssub.s32 $0x0, s20;
	[sflag:s22] =	ssyncset.done $0x0  }
0xa0: {  	[sflag:s22] =	ssyncadd.s32 s3;
	_ =	sdelay $0x1  }
0xa1: {  	s23 =	simm.s32 $0x1B8B  }
0xa2: {  	_ =	swait.ge [sflag:s23], $0x1  }
0xa3: {  	[sflag:s23] =	ssyncset.done $0x0  }
0xa4: {  	s25 =	simm.s32 $0x1B8E;
	s24 =	sld [smem:$0x3FFE];
	[sflag:s23] =	ssyncadd.s32 $0xFFFFFFFF  }
0xa5: {  	s26 =	simm.s32 $execute0_lowered;
	[smem:$0x3FD2] =	sst s25  }
0xa6: {  	s4 =	sshll.u32 s26, $0x1;
	_ =	strace $0x80000049;
	[dreg:$0x1] =	wrdreg $0xFFFFFFFF  }
0xa7: {  	s28 =	simm.s32 $_size_execute0_lowered;
	s2 =	sadd.s32 s2, s4;
	[dreg:$0x0] =	wrdreg $0x0  }
0xa8: {  	s4 =	sshll.u32 s28, $0x1;
	[dreg:$0x2] =	wrdreg s2  }
0xa9: {  	[dreg:$0x3] =	wrdreg s4  }
0xaa: {  	[dreg:$0x4] =	wrdreg $0xC0  }
0xab: {  	_ =	task [dreg:s6], $0x5FFFF  }
0xac: {  	[dreg:$0x1] =	wrdreg $0xFFFFFFFF  }
0xad: {  	[dreg:$0x0] =	wrdreg $0x60  }
0xae: {  	[dreg:$0x2] =	wrdreg s24  }
0xaf: {  	[dreg:$0x3] =	wrdreg $0x90000  }
0xb0: {  	[dreg:$0x4] =	wrdreg $0x9  }
0xb1: {  	_ =	task.clear_ibuf [dreg:s6], $0x5FFFF;
	_ =	strace $0x90000049  }
0xb2: {  	s29 =	simm.s32 $0x9;
	_ =	strace $0x8000004B  }
0xb3: {  	_ =	swait.ge [sflag:s29], $0x1  }
0xb4: {  	[sflag:s29] =	ssyncadd.s32 $0xFFFFFFFF  }
0xb5: {  	_ =	strace $0x9000004B  }
0xb6: {  	_ =	sfence  }
0xb7: {  	s30 =	sld [smem:$0x0];
	_ =	sdelay $0x2  }
0xb8: {  	s31 =	sshll.u32 s1, $0xD;
	s1 =	sshrl.u32 s1, $0x2  }
0xb9: {  	s3 =	sand.u32 $0x4000, s31;
	s1 =	sadd.s32 s1, s30  }
0xba: {  	s0 =	sor.u32 s3, s0;
	s1 =	sshll.u32 s1, $0x11  }
0xbb: {  	s0 =	sor.u32 s1, s0  }
0xbc: {  	s0 =	sadd.s32 $0x8F2B, s0  }
0xbd: {  	[sflag:s0] =	ssyncadd.remote.s32 $0x1  }
0xbe: {  	_ =	sfence.sel $0xFFFF  }
0xbf: {  	[dreg:$0x0] =	wrdreg $0xFFFFFFFF;
	(pc) =	sbr.abs _section_cstart, $3  }
0xc0: {  	[dreg:$0x1] =	wrdreg $0xFFFFFFFF  }
0xc1: {  	_ =	task.clear_ibuf [dreg:s6], $0x2FFFF;
	_ =	strace $0x9FFFFFFF  }
0xc2: {  	(tm) =	ssettm $0x7FFFFFFF  }
0xc3: {  	_ =	shalt  }
tec
execute0_lowered:
.L_overlay_start_1:
0x0: {  	(tag) =	ssettag $0x1  }
0x1: {  	s0 =	rddreg [dreg:$0x0]  }
0x2: {  	s2 =	rddreg [dreg:$0x1];
	s3 =	simm.s32 $0x0;
	s6 =	stileid.u32  }
0x3: {  	s4 =	srdreg.scid;
	s29 =	simm.s32 $0x5000;
	s30 =	simm.s32 $0x1  }
0x4: {  	s11 =	simm.s32 $0x6;
	s13 =	simm.s32 $0x4;
	s28 =	simm.s32 $0xD80  }
0x5: {  	s31 =	simm.s32 $0x700;
	s10 =	simm.s32 $0xE80;
	s1 =	smul.u32 $0x1400, s6  }
0x6: {  	s12 =	simm.s32 $0xF00;
	[smem:$0x7FF] =	sst s3;
	s5 =	smul.u32 $0x50000, s6  }
0x7: {  	s6 =	smul.u32 $0x2800, s6;
	s7 =	sand.u32 $0x1, s4;
	s4 =	sadd.s32 $0x2A000, s0  }
0x8: {  	_ =	strace $0x8000004A;
	s8 =	ssub.s32 $0x2, s7;
	s5 =	sshrl.u32 s5, $0x2  }
0x9: {  	p0 =	sne.s32 s7, $0x0;
	s1 =	sadd.s32 s1, s0;
	s9 =	sadd.s32 s5, s2  }
0xa: {  	s7 =	simm.s32 $0x5;
	s25 =	sadd.s32 $0x2000, s1;
	[dreg:$0x3] =	wrdreg s9  }
0xb: {  	s0 =	sadd.s32 s6, s0;
	s26 =	sadd.s32 $0x16000, s1;
	[dreg:$0xd] =	wrdreg s25  }
0xc: {  	s14 =	sshrl.u32 s8, $0x1;
	s0 =	sadd.s32 $0x51200, s0;
	[dreg:$0xe] =	wrdreg s26  }
0xd: {  	s6 =	simm.s32 $0xE00;
	s16 =	sadd.s32 $0x2000, s9;
	[dreg:$0xf] =	wrdreg s0  }
0xe: {  	s15 =	ssub.s32 s8, s14;
	s17 =	sadd.s32 $0x4000, s9;
	[dreg:$0x4] =	wrdreg s16  }
0xf: {  	s8 =	simm.s32 $0x780;
	s18 =	sadd.s32 $0x6000, s9;
	[dreg:$0x5] =	wrdreg s17  }
0x10: {  	s14 =	simm.s32 $0xF80;
	s19 =	sadd.s32 $0x8000, s9;
	[dreg:$0x6] =	wrdreg s18  }
0x11: {  	s20 =	sadd.s32 $0xA000, s9;
	s21 =	sadd.s32 $0xC000, s9;
	[dreg:$0x7] =	wrdreg s19  }
0x12: {  	s22 =	sadd.s32 $0xE000, s9;
	s23 =	sadd.s32 $0x10000, s9;
	[dreg:$0x8] =	wrdreg s20  }
0x13: {  	s24 =	sadd.s32 $0x12000, s9;
	s5 =	smax.u32 s15, $0x1;
	[dreg:$0x9] =	wrdreg s21  }
0x14: {  	s25 =	simm.s32 $0x80;
	s26 =	simm.s32 $0x3000;
	[dreg:$0xa] =	wrdreg s22  }
.Ltmp0:
0x15: {  	s0 =	simm.s32 $0x7000;
	[dreg:$0xb] =	wrdreg s23;
	(pc) =	sbr.rel .LBB2_1-.Ltmp0, $4  }
0x16: {  	s9 =	simm.s32 $0x3;
	s15 =	simm.s32 $0x7;
	[dreg:$0xc] =	wrdreg s24  }
0x17: {  	s19 =	sadd.s32 $0x16100, s1;
	s20 =	sadd.s32 $0x2100, s1;
	s21 =	simm.s32 $0x1000  }
0x18: {  	s22 =	simm.s32 $0x9;
	s23 =	simm.s32 $0x800;
	s24 =	simm.s32 $0x40  }
0x19: {  	v0 =	vimm.f32 $0.0e+00;
	s1 =	simm.s32 $0x2;
	s18 =	simm.s32 $0x8;
	s16 =	simm.s32 $0x0  }
.LBB2_8:
0x1a: {  	_ =	swait.ge [sflag:s7], $0x2000  }
0x1b: {  	[sflag:s7] =	ssyncset.done $0x0  }
0x1c: {  	[sflag:s7] =	ssyncadd.s32 $0xFFFFE000  }
0x1d: {  	_ =	swait.ge [sflag:s11], $0x2000  }
0x1e: {  	[sflag:s11] =	ssyncset.done $0x0  }
0x1f: {  	[sflag:s11] =	ssyncadd.s32 $0xFFFFE000  }
0x20: {  	_ =	swait.ge [sflag:s15], $0x2000  }
0x21: {  	[sflag:s15] =	ssyncset.done $0x0  }
0x22: {  	[sflag:s15] =	ssyncadd.s32 $0xFFFFE000  }
0x23: {  	_ =	swait.ge [sflag:s18], $0x2000  }
0x24: {  	[sflag:s18] =	ssyncset.done $0x0  }
0x25: {  	[sflag:s18] =	ssyncadd.s32 $0xFFFFE000  }
0x26: {  	s16 =	stileid.u32;
	[bflag:$0x0] =	sbarrier.arrive $0xFFFF  }
0x27: {  	s25 =	smov.u32 s5;
	s16 =	sshll.u32 s16, $0x6;
	s17 =	rddreg [dreg:$0x3]  }
0x28: {  	s16 =	sor.u32 $0x1C09, s16;
	s5 =	rddreg [dreg:$0xf];
	s17 =	sshrl.u32 s17, $0x3  }
0x29: {  	[hbm:s5], [sflag:s16] =	dma.local [spmem:s17], $0x2800  }
0x2a: {  	_ =	swait.ge [sflag:s22], $0x2800  }
0x2b: {  	s5 =	smov.u32 s25;
	[sflag:s22] =	ssyncset.done $0x0  }
0x2c: {  	s25 =	simm.s32 $0x80;
	s16 =	rddreg [dreg:$0x10];
	[sflag:s22] =	ssyncadd.s32 $0xFFFFD800  }
.LBB2_9:
0x2d: {  	s16 =	sadd.s32 $0x1, s16  }
0x2e: {  	p1 =	sne.s32 s16, s5  }
.Ltmp1:
0x2f: {  	_ = 	snop;
	(pc) =	sbr.rel @!p1 .LBB2_10-.Ltmp1, $1  }
0x30: {  	_ =	sdelay $0x3  }
.LBB2_1:
0x31: {  	[dreg:$0x10] =	wrdreg s16;
	s16 =	simm.s32 $0x0;
	s17 =	simm.s32 $0x200  }
.LBB2_2:
0x32: {  	p1 =	sne.s32 s17, $0x7E00;
	[tilespmem:s16+$0x1070] =	vst v0  }
0x33: {  	[tilespmem:s16+$0x1000] =	vst v0  }
0x34: {  	[tilespmem:s16+$0x1010] =	vst v0  }
.Ltmp2:
0x35: {  	[tilespmem:s16+$0x1020] =	vst v0;
	(pc) =	sbr.rel @p1 .LBB2_2-.Ltmp2, $4  }
0x36: {  	[tilespmem:s16+$0x1030] =	vst v0  }
0x37: {  	[tilespmem:s16+$0x1040] =	vst v0  }
0x38: {  	[tilespmem:s16+$0x1050] =	vst v0  }
0x39: {  	[tilespmem:s16+$0x1060] =	vst v0;
	s16 =	sshra.s32 s17, $0x2;
	s17 =	sadd.s32 $0x200, s17  }
0x3a: {  	[tilespmem:s16+$0x1070] =	vst v0  }
0x3b: {  	[tilespmem:s16+$0x1000] =	vst v0  }
0x3c: {  	[tilespmem:s16+$0x1010] =	vst v0  }
.Ltmp3:
0x3d: {  	[tilespmem:s16+$0x1020] =	vst v0;
	(pc) =	sbr.rel @p0 .LBB2_7-.Ltmp3, $4  }
0x3e: {  	[tilespmem:s16+$0x1030] =	vst v0  }
0x3f: {  	[tilespmem:s16+$0x1040] =	vst v0  }
0x40: {  	[tilespmem:s16+$0x1050] =	vst v0  }
0x41: {  	[tilespmem:s16+$0x1060] =	vst v0  }
0x42: {  	s16 =	rddreg [dreg:$0x3]  }
0x43: {  	[spmem:s16] =	stream.linear.scatter [tilespmem:s21], [sflag:$0x9], $0x2000, $0x38;
	[tilespmem:$0x1D000] =	vst v63  }
0x44: {  	_ =	swait.ge [sflag:s22], $0x2000  }
0x45: {  	[sflag:s22] =	ssyncset.done $0x0  }
0x46: {  	s17 =	rddreg [dreg:$0x4];
	[sflag:s22] =	ssyncadd.s32 $0xFFFFE000  }
0x47: {  	[spmem:s17] =	stream.linear.scatter [tilespmem:s21], [sflag:$0x9], $0x2000, $0x38;
	[tilespmem:$0x1D000] =	vst v63  }
0x48: {  	_ =	swait.ge [sflag:s22], $0x2000  }
0x49: {  	[sflag:s22] =	ssyncset.done $0x0  }
0x4a: {  	s17 =	rddreg [dreg:$0x5];
	[sflag:s22] =	ssyncadd.s32 $0xFFFFE000  }
0x4b: {  	[spmem:s17] =	stream.linear.scatter [tilespmem:s21], [sflag:$0x9], $0x2000, $0x38;
	[tilespmem:$0x1D000] =	vst v63  }
0x4c: {  	_ =	swait.ge [sflag:s22], $0x2000  }
0x4d: {  	[sflag:s22] =	ssyncset.done $0x0  }
0x4e: {  	s17 =	rddreg [dreg:$0x6];
	[sflag:s22] =	ssyncadd.s32 $0xFFFFE000  }
0x4f: {  	[spmem:s17] =	stream.linear.scatter [tilespmem:s21], [sflag:$0x9], $0x2000, $0x38;
	[tilespmem:$0x1D000] =	vst v63  }
0x50: {  	_ =	swait.ge [sflag:s22], $0x2000  }
0x51: {  	[sflag:s22] =	ssyncset.done $0x0  }
0x52: {  	s17 =	rddreg [dreg:$0x7];
	[sflag:s22] =	ssyncadd.s32 $0xFFFFE000  }
0x53: {  	[spmem:s17] =	stream.linear.scatter [tilespmem:s21], [sflag:$0x9], $0x2000, $0x38;
	[tilespmem:$0x1D000] =	vst v63  }
0x54: {  	_ =	swait.ge [sflag:s22], $0x2000  }
0x55: {  	[sflag:s22] =	ssyncset.done $0x0  }
0x56: {  	s17 =	rddreg [dreg:$0x8];
	[sflag:s22] =	ssyncadd.s32 $0xFFFFE000  }
0x57: {  	[spmem:s17] =	stream.linear.scatter [tilespmem:s21], [sflag:$0x9], $0x2000, $0x38;
	[tilespmem:$0x1D000] =	vst v63  }
0x58: {  	_ =	swait.ge [sflag:s22], $0x2000  }
0x59: {  	[sflag:s22] =	ssyncset.done $0x0  }
0x5a: {  	s17 =	rddreg [dreg:$0x9];
	[sflag:s22] =	ssyncadd.s32 $0xFFFFE000  }
0x5b: {  	[spmem:s17] =	stream.linear.scatter [tilespmem:s21], [sflag:$0x9], $0x2000, $0x38;
	[tilespmem:$0x1D000] =	vst v63  }
0x5c: {  	_ =	swait.ge [sflag:s22], $0x2000  }
0x5d: {  	[sflag:s22] =	ssyncset.done $0x0  }
0x5e: {  	s17 =	rddreg [dreg:$0xa];
	[sflag:s22] =	ssyncadd.s32 $0xFFFFE000  }
0x5f: {  	[spmem:s17] =	stream.linear.scatter [tilespmem:s21], [sflag:$0x9], $0x2000, $0x38;
	[tilespmem:$0x1D000] =	vst v63  }
0x60: {  	_ =	swait.ge [sflag:s22], $0x2000  }
0x61: {  	[sflag:s22] =	ssyncset.done $0x0  }
0x62: {  	s17 =	rddreg [dreg:$0xb];
	[sflag:s22] =	ssyncadd.s32 $0xFFFFE000  }
0x63: {  	[spmem:s17] =	stream.linear.scatter [tilespmem:s21], [sflag:$0x9], $0x2000, $0x38;
	[tilespmem:$0x1D000] =	vst v63  }
0x64: {  	_ =	swait.ge [sflag:s22], $0x2000  }
0x65: {  	[sflag:s22] =	ssyncset.done $0x0  }
0x66: {  	s17 =	rddreg [dreg:$0xc];
	[sflag:s22] =	ssyncadd.s32 $0xFFFFE000  }
0x67: {  	[spmem:s17] =	stream.linear.scatter [tilespmem:s21], [sflag:$0x9], $0x2000, $0x38;
	[tilespmem:$0x1D000] =	vst v63  }
0x68: {  	_ =	swait.ge [sflag:s22], $0x2000  }
0x69: {  	[sflag:s22] =	ssyncset.done $0x0  }
0x6a: {  	[sflag:s22] =	ssyncadd.s32 $0xFFFFE000  }
0x6b: {  	[bflag:$0x0] =	sbarrier.arrive $0xFFFF  }
0x6c: {  	s16 =	simm.s32 $0x0;
	s17 =	rddreg [dreg:$0xd]  }
0x6d: {  	[tilespmem:s16], [sflag:$0x9] =	stream.linear.gather [hbm4b:s17+s16], $0x800, $0x38;
	[tilespmem:$0x1D000] =	vst v63  }
0x6e: {  	_ =	swait.ge [sflag:s22], $0x800  }
0x6f: {  	[sflag:s22] =	ssyncset.done $0x0  }
0x70: {  	s17 =	rddreg [dreg:$0xe];
	[sflag:s22] =	ssyncadd.s32 $0xFFFFF800  }
0x71: {  	[tilespmem:s23], [sflag:$0x9] =	stream.linear.gather [hbm4b:s17+s16], $0x800, $0x38;
	[tilespmem:$0x1D000] =	vst v63  }
0x72: {  	_ =	swait.ge [sflag:s22], $0x800  }
0x73: {  	[sflag:s22] =	ssyncset.done $0x0  }
0x74: {  	[sflag:s22] =	ssyncadd.s32 $0xFFFFF800  }
0x75: {  	[tilespmem:s21], [sflag:$0x1] =	stream.indirect.gather [hbm4b:s4+s24], $0x80, s16, s24, $0xb8;
	[tilespmem:$0x1D000] =	vst v63  }
0x76: {  	_ = 	snop  }
0x77: {  	[tilespmem:s26], [sflag:$0x2] =	stream.indirect.gather [hbm4b:s4+s24], $0x80, s25, s24, $0xb8;
	[tilespmem:$0x1D000] =	vst v63  }
0x78: {  	s17 =	simm.s32 $0x100  }
0x79: {  	[tilespmem:s29], [sflag:$0x3] =	stream.indirect.gather [hbm4b:s4+s24], $0x80, s17, s24, $0xb8;
	[tilespmem:$0x1D000] =	vst v63  }
.LBB2_5:
0x7a: {  	_ =	swait.ge [sflag:s30], $0x2000  }
0x7b: {  	p1 =	seq.s32 s16, $0x0;
	[sflag:s30] =	ssyncset.done $0x0  }
0x7c: {  	s17 =	simm.s32 @!p1 $0x8;
	[sflag:s30] =	ssyncadd.s32 $0xFFFFE000  }
0x7d: {  	[spmem:s2] =	stream.indirect.scatter.add.f32 [tilespmem:s21], [sflag:$0x5], $0x80, s23, s24, $0xb8;
	[tilespmem:$0x1D000] =	vst v63  }
0x7e: {  	_ =	swait.ge @!p1 [sflag:s17], $0x2000  }
0x7f: {  	[sflag:s17] =	ssyncset.done @!p1 $0x0  }
0x80: {  	[sflag:s17] =	ssyncadd.s32 @!p1 $0xFFFFE000;
	s17 =	simm.s32 $0x180  }
0x81: {  	[tilespmem:s0], [sflag:$0x4] =	stream.indirect.gather [hbm4b:s4+s24], $0x80, s17, s24, $0xb8;
	[tilespmem:$0x1D000] =	vst v63  }
0x82: {  	_ =	swait.ge [sflag:s1], $0x2000  }
0x83: {  	[sflag:s1] =	ssyncset.done $0x0  }
0x84: {  	s17 =	simm.s32 $0x880;
	[sflag:s1] =	ssyncadd.s32 $0xFFFFE000  }
0x85: {  	[spmem:s2] =	stream.indirect.scatter.add.f32 [tilespmem:s26], [sflag:$0x6], $0x80, s17, s24, $0xb8;
	[tilespmem:$0x1D000] =	vst v63  }
0x86: {  	_ =	swait.ge [sflag:s7], $0x2000  }
0x87: {  	[sflag:s7] =	ssyncset.done $0x0  }
0x88: {  	s17 =	simm.s32 $0x200;
	[sflag:s7] =	ssyncadd.s32 $0xFFFFE000  }
0x89: {  	[tilespmem:s21], [sflag:$0x1] =	stream.indirect.gather [hbm4b:s4+s24], $0x80, s17, s24, $0xb8;
	[tilespmem:$0x1D000] =	vst v63  }
0x8a: {  	_ =	swait.ge [sflag:s9], $0x2000  }
0x8b: {  	[sflag:s9] =	ssyncset.done $0x0  }
0x8c: {  	s17 =	simm.s32 $0x900;
	[sflag:s9] =	ssyncadd.s32 $0xFFFFE000  }
0x8d: {  	[spmem:s2] =	stream.indirect.scatter.add.f32 [tilespmem:s29], [sflag:$0x7], $0x80, s17, s24, $0xb8;
	[tilespmem:$0x1D000] =	vst v63  }
0x8e: {  	_ =	swait.ge [sflag:s11], $0x2000  }
0x8f: {  	[sflag:s11] =	ssyncset.done $0x0  }
0x90: {  	s17 =	simm.s32 $0x280;
	[sflag:s11] =	ssyncadd.s32 $0xFFFFE000  }
0x91: {  	[tilespmem:s26], [sflag:$0x2] =	stream.indirect.gather [hbm4b:s4+s24], $0x80, s17, s24, $0xb8;
	[tilespmem:$0x1D000] =	vst v63  }
0x92: {  	_ =	swait.ge [sflag:s13], $0x2000  }
0x93: {  	[sflag:s13] =	ssyncset.done $0x0  }
0x94: {  	s17 =	simm.s32 $0x980;
	[sflag:s13] =	ssyncadd.s32 $0xFFFFE000  }
0x95: {  	[spmem:s2] =	stream.indirect.scatter.add.f32 [tilespmem:s0], [sflag:$0x8], $0x80, s17, s24, $0xb8;
	[tilespmem:$0x1D000] =	vst v63  }
0x96: {  	_ =	swait.ge [sflag:s15], $0x2000  }
0x97: {  	[sflag:s15] =	ssyncset.done $0x0  }
0x98: {  	s17 =	simm.s32 $0x300;
	[sflag:s15] =	ssyncadd.s32 $0xFFFFE000  }
0x99: {  	[tilespmem:s29], [sflag:$0x3] =	stream.indirect.gather [hbm4b:s4+s24], $0x80, s17, s24, $0xb8;
	[tilespmem:$0x1D000] =	vst v63  }
0x9a: {  	_ =	swait.ge [sflag:s30], $0x2000  }
0x9b: {  	[sflag:s30] =	ssyncset.done $0x0  }
0x9c: {  	s17 =	simm.s32 $0xA00;
	[sflag:s30] =	ssyncadd.s32 $0xFFFFE000  }
0x9d: {  	[spmem:s2] =	stream.indirect.scatter.add.f32 [tilespmem:s21], [sflag:$0x5], $0x80, s17, s24, $0xb8;
	[tilespmem:$0x1D000] =	vst v63  }
0x9e: {  	_ =	swait.ge [sflag:s18], $0x2000  }
0x9f: {  	[sflag:s18] =	ssyncset.done $0x0  }
0xa0: {  	s17 =	simm.s32 $0x380;
	[sflag:s18] =	ssyncadd.s32 $0xFFFFE000  }
0xa1: {  	[tilespmem:s0], [sflag:$0x4] =	stream.indirect.gather [hbm4b:s4+s24], $0x80, s17, s24, $0xb8;
	[tilespmem:$0x1D000] =	vst v63  }
0xa2: {  	_ =	swait.ge [sflag:s1], $0x2000  }
0xa3: {  	[sflag:s1] =	ssyncset.done $0x0  }
0xa4: {  	s17 =	simm.s32 $0xA80;
	[sflag:s1] =	ssyncadd.s32 $0xFFFFE000  }
0xa5: {  	[spmem:s2] =	stream.indirect.scatter.add.f32 [tilespmem:s26], [sflag:$0x6], $0x80, s17, s24, $0xb8;
	[tilespmem:$0x1D000] =	vst v63  }
0xa6: {  	_ =	swait.ge [sflag:s7], $0x2000  }
0xa7: {  	[sflag:s7] =	ssyncset.done $0x0  }
0xa8: {  	s17 =	simm.s32 $0x400;
	[sflag:s7] =	ssyncadd.s32 $0xFFFFE000  }
0xa9: {  	[tilespmem:s21], [sflag:$0x1] =	stream.indirect.gather [hbm4b:s4+s24], $0x80, s17, s24, $0xb8;
	[tilespmem:$0x1D000] =	vst v63  }
0xaa: {  	_ =	swait.ge [sflag:s9], $0x2000  }
0xab: {  	[sflag:s9] =	ssyncset.done $0x0  }
0xac: {  	s17 =	simm.s32 $0xB00;
	[sflag:s9] =	ssyncadd.s32 $0xFFFFE000  }
0xad: {  	[spmem:s2] =	stream.indirect.scatter.add.f32 [tilespmem:s29], [sflag:$0x7], $0x80, s17, s24, $0xb8;
	[tilespmem:$0x1D000] =	vst v63  }
0xae: {  	_ =	swait.ge [sflag:s11], $0x2000  }
0xaf: {  	[sflag:s11] =	ssyncset.done $0x0  }
0xb0: {  	s17 =	simm.s32 $0x480;
	[sflag:s11] =	ssyncadd.s32 $0xFFFFE000  }
0xb1: {  	[tilespmem:s26], [sflag:$0x2] =	stream.indirect.gather [hbm4b:s4+s24], $0x80, s17, s24, $0xb8;
	[tilespmem:$0x1D000] =	vst v63  }
0xb2: {  	_ =	swait.ge [sflag:s13], $0x2000  }
0xb3: {  	[sflag:s13] =	ssyncset.done $0x0  }
0xb4: {  	s17 =	simm.s32 $0xB80;
	[sflag:s13] =	ssyncadd.s32 $0xFFFFE000  }
0xb5: {  	[spmem:s2] =	stream.indirect.scatter.add.f32 [tilespmem:s0], [sflag:$0x8], $0x80, s17, s24, $0xb8;
	[tilespmem:$0x1D000] =	vst v63  }
0xb6: {  	_ =	swait.ge [sflag:s15], $0x2000  }
0xb7: {  	[sflag:s15] =	ssyncset.done $0x0  }
0xb8: {  	s17 =	simm.s32 $0x500;
	[sflag:s15] =	ssyncadd.s32 $0xFFFFE000  }
0xb9: {  	[tilespmem:s29], [sflag:$0x3] =	stream.indirect.gather [hbm4b:s4+s24], $0x80, s17, s24, $0xb8;
	[tilespmem:$0x1D000] =	vst v63  }
0xba: {  	_ =	swait.ge [sflag:s30], $0x2000  }
0xbb: {  	[sflag:s30] =	ssyncset.done $0x0  }
0xbc: {  	s17 =	simm.s32 $0xC00;
	[sflag:s30] =	ssyncadd.s32 $0xFFFFE000  }
0xbd: {  	[spmem:s2] =	stream.indirect.scatter.add.f32 [tilespmem:s21], [sflag:$0x5], $0x80, s17, s24, $0xb8;
	[tilespmem:$0x1D000] =	vst v63  }
0xbe: {  	_ =	swait.ge [sflag:s18], $0x2000  }
0xbf: {  	[sflag:s18] =	ssyncset.done $0x0  }
0xc0: {  	s17 =	simm.s32 $0x580;
	[sflag:s18] =	ssyncadd.s32 $0xFFFFE000  }
0xc1: {  	[tilespmem:s0], [sflag:$0x4] =	stream.indirect.gather [hbm4b:s4+s24], $0x80, s17, s24, $0xb8;
	[tilespmem:$0x1D000] =	vst v63  }
0xc2: {  	_ =	swait.ge [sflag:s1], $0x2000  }
0xc3: {  	[sflag:s1] =	ssyncset.done $0x0  }
0xc4: {  	s17 =	simm.s32 $0xC80;
	[sflag:s1] =	ssyncadd.s32 $0xFFFFE000  }
0xc5: {  	[spmem:s2] =	stream.indirect.scatter.add.f32 [tilespmem:s26], [sflag:$0x6], $0x80, s17, s24, $0xb8;
	[tilespmem:$0x1D000] =	vst v63  }
0xc6: {  	_ =	swait.ge [sflag:s7], $0x2000  }
0xc7: {  	[sflag:s7] =	ssyncset.done $0x0  }
0xc8: {  	s17 =	simm.s32 $0x600;
	[sflag:s7] =	ssyncadd.s32 $0xFFFFE000  }
0xc9: {  	[tilespmem:s21], [sflag:$0x1] =	stream.indirect.gather [hbm4b:s4+s24], $0x80, s17, s24, $0xb8;
	[tilespmem:$0x1D000] =	vst v63  }
0xca: {  	_ =	swait.ge [sflag:s9], $0x2000  }
0xcb: {  	[sflag:s9] =	ssyncset.done $0x0  }
0xcc: {  	s17 =	simm.s32 $0xD00;
	[sflag:s9] =	ssyncadd.s32 $0xFFFFE000  }
0xcd: {  	[spmem:s2] =	stream.indirect.scatter.add.f32 [tilespmem:s29], [sflag:$0x7], $0x80, s17, s24, $0xb8;
	[tilespmem:$0x1D000] =	vst v63  }
0xce: {  	_ =	swait.ge [sflag:s11], $0x2000  }
0xcf: {  	[sflag:s11] =	ssyncset.done $0x0  }
0xd0: {  	s17 =	simm.s32 $0x680;
	[sflag:s11] =	ssyncadd.s32 $0xFFFFE000  }
0xd1: {  	[tilespmem:s26], [sflag:$0x2] =	stream.indirect.gather [hbm4b:s4+s24], $0x80, s17, s24, $0xb8;
	[tilespmem:$0x1D000] =	vst v63  }
0xd2: {  	_ =	swait.ge [sflag:s13], $0x2000  }
0xd3: {  	[sflag:s13] =	ssyncset.done $0x0  }
0xd4: {  	[sflag:s13] =	ssyncadd.s32 $0xFFFFE000  }
0xd5: {  	[spmem:s2] =	stream.indirect.scatter.add.f32 [tilespmem:s0], [sflag:$0x8], $0x80, s28, s24, $0xb8;
	[tilespmem:$0x1D000] =	vst v63  }
0xd6: {  	_ =	swait.ge [sflag:s15], $0x2000  }
0xd7: {  	[sflag:s15] =	ssyncset.done $0x0  }
0xd8: {  	[sflag:s15] =	ssyncadd.s32 $0xFFFFE000  }
0xd9: {  	[tilespmem:s29], [sflag:$0x3] =	stream.indirect.gather [hbm4b:s4+s24], $0x80, s31, s24, $0xb8;
	[tilespmem:$0x1D000] =	vst v63  }
0xda: {  	_ =	swait.ge [sflag:s30], $0x2000  }
0xdb: {  	[sflag:s30] =	ssyncset.done $0x0  }
0xdc: {  	[sflag:s30] =	ssyncadd.s32 $0xFFFFE000  }
0xdd: {  	[spmem:s2] =	stream.indirect.scatter.add.f32 [tilespmem:s21], [sflag:$0x5], $0x80, s6, s24, $0xb8;
	[tilespmem:$0x1D000] =	vst v63  }
0xde: {  	_ =	swait.ge [sflag:s18], $0x2000  }
0xdf: {  	[sflag:s18] =	ssyncset.done $0x0  }
0xe0: {  	[sflag:s18] =	ssyncadd.s32 $0xFFFFE000  }
0xe1: {  	[tilespmem:s0], [sflag:$0x4] =	stream.indirect.gather [hbm4b:s4+s24], $0x80, s8, s24, $0xb8;
	[tilespmem:$0x1D000] =	vst v63  }
0xe2: {  	_ =	swait.ge [sflag:s1], $0x2000  }
0xe3: {  	[sflag:s1] =	ssyncset.done $0x0  }
0xe4: {  	[sflag:s1] =	ssyncadd.s32 $0xFFFFE000  }
0xe5: {  	[spmem:s2] =	stream.indirect.scatter.add.f32 [tilespmem:s26], [sflag:$0x6], $0x80, s10, s24, $0xb8;
	[tilespmem:$0x1D000] =	vst v63  }
0xe6: {  	_ =	swait.ge [sflag:s9], $0x2000  }
0xe7: {  	[sflag:s9] =	ssyncset.done $0x0  }
0xe8: {  	p1 =	seq.s32 s16, $0x1300;
	[sflag:s9] =	ssyncadd.s32 $0xFFFFE000  }
0xe9: {  	[spmem:s2] =	stream.indirect.scatter.add.f32 [tilespmem:s29], [sflag:$0x7], $0x80, s12, s24, $0xb8;
	[tilespmem:$0x1D000] =	vst v63  }
.Ltmp4:
0xea: {  	_ = 	snop;
	(pc) =	sbr.rel @p1 .LBB2_8-.Ltmp4, $4  }
0xeb: {  	_ =	swait.ge [sflag:s13], $0x2000  }
0xec: {  	[sflag:s13] =	ssyncset.done $0x0  }
0xed: {  	[sflag:s13] =	ssyncadd.s32 $0xFFFFE000  }
0xee: {  	[spmem:s2] =	stream.indirect.scatter.add.f32 [tilespmem:s0], [sflag:$0x8], $0x80, s14, s24, $0xb8;
	[tilespmem:$0x1D000] =	vst v63  }
0xef: {  	s17 =	sadd.s32 s16, s20  }
0xf0: {  	[tilespmem:s3], [sflag:$0x9] =	stream.linear.gather [hbm4b:s17+s3], $0x800, $0x38;
	[tilespmem:$0x1D000] =	vst v63  }
0xf1: {  	_ =	swait.ge [sflag:s22], $0x800  }
0xf2: {  	[sflag:s22] =	ssyncset.done $0x0  }
0xf3: {  	s17 =	sadd.s32 s16, s19;
	[sflag:s22] =	ssyncadd.s32 $0xFFFFF800  }
0xf4: {  	[tilespmem:s23], [sflag:$0x9] =	stream.linear.gather [hbm4b:s17+s3], $0x800, $0x38;
	[tilespmem:$0x1D000] =	vst v63  }
0xf5: {  	_ =	swait.ge [sflag:s22], $0x800  }
0xf6: {  	[sflag:s22] =	ssyncset.done $0x0  }
0xf7: {  	[sflag:s22] =	ssyncadd.s32 $0xFFFFF800  }
0xf8: {  	_ =	swait.ge [sflag:s7], $0x2000  }
0xf9: {  	[sflag:s7] =	ssyncset.done $0x0  }
0xfa: {  	[sflag:s7] =	ssyncadd.s32 $0xFFFFE000  }
0xfb: {  	[tilespmem:s21], [sflag:$0x1] =	stream.indirect.gather [hbm4b:s4+s24], $0x80, s3, s24, $0xb8;
	[tilespmem:$0x1D000] =	vst v63  }
0xfc: {  	_ =	swait.ge [sflag:s11], $0x2000  }
0xfd: {  	[sflag:s11] =	ssyncset.done $0x0  }
0xfe: {  	[sflag:s11] =	ssyncadd.s32 $0xFFFFE000  }
0xff: {  	[tilespmem:s26], [sflag:$0x2] =	stream.indirect.gather [hbm4b:s4+s24], $0x80, s25, s24, $0xb8;
	[tilespmem:$0x1D000] =	vst v63  }
.Ltmp5:
0x100: {  	_ = 	snop;
	(pc) =	sbr.rel .LBB2_5-.Ltmp5, $4  }
0x101: {  	_ =	swait.ge [sflag:s15], $0x2000  }
0x102: {  	[sflag:s15] =	ssyncset.done $0x0  }
0x103: {  	s16 =	sadd.s32 $0x100, s16;
	s17 =	simm.s32 $0x100;
	[sflag:s15] =	ssyncadd.s32 $0xFFFFE000  }
0x104: {  	[tilespmem:s29], [sflag:$0x3] =	stream.indirect.gather [hbm4b:s4+s24], $0x80, s17, s24, $0xb8;
	[tilespmem:$0x1D000] =	vst v63  }
.LBB2_7:
.Ltmp6:
0x105: {  	(pc) =	sbr.rel .LBB2_9-.Ltmp6, $4  }
0x106: {  	_ = 	snop  }
0x107: {  	[bflag:$0x0] =	sbarrier.arrive $0xFFFF  }
0x108: {  	[bflag:$0x0] =	sbarrier.arrive $0xFFFF  }
0x109: {  	s16 =	rddreg [dreg:$0x10]  }
.LBB2_10:
0x10a: {  	_ =	sfence.sel $0x180000  }
0x10b: {  	[bflag:$0x0] =	sbarrier.arrive $0xFFFF  }
0x10c: {  	_ =	strace $0x9000004A  }
0x10d: {  	s0 =	stileid.u32;
	[bflag:$0x2] =	sbarrier.arrive $0xFFFF  }
0x10e: {  	p0 =	sne.s32 s0, $0x0;
	s0 =	rddreg [dreg:$0x2]  }
0x10f: {  	s0 =	sadd.s32 @!p0 $0x100000, s0  }
0x110: {  	[sflag:s0] =	ssyncadd.tile.s32 @!p0 $0x1;
	_ =	shalt  }
.Lfunc_end2:
_tile_overlayer_lowered:
.L_overlay_start_2:
0x111: {  	(tag) =	ssettag $0x2  }
0x112: {  	s0 =	rddreg [dreg:$0x0];
	s2 =	stileid.u32  }
0x113: {  	s1 =	rddreg [dreg:$0x1];
	p0 =	sne.s32 s2, $0x0  }
0x114: {  	s3 =	rddreg [dreg:$0x2];
	[bflag:$0x3] =	sbarrier.arrive $0xFFFF;
	s2 =	simm.s32 @!p0 $0x1C09  }
0x115: {  	[timem:s3], [sflag:s2] =	dma.local @!p0 [hbm:s0], s1  }
0x116: {  	s0 =	simm.s32 @!p0 $0x9  }
0x117: {  	_ =	swait.ge @!p0 [sflag:s0], s1  }
0x118: {  	s1 =	ssub.s32 @!p0 $0x0, s1;
	[sflag:s0] =	ssyncset.done @!p0 $0x0  }
0x119: {  	[sflag:s0] =	ssyncadd.s32 @!p0 s1  }
0x11a: {  	[bflag:$0x3] =	sbarrier.arrive $0xFFFF  }
0x11b: {  	_ =	shalt  }

</sc_bundles>
